<compile_context>
chip_gen: v7x
topology: tpu7x:2x2x1
jax: 0.10.2.dev20260603
libtpu: 0.0.44.dev20260713+nightly
codegen_flags: <defaults>
</compile_context>

<pallas_src>
import functools

import jax
import jax.numpy as jnp
import numpy as np
from jax import lax
from jax.experimental import pallas as pl
from jax.experimental.pallas import tpu as pltpu
from jax.experimental.pallas import tpu_sc as plsc

_NC = 2
_NS = 16
_NW = _NC * _NS

_LEVEL_C = (64, 128, 256, 512)
_LEVEL_W = (56, 28, 14, 7)
_LEVEL_INV = (0.25, 0.125, 0.0625, 0.03125)
_LEVEL_OFF = (0, 64, 192, 448)
_CTOT = 960
_NVIEW = 3
_VCH = 16
_OUTC = 3 + 3 * _CTOT


def _vnormal(v):
    return v / jnp.sqrt(jnp.sum(jnp.square(v)))


def _cam_mat(param):
    theta = param[0] * np.pi / 180.0
    camy = param[3] * jnp.sin(param[1] * np.pi / 180.0)
    lens = param[3] * jnp.cos(param[1] * np.pi / 180.0)
    camx = lens * jnp.cos(theta)
    camz = lens * jnp.sin(theta)
    Z = jnp.stack([camx, camy, camz])
    x = camy * jnp.cos(theta + np.pi)
    z = camy * jnp.sin(theta + np.pi)
    Y = jnp.stack([x, lens, z])
    X = jnp.cross(Y, Z)
    return jnp.stack([_vnormal(X), _vnormal(Y), _vnormal(Z)]), Z


def _sc_body(proj, t0, t1, t2, t3, out, pbuf, gbufs, idxbufs, rowbuf, outbuf, sems, *, nch_q, nch_r, maxch, npad):
    tables = (t0, t1, t2, t3)
    wid = lax.axis_index("s") * _NC + lax.axis_index("c")
    base_chunk = wid * nch_q + lax.min(wid, nch_r)
    nch = nch_q + jnp.where(wid < nch_r, 1, 0)
    vbase = base_chunk * _VCH

    pcap = maxch * _VCH
    for rr in range(9):
        pltpu.sync_copy(proj.at[pl.ds(rr * npad + vbase, pcap)],
                        pbuf.at[pl.ds(rr * pcap, pcap)])

    iota = lax.iota(jnp.int32, _VCH)

    def chunk_body(k, carry):
        col = k * _VCH
        for i in range(_NVIEW):
            h = pbuf[pl.ds((3 + i) * pcap + col, _VCH)]
            w = pbuf[pl.ds((6 + i) * pcap + col, _VCH)]
            for j in range(4):
                dim = _LEVEL_W[j]
                hi = (h * _LEVEL_INV[j]).astype(jnp.int32)
                wi = (w * _LEVEL_INV[j]).astype(jnp.int32)
                hi = lax.min(lax.max(hi, 0), dim - 1)
                wi = lax.min(lax.max(wi, 0), dim - 1)
                idxbufs[j][pl.ds(i * _VCH, _VCH)] = hi * dim + wi
        handles = [
            pltpu.async_copy(tables[j].at[idxbufs[j]], gbufs[j], sems[j])
            for j in range(4)
        ]
        for hnd in handles:
            hnd.wait()

        def _level_stats(v, nb, off, g):
            @plsc.parallel_loop(0, nb, unroll=min(nb, 8))
            def _(b):
                sl = pl.ds(b * 16, 16)
                a = g[v, sl]
                bb = g[_VCH + v, sl]
                cc = g[2 * _VCH + v, sl]
                mx = lax.max(lax.max(a, bb), cc)
                m = (a + bb + cc) * (1.0 / 3.0)
                da = a - m
                db = bb - m
                dc = cc - m
                var = (da * da + db * db + dc * dc) * (1.0 / 3.0)
                ri = 0x5F3759DF - lax.shift_right_arithmetic(
                    lax.bitcast_convert_type(var, jnp.int32), 1)
                r = lax.bitcast_convert_type(ri, jnp.float32)
                hv = var * 0.5
                r = r * (1.5 - hv * r * r)
                r = r * (1.5 - hv * r * r)
                std = var * r
                cbase = off + b * 16
                rowbuf[pl.ds(cbase + 3, 16)] = mx
                rowbuf[pl.ds(cbase + 3 + _CTOT, 16)] = m
                rowbuf[pl.ds(cbase + 3 + 2 * _CTOT, 16)] = std

        def vbody(v, _):
            for j in range(4):
                _level_stats(v, _LEVEL_C[j] // 16, _LEVEL_OFF[j], gbufs[j])

            @plsc.parallel_loop(0, _OUTC // 16, unroll=8)
            def _(t):
                outbuf[v, pl.ds(t * 16, 16)] = rowbuf[pl.ds(t * 16, 16)]

            dyn = (_OUTC // 16) * 16 + wid * 0
            outbuf[v, pl.ds(dyn, 16)] = rowbuf[pl.ds((_OUTC // 16) * 16, 16)]
            return 0

        lax.fori_loop(0, _VCH, vbody, 0)

        cx = pbuf[pl.ds(0 * pcap + col, _VCH)]
        cy = pbuf[pl.ds(1 * pcap + col, _VCH)]
        cz = pbuf[pl.ds(2 * pcap + col, _VCH)]
        for v in range(_VCH):
            cur = outbuf[v, pl.ds(0, _VCH)]
            vec = jnp.where(iota == 0, cx[v],
                            jnp.where(iota == 1, cy[v],
                                      jnp.where(iota == 2, cz[v], cur)))
            outbuf[v, pl.ds(0, _VCH)] = vec

        pltpu.sync_copy(outbuf, out.at[pl.ds((base_chunk + k) * _VCH, _VCH)])
        return carry

    lax.fori_loop(0, nch, chunk_body, 0)


def kernel(inputs, cameras, img_feat0, img_feat1, img_feat2, img_feat3):
    coord = inputs
    n = coord.shape[0]
    assert n % _VCH == 0
    nchunks = n // _VCH
    q, r = divmod(nchunks, _NW)
    maxch = q + (1 if r else 0)
    npad = ((_NW - 1) * q + min(_NW - 1, r) + maxch) * _VCH

    c0, o0 = _cam_mat(cameras[0])
    point_origin = inputs @ jnp.linalg.inv(c0.T) + o0
    hs, ws = [], []
    for i in range(_NVIEW):
        ci, oi = _cam_mat(cameras[i])
        pc = (point_origin - oi) @ ci.T
        X = pc[:, 0]
        Y = pc[:, 1]
        Z = pc[:, 2]
        h = 248.0 * ((-Y) / (-Z)) + 112.0
        w = 248.0 * (X / (-Z)) + 112.0
        hs.append(jnp.minimum(jnp.maximum(h, 0.0), 223.0))
        ws.append(jnp.minimum(jnp.maximum(w, 0.0), 223.0))
    proj = jnp.concatenate([coord.T, jnp.stack(hs), jnp.stack(ws)], 0)
    proj = jnp.pad(proj, ((0, 0), (0, npad - n))).reshape(-1)

    tables = [
        jnp.pad(img_feat0[0].reshape(56 * 56, 64), ((0, 0), (0, 64))),
        img_feat1[0].reshape(28 * 28, 128),
        img_feat2[0].reshape(14 * 14, 256),
        img_feat3[0].reshape(7 * 7, 512),
    ]

    mesh = plsc.VectorSubcoreMesh(core_axis_name="c", subcore_axis_name="s")
    scratch = [
        pltpu.VMEM((9 * maxch * _VCH,), jnp.float32),
        [pltpu.VMEM((_NVIEW * _VCH, max(c, 128)), jnp.float32)
         for c in _LEVEL_C],
        [pltpu.VMEM((_NVIEW * _VCH,), jnp.int32) for _ in range(4)],
        pltpu.VMEM((16 * ((_OUTC + 15) // 16),), jnp.float32),
        pltpu.VMEM((_VCH, _OUTC), jnp.float32),
        [pltpu.SemaphoreType.DMA for _ in range(4)],
    ]
    body = functools.partial(_sc_body, nch_q=q, nch_r=r, maxch=maxch, npad=npad)
    out = pl.kernel(
        body,
        out_type=jax.ShapeDtypeStruct((n, _OUTC), jnp.float32),
        mesh=mesh,
        scratch_types=scratch,
    )(proj, *tables)
    return out

# --- scband reference (transcript-rebuilt; emitter-appended) ---
"""Pipeline reference for scband-graph-projection-28750511079682 (READ-ONLY COPY).

The authoritative reference and input builder live on the scoring server;
editing this copy changes nothing except your own understanding.
"""

import jax, jax.numpy as jnp
import numpy as np


def _normal(v):
    return v / jnp.sqrt(jnp.sum(jnp.square(v)))


def _camera_mat(param):
    theta = param[0] * np.pi / 180.0
    camy = param[3] * jnp.sin(param[1] * np.pi / 180.0)
    lens = param[3] * jnp.cos(param[1] * np.pi / 180.0)
    camx = lens * jnp.cos(theta)
    camz = lens * jnp.sin(theta)
    Z = jnp.stack([camx, camy, camz])
    x = camy * jnp.cos(theta + np.pi)
    z = camy * jnp.sin(theta + np.pi)
    Y = jnp.stack([x, lens, z])
    X = jnp.cross(Y, Z)
    cm_mat = jnp.stack([_normal(X), _normal(Y), _normal(Z)])
    return cm_mat, Z


def _camera_trans(param, xyz):
    c, o = _camera_mat(param)
    points = xyz - o
    return points @ c.T


def _camera_trans_inv(param, xyz):
    c, o = _camera_mat(param)
    return xyz @ jnp.linalg.inv(c.T) + o


def _reduce_std(x, axis):
    m = jnp.mean(x, axis=axis, keepdims=True)
    return jnp.sqrt(jnp.mean(jnp.square(x - m), axis=axis))


def _gather_nd(feat, idx):
    return feat[idx[:, 0], idx[:, 1], idx[:, 2]]


def setup_inputs(seed: int = 0) -> dict:
    key = jax.random.key(seed)
    ks = jax.random.split(key, 6)
    N = 10000
    inputs = jax.random.normal(ks[0], (N, 3), dtype=jnp.float32) * 0.3
    base = jax.random.uniform(ks[1], (3, 5), dtype=jnp.float32)
    scale = jnp.array([360.0, 30.0, 1.0, 1.4, 1.0], dtype=jnp.float32)
    offset = jnp.array([0.0, 10.0, 0.0, 0.8, 0.0], dtype=jnp.float32)
    cameras = base * scale + offset
    img_feat0 = jax.random.normal(ks[2], (3, 56, 56, 64), dtype=jnp.float32)
    img_feat1 = jax.random.normal(ks[3], (3, 28, 28, 128), dtype=jnp.float32)
    img_feat2 = jax.random.normal(ks[4], (3, 14, 14, 256), dtype=jnp.float32)
    img_feat3 = jax.random.normal(ks[5], (3, 7, 7, 512), dtype=jnp.float32)
    return {"inputs": inputs, "cameras": cameras, "img_feat0": img_feat0,
            "img_feat1": img_feat1, "img_feat2": img_feat2, "img_feat3": img_feat3}


def reference(inputs, cameras, img_feat0, img_feat1, img_feat2, img_feat3):
    coord = inputs
    feats = [img_feat0, img_feat1, img_feat2, img_feat3]
    dims = [56.0, 28.0, 14.0, 7.0]
    view_number = 3
    out_lists = [[], [], [], []]
    for i in range(view_number):
        point_origin = _camera_trans_inv(cameras[0], inputs)
        point_current = _camera_trans(cameras[i], point_origin)
        X = point_current[:, 0]
        Y = point_current[:, 1]
        Z = point_current[:, 2]
        h = 248.0 * ((-Y) / (-Z)) + 112.0
        w = 248.0 * (X / (-Z)) + 112.0
        h = jnp.minimum(jnp.maximum(h, 0.0), 223.0)
        w = jnp.minimum(jnp.maximum(w, 0.0), 223.0)
        n = jnp.full(h.shape, float(i), dtype=jnp.float32)
        indeces = jnp.stack([n, h, w], 1)
        for j in range(4):
            idx = (indeces / (224.0 / dims[j])).astype(jnp.int32)
            out_lists[j].append(_gather_nd(feats[j], idx))
    all_outs = [jnp.stack(l, 0) for l in out_lists]
    image_feature = jnp.concatenate(all_outs, 2)
    image_feature_max = jnp.max(image_feature, axis=0)
    image_feature_mean = jnp.mean(image_feature, axis=0)
    image_feature_std = _reduce_std(image_feature, axis=0)
    outputs = jnp.concatenate([coord, image_feature_max, image_feature_mean, image_feature_std], 1)
    return outputs

if __name__ == "__main__":
    import jax
    _d = setup_inputs()
    print(jax.jit(kernel)(*tuple(_d.values())))

</pallas_src>

<mosaic_0001>
#map = affine_map<(d0, d1) -> (0)>
#map1 = affine_map<(d0, d1) -> (0, 0)>
module attributes {stable_mosaic.version = 14 : i64} {
  func.func @_sc_body(%arg0: i32, %arg1: i32, %arg2: memref<90144xf32, #tpu.memory_space<hbm>>, %arg3: memref<3136x128xf32, #tpu.memory_space<hbm>>, %arg4: memref<784x128xf32, #tpu.memory_space<hbm>>, %arg5: memref<196x256xf32, #tpu.memory_space<hbm>>, %arg6: memref<49x512xf32, #tpu.memory_space<hbm>>, %arg7: memref<10000x2883xf32, #tpu.memory_space<hbm>>, %arg8: memref<2880xf32, #tpu.memory_space<vmem>>, %arg9: memref<48x128xf32, #tpu.memory_space<vmem>>, %arg10: memref<48x128xf32, #tpu.memory_space<vmem>>, %arg11: memref<48x256xf32, #tpu.memory_space<vmem>>, %arg12: memref<48x512xf32, #tpu.memory_space<vmem>>, %arg13: memref<48xi32, #tpu.memory_space<vmem>>, %arg14: memref<48xi32, #tpu.memory_space<vmem>>, %arg15: memref<48xi32, #tpu.memory_space<vmem>>, %arg16: memref<48xi32, #tpu.memory_space<vmem>>, %arg17: memref<2896xf32, #tpu.memory_space<vmem>>, %arg18: memref<16x2883xf32, #tpu.memory_space<vmem>>, %arg19: memref<!tpu.dma_semaphore, #tpu.memory_space<semaphore_mem>>, %arg20: memref<!tpu.dma_semaphore, #tpu.memory_space<semaphore_mem>>, %arg21: memref<!tpu.dma_semaphore, #tpu.memory_space<semaphore_mem>>, %arg22: memref<!tpu.dma_semaphore, #tpu.memory_space<semaphore_mem>>) attributes {dimension_semantics = [#tpu.dimension_semantics<core_parallel>, #tpu.dimension_semantics<subcore_parallel>], iteration_bounds = array<i64: 2, 16>, scalar_prefetch = 0 : i64, scratch_operands = 15 : i64, tpu.core_type = #tpu.core_type<sc_vector_subcore>, window_params = [{transform_indices = #map}, {transform_indices = #map1}, {transform_indices = #map1}, {transform_indices = #map1}, {transform_indices = #map1}, {transform_indices = #map1}]} {
    %mul3A = arith.constant 2 : i32
    %mul3A_0 = arith.muli %arg1, %mul3A : i32
    %add3A = arith.addi %mul3A_0, %arg0 : i32
    %mul3A_1 = arith.constant 19 : i32
    %mul3A_2 = arith.muli %add3A, %mul3A_1 : i32
    %min3A = arith.constant 17 : i32
    %min3A_3 = arith.minsi %add3A, %min3A : i32
    %add3A_4 = arith.addi %mul3A_2, %min3A_3 : i32
    %lt3A = arith.constant 17 : i32
    %lt3A_5 = arith.cmpi slt, %add3A, %lt3A : i32
    %jit3A = arith.constant 1 : i32
    %jit3A_6 = arith.constant 0 : i32
    %select_n3A = arith.select %lt3A_5, %jit3A, %jit3A_6 : i32
    %add3A_7 = arith.constant 19 : i32
    %add3A_8 = arith.addi %add3A_7, %select_n3A : i32
    %mul3A_9 = arith.constant 16 : i32
    %mul3A_10 = arith.muli %add3A_4, %mul3A_9 : i32
    %add3A_11 = arith.constant 0 : i32
    %add3A_12 = arith.addi %add3A_11, %mul3A_10 : i32
    "tpu.region"() ({
      %run_scoped3A = tpu.sem_alloc : memref<!tpu.dma_semaphore, #tpu.memory_space<semaphore_mem>>
      %dma_start3A = arith.constant 0 : i32
      %dma_start3A_38 = tpu.memref_slice %arg8[%dma_start3A] : memref<2880xf32, #tpu.memory_space<vmem>> -> memref<320xf32, #tpu.memory_space<vmem>>
      %dma_start3A_39 = tpu.memref_slice %arg2[%add3A_12] : memref<90144xf32, #tpu.memory_space<hbm>> -> memref<320xf32, #tpu.memory_space<hbm>>
      %dma_start3A_40 = arith.constant 0 : i32
      %dma_start3A_41 = tpu.memref_slice %arg8[%dma_start3A_40] : memref<2880xf32, #tpu.memory_space<vmem>> -> memref<320xf32, #tpu.memory_space<vmem>>
      %dma_start3A_42 = tpu.memref_slice %arg2[%add3A_12] : memref<90144xf32, #tpu.memory_space<hbm>> -> memref<320xf32, #tpu.memory_space<hbm>>
      tpu.enqueue_dma source(%dma_start3A_42 : memref<320xf32, #tpu.memory_space<hbm>>) target(%dma_start3A_41 : memref<320xf32, #tpu.memory_space<vmem>>) target_semaphore(%run_scoped3A : memref<!tpu.dma_semaphore, #tpu.memory_space<semaphore_mem>>)
      %dma_wait3A = arith.constant 0 : i32
      %dma_wait3A_43 = tpu.memref_slice %arg8[%dma_wait3A] : memref<2880xf32, #tpu.memory_space<vmem>> -> memref<320xf32, #tpu.memory_space<vmem>>
      %dma_wait3A_44 = tpu.memref_slice %arg2[%add3A_12] : memref<90144xf32, #tpu.memory_space<hbm>> -> memref<320xf32, #tpu.memory_space<hbm>>
      %dma_wait3A_45 = arith.constant 0 : i32
      %dma_wait3A_46 = tpu.memref_slice %arg8[%dma_wait3A_45] : memref<2880xf32, #tpu.memory_space<vmem>> -> memref<320xf32, #tpu.memory_space<vmem>>
      %dma_wait3A_47 = tpu.memref_slice %arg2[%add3A_12] : memref<90144xf32, #tpu.memory_space<hbm>> -> memref<320xf32, #tpu.memory_space<hbm>>
      tpu.wait_dma2 semaphore(%run_scoped3A : memref<!tpu.dma_semaphore, #tpu.memory_space<semaphore_mem>>) src(%dma_wait3A_47 : memref<320xf32, #tpu.memory_space<hbm>>) dst(%dma_wait3A_46 : memref<320xf32, #tpu.memory_space<vmem>>)
      tpu.yield
    }) : () -> ()
    %add3A_13 = arith.constant 10016 : i32
    %add3A_14 = arith.addi %add3A_13, %mul3A_10 : i32
    "tpu.region"() ({
      %run_scoped3A = tpu.sem_alloc : memref<!tpu.dma_semaphore, #tpu.memory_space<semaphore_mem>>
      %dma_start3A = arith.constant 320 : i32
      %dma_start3A_38 = tpu.memref_slice %arg8[%dma_start3A] : memref<2880xf32, #tpu.memory_space<vmem>> -> memref<320xf32, #tpu.memory_space<vmem>>
      %dma_start3A_39 = tpu.memref_slice %arg2[%add3A_14] : memref<90144xf32, #tpu.memory_space<hbm>> -> memref<320xf32, #tpu.memory_space<hbm>>
      %dma_start3A_40 = arith.constant 320 : i32
      %dma_start3A_41 = tpu.memref_slice %arg8[%dma_start3A_40] : memref<2880xf32, #tpu.memory_space<vmem>> -> memref<320xf32, #tpu.memory_space<vmem>>
      %dma_start3A_42 = tpu.memref_slice %arg2[%add3A_14] : memref<90144xf32, #tpu.memory_space<hbm>> -> memref<320xf32, #tpu.memory_space<hbm>>
      tpu.enqueue_dma source(%dma_start3A_42 : memref<320xf32, #tpu.memory_space<hbm>>) target(%dma_start3A_41 : memref<320xf32, #tpu.memory_space<vmem>>) target_semaphore(%run_scoped3A : memref<!tpu.dma_semaphore, #tpu.memory_space<semaphore_mem>>)
      %dma_wait3A = arith.constant 320 : i32
      %dma_wait3A_43 = tpu.memref_slice %arg8[%dma_wait3A] : memref<2880xf32, #tpu.memory_space<vmem>> -> memref<320xf32, #tpu.memory_space<vmem>>
      %dma_wait3A_44 = tpu.memref_slice %arg2[%add3A_14] : memref<90144xf32, #tpu.memory_space<hbm>> -> memref<320xf32, #tpu.memory_space<hbm>>
      %dma_wait3A_45 = arith.constant 320 : i32
      %dma_wait3A_46 = tpu.memref_slice %arg8[%dma_wait3A_45] : memref<2880xf32, #tpu.memory_space<vmem>> -> memref<320xf32, #tpu.memory_space<vmem>>
      %dma_wait3A_47 = tpu.memref_slice %arg2[%add3A_14] : memref<90144xf32, #tpu.memory_space<hbm>> -> memref<320xf32, #tpu.memory_space<hbm>>
      tpu.wait_dma2 semaphore(%run_scoped3A : memref<!tpu.dma_semaphore, #tpu.memory_space<semaphore_mem>>) src(%dma_wait3A_47 : memref<320xf32, #tpu.memory_space<hbm>>) dst(%dma_wait3A_46 : memref<320xf32, #tpu.memory_space<vmem>>)
      tpu.yield
    }) : () -> ()
    %add3A_15 = arith.constant 20032 : i32
    %add3A_16 = arith.addi %add3A_15, %mul3A_10 : i32
    "tpu.region"() ({
      %run_scoped3A = tpu.sem_alloc : memref<!tpu.dma_semaphore, #tpu.memory_space<semaphore_mem>>
      %dma_start3A = arith.constant 640 : i32
      %dma_start3A_38 = tpu.memref_slice %arg8[%dma_start3A] : memref<2880xf32, #tpu.memory_space<vmem>> -> memref<320xf32, #tpu.memory_space<vmem>>
      %dma_start3A_39 = tpu.memref_slice %arg2[%add3A_16] : memref<90144xf32, #tpu.memory_space<hbm>> -> memref<320xf32, #tpu.memory_space<hbm>>
      %dma_start3A_40 = arith.constant 640 : i32
      %dma_start3A_41 = tpu.memref_slice %arg8[%dma_start3A_40] : memref<2880xf32, #tpu.memory_space<vmem>> -> memref<320xf32, #tpu.memory_space<vmem>>
      %dma_start3A_42 = tpu.memref_slice %arg2[%add3A_16] : memref<90144xf32, #tpu.memory_space<hbm>> -> memref<320xf32, #tpu.memory_space<hbm>>
      tpu.enqueue_dma source(%dma_start3A_42 : memref<320xf32, #tpu.memory_space<hbm>>) target(%dma_start3A_41 : memref<320xf32, #tpu.memory_space<vmem>>) target_semaphore(%run_scoped3A : memref<!tpu.dma_semaphore, #tpu.memory_space<semaphore_mem>>)
      %dma_wait3A = arith.constant 640 : i32
      %dma_wait3A_43 = tpu.memref_slice %arg8[%dma_wait3A] : memref<2880xf32, #tpu.memory_space<vmem>> -> memref<320xf32, #tpu.memory_space<vmem>>
      %dma_wait3A_44 = tpu.memref_slice %arg2[%add3A_16] : memref<90144xf32, #tpu.memory_space<hbm>> -> memref<320xf32, #tpu.memory_space<hbm>>
      %dma_wait3A_45 = arith.constant 640 : i32
      %dma_wait3A_46 = tpu.memref_slice %arg8[%dma_wait3A_45] : memref<2880xf32, #tpu.memory_space<vmem>> -> memref<320xf32, #tpu.memory_space<vmem>>
      %dma_wait3A_47 = tpu.memref_slice %arg2[%add3A_16] : memref<90144xf32, #tpu.memory_space<hbm>> -> memref<320xf32, #tpu.memory_space<hbm>>
      tpu.wait_dma2 semaphore(%run_scoped3A : memref<!tpu.dma_semaphore, #tpu.memory_space<semaphore_mem>>) src(%dma_wait3A_47 : memref<320xf32, #tpu.memory_space<hbm>>) dst(%dma_wait3A_46 : memref<320xf32, #tpu.memory_space<vmem>>)
      tpu.yield
    }) : () -> ()
    %add3A_17 = arith.constant 30048 : i32
    %add3A_18 = arith.addi %add3A_17, %mul3A_10 : i32
    "tpu.region"() ({
      %run_scoped3A = tpu.sem_alloc : memref<!tpu.dma_semaphore, #tpu.memory_space<semaphore_mem>>
      %dma_start3A = arith.constant 960 : i32
      %dma_start3A_38 = tpu.memref_slice %arg8[%dma_start3A] : memref<2880xf32, #tpu.memory_space<vmem>> -> memref<320xf32, #tpu.memory_space<vmem>>
      %dma_start3A_39 = tpu.memref_slice %arg2[%add3A_18] : memref<90144xf32, #tpu.memory_space<hbm>> -> memref<320xf32, #tpu.memory_space<hbm>>
      %dma_start3A_40 = arith.constant 960 : i32
      %dma_start3A_41 = tpu.memref_slice %arg8[%dma_start3A_40] : memref<2880xf32, #tpu.memory_space<vmem>> -> memref<320xf32, #tpu.memory_space<vmem>>
      %dma_start3A_42 = tpu.memref_slice %arg2[%add3A_18] : memref<90144xf32, #tpu.memory_space<hbm>> -> memref<320xf32, #tpu.memory_space<hbm>>
      tpu.enqueue_dma source(%dma_start3A_42 : memref<320xf32, #tpu.memory_space<hbm>>) target(%dma_start3A_41 : memref<320xf32, #tpu.memory_space<vmem>>) target_semaphore(%run_scoped3A : memref<!tpu.dma_semaphore, #tpu.memory_space<semaphore_mem>>)
      %dma_wait3A = arith.constant 960 : i32
      %dma_wait3A_43 = tpu.memref_slice %arg8[%dma_wait3A] : memref<2880xf32, #tpu.memory_space<vmem>> -> memref<320xf32, #tpu.memory_space<vmem>>
      %dma_wait3A_44 = tpu.memref_slice %arg2[%add3A_18] : memref<90144xf32, #tpu.memory_space<hbm>> -> memref<320xf32, #tpu.memory_space<hbm>>
      %dma_wait3A_45 = arith.constant 960 : i32
      %dma_wait3A_46 = tpu.memref_slice %arg8[%dma_wait3A_45] : memref<2880xf32, #tpu.memory_space<vmem>> -> memref<320xf32, #tpu.memory_space<vmem>>
      %dma_wait3A_47 = tpu.memref_slice %arg2[%add3A_18] : memref<90144xf32, #tpu.memory_space<hbm>> -> memref<320xf32, #tpu.memory_space<hbm>>
      tpu.wait_dma2 semaphore(%run_scoped3A : memref<!tpu.dma_semaphore, #tpu.memory_space<semaphore_mem>>) src(%dma_wait3A_47 : memref<320xf32, #tpu.memory_space<hbm>>) dst(%dma_wait3A_46 : memref<320xf32, #tpu.memory_space<vmem>>)
      tpu.yield
    }) : () -> ()
    %add3A_19 = arith.constant 40064 : i32
    %add3A_20 = arith.addi %add3A_19, %mul3A_10 : i32
    "tpu.region"() ({
      %run_scoped3A = tpu.sem_alloc : memref<!tpu.dma_semaphore, #tpu.memory_space<semaphore_mem>>
      %dma_start3A = arith.constant 1280 : i32
      %dma_start3A_38 = tpu.memref_slice %arg8[%dma_start3A] : memref<2880xf32, #tpu.memory_space<vmem>> -> memref<320xf32, #tpu.memory_space<vmem>>
      %dma_start3A_39 = tpu.memref_slice %arg2[%add3A_20] : memref<90144xf32, #tpu.memory_space<hbm>> -> memref<320xf32, #tpu.memory_space<hbm>>
      %dma_start3A_40 = arith.constant 1280 : i32
      %dma_start3A_41 = tpu.memref_slice %arg8[%dma_start3A_40] : memref<2880xf32, #tpu.memory_space<vmem>> -> memref<320xf32, #tpu.memory_space<vmem>>
      %dma_start3A_42 = tpu.memref_slice %arg2[%add3A_20] : memref<90144xf32, #tpu.memory_space<hbm>> -> memref<320xf32, #tpu.memory_space<hbm>>
      tpu.enqueue_dma source(%dma_start3A_42 : memref<320xf32, #tpu.memory_space<hbm>>) target(%dma_start3A_41 : memref<320xf32, #tpu.memory_space<vmem>>) target_semaphore(%run_scoped3A : memref<!tpu.dma_semaphore, #tpu.memory_space<semaphore_mem>>)
      %dma_wait3A = arith.constant 1280 : i32
      %dma_wait3A_43 = tpu.memref_slice %arg8[%dma_wait3A] : memref<2880xf32, #tpu.memory_space<vmem>> -> memref<320xf32, #tpu.memory_space<vmem>>
      %dma_wait3A_44 = tpu.memref_slice %arg2[%add3A_20] : memref<90144xf32, #tpu.memory_space<hbm>> -> memref<320xf32, #tpu.memory_space<hbm>>
      %dma_wait3A_45 = arith.constant 1280 : i32
      %dma_wait3A_46 = tpu.memref_slice %arg8[%dma_wait3A_45] : memref<2880xf32, #tpu.memory_space<vmem>> -> memref<320xf32, #tpu.memory_space<vmem>>
      %dma_wait3A_47 = tpu.memref_slice %arg2[%add3A_20] : memref<90144xf32, #tpu.memory_space<hbm>> -> memref<320xf32, #tpu.memory_space<hbm>>
      tpu.wait_dma2 semaphore(%run_scoped3A : memref<!tpu.dma_semaphore, #tpu.memory_space<semaphore_mem>>) src(%dma_wait3A_47 : memref<320xf32, #tpu.memory_space<hbm>>) dst(%dma_wait3A_46 : memref<320xf32, #tpu.memory_space<vmem>>)
      tpu.yield
    }) : () -> ()
    %add3A_21 = arith.constant 50080 : i32
    %add3A_22 = arith.addi %add3A_21, %mul3A_10 : i32
    "tpu.region"() ({
      %run_scoped3A = tpu.sem_alloc : memref<!tpu.dma_semaphore, #tpu.memory_space<semaphore_mem>>
      %dma_start3A = arith.constant 1600 : i32
      %dma_start3A_38 = tpu.memref_slice %arg8[%dma_start3A] : memref<2880xf32, #tpu.memory_space<vmem>> -> memref<320xf32, #tpu.memory_space<vmem>>
      %dma_start3A_39 = tpu.memref_slice %arg2[%add3A_22] : memref<90144xf32, #tpu.memory_space<hbm>> -> memref<320xf32, #tpu.memory_space<hbm>>
      %dma_start3A_40 = arith.constant 1600 : i32
      %dma_start3A_41 = tpu.memref_slice %arg8[%dma_start3A_40] : memref<2880xf32, #tpu.memory_space<vmem>> -> memref<320xf32, #tpu.memory_space<vmem>>
      %dma_start3A_42 = tpu.memref_slice %arg2[%add3A_22] : memref<90144xf32, #tpu.memory_space<hbm>> -> memref<320xf32, #tpu.memory_space<hbm>>
      tpu.enqueue_dma source(%dma_start3A_42 : memref<320xf32, #tpu.memory_space<hbm>>) target(%dma_start3A_41 : memref<320xf32, #tpu.memory_space<vmem>>) target_semaphore(%run_scoped3A : memref<!tpu.dma_semaphore, #tpu.memory_space<semaphore_mem>>)
      %dma_wait3A = arith.constant 1600 : i32
      %dma_wait3A_43 = tpu.memref_slice %arg8[%dma_wait3A] : memref<2880xf32, #tpu.memory_space<vmem>> -> memref<320xf32, #tpu.memory_space<vmem>>
      %dma_wait3A_44 = tpu.memref_slice %arg2[%add3A_22] : memref<90144xf32, #tpu.memory_space<hbm>> -> memref<320xf32, #tpu.memory_space<hbm>>
      %dma_wait3A_45 = arith.constant 1600 : i32
      %dma_wait3A_46 = tpu.memref_slice %arg8[%dma_wait3A_45] : memref<2880xf32, #tpu.memory_space<vmem>> -> memref<320xf32, #tpu.memory_space<vmem>>
      %dma_wait3A_47 = tpu.memref_slice %arg2[%add3A_22] : memref<90144xf32, #tpu.memory_space<hbm>> -> memref<320xf32, #tpu.memory_space<hbm>>
      tpu.wait_dma2 semaphore(%run_scoped3A : memref<!tpu.dma_semaphore, #tpu.memory_space<semaphore_mem>>) src(%dma_wait3A_47 : memref<320xf32, #tpu.memory_space<hbm>>) dst(%dma_wait3A_46 : memref<320xf32, #tpu.memory_space<vmem>>)
      tpu.yield
    }) : () -> ()
    %add3A_23 = arith.constant 60096 : i32
    %add3A_24 = arith.addi %add3A_23, %mul3A_10 : i32
    "tpu.region"() ({
      %run_scoped3A = tpu.sem_alloc : memref<!tpu.dma_semaphore, #tpu.memory_space<semaphore_mem>>
      %dma_start3A = arith.constant 1920 : i32
      %dma_start3A_38 = tpu.memref_slice %arg8[%dma_start3A] : memref<2880xf32, #tpu.memory_space<vmem>> -> memref<320xf32, #tpu.memory_space<vmem>>
      %dma_start3A_39 = tpu.memref_slice %arg2[%add3A_24] : memref<90144xf32, #tpu.memory_space<hbm>> -> memref<320xf32, #tpu.memory_space<hbm>>
      %dma_start3A_40 = arith.constant 1920 : i32
      %dma_start3A_41 = tpu.memref_slice %arg8[%dma_start3A_40] : memref<2880xf32, #tpu.memory_space<vmem>> -> memref<320xf32, #tpu.memory_space<vmem>>
      %dma_start3A_42 = tpu.memref_slice %arg2[%add3A_24] : memref<90144xf32, #tpu.memory_space<hbm>> -> memref<320xf32, #tpu.memory_space<hbm>>
      tpu.enqueue_dma source(%dma_start3A_42 : memref<320xf32, #tpu.memory_space<hbm>>) target(%dma_start3A_41 : memref<320xf32, #tpu.memory_space<vmem>>) target_semaphore(%run_scoped3A : memref<!tpu.dma_semaphore, #tpu.memory_space<semaphore_mem>>)
      %dma_wait3A = arith.constant 1920 : i32
      %dma_wait3A_43 = tpu.memref_slice %arg8[%dma_wait3A] : memref<2880xf32, #tpu.memory_space<vmem>> -> memref<320xf32, #tpu.memory_space<vmem>>
      %dma_wait3A_44 = tpu.memref_slice %arg2[%add3A_24] : memref<90144xf32, #tpu.memory_space<hbm>> -> memref<320xf32, #tpu.memory_space<hbm>>
      %dma_wait3A_45 = arith.constant 1920 : i32
      %dma_wait3A_46 = tpu.memref_slice %arg8[%dma_wait3A_45] : memref<2880xf32, #tpu.memory_space<vmem>> -> memref<320xf32, #tpu.memory_space<vmem>>
      %dma_wait3A_47 = tpu.memref_slice %arg2[%add3A_24] : memref<90144xf32, #tpu.memory_space<hbm>> -> memref<320xf32, #tpu.memory_space<hbm>>
      tpu.wait_dma2 semaphore(%run_scoped3A : memref<!tpu.dma_semaphore, #tpu.memory_space<semaphore_mem>>) src(%dma_wait3A_47 : memref<320xf32, #tpu.memory_space<hbm>>) dst(%dma_wait3A_46 : memref<320xf32, #tpu.memory_space<vmem>>)
      tpu.yield
    }) : () -> ()
    %add3A_25 = arith.constant 70112 : i32
    %add3A_26 = arith.addi %add3A_25, %mul3A_10 : i32
    "tpu.region"() ({
      %run_scoped3A = tpu.sem_alloc : memref<!tpu.dma_semaphore, #tpu.memory_space<semaphore_mem>>
      %dma_start3A = arith.constant 2240 : i32
      %dma_start3A_38 = tpu.memref_slice %arg8[%dma_start3A] : memref<2880xf32, #tpu.memory_space<vmem>> -> memref<320xf32, #tpu.memory_space<vmem>>
      %dma_start3A_39 = tpu.memref_slice %arg2[%add3A_26] : memref<90144xf32, #tpu.memory_space<hbm>> -> memref<320xf32, #tpu.memory_space<hbm>>
      %dma_start3A_40 = arith.constant 2240 : i32
      %dma_start3A_41 = tpu.memref_slice %arg8[%dma_start3A_40] : memref<2880xf32, #tpu.memory_space<vmem>> -> memref<320xf32, #tpu.memory_space<vmem>>
      %dma_start3A_42 = tpu.memref_slice %arg2[%add3A_26] : memref<90144xf32, #tpu.memory_space<hbm>> -> memref<320xf32, #tpu.memory_space<hbm>>
      tpu.enqueue_dma source(%dma_start3A_42 : memref<320xf32, #tpu.memory_space<hbm>>) target(%dma_start3A_41 : memref<320xf32, #tpu.memory_space<vmem>>) target_semaphore(%run_scoped3A : memref<!tpu.dma_semaphore, #tpu.memory_space<semaphore_mem>>)
      %dma_wait3A = arith.constant 2240 : i32
      %dma_wait3A_43 = tpu.memref_slice %arg8[%dma_wait3A] : memref<2880xf32, #tpu.memory_space<vmem>> -> memref<320xf32, #tpu.memory_space<vmem>>
      %dma_wait3A_44 = tpu.memref_slice %arg2[%add3A_26] : memref<90144xf32, #tpu.memory_space<hbm>> -> memref<320xf32, #tpu.memory_space<hbm>>
      %dma_wait3A_45 = arith.constant 2240 : i32
      %dma_wait3A_46 = tpu.memref_slice %arg8[%dma_wait3A_45] : memref<2880xf32, #tpu.memory_space<vmem>> -> memref<320xf32, #tpu.memory_space<vmem>>
      %dma_wait3A_47 = tpu.memref_slice %arg2[%add3A_26] : memref<90144xf32, #tpu.memory_space<hbm>> -> memref<320xf32, #tpu.memory_space<hbm>>
      tpu.wait_dma2 semaphore(%run_scoped3A : memref<!tpu.dma_semaphore, #tpu.memory_space<semaphore_mem>>) src(%dma_wait3A_47 : memref<320xf32, #tpu.memory_space<hbm>>) dst(%dma_wait3A_46 : memref<320xf32, #tpu.memory_space<vmem>>)
      tpu.yield
    }) : () -> ()
    %add3A_27 = arith.constant 80128 : i32
    %add3A_28 = arith.addi %add3A_27, %mul3A_10 : i32
    "tpu.region"() ({
      %run_scoped3A = tpu.sem_alloc : memref<!tpu.dma_semaphore, #tpu.memory_space<semaphore_mem>>
      %dma_start3A = arith.constant 2560 : i32
      %dma_start3A_38 = tpu.memref_slice %arg8[%dma_start3A] : memref<2880xf32, #tpu.memory_space<vmem>> -> memref<320xf32, #tpu.memory_space<vmem>>
      %dma_start3A_39 = tpu.memref_slice %arg2[%add3A_28] : memref<90144xf32, #tpu.memory_space<hbm>> -> memref<320xf32, #tpu.memory_space<hbm>>
      %dma_start3A_40 = arith.constant 2560 : i32
      %dma_start3A_41 = tpu.memref_slice %arg8[%dma_start3A_40] : memref<2880xf32, #tpu.memory_space<vmem>> -> memref<320xf32, #tpu.memory_space<vmem>>
      %dma_start3A_42 = tpu.memref_slice %arg2[%add3A_28] : memref<90144xf32, #tpu.memory_space<hbm>> -> memref<320xf32, #tpu.memory_space<hbm>>
      tpu.enqueue_dma source(%dma_start3A_42 : memref<320xf32, #tpu.memory_space<hbm>>) target(%dma_start3A_41 : memref<320xf32, #tpu.memory_space<vmem>>) target_semaphore(%run_scoped3A : memref<!tpu.dma_semaphore, #tpu.memory_space<semaphore_mem>>)
      %dma_wait3A = arith.constant 2560 : i32
      %dma_wait3A_43 = tpu.memref_slice %arg8[%dma_wait3A] : memref<2880xf32, #tpu.memory_space<vmem>> -> memref<320xf32, #tpu.memory_space<vmem>>
      %dma_wait3A_44 = tpu.memref_slice %arg2[%add3A_28] : memref<90144xf32, #tpu.memory_space<hbm>> -> memref<320xf32, #tpu.memory_space<hbm>>
      %dma_wait3A_45 = arith.constant 2560 : i32
      %dma_wait3A_46 = tpu.memref_slice %arg8[%dma_wait3A_45] : memref<2880xf32, #tpu.memory_space<vmem>> -> memref<320xf32, #tpu.memory_space<vmem>>
      %dma_wait3A_47 = tpu.memref_slice %arg2[%add3A_28] : memref<90144xf32, #tpu.memory_space<hbm>> -> memref<320xf32, #tpu.memory_space<hbm>>
      tpu.wait_dma2 semaphore(%run_scoped3A : memref<!tpu.dma_semaphore, #tpu.memory_space<semaphore_mem>>) src(%dma_wait3A_47 : memref<320xf32, #tpu.memory_space<hbm>>) dst(%dma_wait3A_46 : memref<320xf32, #tpu.memory_space<vmem>>)
      tpu.yield
    }) : () -> ()
    %iota3A = tpu.iota {dimensions = array<i32: 0>} : vector<16xi32>
    %while3A = arith.constant 0 : i32
    %while3A_29 = arith.constant 0 : i32
    %while3A_30 = arith.subi %add3A_8, %while3A_29 : i32
    %while3A_31 = arith.addi %while3A_29, %while3A_30 : i32
    %while3A_32 = arith.constant 1 : i32
    %while3A_33 = arith.divsi %while3A_30, %while3A_32 : i32
    %while3A_34 = arith.muli %while3A_33, %while3A_32 : i32
    %while3A_35 = arith.addi %while3A_29, %while3A_34 : i32
    %while3A_36 = arith.constant 1 : i32
    scf.for %while3A_38 = %while3A_29 to %while3A_35 step %while3A_36  : i32 {
      %mul3A_39 = arith.constant 16 : i32
      %mul3A_40 = arith.muli %while3A_38, %mul3A_39 : i32
      %add3A_41 = arith.constant 960 : i32
      %add3A_42 = arith.addi %add3A_41, %mul3A_40 : i32
      %get3A = arith.index_cast %add3A_42 : i32 to index
      %get3A_43 = tpu.vector_load %arg8[%get3A] {strides = array<i32>} : memref<2880xf32, #tpu.memory_space<vmem>>, vector<16xf32>,
      %get3A_44 = vector.shape_cast %get3A_43 : vector<16xf32> to vector<16xf32>
      %add3A_45 = arith.constant 1920 : i32
      %add3A_46 = arith.addi %add3A_45, %mul3A_40 : i32
      %get3A_47 = arith.index_cast %add3A_46 : i32 to index
      %get3A_48 = tpu.vector_load %arg8[%get3A_47] {strides = array<i32>} : memref<2880xf32, #tpu.memory_space<vmem>>, vector<16xf32>,
      %get3A_49 = vector.shape_cast %get3A_48 : vector<16xf32> to vector<16xf32>
      %mul3A_50 = arith.constant 2.500000e-01 : f32
      %mul3A_51 = vector.broadcast %mul3A_50 : f32 to vector<16xf32>
      %mul3A_52 = arith.mulf %get3A_44, %mul3A_51 : vector<16xf32>
      %convert_element_type3A = arith.fptosi %mul3A_52 : vector<16xf32> to vector<16xi32>
      %mul3A_53 = arith.constant 2.500000e-01 : f32
      %mul3A_54 = vector.broadcast %mul3A_53 : f32 to vector<16xf32>
      %mul3A_55 = arith.mulf %get3A_49, %mul3A_54 : vector<16xf32>
      %convert_element_type3A_56 = arith.fptosi %mul3A_55 : vector<16xf32> to vector<16xi32>
      %max3A = arith.constant 0 : i32
      %max3A_57 = vector.broadcast %max3A : i32 to vector<16xi32>
      %max3A_58 = arith.maxsi %convert_element_type3A, %max3A_57 : vector<16xi32>
      %min3A_59 = arith.constant 55 : i32
      %min3A_60 = vector.broadcast %min3A_59 : i32 to vector<16xi32>
      %min3A_61 = arith.minsi %max3A_58, %min3A_60 : vector<16xi32>
      %max3A_62 = arith.constant 0 : i32
      %max3A_63 = vector.broadcast %max3A_62 : i32 to vector<16xi32>
      %max3A_64 = arith.maxsi %convert_element_type3A_56, %max3A_63 : vector<16xi32>
      %min3A_65 = arith.constant 55 : i32
      %min3A_66 = vector.broadcast %min3A_65 : i32 to vector<16xi32>
      %min3A_67 = arith.minsi %max3A_64, %min3A_66 : vector<16xi32>
      %mul3A_68 = arith.constant 56 : i32
      %mul3A_69 = vector.broadcast %mul3A_68 : i32 to vector<16xi32>
      %mul3A_70 = arith.muli %min3A_61, %mul3A_69 : vector<16xi32>
      %add3A_71 = arith.addi %mul3A_70, %min3A_67 : vector<16xi32>
      %swap3A = arith.constant 0 : index
      %swap3A_72 = tpu.vector_load %arg13[%swap3A] {strides = array<i32>} : memref<48xi32, #tpu.memory_space<vmem>>, vector<16xi32>,
      %swap3A_73 = vector.shape_cast %swap3A_72 : vector<16xi32> to vector<16xi32>
      %swap3A_74 = vector.shape_cast %add3A_71 : vector<16xi32> to vector<16xi32>
      tpu.vector_store %arg13[%swap3A], %swap3A_74 {strides = array<i32>} : memref<48xi32, #tpu.memory_space<vmem>>, vector<16xi32>,
      %mul3A_75 = arith.constant 1.250000e-01 : f32
      %mul3A_76 = vector.broadcast %mul3A_75 : f32 to vector<16xf32>
      %mul3A_77 = arith.mulf %get3A_44, %mul3A_76 : vector<16xf32>
      %convert_element_type3A_78 = arith.fptosi %mul3A_77 : vector<16xf32> to vector<16xi32>
      %mul3A_79 = arith.constant 1.250000e-01 : f32
      %mul3A_80 = vector.broadcast %mul3A_79 : f32 to vector<16xf32>
      %mul3A_81 = arith.mulf %get3A_49, %mul3A_80 : vector<16xf32>
      %convert_element_type3A_82 = arith.fptosi %mul3A_81 : vector<16xf32> to vector<16xi32>
      %max3A_83 = arith.constant 0 : i32
      %max3A_84 = vector.broadcast %max3A_83 : i32 to vector<16xi32>
      %max3A_85 = arith.maxsi %convert_element_type3A_78, %max3A_84 : vector<16xi32>
      %min3A_86 = arith.constant 27 : i32
      %min3A_87 = vector.broadcast %min3A_86 : i32 to vector<16xi32>
      %min3A_88 = arith.minsi %max3A_85, %min3A_87 : vector<16xi32>
      %max3A_89 = arith.constant 0 : i32
      %max3A_90 = vector.broadcast %max3A_89 : i32 to vector<16xi32>
      %max3A_91 = arith.maxsi %convert_element_type3A_82, %max3A_90 : vector<16xi32>
      %min3A_92 = arith.constant 27 : i32
      %min3A_93 = vector.broadcast %min3A_92 : i32 to vector<16xi32>
      %min3A_94 = arith.minsi %max3A_91, %min3A_93 : vector<16xi32>
      %mul3A_95 = arith.constant 28 : i32
      %mul3A_96 = vector.broadcast %mul3A_95 : i32 to vector<16xi32>
      %mul3A_97 = arith.muli %min3A_88, %mul3A_96 : vector<16xi32>
      %add3A_98 = arith.addi %mul3A_97, %min3A_94 : vector<16xi32>
      %swap3A_99 = arith.constant 0 : index
      %swap3A_100 = tpu.vector_load %arg14[%swap3A_99] {strides = array<i32>} : memref<48xi32, #tpu.memory_space<vmem>>, vector<16xi32>,
      %swap3A_101 = vector.shape_cast %swap3A_100 : vector<16xi32> to vector<16xi32>
      %swap3A_102 = vector.shape_cast %add3A_98 : vector<16xi32> to vector<16xi32>
      tpu.vector_store %arg14[%swap3A_99], %swap3A_102 {strides = array<i32>} : memref<48xi32, #tpu.memory_space<vmem>>, vector<16xi32>,
      %mul3A_103 = arith.constant 6.250000e-02 : f32
      %mul3A_104 = vector.broadcast %mul3A_103 : f32 to vector<16xf32>
      %mul3A_105 = arith.mulf %get3A_44, %mul3A_104 : vector<16xf32>
      %convert_element_type3A_106 = arith.fptosi %mul3A_105 : vector<16xf32> to vector<16xi32>
      %mul3A_107 = arith.constant 6.250000e-02 : f32
      %mul3A_108 = vector.broadcast %mul3A_107 : f32 to vector<16xf32>
      %mul3A_109 = arith.mulf %get3A_49, %mul3A_108 : vector<16xf32>
      %convert_element_type3A_110 = arith.fptosi %mul3A_109 : vector<16xf32> to vector<16xi32>
      %max3A_111 = arith.constant 0 : i32
      %max3A_112 = vector.broadcast %max3A_111 : i32 to vector<16xi32>
      %max3A_113 = arith.maxsi %convert_element_type3A_106, %max3A_112 : vector<16xi32>
      %min3A_114 = arith.constant 13 : i32
      %min3A_115 = vector.broadcast %min3A_114 : i32 to vector<16xi32>
      %min3A_116 = arith.minsi %max3A_113, %min3A_115 : vector<16xi32>
      %max3A_117 = arith.constant 0 : i32
      %max3A_118 = vector.broadcast %max3A_117 : i32 to vector<16xi32>
      %max3A_119 = arith.maxsi %convert_element_type3A_110, %max3A_118 : vector<16xi32>
      %min3A_120 = arith.constant 13 : i32
      %min3A_121 = vector.broadcast %min3A_120 : i32 to vector<16xi32>
      %min3A_122 = arith.minsi %max3A_119, %min3A_121 : vector<16xi32>
      %mul3A_123 = arith.constant 14 : i32
      %mul3A_124 = vector.broadcast %mul3A_123 : i32 to vector<16xi32>
      %mul3A_125 = arith.muli %min3A_116, %mul3A_124 : vector<16xi32>
      %add3A_126 = arith.addi %mul3A_125, %min3A_122 : vector<16xi32>
      %swap3A_127 = arith.constant 0 : index
      %swap3A_128 = tpu.vector_load %arg15[%swap3A_127] {strides = array<i32>} : memref<48xi32, #tpu.memory_space<vmem>>, vector<16xi32>,
      %swap3A_129 = vector.shape_cast %swap3A_128 : vector<16xi32> to vector<16xi32>
      %swap3A_130 = vector.shape_cast %add3A_126 : vector<16xi32> to vector<16xi32>
      tpu.vector_store %arg15[%swap3A_127], %swap3A_130 {strides = array<i32>} : memref<48xi32, #tpu.memory_space<vmem>>, vector<16xi32>,
      %mul3A_131 = arith.constant 3.125000e-02 : f32
      %mul3A_132 = vector.broadcast %mul3A_131 : f32 to vector<16xf32>
      %mul3A_133 = arith.mulf %get3A_44, %mul3A_132 : vector<16xf32>
      %convert_element_type3A_134 = arith.fptosi %mul3A_133 : vector<16xf32> to vector<16xi32>
      %mul3A_135 = arith.constant 3.125000e-02 : f32
      %mul3A_136 = vector.broadcast %mul3A_135 : f32 to vector<16xf32>
      %mul3A_137 = arith.mulf %get3A_49, %mul3A_136 : vector<16xf32>
      %convert_element_type3A_138 = arith.fptosi %mul3A_137 : vector<16xf32> to vector<16xi32>
      %max3A_139 = arith.constant 0 : i32
      %max3A_140 = vector.broadcast %max3A_139 : i32 to vector<16xi32>
      %max3A_141 = arith.maxsi %convert_element_type3A_134, %max3A_140 : vector<16xi32>
      %min3A_142 = arith.constant 6 : i32
      %min3A_143 = vector.broadcast %min3A_142 : i32 to vector<16xi32>
      %min3A_144 = arith.minsi %max3A_141, %min3A_143 : vector<16xi32>
      %max3A_145 = arith.constant 0 : i32
      %max3A_146 = vector.broadcast %max3A_145 : i32 to vector<16xi32>
      %max3A_147 = arith.maxsi %convert_element_type3A_138, %max3A_146 : vector<16xi32>
      %min3A_148 = arith.constant 6 : i32
      %min3A_149 = vector.broadcast %min3A_148 : i32 to vector<16xi32>
      %min3A_150 = arith.minsi %max3A_147, %min3A_149 : vector<16xi32>
      %mul3A_151 = arith.constant 7 : i32
      %mul3A_152 = vector.broadcast %mul3A_151 : i32 to vector<16xi32>
      %mul3A_153 = arith.muli %min3A_144, %mul3A_152 : vector<16xi32>
      %add3A_154 = arith.addi %mul3A_153, %min3A_150 : vector<16xi32>
      %swap3A_155 = arith.constant 0 : index
      %swap3A_156 = tpu.vector_load %arg16[%swap3A_155] {strides = array<i32>} : memref<48xi32, #tpu.memory_space<vmem>>, vector<16xi32>,
      %swap3A_157 = vector.shape_cast %swap3A_156 : vector<16xi32> to vector<16xi32>
      %swap3A_158 = vector.shape_cast %add3A_154 : vector<16xi32> to vector<16xi32>
      tpu.vector_store %arg16[%swap3A_155], %swap3A_158 {strides = array<i32>} : memref<48xi32, #tpu.memory_space<vmem>>, vector<16xi32>,
      %add3A_159 = arith.constant 1280 : i32
      %add3A_160 = arith.addi %add3A_159, %mul3A_40 : i32
      %get3A_161 = arith.index_cast %add3A_160 : i32 to index
      %get3A_162 = tpu.vector_load %arg8[%get3A_161] {strides = array<i32>} : memref<2880xf32, #tpu.memory_space<vmem>>, vector<16xf32>,
      %get3A_163 = vector.shape_cast %get3A_162 : vector<16xf32> to vector<16xf32>
      %add3A_164 = arith.constant 2240 : i32
      %add3A_165 = arith.addi %add3A_164, %mul3A_40 : i32
      %get3A_166 = arith.index_cast %add3A_165 : i32 to index
      %get3A_167 = tpu.vector_load %arg8[%get3A_166] {strides = array<i32>} : memref<2880xf32, #tpu.memory_space<vmem>>, vector<16xf32>,
      %get3A_168 = vector.shape_cast %get3A_167 : vector<16xf32> to vector<16xf32>
      %mul3A_169 = arith.constant 2.500000e-01 : f32
      %mul3A_170 = vector.broadcast %mul3A_169 : f32 to vector<16xf32>
      %mul3A_171 = arith.mulf %get3A_163, %mul3A_170 : vector<16xf32>
      %convert_element_type3A_172 = arith.fptosi %mul3A_171 : vector<16xf32> to vector<16xi32>
      %mul3A_173 = arith.constant 2.500000e-01 : f32
      %mul3A_174 = vector.broadcast %mul3A_173 : f32 to vector<16xf32>
      %mul3A_175 = arith.mulf %get3A_168, %mul3A_174 : vector<16xf32>
      %convert_element_type3A_176 = arith.fptosi %mul3A_175 : vector<16xf32> to vector<16xi32>
      %max3A_177 = arith.constant 0 : i32
      %max3A_178 = vector.broadcast %max3A_177 : i32 to vector<16xi32>
      %max3A_179 = arith.maxsi %convert_element_type3A_172, %max3A_178 : vector<16xi32>
      %min3A_180 = arith.constant 55 : i32
      %min3A_181 = vector.broadcast %min3A_180 : i32 to vector<16xi32>
      %min3A_182 = arith.minsi %max3A_179, %min3A_181 : vector<16xi32>
      %max3A_183 = arith.constant 0 : i32
      %max3A_184 = vector.broadcast %max3A_183 : i32 to vector<16xi32>
      %max3A_185 = arith.maxsi %convert_element_type3A_176, %max3A_184 : vector<16xi32>
      %min3A_186 = arith.constant 55 : i32
      %min3A_187 = vector.broadcast %min3A_186 : i32 to vector<16xi32>
      %min3A_188 = arith.minsi %max3A_185, %min3A_187 : vector<16xi32>
      %mul3A_189 = arith.constant 56 : i32
      %mul3A_190 = vector.broadcast %mul3A_189 : i32 to vector<16xi32>
      %mul3A_191 = arith.muli %min3A_182, %mul3A_190 : vector<16xi32>
      %add3A_192 = arith.addi %mul3A_191, %min3A_188 : vector<16xi32>
      %swap3A_193 = arith.constant 16 : index
      %swap3A_194 = tpu.vector_load %arg13[%swap3A_193] {strides = array<i32>} : memref<48xi32, #tpu.memory_space<vmem>>, vector<16xi32>,
      %swap3A_195 = vector.shape_cast %swap3A_194 : vector<16xi32> to vector<16xi32>
      %swap3A_196 = vector.shape_cast %add3A_192 : vector<16xi32> to vector<16xi32>
      tpu.vector_store %arg13[%swap3A_193], %swap3A_196 {strides = array<i32>} : memref<48xi32, #tpu.memory_space<vmem>>, vector<16xi32>,
      %mul3A_197 = arith.constant 1.250000e-01 : f32
      %mul3A_198 = vector.broadcast %mul3A_197 : f32 to vector<16xf32>
      %mul3A_199 = arith.mulf %get3A_163, %mul3A_198 : vector<16xf32>
      %convert_element_type3A_200 = arith.fptosi %mul3A_199 : vector<16xf32> to vector<16xi32>
      %mul3A_201 = arith.constant 1.250000e-01 : f32
      %mul3A_202 = vector.broadcast %mul3A_201 : f32 to vector<16xf32>
      %mul3A_203 = arith.mulf %get3A_168, %mul3A_202 : vector<16xf32>
      %convert_element_type3A_204 = arith.fptosi %mul3A_203 : vector<16xf32> to vector<16xi32>
      %max3A_205 = arith.constant 0 : i32
      %max3A_206 = vector.broadcast %max3A_205 : i32 to vector<16xi32>
      %max3A_207 = arith.maxsi %convert_element_type3A_200, %max3A_206 : vector<16xi32>
      %min3A_208 = arith.constant 27 : i32
      %min3A_209 = vector.broadcast %min3A_208 : i32 to vector<16xi32>
      %min3A_210 = arith.minsi %max3A_207, %min3A_209 : vector<16xi32>
      %max3A_211 = arith.constant 0 : i32
      %max3A_212 = vector.broadcast %max3A_211 : i32 to vector<16xi32>
      %max3A_213 = arith.maxsi %convert_element_type3A_204, %max3A_212 : vector<16xi32>
      %min3A_214 = arith.constant 27 : i32
      %min3A_215 = vector.broadcast %min3A_214 : i32 to vector<16xi32>
      %min3A_216 = arith.minsi %max3A_213, %min3A_215 : vector<16xi32>
      %mul3A_217 = arith.constant 28 : i32
      %mul3A_218 = vector.broadcast %mul3A_217 : i32 to vector<16xi32>
      %mul3A_219 = arith.muli %min3A_210, %mul3A_218 : vector<16xi32>
      %add3A_220 = arith.addi %mul3A_219, %min3A_216 : vector<16xi32>
      %swap3A_221 = arith.constant 16 : index
      %swap3A_222 = tpu.vector_load %arg14[%swap3A_221] {strides = array<i32>} : memref<48xi32, #tpu.memory_space<vmem>>, vector<16xi32>,
      %swap3A_223 = vector.shape_cast %swap3A_222 : vector<16xi32> to vector<16xi32>
      %swap3A_224 = vector.shape_cast %add3A_220 : vector<16xi32> to vector<16xi32>
      tpu.vector_store %arg14[%swap3A_221], %swap3A_224 {strides = array<i32>} : memref<48xi32, #tpu.memory_space<vmem>>, vector<16xi32>,
      %mul3A_225 = arith.constant 6.250000e-02 : f32
      %mul3A_226 = vector.broadcast %mul3A_225 : f32 to vector<16xf32>
      %mul3A_227 = arith.mulf %get3A_163, %mul3A_226 : vector<16xf32>
      %convert_element_type3A_228 = arith.fptosi %mul3A_227 : vector<16xf32> to vector<16xi32>
      %mul3A_229 = arith.constant 6.250000e-02 : f32
      %mul3A_230 = vector.broadcast %mul3A_229 : f32 to vector<16xf32>
      %mul3A_231 = arith.mulf %get3A_168, %mul3A_230 : vector<16xf32>
      %convert_element_type3A_232 = arith.fptosi %mul3A_231 : vector<16xf32> to vector<16xi32>
      %max3A_233 = arith.constant 0 : i32
      %max3A_234 = vector.broadcast %max3A_233 : i32 to vector<16xi32>
      %max3A_235 = arith.maxsi %convert_element_type3A_228, %max3A_234 : vector<16xi32>
      %min3A_236 = arith.constant 13 : i32
      %min3A_237 = vector.broadcast %min3A_236 : i32 to vector<16xi32>
      %min3A_238 = arith.minsi %max3A_235, %min3A_237 : vector<16xi32>
      %max3A_239 = arith.constant 0 : i32
      %max3A_240 = vector.broadcast %max3A_239 : i32 to vector<16xi32>
      %max3A_241 = arith.maxsi %convert_element_type3A_232, %max3A_240 : vector<16xi32>
      %min3A_242 = arith.constant 13 : i32
      %min3A_243 = vector.broadcast %min3A_242 : i32 to vector<16xi32>
      %min3A_244 = arith.minsi %max3A_241, %min3A_243 : vector<16xi32>
      %mul3A_245 = arith.constant 14 : i32
      %mul3A_246 = vector.broadcast %mul3A_245 : i32 to vector<16xi32>
      %mul3A_247 = arith.muli %min3A_238, %mul3A_246 : vector<16xi32>
      %add3A_248 = arith.addi %mul3A_247, %min3A_244 : vector<16xi32>
      %swap3A_249 = arith.constant 16 : index
      %swap3A_250 = tpu.vector_load %arg15[%swap3A_249] {strides = array<i32>} : memref<48xi32, #tpu.memory_space<vmem>>, vector<16xi32>,
      %swap3A_251 = vector.shape_cast %swap3A_250 : vector<16xi32> to vector<16xi32>
      %swap3A_252 = vector.shape_cast %add3A_248 : vector<16xi32> to vector<16xi32>
      tpu.vector_store %arg15[%swap3A_249], %swap3A_252 {strides = array<i32>} : memref<48xi32, #tpu.memory_space<vmem>>, vector<16xi32>,
      %mul3A_253 = arith.constant 3.125000e-02 : f32
      %mul3A_254 = vector.broadcast %mul3A_253 : f32 to vector<16xf32>
      %mul3A_255 = arith.mulf %get3A_163, %mul3A_254 : vector<16xf32>
      %convert_element_type3A_256 = arith.fptosi %mul3A_255 : vector<16xf32> to vector<16xi32>
      %mul3A_257 = arith.constant 3.125000e-02 : f32
      %mul3A_258 = vector.broadcast %mul3A_257 : f32 to vector<16xf32>
      %mul3A_259 = arith.mulf %get3A_168, %mul3A_258 : vector<16xf32>
      %convert_element_type3A_260 = arith.fptosi %mul3A_259 : vector<16xf32> to vector<16xi32>
      %max3A_261 = arith.constant 0 : i32
      %max3A_262 = vector.broadcast %max3A_261 : i32 to vector<16xi32>
      %max3A_263 = arith.maxsi %convert_element_type3A_256, %max3A_262 : vector<16xi32>
      %min3A_264 = arith.constant 6 : i32
      %min3A_265 = vector.broadcast %min3A_264 : i32 to vector<16xi32>
      %min3A_266 = arith.minsi %max3A_263, %min3A_265 : vector<16xi32>
      %max3A_267 = arith.constant 0 : i32
      %max3A_268 = vector.broadcast %max3A_267 : i32 to vector<16xi32>
      %max3A_269 = arith.maxsi %convert_element_type3A_260, %max3A_268 : vector<16xi32>
      %min3A_270 = arith.constant 6 : i32
      %min3A_271 = vector.broadcast %min3A_270 : i32 to vector<16xi32>
      %min3A_272 = arith.minsi %max3A_269, %min3A_271 : vector<16xi32>
      %mul3A_273 = arith.constant 7 : i32
      %mul3A_274 = vector.broadcast %mul3A_273 : i32 to vector<16xi32>
      %mul3A_275 = arith.muli %min3A_266, %mul3A_274 : vector<16xi32>
      %add3A_276 = arith.addi %mul3A_275, %min3A_272 : vector<16xi32>
      %swap3A_277 = arith.constant 16 : index
      %swap3A_278 = tpu.vector_load %arg16[%swap3A_277] {strides = array<i32>} : memref<48xi32, #tpu.memory_space<vmem>>, vector<16xi32>,
      %swap3A_279 = vector.shape_cast %swap3A_278 : vector<16xi32> to vector<16xi32>
      %swap3A_280 = vector.shape_cast %add3A_276 : vector<16xi32> to vector<16xi32>
      tpu.vector_store %arg16[%swap3A_277], %swap3A_280 {strides = array<i32>} : memref<48xi32, #tpu.memory_space<vmem>>, vector<16xi32>,
      %add3A_281 = arith.constant 1600 : i32
      %add3A_282 = arith.addi %add3A_281, %mul3A_40 : i32
      %get3A_283 = arith.index_cast %add3A_282 : i32 to index
      %get3A_284 = tpu.vector_load %arg8[%get3A_283] {strides = array<i32>} : memref<2880xf32, #tpu.memory_space<vmem>>, vector<16xf32>,
      %get3A_285 = vector.shape_cast %get3A_284 : vector<16xf32> to vector<16xf32>
      %add3A_286 = arith.constant 2560 : i32
      %add3A_287 = arith.addi %add3A_286, %mul3A_40 : i32
      %get3A_288 = arith.index_cast %add3A_287 : i32 to index
      %get3A_289 = tpu.vector_load %arg8[%get3A_288] {strides = array<i32>} : memref<2880xf32, #tpu.memory_space<vmem>>, vector<16xf32>,
      %get3A_290 = vector.shape_cast %get3A_289 : vector<16xf32> to vector<16xf32>
      %mul3A_291 = arith.constant 2.500000e-01 : f32
      %mul3A_292 = vector.broadcast %mul3A_291 : f32 to vector<16xf32>
      %mul3A_293 = arith.mulf %get3A_285, %mul3A_292 : vector<16xf32>
      %convert_element_type3A_294 = arith.fptosi %mul3A_293 : vector<16xf32> to vector<16xi32>
      %mul3A_295 = arith.constant 2.500000e-01 : f32
      %mul3A_296 = vector.broadcast %mul3A_295 : f32 to vector<16xf32>
      %mul3A_297 = arith.mulf %get3A_290, %mul3A_296 : vector<16xf32>
      %convert_element_type3A_298 = arith.fptosi %mul3A_297 : vector<16xf32> to vector<16xi32>
      %max3A_299 = arith.constant 0 : i32
      %max3A_300 = vector.broadcast %max3A_299 : i32 to vector<16xi32>
      %max3A_301 = arith.maxsi %convert_element_type3A_294, %max3A_300 : vector<16xi32>
      %min3A_302 = arith.constant 55 : i32
      %min3A_303 = vector.broadcast %min3A_302 : i32 to vector<16xi32>
      %min3A_304 = arith.minsi %max3A_301, %min3A_303 : vector<16xi32>
      %max3A_305 = arith.constant 0 : i32
      %max3A_306 = vector.broadcast %max3A_305 : i32 to vector<16xi32>
      %max3A_307 = arith.maxsi %convert_element_type3A_298, %max3A_306 : vector<16xi32>
      %min3A_308 = arith.constant 55 : i32
      %min3A_309 = vector.broadcast %min3A_308 : i32 to vector<16xi32>
      %min3A_310 = arith.minsi %max3A_307, %min3A_309 : vector<16xi32>
      %mul3A_311 = arith.constant 56 : i32
      %mul3A_312 = vector.broadcast %mul3A_311 : i32 to vector<16xi32>
      %mul3A_313 = arith.muli %min3A_304, %mul3A_312 : vector<16xi32>
      %add3A_314 = arith.addi %mul3A_313, %min3A_310 : vector<16xi32>
      %swap3A_315 = arith.constant 32 : index
      %swap3A_316 = tpu.vector_load %arg13[%swap3A_315] {strides = array<i32>} : memref<48xi32, #tpu.memory_space<vmem>>, vector<16xi32>,
      %swap3A_317 = vector.shape_cast %swap3A_316 : vector<16xi32> to vector<16xi32>
      %swap3A_318 = vector.shape_cast %add3A_314 : vector<16xi32> to vector<16xi32>
      tpu.vector_store %arg13[%swap3A_315], %swap3A_318 {strides = array<i32>} : memref<48xi32, #tpu.memory_space<vmem>>, vector<16xi32>,
      %mul3A_319 = arith.constant 1.250000e-01 : f32
      %mul3A_320 = vector.broadcast %mul3A_319 : f32 to vector<16xf32>
      %mul3A_321 = arith.mulf %get3A_285, %mul3A_320 : vector<16xf32>
      %convert_element_type3A_322 = arith.fptosi %mul3A_321 : vector<16xf32> to vector<16xi32>
      %mul3A_323 = arith.constant 1.250000e-01 : f32
      %mul3A_324 = vector.broadcast %mul3A_323 : f32 to vector<16xf32>
      %mul3A_325 = arith.mulf %get3A_290, %mul3A_324 : vector<16xf32>
      %convert_element_type3A_326 = arith.fptosi %mul3A_325 : vector<16xf32> to vector<16xi32>
      %max3A_327 = arith.constant 0 : i32
      %max3A_328 = vector.broadcast %max3A_327 : i32 to vector<16xi32>
      %max3A_329 = arith.maxsi %convert_element_type3A_322, %max3A_328 : vector<16xi32>
      %min3A_330 = arith.constant 27 : i32
      %min3A_331 = vector.broadcast %min3A_330 : i32 to vector<16xi32>
      %min3A_332 = arith.minsi %max3A_329, %min3A_331 : vector<16xi32>
      %max3A_333 = arith.constant 0 : i32
      %max3A_334 = vector.broadcast %max3A_333 : i32 to vector<16xi32>
      %max3A_335 = arith.maxsi %convert_element_type3A_326, %max3A_334 : vector<16xi32>
      %min3A_336 = arith.constant 27 : i32
      %min3A_337 = vector.broadcast %min3A_336 : i32 to vector<16xi32>
      %min3A_338 = arith.minsi %max3A_335, %min3A_337 : vector<16xi32>
      %mul3A_339 = arith.constant 28 : i32
      %mul3A_340 = vector.broadcast %mul3A_339 : i32 to vector<16xi32>
      %mul3A_341 = arith.muli %min3A_332, %mul3A_340 : vector<16xi32>
      %add3A_342 = arith.addi %mul3A_341, %min3A_338 : vector<16xi32>
      %swap3A_343 = arith.constant 32 : index
      %swap3A_344 = tpu.vector_load %arg14[%swap3A_343] {strides = array<i32>} : memref<48xi32, #tpu.memory_space<vmem>>, vector<16xi32>,
      %swap3A_345 = vector.shape_cast %swap3A_344 : vector<16xi32> to vector<16xi32>
      %swap3A_346 = vector.shape_cast %add3A_342 : vector<16xi32> to vector<16xi32>
      tpu.vector_store %arg14[%swap3A_343], %swap3A_346 {strides = array<i32>} : memref<48xi32, #tpu.memory_space<vmem>>, vector<16xi32>,
      %mul3A_347 = arith.constant 6.250000e-02 : f32
      %mul3A_348 = vector.broadcast %mul3A_347 : f32 to vector<16xf32>
      %mul3A_349 = arith.mulf %get3A_285, %mul3A_348 : vector<16xf32>
      %convert_element_type3A_350 = arith.fptosi %mul3A_349 : vector<16xf32> to vector<16xi32>
      %mul3A_351 = arith.constant 6.250000e-02 : f32
      %mul3A_352 = vector.broadcast %mul3A_351 : f32 to vector<16xf32>
      %mul3A_353 = arith.mulf %get3A_290, %mul3A_352 : vector<16xf32>
      %convert_element_type3A_354 = arith.fptosi %mul3A_353 : vector<16xf32> to vector<16xi32>
      %max3A_355 = arith.constant 0 : i32
      %max3A_356 = vector.broadcast %max3A_355 : i32 to vector<16xi32>
      %max3A_357 = arith.maxsi %convert_element_type3A_350, %max3A_356 : vector<16xi32>
      %min3A_358 = arith.constant 13 : i32
      %min3A_359 = vector.broadcast %min3A_358 : i32 to vector<16xi32>
      %min3A_360 = arith.minsi %max3A_357, %min3A_359 : vector<16xi32>
      %max3A_361 = arith.constant 0 : i32
      %max3A_362 = vector.broadcast %max3A_361 : i32 to vector<16xi32>
      %max3A_363 = arith.maxsi %convert_element_type3A_354, %max3A_362 : vector<16xi32>
      %min3A_364 = arith.constant 13 : i32
      %min3A_365 = vector.broadcast %min3A_364 : i32 to vector<16xi32>
      %min3A_366 = arith.minsi %max3A_363, %min3A_365 : vector<16xi32>
      %mul3A_367 = arith.constant 14 : i32
      %mul3A_368 = vector.broadcast %mul3A_367 : i32 to vector<16xi32>
      %mul3A_369 = arith.muli %min3A_360, %mul3A_368 : vector<16xi32>
      %add3A_370 = arith.addi %mul3A_369, %min3A_366 : vector<16xi32>
      %swap3A_371 = arith.constant 32 : index
      %swap3A_372 = tpu.vector_load %arg15[%swap3A_371] {strides = array<i32>} : memref<48xi32, #tpu.memory_space<vmem>>, vector<16xi32>,
      %swap3A_373 = vector.shape_cast %swap3A_372 : vector<16xi32> to vector<16xi32>
      %swap3A_374 = vector.shape_cast %add3A_370 : vector<16xi32> to vector<16xi32>
      tpu.vector_store %arg15[%swap3A_371], %swap3A_374 {strides = array<i32>} : memref<48xi32, #tpu.memory_space<vmem>>, vector<16xi32>,
      %mul3A_375 = arith.constant 3.125000e-02 : f32
      %mul3A_376 = vector.broadcast %mul3A_375 : f32 to vector<16xf32>
      %mul3A_377 = arith.mulf %get3A_285, %mul3A_376 : vector<16xf32>
      %convert_element_type3A_378 = arith.fptosi %mul3A_377 : vector<16xf32> to vector<16xi32>
      %mul3A_379 = arith.constant 3.125000e-02 : f32
      %mul3A_380 = vector.broadcast %mul3A_379 : f32 to vector<16xf32>
      %mul3A_381 = arith.mulf %get3A_290, %mul3A_380 : vector<16xf32>
      %convert_element_type3A_382 = arith.fptosi %mul3A_381 : vector<16xf32> to vector<16xi32>
      %max3A_383 = arith.constant 0 : i32
      %max3A_384 = vector.broadcast %max3A_383 : i32 to vector<16xi32>
      %max3A_385 = arith.maxsi %convert_element_type3A_378, %max3A_384 : vector<16xi32>
      %min3A_386 = arith.constant 6 : i32
      %min3A_387 = vector.broadcast %min3A_386 : i32 to vector<16xi32>
      %min3A_388 = arith.minsi %max3A_385, %min3A_387 : vector<16xi32>
      %max3A_389 = arith.constant 0 : i32
      %max3A_390 = vector.broadcast %max3A_389 : i32 to vector<16xi32>
      %max3A_391 = arith.maxsi %convert_element_type3A_382, %max3A_390 : vector<16xi32>
      %min3A_392 = arith.constant 6 : i32
      %min3A_393 = vector.broadcast %min3A_392 : i32 to vector<16xi32>
      %min3A_394 = arith.minsi %max3A_391, %min3A_393 : vector<16xi32>
      %mul3A_395 = arith.constant 7 : i32
      %mul3A_396 = vector.broadcast %mul3A_395 : i32 to vector<16xi32>
      %mul3A_397 = arith.muli %min3A_388, %mul3A_396 : vector<16xi32>
      %add3A_398 = arith.addi %mul3A_397, %min3A_394 : vector<16xi32>
      %swap3A_399 = arith.constant 32 : index
      %swap3A_400 = tpu.vector_load %arg16[%swap3A_399] {strides = array<i32>} : memref<48xi32, #tpu.memory_space<vmem>>, vector<16xi32>,
      %swap3A_401 = vector.shape_cast %swap3A_400 : vector<16xi32> to vector<16xi32>
      %swap3A_402 = vector.shape_cast %add3A_398 : vector<16xi32> to vector<16xi32>
      tpu.vector_store %arg16[%swap3A_399], %swap3A_402 {strides = array<i32>} : memref<48xi32, #tpu.memory_space<vmem>>, vector<16xi32>,
      %dma_start3A = arith.constant 0 : i32
      %dma_start3A_403 = arith.constant 0 : i32
      %dma_start3A_404 = tpu.memref_slice %arg3[%dma_start3A, %dma_start3A_403] : memref<3136x128xf32, #tpu.memory_space<hbm>> -> memref<3136x128xf32, #tpu.memory_space<hbm>>
      tpu.enqueue_indirect_dma source(%dma_start3A_404 : memref<3136x128xf32, #tpu.memory_space<hbm>>) target(%arg9 : memref<48x128xf32, #tpu.memory_space<vmem>>) offsets(%arg13 : memref<48xi32, #tpu.memory_space<vmem>>) semaphore(%arg19 : memref<!tpu.dma_semaphore, #tpu.memory_space<semaphore_mem>>)
      %dma_start3A_405 = arith.constant 0 : i32
      %dma_start3A_406 = arith.constant 0 : i32
      %dma_start3A_407 = tpu.memref_slice %arg4[%dma_start3A_405, %dma_start3A_406] : memref<784x128xf32, #tpu.memory_space<hbm>> -> memref<784x128xf32, #tpu.memory_space<hbm>>
      tpu.enqueue_indirect_dma source(%dma_start3A_407 : memref<784x128xf32, #tpu.memory_space<hbm>>) target(%arg10 : memref<48x128xf32, #tpu.memory_space<vmem>>) offsets(%arg14 : memref<48xi32, #tpu.memory_space<vmem>>) semaphore(%arg20 : memref<!tpu.dma_semaphore, #tpu.memory_space<semaphore_mem>>)
      %dma_start3A_408 = arith.constant 0 : i32
      %dma_start3A_409 = arith.constant 0 : i32
      %dma_start3A_410 = tpu.memref_slice %arg5[%dma_start3A_408, %dma_start3A_409] : memref<196x256xf32, #tpu.memory_space<hbm>> -> memref<196x256xf32, #tpu.memory_space<hbm>>
      tpu.enqueue_indirect_dma source(%dma_start3A_410 : memref<196x256xf32, #tpu.memory_space<hbm>>) target(%arg11 : memref<48x256xf32, #tpu.memory_space<vmem>>) offsets(%arg15 : memref<48xi32, #tpu.memory_space<vmem>>) semaphore(%arg21 : memref<!tpu.dma_semaphore, #tpu.memory_space<semaphore_mem>>)
      %dma_start3A_411 = arith.constant 0 : i32
      %dma_start3A_412 = arith.constant 0 : i32
      %dma_start3A_413 = tpu.memref_slice %arg6[%dma_start3A_411, %dma_start3A_412] : memref<49x512xf32, #tpu.memory_space<hbm>> -> memref<49x512xf32, #tpu.memory_space<hbm>>
      tpu.enqueue_indirect_dma source(%dma_start3A_413 : memref<49x512xf32, #tpu.memory_space<hbm>>) target(%arg12 : memref<48x512xf32, #tpu.memory_space<vmem>>) offsets(%arg16 : memref<48xi32, #tpu.memory_space<vmem>>) semaphore(%arg22 : memref<!tpu.dma_semaphore, #tpu.memory_space<semaphore_mem>>)
      %dma_wait3A = arith.constant 0 : i32
      %dma_wait3A_414 = arith.constant 0 : i32
      %dma_wait3A_415 = tpu.memref_slice %arg3[%dma_wait3A, %dma_wait3A_414] : memref<3136x128xf32, #tpu.memory_space<hbm>> -> memref<3136x128xf32, #tpu.memory_space<hbm>>
      tpu.wait_indirect_dma semaphore(%arg19 : memref<!tpu.dma_semaphore, #tpu.memory_space<semaphore_mem>>) src(%dma_wait3A_415 : memref<3136x128xf32, #tpu.memory_space<hbm>>) dst(%arg9 : memref<48x128xf32, #tpu.memory_space<vmem>>)
      %dma_wait3A_416 = arith.constant 0 : i32
      %dma_wait3A_417 = arith.constant 0 : i32
      %dma_wait3A_418 = tpu.memref_slice %arg4[%dma_wait3A_416, %dma_wait3A_417] : memref<784x128xf32, #tpu.memory_space<hbm>> -> memref<784x128xf32, #tpu.memory_space<hbm>>
      tpu.wait_indirect_dma semaphore(%arg20 : memref<!tpu.dma_semaphore, #tpu.memory_space<semaphore_mem>>) src(%dma_wait3A_418 : memref<784x128xf32, #tpu.memory_space<hbm>>) dst(%arg10 : memref<48x128xf32, #tpu.memory_space<vmem>>)
      %dma_wait3A_419 = arith.constant 0 : i32
      %dma_wait3A_420 = arith.constant 0 : i32
      %dma_wait3A_421 = tpu.memref_slice %arg5[%dma_wait3A_419, %dma_wait3A_420] : memref<196x256xf32, #tpu.memory_space<hbm>> -> memref<196x256xf32, #tpu.memory_space<hbm>>
      tpu.wait_indirect_dma semaphore(%arg21 : memref<!tpu.dma_semaphore, #tpu.memory_space<semaphore_mem>>) src(%dma_wait3A_421 : memref<196x256xf32, #tpu.memory_space<hbm>>) dst(%arg11 : memref<48x256xf32, #tpu.memory_space<vmem>>)
      %dma_wait3A_422 = arith.constant 0 : i32
      %dma_wait3A_423 = arith.constant 0 : i32
      %dma_wait3A_424 = tpu.memref_slice %arg6[%dma_wait3A_422, %dma_wait3A_423] : memref<49x512xf32, #tpu.memory_space<hbm>> -> memref<49x512xf32, #tpu.memory_space<hbm>>
      tpu.wait_indirect_dma semaphore(%arg22 : memref<!tpu.dma_semaphore, #tpu.memory_space<semaphore_mem>>) src(%dma_wait3A_424 : memref<49x512xf32, #tpu.memory_space<hbm>>) dst(%arg12 : memref<48x512xf32, #tpu.memory_space<vmem>>)
      %scan3A = arith.constant 0 : i32
      %scan3A_425 = arith.constant 0 : i32
      %scan3A_426 = arith.constant 16 : i32
      %scan3A_427 = arith.addi %scan3A_425, %scan3A_426 : i32
      %scan3A_428 = arith.constant 1 : i32
      %scan3A_429 = scf.for %scan3A_957 = %scan3A_425 to %scan3A_427 step %scan3A_428 iter_args(%scan3A_958 = %scan3A) -> (i32)  : i32 {
        %parallel_loop3A = arith.constant 0 : i32
        %parallel_loop3A_959 = arith.constant 4 : i32
        %parallel_loop3A_960 = arith.constant 1 : i32
        scf.for %parallel_loop3A_986 = %parallel_loop3A to %parallel_loop3A_959 step %parallel_loop3A_960  : i32 {
          %parallel_loop3A_987 = arith.constant 16 : i32
          %parallel_loop3A_988 = arith.muli %parallel_loop3A_986, %parallel_loop3A_987 : i32
          %parallel_loop3A_989 = arith.index_cast %scan3A_957 : i32 to index
          %parallel_loop3A_990 = arith.index_cast %parallel_loop3A_988 : i32 to index
          %parallel_loop3A_991 = tpu.vector_load %arg9[%parallel_loop3A_989, %parallel_loop3A_990] {strides = array<i32>} : memref<48x128xf32, #tpu.memory_space<vmem>>, vector<1x16xf32>,
          %parallel_loop3A_992 = vector.shape_cast %parallel_loop3A_991 : vector<1x16xf32> to vector<16xf32>
          %parallel_loop3A_993 = arith.constant 16 : i32
          %parallel_loop3A_994 = arith.addi %parallel_loop3A_993, %scan3A_957 : i32
          %parallel_loop3A_995 = arith.index_cast %parallel_loop3A_994 : i32 to index
          %parallel_loop3A_996 = arith.index_cast %parallel_loop3A_988 : i32 to index
          %parallel_loop3A_997 = tpu.vector_load %arg9[%parallel_loop3A_995, %parallel_loop3A_996] {strides = array<i32>} : memref<48x128xf32, #tpu.memory_space<vmem>>, vector<1x16xf32>,
          %parallel_loop3A_998 = vector.shape_cast %parallel_loop3A_997 : vector<1x16xf32> to vector<16xf32>
          %parallel_loop3A_999 = arith.constant 32 : i32
          %parallel_loop3A_1000 = arith.addi %parallel_loop3A_999, %scan3A_957 : i32
          %parallel_loop3A_1001 = arith.index_cast %parallel_loop3A_1000 : i32 to index
          %parallel_loop3A_1002 = arith.index_cast %parallel_loop3A_988 : i32 to index
          %parallel_loop3A_1003 = tpu.vector_load %arg9[%parallel_loop3A_1001, %parallel_loop3A_1002] {strides = array<i32>} : memref<48x128xf32, #tpu.memory_space<vmem>>, vector<1x16xf32>,
          %parallel_loop3A_1004 = vector.shape_cast %parallel_loop3A_1003 : vector<1x16xf32> to vector<16xf32>
          %parallel_loop3A_1005 = arith.maximumf %parallel_loop3A_992, %parallel_loop3A_998 : vector<16xf32>
          %parallel_loop3A_1006 = arith.maximumf %parallel_loop3A_1005, %parallel_loop3A_1004 : vector<16xf32>
          %parallel_loop3A_1007 = arith.addf %parallel_loop3A_992, %parallel_loop3A_998 : vector<16xf32>
          %parallel_loop3A_1008 = arith.addf %parallel_loop3A_1007, %parallel_loop3A_1004 : vector<16xf32>
          %parallel_loop3A_1009 = arith.constant 0.333333343 : f32
          %parallel_loop3A_1010 = vector.broadcast %parallel_loop3A_1009 : f32 to vector<16xf32>
          %parallel_loop3A_1011 = arith.mulf %parallel_loop3A_1008, %parallel_loop3A_1010 : vector<16xf32>
          %parallel_loop3A_1012 = arith.subf %parallel_loop3A_992, %parallel_loop3A_1011 : vector<16xf32>
          %parallel_loop3A_1013 = arith.subf %parallel_loop3A_998, %parallel_loop3A_1011 : vector<16xf32>
          %parallel_loop3A_1014 = arith.subf %parallel_loop3A_1004, %parallel_loop3A_1011 : vector<16xf32>
          %parallel_loop3A_1015 = arith.mulf %parallel_loop3A_1012, %parallel_loop3A_1012 : vector<16xf32>
          %parallel_loop3A_1016 = arith.mulf %parallel_loop3A_1013, %parallel_loop3A_1013 : vector<16xf32>
          %parallel_loop3A_1017 = arith.addf %parallel_loop3A_1015, %parallel_loop3A_1016 : vector<16xf32>
          %parallel_loop3A_1018 = arith.mulf %parallel_loop3A_1014, %parallel_loop3A_1014 : vector<16xf32>
          %parallel_loop3A_1019 = arith.addf %parallel_loop3A_1017, %parallel_loop3A_1018 : vector<16xf32>
          %parallel_loop3A_1020 = arith.constant 0.333333343 : f32
          %parallel_loop3A_1021 = vector.broadcast %parallel_loop3A_1020 : f32 to vector<16xf32>
          %parallel_loop3A_1022 = arith.mulf %parallel_loop3A_1019, %parallel_loop3A_1021 : vector<16xf32>
          %parallel_loop3A_1023 = tpu.bitcast %parallel_loop3A_1022 : vector<16xf32> -> vector<16xi32>
          %parallel_loop3A_1024 = arith.constant 1 : i32
          %parallel_loop3A_1025 = vector.broadcast %parallel_loop3A_1024 : i32 to vector<16xi32>
          %parallel_loop3A_1026 = arith.shrsi %parallel_loop3A_1023, %parallel_loop3A_1025 : vector<16xi32>
          %parallel_loop3A_1027 = arith.constant 1597463007 : i32
          %parallel_loop3A_1028 = vector.broadcast %parallel_loop3A_1027 : i32 to vector<16xi32>
          %parallel_loop3A_1029 = arith.subi %parallel_loop3A_1028, %parallel_loop3A_1026 : vector<16xi32>
          %parallel_loop3A_1030 = tpu.bitcast %parallel_loop3A_1029 : vector<16xi32> -> vector<16xf32>
          %parallel_loop3A_1031 = arith.constant 5.000000e-01 : f32
          %parallel_loop3A_1032 = vector.broadcast %parallel_loop3A_1031 : f32 to vector<16xf32>
          %parallel_loop3A_1033 = arith.mulf %parallel_loop3A_1022, %parallel_loop3A_1032 : vector<16xf32>
          %parallel_loop3A_1034 = arith.mulf %parallel_loop3A_1033, %parallel_loop3A_1030 : vector<16xf32>
          %parallel_loop3A_1035 = arith.mulf %parallel_loop3A_1034, %parallel_loop3A_1030 : vector<16xf32>
          %parallel_loop3A_1036 = arith.constant 1.500000e+00 : f32
          %parallel_loop3A_1037 = vector.broadcast %parallel_loop3A_1036 : f32 to vector<16xf32>
          %parallel_loop3A_1038 = arith.subf %parallel_loop3A_1037, %parallel_loop3A_1035 : vector<16xf32>
          %parallel_loop3A_1039 = arith.mulf %parallel_loop3A_1030, %parallel_loop3A_1038 : vector<16xf32>
          %parallel_loop3A_1040 = arith.mulf %parallel_loop3A_1033, %parallel_loop3A_1039 : vector<16xf32>
          %parallel_loop3A_1041 = arith.mulf %parallel_loop3A_1040, %parallel_loop3A_1039 : vector<16xf32>
          %parallel_loop3A_1042 = arith.constant 1.500000e+00 : f32
          %parallel_loop3A_1043 = vector.broadcast %parallel_loop3A_1042 : f32 to vector<16xf32>
          %parallel_loop3A_1044 = arith.subf %parallel_loop3A_1043, %parallel_loop3A_1041 : vector<16xf32>
          %parallel_loop3A_1045 = arith.mulf %parallel_loop3A_1039, %parallel_loop3A_1044 : vector<16xf32>
          %parallel_loop3A_1046 = arith.mulf %parallel_loop3A_1022, %parallel_loop3A_1045 : vector<16xf32>
          %parallel_loop3A_1047 = arith.constant 16 : i32
          %parallel_loop3A_1048 = arith.muli %parallel_loop3A_986, %parallel_loop3A_1047 : i32
          %parallel_loop3A_1049 = arith.constant 0 : i32
          %parallel_loop3A_1050 = arith.addi %parallel_loop3A_1049, %parallel_loop3A_1048 : i32
          %parallel_loop3A_1051 = arith.constant 3 : i32
          %parallel_loop3A_1052 = arith.addi %parallel_loop3A_1050, %parallel_loop3A_1051 : i32
          %parallel_loop3A_1053 = arith.index_cast %parallel_loop3A_1052 : i32 to index
          %parallel_loop3A_1054 = tpu.vector_load %arg17[%parallel_loop3A_1053] {strides = array<i32>} : memref<2896xf32, #tpu.memory_space<vmem>>, vector<16xf32>,
          %parallel_loop3A_1055 = vector.shape_cast %parallel_loop3A_1054 : vector<16xf32> to vector<16xf32>
          %parallel_loop3A_1056 = vector.shape_cast %parallel_loop3A_1006 : vector<16xf32> to vector<16xf32>
          tpu.vector_store %arg17[%parallel_loop3A_1053], %parallel_loop3A_1056 {strides = array<i32>} : memref<2896xf32, #tpu.memory_space<vmem>>, vector<16xf32>,
          %parallel_loop3A_1057 = arith.constant 3 : i32
          %parallel_loop3A_1058 = arith.addi %parallel_loop3A_1050, %parallel_loop3A_1057 : i32
          %parallel_loop3A_1059 = arith.constant 960 : i32
          %parallel_loop3A_1060 = arith.addi %parallel_loop3A_1058, %parallel_loop3A_1059 : i32
          %parallel_loop3A_1061 = arith.index_cast %parallel_loop3A_1060 : i32 to index
          %parallel_loop3A_1062 = tpu.vector_load %arg17[%parallel_loop3A_1061] {strides = array<i32>} : memref<2896xf32, #tpu.memory_space<vmem>>, vector<16xf32>,
          %parallel_loop3A_1063 = vector.shape_cast %parallel_loop3A_1062 : vector<16xf32> to vector<16xf32>
          %parallel_loop3A_1064 = vector.shape_cast %parallel_loop3A_1011 : vector<16xf32> to vector<16xf32>
          tpu.vector_store %arg17[%parallel_loop3A_1061], %parallel_loop3A_1064 {strides = array<i32>} : memref<2896xf32, #tpu.memory_space<vmem>>, vector<16xf32>,
          %parallel_loop3A_1065 = arith.constant 3 : i32
          %parallel_loop3A_1066 = arith.addi %parallel_loop3A_1050, %parallel_loop3A_1065 : i32
          %parallel_loop3A_1067 = arith.constant 1920 : i32
          %parallel_loop3A_1068 = arith.addi %parallel_loop3A_1066, %parallel_loop3A_1067 : i32
          %parallel_loop3A_1069 = arith.index_cast %parallel_loop3A_1068 : i32 to index
          %parallel_loop3A_1070 = tpu.vector_load %arg17[%parallel_loop3A_1069] {strides = array<i32>} : memref<2896xf32, #tpu.memory_space<vmem>>, vector<16xf32>,
          %parallel_loop3A_1071 = vector.shape_cast %parallel_loop3A_1070 : vector<16xf32> to vector<16xf32>
          %parallel_loop3A_1072 = vector.shape_cast %parallel_loop3A_1046 : vector<16xf32> to vector<16xf32>
          tpu.vector_store %arg17[%parallel_loop3A_1069], %parallel_loop3A_1072 {strides = array<i32>} : memref<2896xf32, #tpu.memory_space<vmem>>, vector<16xf32>,
        } {sc.loop_unroll_factor = 4 : i64, sc.parallel_access}
        %parallel_loop3A_961 = arith.constant 0 : i32
        %parallel_loop3A_962 = arith.constant 8 : i32
        %parallel_loop3A_963 = arith.constant 1 : i32
        scf.for %parallel_loop3A_986 = %parallel_loop3A_961 to %parallel_loop3A_962 step %parallel_loop3A_963  : i32 {
          %parallel_loop3A_987 = arith.constant 16 : i32
          %parallel_loop3A_988 = arith.muli %parallel_loop3A_986, %parallel_loop3A_987 : i32
          %parallel_loop3A_989 = arith.index_cast %scan3A_957 : i32 to index
          %parallel_loop3A_990 = arith.index_cast %parallel_loop3A_988 : i32 to index
          %parallel_loop3A_991 = tpu.vector_load %arg10[%parallel_loop3A_989, %parallel_loop3A_990] {strides = array<i32>} : memref<48x128xf32, #tpu.memory_space<vmem>>, vector<1x16xf32>,
          %parallel_loop3A_992 = vector.shape_cast %parallel_loop3A_991 : vector<1x16xf32> to vector<16xf32>
          %parallel_loop3A_993 = arith.constant 16 : i32
          %parallel_loop3A_994 = arith.addi %parallel_loop3A_993, %scan3A_957 : i32
          %parallel_loop3A_995 = arith.index_cast %parallel_loop3A_994 : i32 to index
          %parallel_loop3A_996 = arith.index_cast %parallel_loop3A_988 : i32 to index
          %parallel_loop3A_997 = tpu.vector_load %arg10[%parallel_loop3A_995, %parallel_loop3A_996] {strides = array<i32>} : memref<48x128xf32, #tpu.memory_space<vmem>>, vector<1x16xf32>,
          %parallel_loop3A_998 = vector.shape_cast %parallel_loop3A_997 : vector<1x16xf32> to vector<16xf32>
          %parallel_loop3A_999 = arith.constant 32 : i32
          %parallel_loop3A_1000 = arith.addi %parallel_loop3A_999, %scan3A_957 : i32
          %parallel_loop3A_1001 = arith.index_cast %parallel_loop3A_1000 : i32 to index
          %parallel_loop3A_1002 = arith.index_cast %parallel_loop3A_988 : i32 to index
          %parallel_loop3A_1003 = tpu.vector_load %arg10[%parallel_loop3A_1001, %parallel_loop3A_1002] {strides = array<i32>} : memref<48x128xf32, #tpu.memory_space<vmem>>, vector<1x16xf32>,
          %parallel_loop3A_1004 = vector.shape_cast %parallel_loop3A_1003 : vector<1x16xf32> to vector<16xf32>
          %parallel_loop3A_1005 = arith.maximumf %parallel_loop3A_992, %parallel_loop3A_998 : vector<16xf32>
          %parallel_loop3A_1006 = arith.maximumf %parallel_loop3A_1005, %parallel_loop3A_1004 : vector<16xf32>
          %parallel_loop3A_1007 = arith.addf %parallel_loop3A_992, %parallel_loop3A_998 : vector<16xf32>
          %parallel_loop3A_1008 = arith.addf %parallel_loop3A_1007, %parallel_loop3A_1004 : vector<16xf32>
          %parallel_loop3A_1009 = arith.constant 0.333333343 : f32
          %parallel_loop3A_1010 = vector.broadcast %parallel_loop3A_1009 : f32 to vector<16xf32>
          %parallel_loop3A_1011 = arith.mulf %parallel_loop3A_1008, %parallel_loop3A_1010 : vector<16xf32>
          %parallel_loop3A_1012 = arith.subf %parallel_loop3A_992, %parallel_loop3A_1011 : vector<16xf32>
          %parallel_loop3A_1013 = arith.subf %parallel_loop3A_998, %parallel_loop3A_1011 : vector<16xf32>
          %parallel_loop3A_1014 = arith.subf %parallel_loop3A_1004, %parallel_loop3A_1011 : vector<16xf32>
          %parallel_loop3A_1015 = arith.mulf %parallel_loop3A_1012, %parallel_loop3A_1012 : vector<16xf32>
          %parallel_loop3A_1016 = arith.mulf %parallel_loop3A_1013, %parallel_loop3A_1013 : vector<16xf32>
          %parallel_loop3A_1017 = arith.addf %parallel_loop3A_1015, %parallel_loop3A_1016 : vector<16xf32>
          %parallel_loop3A_1018 = arith.mulf %parallel_loop3A_1014, %parallel_loop3A_1014 : vector<16xf32>
          %parallel_loop3A_1019 = arith.addf %parallel_loop3A_1017, %parallel_loop3A_1018 : vector<16xf32>
          %parallel_loop3A_1020 = arith.constant 0.333333343 : f32
          %parallel_loop3A_1021 = vector.broadcast %parallel_loop3A_1020 : f32 to vector<16xf32>
          %parallel_loop3A_1022 = arith.mulf %parallel_loop3A_1019, %parallel_loop3A_1021 : vector<16xf32>
          %parallel_loop3A_1023 = tpu.bitcast %parallel_loop3A_1022 : vector<16xf32> -> vector<16xi32>
          %parallel_loop3A_1024 = arith.constant 1 : i32
          %parallel_loop3A_1025 = vector.broadcast %parallel_loop3A_1024 : i32 to vector<16xi32>
          %parallel_loop3A_1026 = arith.shrsi %parallel_loop3A_1023, %parallel_loop3A_1025 : vector<16xi32>
          %parallel_loop3A_1027 = arith.constant 1597463007 : i32
          %parallel_loop3A_1028 = vector.broadcast %parallel_loop3A_1027 : i32 to vector<16xi32>
          %parallel_loop3A_1029 = arith.subi %parallel_loop3A_1028, %parallel_loop3A_1026 : vector<16xi32>
          %parallel_loop3A_1030 = tpu.bitcast %parallel_loop3A_1029 : vector<16xi32> -> vector<16xf32>
          %parallel_loop3A_1031 = arith.constant 5.000000e-01 : f32
          %parallel_loop3A_1032 = vector.broadcast %parallel_loop3A_1031 : f32 to vector<16xf32>
          %parallel_loop3A_1033 = arith.mulf %parallel_loop3A_1022, %parallel_loop3A_1032 : vector<16xf32>
          %parallel_loop3A_1034 = arith.mulf %parallel_loop3A_1033, %parallel_loop3A_1030 : vector<16xf32>
          %parallel_loop3A_1035 = arith.mulf %parallel_loop3A_1034, %parallel_loop3A_1030 : vector<16xf32>
          %parallel_loop3A_1036 = arith.constant 1.500000e+00 : f32
          %parallel_loop3A_1037 = vector.broadcast %parallel_loop3A_1036 : f32 to vector<16xf32>
          %parallel_loop3A_1038 = arith.subf %parallel_loop3A_1037, %parallel_loop3A_1035 : vector<16xf32>
          %parallel_loop3A_1039 = arith.mulf %parallel_loop3A_1030, %parallel_loop3A_1038 : vector<16xf32>
          %parallel_loop3A_1040 = arith.mulf %parallel_loop3A_1033, %parallel_loop3A_1039 : vector<16xf32>
          %parallel_loop3A_1041 = arith.mulf %parallel_loop3A_1040, %parallel_loop3A_1039 : vector<16xf32>
          %parallel_loop3A_1042 = arith.constant 1.500000e+00 : f32
          %parallel_loop3A_1043 = vector.broadcast %parallel_loop3A_1042 : f32 to vector<16xf32>
          %parallel_loop3A_1044 = arith.subf %parallel_loop3A_1043, %parallel_loop3A_1041 : vector<16xf32>
          %parallel_loop3A_1045 = arith.mulf %parallel_loop3A_1039, %parallel_loop3A_1044 : vector<16xf32>
          %parallel_loop3A_1046 = arith.mulf %parallel_loop3A_1022, %parallel_loop3A_1045 : vector<16xf32>
          %parallel_loop3A_1047 = arith.constant 16 : i32
          %parallel_loop3A_1048 = arith.muli %parallel_loop3A_986, %parallel_loop3A_1047 : i32
          %parallel_loop3A_1049 = arith.constant 64 : i32
          %parallel_loop3A_1050 = arith.addi %parallel_loop3A_1049, %parallel_loop3A_1048 : i32
          %parallel_loop3A_1051 = arith.constant 3 : i32
          %parallel_loop3A_1052 = arith.addi %parallel_loop3A_1050, %parallel_loop3A_1051 : i32
          %parallel_loop3A_1053 = arith.index_cast %parallel_loop3A_1052 : i32 to index
          %parallel_loop3A_1054 = tpu.vector_load %arg17[%parallel_loop3A_1053] {strides = array<i32>} : memref<2896xf32, #tpu.memory_space<vmem>>, vector<16xf32>,
          %parallel_loop3A_1055 = vector.shape_cast %parallel_loop3A_1054 : vector<16xf32> to vector<16xf32>
          %parallel_loop3A_1056 = vector.shape_cast %parallel_loop3A_1006 : vector<16xf32> to vector<16xf32>
          tpu.vector_store %arg17[%parallel_loop3A_1053], %parallel_loop3A_1056 {strides = array<i32>} : memref<2896xf32, #tpu.memory_space<vmem>>, vector<16xf32>,
          %parallel_loop3A_1057 = arith.constant 3 : i32
          %parallel_loop3A_1058 = arith.addi %parallel_loop3A_1050, %parallel_loop3A_1057 : i32
          %parallel_loop3A_1059 = arith.constant 960 : i32
          %parallel_loop3A_1060 = arith.addi %parallel_loop3A_1058, %parallel_loop3A_1059 : i32
          %parallel_loop3A_1061 = arith.index_cast %parallel_loop3A_1060 : i32 to index
          %parallel_loop3A_1062 = tpu.vector_load %arg17[%parallel_loop3A_1061] {strides = array<i32>} : memref<2896xf32, #tpu.memory_space<vmem>>, vector<16xf32>,
          %parallel_loop3A_1063 = vector.shape_cast %parallel_loop3A_1062 : vector<16xf32> to vector<16xf32>
          %parallel_loop3A_1064 = vector.shape_cast %parallel_loop3A_1011 : vector<16xf32> to vector<16xf32>
          tpu.vector_store %arg17[%parallel_loop3A_1061], %parallel_loop3A_1064 {strides = array<i32>} : memref<2896xf32, #tpu.memory_space<vmem>>, vector<16xf32>,
          %parallel_loop3A_1065 = arith.constant 3 : i32
          %parallel_loop3A_1066 = arith.addi %parallel_loop3A_1050, %parallel_loop3A_1065 : i32
          %parallel_loop3A_1067 = arith.constant 1920 : i32
          %parallel_loop3A_1068 = arith.addi %parallel_loop3A_1066, %parallel_loop3A_1067 : i32
          %parallel_loop3A_1069 = arith.index_cast %parallel_loop3A_1068 : i32 to index
          %parallel_loop3A_1070 = tpu.vector_load %arg17[%parallel_loop3A_1069] {strides = array<i32>} : memref<2896xf32, #tpu.memory_space<vmem>>, vector<16xf32>,
          %parallel_loop3A_1071 = vector.shape_cast %parallel_loop3A_1070 : vector<16xf32> to vector<16xf32>
          %parallel_loop3A_1072 = vector.shape_cast %parallel_loop3A_1046 : vector<16xf32> to vector<16xf32>
          tpu.vector_store %arg17[%parallel_loop3A_1069], %parallel_loop3A_1072 {strides = array<i32>} : memref<2896xf32, #tpu.memory_space<vmem>>, vector<16xf32>,
        } {sc.loop_unroll_factor = 8 : i64, sc.parallel_access}
        %parallel_loop3A_964 = arith.constant 0 : i32
        %parallel_loop3A_965 = arith.constant 16 : i32
        %parallel_loop3A_966 = arith.constant 1 : i32
        scf.for %parallel_loop3A_986 = %parallel_loop3A_964 to %parallel_loop3A_965 step %parallel_loop3A_966  : i32 {
          %parallel_loop3A_987 = arith.constant 16 : i32
          %parallel_loop3A_988 = arith.muli %parallel_loop3A_986, %parallel_loop3A_987 : i32
          %parallel_loop3A_989 = arith.index_cast %scan3A_957 : i32 to index
          %parallel_loop3A_990 = arith.index_cast %parallel_loop3A_988 : i32 to index
          %parallel_loop3A_991 = tpu.vector_load %arg11[%parallel_loop3A_989, %parallel_loop3A_990] {strides = array<i32>} : memref<48x256xf32, #tpu.memory_space<vmem>>, vector<1x16xf32>,
          %parallel_loop3A_992 = vector.shape_cast %parallel_loop3A_991 : vector<1x16xf32> to vector<16xf32>
          %parallel_loop3A_993 = arith.constant 16 : i32
          %parallel_loop3A_994 = arith.addi %parallel_loop3A_993, %scan3A_957 : i32
          %parallel_loop3A_995 = arith.index_cast %parallel_loop3A_994 : i32 to index
          %parallel_loop3A_996 = arith.index_cast %parallel_loop3A_988 : i32 to index
          %parallel_loop3A_997 = tpu.vector_load %arg11[%parallel_loop3A_995, %parallel_loop3A_996] {strides = array<i32>} : memref<48x256xf32, #tpu.memory_space<vmem>>, vector<1x16xf32>,
          %parallel_loop3A_998 = vector.shape_cast %parallel_loop3A_997 : vector<1x16xf32> to vector<16xf32>
          %parallel_loop3A_999 = arith.constant 32 : i32
          %parallel_loop3A_1000 = arith.addi %parallel_loop3A_999, %scan3A_957 : i32
          %parallel_loop3A_1001 = arith.index_cast %parallel_loop3A_1000 : i32 to index
          %parallel_loop3A_1002 = arith.index_cast %parallel_loop3A_988 : i32 to index
          %parallel_loop3A_1003 = tpu.vector_load %arg11[%parallel_loop3A_1001, %parallel_loop3A_1002] {strides = array<i32>} : memref<48x256xf32, #tpu.memory_space<vmem>>, vector<1x16xf32>,
          %parallel_loop3A_1004 = vector.shape_cast %parallel_loop3A_1003 : vector<1x16xf32> to vector<16xf32>
          %parallel_loop3A_1005 = arith.maximumf %parallel_loop3A_992, %parallel_loop3A_998 : vector<16xf32>
          %parallel_loop3A_1006 = arith.maximumf %parallel_loop3A_1005, %parallel_loop3A_1004 : vector<16xf32>
          %parallel_loop3A_1007 = arith.addf %parallel_loop3A_992, %parallel_loop3A_998 : vector<16xf32>
          %parallel_loop3A_1008 = arith.addf %parallel_loop3A_1007, %parallel_loop3A_1004 : vector<16xf32>
          %parallel_loop3A_1009 = arith.constant 0.333333343 : f32
          %parallel_loop3A_1010 = vector.broadcast %parallel_loop3A_1009 : f32 to vector<16xf32>
          %parallel_loop3A_1011 = arith.mulf %parallel_loop3A_1008, %parallel_loop3A_1010 : vector<16xf32>
          %parallel_loop3A_1012 = arith.subf %parallel_loop3A_992, %parallel_loop3A_1011 : vector<16xf32>
          %parallel_loop3A_1013 = arith.subf %parallel_loop3A_998, %parallel_loop3A_1011 : vector<16xf32>
          %parallel_loop3A_1014 = arith.subf %parallel_loop3A_1004, %parallel_loop3A_1011 : vector<16xf32>
          %parallel_loop3A_1015 = arith.mulf %parallel_loop3A_1012, %parallel_loop3A_1012 : vector<16xf32>
          %parallel_loop3A_1016 = arith.mulf %parallel_loop3A_1013, %parallel_loop3A_1013 : vector<16xf32>
          %parallel_loop3A_1017 = arith.addf %parallel_loop3A_1015, %parallel_loop3A_1016 : vector<16xf32>
          %parallel_loop3A_1018 = arith.mulf %parallel_loop3A_1014, %parallel_loop3A_1014 : vector<16xf32>
          %parallel_loop3A_1019 = arith.addf %parallel_loop3A_1017, %parallel_loop3A_1018 : vector<16xf32>
          %parallel_loop3A_1020 = arith.constant 0.333333343 : f32
          %parallel_loop3A_1021 = vector.broadcast %parallel_loop3A_1020 : f32 to vector<16xf32>
          %parallel_loop3A_1022 = arith.mulf %parallel_loop3A_1019, %parallel_loop3A_1021 : vector<16xf32>
          %parallel_loop3A_1023 = tpu.bitcast %parallel_loop3A_1022 : vector<16xf32> -> vector<16xi32>
          %parallel_loop3A_1024 = arith.constant 1 : i32
          %parallel_loop3A_1025 = vector.broadcast %parallel_loop3A_1024 : i32 to vector<16xi32>
          %parallel_loop3A_1026 = arith.shrsi %parallel_loop3A_1023, %parallel_loop3A_1025 : vector<16xi32>
          %parallel_loop3A_1027 = arith.constant 1597463007 : i32
          %parallel_loop3A_1028 = vector.broadcast %parallel_loop3A_1027 : i32 to vector<16xi32>
          %parallel_loop3A_1029 = arith.subi %parallel_loop3A_1028, %parallel_loop3A_1026 : vector<16xi32>
          %parallel_loop3A_1030 = tpu.bitcast %parallel_loop3A_1029 : vector<16xi32> -> vector<16xf32>
          %parallel_loop3A_1031 = arith.constant 5.000000e-01 : f32
          %parallel_loop3A_1032 = vector.broadcast %parallel_loop3A_1031 : f32 to vector<16xf32>
          %parallel_loop3A_1033 = arith.mulf %parallel_loop3A_1022, %parallel_loop3A_1032 : vector<16xf32>
          %parallel_loop3A_1034 = arith.mulf %parallel_loop3A_1033, %parallel_loop3A_1030 : vector<16xf32>
          %parallel_loop3A_1035 = arith.mulf %parallel_loop3A_1034, %parallel_loop3A_1030 : vector<16xf32>
          %parallel_loop3A_1036 = arith.constant 1.500000e+00 : f32
          %parallel_loop3A_1037 = vector.broadcast %parallel_loop3A_1036 : f32 to vector<16xf32>
          %parallel_loop3A_1038 = arith.subf %parallel_loop3A_1037, %parallel_loop3A_1035 : vector<16xf32>
          %parallel_loop3A_1039 = arith.mulf %parallel_loop3A_1030, %parallel_loop3A_1038 : vector<16xf32>
          %parallel_loop3A_1040 = arith.mulf %parallel_loop3A_1033, %parallel_loop3A_1039 : vector<16xf32>
          %parallel_loop3A_1041 = arith.mulf %parallel_loop3A_1040, %parallel_loop3A_1039 : vector<16xf32>
          %parallel_loop3A_1042 = arith.constant 1.500000e+00 : f32
          %parallel_loop3A_1043 = vector.broadcast %parallel_loop3A_1042 : f32 to vector<16xf32>
          %parallel_loop3A_1044 = arith.subf %parallel_loop3A_1043, %parallel_loop3A_1041 : vector<16xf32>
          %parallel_loop3A_1045 = arith.mulf %parallel_loop3A_1039, %parallel_loop3A_1044 : vector<16xf32>
          %parallel_loop3A_1046 = arith.mulf %parallel_loop3A_1022, %parallel_loop3A_1045 : vector<16xf32>
          %parallel_loop3A_1047 = arith.constant 16 : i32
          %parallel_loop3A_1048 = arith.muli %parallel_loop3A_986, %parallel_loop3A_1047 : i32
          %parallel_loop3A_1049 = arith.constant 192 : i32
          %parallel_loop3A_1050 = arith.addi %parallel_loop3A_1049, %parallel_loop3A_1048 : i32
          %parallel_loop3A_1051 = arith.constant 3 : i32
          %parallel_loop3A_1052 = arith.addi %parallel_loop3A_1050, %parallel_loop3A_1051 : i32
          %parallel_loop3A_1053 = arith.index_cast %parallel_loop3A_1052 : i32 to index
          %parallel_loop3A_1054 = tpu.vector_load %arg17[%parallel_loop3A_1053] {strides = array<i32>} : memref<2896xf32, #tpu.memory_space<vmem>>, vector<16xf32>,
          %parallel_loop3A_1055 = vector.shape_cast %parallel_loop3A_1054 : vector<16xf32> to vector<16xf32>
          %parallel_loop3A_1056 = vector.shape_cast %parallel_loop3A_1006 : vector<16xf32> to vector<16xf32>
          tpu.vector_store %arg17[%parallel_loop3A_1053], %parallel_loop3A_1056 {strides = array<i32>} : memref<2896xf32, #tpu.memory_space<vmem>>, vector<16xf32>,
          %parallel_loop3A_1057 = arith.constant 3 : i32
          %parallel_loop3A_1058 = arith.addi %parallel_loop3A_1050, %parallel_loop3A_1057 : i32
          %parallel_loop3A_1059 = arith.constant 960 : i32
          %parallel_loop3A_1060 = arith.addi %parallel_loop3A_1058, %parallel_loop3A_1059 : i32
          %parallel_loop3A_1061 = arith.index_cast %parallel_loop3A_1060 : i32 to index
          %parallel_loop3A_1062 = tpu.vector_load %arg17[%parallel_loop3A_1061] {strides = array<i32>} : memref<2896xf32, #tpu.memory_space<vmem>>, vector<16xf32>,
          %parallel_loop3A_1063 = vector.shape_cast %parallel_loop3A_1062 : vector<16xf32> to vector<16xf32>
          %parallel_loop3A_1064 = vector.shape_cast %parallel_loop3A_1011 : vector<16xf32> to vector<16xf32>
          tpu.vector_store %arg17[%parallel_loop3A_1061], %parallel_loop3A_1064 {strides = array<i32>} : memref<2896xf32, #tpu.memory_space<vmem>>, vector<16xf32>,
          %parallel_loop3A_1065 = arith.constant 3 : i32
          %parallel_loop3A_1066 = arith.addi %parallel_loop3A_1050, %parallel_loop3A_1065 : i32
          %parallel_loop3A_1067 = arith.constant 1920 : i32
          %parallel_loop3A_1068 = arith.addi %parallel_loop3A_1066, %parallel_loop3A_1067 : i32
          %parallel_loop3A_1069 = arith.index_cast %parallel_loop3A_1068 : i32 to index
          %parallel_loop3A_1070 = tpu.vector_load %arg17[%parallel_loop3A_1069] {strides = array<i32>} : memref<2896xf32, #tpu.memory_space<vmem>>, vector<16xf32>,
          %parallel_loop3A_1071 = vector.shape_cast %parallel_loop3A_1070 : vector<16xf32> to vector<16xf32>
          %parallel_loop3A_1072 = vector.shape_cast %parallel_loop3A_1046 : vector<16xf32> to vector<16xf32>
          tpu.vector_store %arg17[%parallel_loop3A_1069], %parallel_loop3A_1072 {strides = array<i32>} : memref<2896xf32, #tpu.memory_space<vmem>>, vector<16xf32>,
        } {sc.loop_unroll_factor = 8 : i64, sc.parallel_access}
        %parallel_loop3A_967 = arith.constant 0 : i32
        %parallel_loop3A_968 = arith.constant 32 : i32
        %parallel_loop3A_969 = arith.constant 1 : i32
        scf.for %parallel_loop3A_986 = %parallel_loop3A_967 to %parallel_loop3A_968 step %parallel_loop3A_969  : i32 {
          %parallel_loop3A_987 = arith.constant 16 : i32
          %parallel_loop3A_988 = arith.muli %parallel_loop3A_986, %parallel_loop3A_987 : i32
          %parallel_loop3A_989 = arith.index_cast %scan3A_957 : i32 to index
          %parallel_loop3A_990 = arith.index_cast %parallel_loop3A_988 : i32 to index
          %parallel_loop3A_991 = tpu.vector_load %arg12[%parallel_loop3A_989, %parallel_loop3A_990] {strides = array<i32>} : memref<48x512xf32, #tpu.memory_space<vmem>>, vector<1x16xf32>,
          %parallel_loop3A_992 = vector.shape_cast %parallel_loop3A_991 : vector<1x16xf32> to vector<16xf32>
          %parallel_loop3A_993 = arith.constant 16 : i32
          %parallel_loop3A_994 = arith.addi %parallel_loop3A_993, %scan3A_957 : i32
          %parallel_loop3A_995 = arith.index_cast %parallel_loop3A_994 : i32 to index
          %parallel_loop3A_996 = arith.index_cast %parallel_loop3A_988 : i32 to index
          %parallel_loop3A_997 = tpu.vector_load %arg12[%parallel_loop3A_995, %parallel_loop3A_996] {strides = array<i32>} : memref<48x512xf32, #tpu.memory_space<vmem>>, vector<1x16xf32>,
          %parallel_loop3A_998 = vector.shape_cast %parallel_loop3A_997 : vector<1x16xf32> to vector<16xf32>
          %parallel_loop3A_999 = arith.constant 32 : i32
          %parallel_loop3A_1000 = arith.addi %parallel_loop3A_999, %scan3A_957 : i32
          %parallel_loop3A_1001 = arith.index_cast %parallel_loop3A_1000 : i32 to index
          %parallel_loop3A_1002 = arith.index_cast %parallel_loop3A_988 : i32 to index
          %parallel_loop3A_1003 = tpu.vector_load %arg12[%parallel_loop3A_1001, %parallel_loop3A_1002] {strides = array<i32>} : memref<48x512xf32, #tpu.memory_space<vmem>>, vector<1x16xf32>,
          %parallel_loop3A_1004 = vector.shape_cast %parallel_loop3A_1003 : vector<1x16xf32> to vector<16xf32>
          %parallel_loop3A_1005 = arith.maximumf %parallel_loop3A_992, %parallel_loop3A_998 : vector<16xf32>
          %parallel_loop3A_1006 = arith.maximumf %parallel_loop3A_1005, %parallel_loop3A_1004 : vector<16xf32>
          %parallel_loop3A_1007 = arith.addf %parallel_loop3A_992, %parallel_loop3A_998 : vector<16xf32>
          %parallel_loop3A_1008 = arith.addf %parallel_loop3A_1007, %parallel_loop3A_1004 : vector<16xf32>
          %parallel_loop3A_1009 = arith.constant 0.333333343 : f32
          %parallel_loop3A_1010 = vector.broadcast %parallel_loop3A_1009 : f32 to vector<16xf32>
          %parallel_loop3A_1011 = arith.mulf %parallel_loop3A_1008, %parallel_loop3A_1010 : vector<16xf32>
          %parallel_loop3A_1012 = arith.subf %parallel_loop3A_992, %parallel_loop3A_1011 : vector<16xf32>
          %parallel_loop3A_1013 = arith.subf %parallel_loop3A_998, %parallel_loop3A_1011 : vector<16xf32>
          %parallel_loop3A_1014 = arith.subf %parallel_loop3A_1004, %parallel_loop3A_1011 : vector<16xf32>
          %parallel_loop3A_1015 = arith.mulf %parallel_loop3A_1012, %parallel_loop3A_1012 : vector<16xf32>
          %parallel_loop3A_1016 = arith.mulf %parallel_loop3A_1013, %parallel_loop3A_1013 : vector<16xf32>
          %parallel_loop3A_1017 = arith.addf %parallel_loop3A_1015, %parallel_loop3A_1016 : vector<16xf32>
          %parallel_loop3A_1018 = arith.mulf %parallel_loop3A_1014, %parallel_loop3A_1014 : vector<16xf32>
          %parallel_loop3A_1019 = arith.addf %parallel_loop3A_1017, %parallel_loop3A_1018 : vector<16xf32>
          %parallel_loop3A_1020 = arith.constant 0.333333343 : f32
          %parallel_loop3A_1021 = vector.broadcast %parallel_loop3A_1020 : f32 to vector<16xf32>
          %parallel_loop3A_1022 = arith.mulf %parallel_loop3A_1019, %parallel_loop3A_1021 : vector<16xf32>
          %parallel_loop3A_1023 = tpu.bitcast %parallel_loop3A_1022 : vector<16xf32> -> vector<16xi32>
          %parallel_loop3A_1024 = arith.constant 1 : i32
          %parallel_loop3A_1025 = vector.broadcast %parallel_loop3A_1024 : i32 to vector<16xi32>
          %parallel_loop3A_1026 = arith.shrsi %parallel_loop3A_1023, %parallel_loop3A_1025 : vector<16xi32>
          %parallel_loop3A_1027 = arith.constant 1597463007 : i32
          %parallel_loop3A_1028 = vector.broadcast %parallel_loop3A_1027 : i32 to vector<16xi32>
          %parallel_loop3A_1029 = arith.subi %parallel_loop3A_1028, %parallel_loop3A_1026 : vector<16xi32>
          %parallel_loop3A_1030 = tpu.bitcast %parallel_loop3A_1029 : vector<16xi32> -> vector<16xf32>
          %parallel_loop3A_1031 = arith.constant 5.000000e-01 : f32
          %parallel_loop3A_1032 = vector.broadcast %parallel_loop3A_1031 : f32 to vector<16xf32>
          %parallel_loop3A_1033 = arith.mulf %parallel_loop3A_1022, %parallel_loop3A_1032 : vector<16xf32>
          %parallel_loop3A_1034 = arith.mulf %parallel_loop3A_1033, %parallel_loop3A_1030 : vector<16xf32>
          %parallel_loop3A_1035 = arith.mulf %parallel_loop3A_1034, %parallel_loop3A_1030 : vector<16xf32>
          %parallel_loop3A_1036 = arith.constant 1.500000e+00 : f32
          %parallel_loop3A_1037 = vector.broadcast %parallel_loop3A_1036 : f32 to vector<16xf32>
          %parallel_loop3A_1038 = arith.subf %parallel_loop3A_1037, %parallel_loop3A_1035 : vector<16xf32>
          %parallel_loop3A_1039 = arith.mulf %parallel_loop3A_1030, %parallel_loop3A_1038 : vector<16xf32>
          %parallel_loop3A_1040 = arith.mulf %parallel_loop3A_1033, %parallel_loop3A_1039 : vector<16xf32>
          %parallel_loop3A_1041 = arith.mulf %parallel_loop3A_1040, %parallel_loop3A_1039 : vector<16xf32>
          %parallel_loop3A_1042 = arith.constant 1.500000e+00 : f32
          %parallel_loop3A_1043 = vector.broadcast %parallel_loop3A_1042 : f32 to vector<16xf32>
          %parallel_loop3A_1044 = arith.subf %parallel_loop3A_1043, %parallel_loop3A_1041 : vector<16xf32>
          %parallel_loop3A_1045 = arith.mulf %parallel_loop3A_1039, %parallel_loop3A_1044 : vector<16xf32>
          %parallel_loop3A_1046 = arith.mulf %parallel_loop3A_1022, %parallel_loop3A_1045 : vector<16xf32>
          %parallel_loop3A_1047 = arith.constant 16 : i32
          %parallel_loop3A_1048 = arith.muli %parallel_loop3A_986, %parallel_loop3A_1047 : i32
          %parallel_loop3A_1049 = arith.constant 448 : i32
          %parallel_loop3A_1050 = arith.addi %parallel_loop3A_1049, %parallel_loop3A_1048 : i32
          %parallel_loop3A_1051 = arith.constant 3 : i32
          %parallel_loop3A_1052 = arith.addi %parallel_loop3A_1050, %parallel_loop3A_1051 : i32
          %parallel_loop3A_1053 = arith.index_cast %parallel_loop3A_1052 : i32 to index
          %parallel_loop3A_1054 = tpu.vector_load %arg17[%parallel_loop3A_1053] {strides = array<i32>} : memref<2896xf32, #tpu.memory_space<vmem>>, vector<16xf32>,
          %parallel_loop3A_1055 = vector.shape_cast %parallel_loop3A_1054 : vector<16xf32> to vector<16xf32>
          %parallel_loop3A_1056 = vector.shape_cast %parallel_loop3A_1006 : vector<16xf32> to vector<16xf32>
          tpu.vector_store %arg17[%parallel_loop3A_1053], %parallel_loop3A_1056 {strides = array<i32>} : memref<2896xf32, #tpu.memory_space<vmem>>, vector<16xf32>,
          %parallel_loop3A_1057 = arith.constant 3 : i32
          %parallel_loop3A_1058 = arith.addi %parallel_loop3A_1050, %parallel_loop3A_1057 : i32
          %parallel_loop3A_1059 = arith.constant 960 : i32
          %parallel_loop3A_1060 = arith.addi %parallel_loop3A_1058, %parallel_loop3A_1059 : i32
          %parallel_loop3A_1061 = arith.index_cast %parallel_loop3A_1060 : i32 to index
          %parallel_loop3A_1062 = tpu.vector_load %arg17[%parallel_loop3A_1061] {strides = array<i32>} : memref<2896xf32, #tpu.memory_space<vmem>>, vector<16xf32>,
          %parallel_loop3A_1063 = vector.shape_cast %parallel_loop3A_1062 : vector<16xf32> to vector<16xf32>
          %parallel_loop3A_1064 = vector.shape_cast %parallel_loop3A_1011 : vector<16xf32> to vector<16xf32>
          tpu.vector_store %arg17[%parallel_loop3A_1061], %parallel_loop3A_1064 {strides = array<i32>} : memref<2896xf32, #tpu.memory_space<vmem>>, vector<16xf32>,
          %parallel_loop3A_1065 = arith.constant 3 : i32
          %parallel_loop3A_1066 = arith.addi %parallel_loop3A_1050, %parallel_loop3A_1065 : i32
          %parallel_loop3A_1067 = arith.constant 1920 : i32
          %parallel_loop3A_1068 = arith.addi %parallel_loop3A_1066, %parallel_loop3A_1067 : i32
          %parallel_loop3A_1069 = arith.index_cast %parallel_loop3A_1068 : i32 to index
          %parallel_loop3A_1070 = tpu.vector_load %arg17[%parallel_loop3A_1069] {strides = array<i32>} : memref<2896xf32, #tpu.memory_space<vmem>>, vector<16xf32>,
          %parallel_loop3A_1071 = vector.shape_cast %parallel_loop3A_1070 : vector<16xf32> to vector<16xf32>
          %parallel_loop3A_1072 = vector.shape_cast %parallel_loop3A_1046 : vector<16xf32> to vector<16xf32>
          tpu.vector_store %arg17[%parallel_loop3A_1069], %parallel_loop3A_1072 {strides = array<i32>} : memref<2896xf32, #tpu.memory_space<vmem>>, vector<16xf32>,
        } {sc.loop_unroll_factor = 8 : i64, sc.parallel_access}
        %parallel_loop3A_970 = arith.constant 0 : i32
        %parallel_loop3A_971 = arith.constant 180 : i32
        %parallel_loop3A_972 = arith.constant 1 : i32
        scf.for %parallel_loop3A_986 = %parallel_loop3A_970 to %parallel_loop3A_971 step %parallel_loop3A_972  : i32 {
          %parallel_loop3A_987 = arith.constant 16 : i32
          %parallel_loop3A_988 = arith.muli %parallel_loop3A_986, %parallel_loop3A_987 : i32
          %parallel_loop3A_989 = arith.index_cast %parallel_loop3A_988 : i32 to index
          %parallel_loop3A_990 = tpu.vector_load %arg17[%parallel_loop3A_989] {strides = array<i32>} : memref<2896xf32, #tpu.memory_space<vmem>>, vector<16xf32>,
          %parallel_loop3A_991 = vector.shape_cast %parallel_loop3A_990 : vector<16xf32> to vector<16xf32>
          %parallel_loop3A_992 = arith.constant 16 : i32
          %parallel_loop3A_993 = arith.muli %parallel_loop3A_986, %parallel_loop3A_992 : i32
          %parallel_loop3A_994 = arith.index_cast %scan3A_957 : i32 to index
          %parallel_loop3A_995 = arith.index_cast %parallel_loop3A_993 : i32 to index
          %parallel_loop3A_996 = tpu.vector_load %arg18[%parallel_loop3A_994, %parallel_loop3A_995] {strides = array<i32>} : memref<16x2883xf32, #tpu.memory_space<vmem>>, vector<1x16xf32>,
          %parallel_loop3A_997 = vector.shape_cast %parallel_loop3A_996 : vector<1x16xf32> to vector<16xf32>
          %parallel_loop3A_998 = vector.shape_cast %parallel_loop3A_991 : vector<16xf32> to vector<1x16xf32>
          tpu.vector_store %arg18[%parallel_loop3A_994, %parallel_loop3A_995], %parallel_loop3A_998 {strides = array<i32>} : memref<16x2883xf32, #tpu.memory_space<vmem>>, vector<1x16xf32>,
        } {sc.loop_unroll_factor = 8 : i64, sc.parallel_access}
        %mul3A_973 = arith.constant 0 : i32
        %mul3A_974 = arith.muli %add3A, %mul3A_973 : i32
        %add3A_975 = arith.constant 2880 : i32
        %add3A_976 = arith.addi %add3A_975, %mul3A_974 : i32
        %get3A_977 = arith.constant 2880 : index
        %get3A_978 = tpu.vector_load %arg17[%get3A_977] {strides = array<i32>} : memref<2896xf32, #tpu.memory_space<vmem>>, vector<16xf32>,
        %get3A_979 = vector.shape_cast %get3A_978 : vector<16xf32> to vector<16xf32>
        %swap3A_980 = arith.index_cast %scan3A_957 : i32 to index
        %swap3A_981 = arith.index_cast %add3A_976 : i32 to index
        %swap3A_982 = tpu.vector_load %arg18[%swap3A_980, %swap3A_981] {strides = array<i32>} : memref<16x2883xf32, #tpu.memory_space<vmem>>, vector<1x16xf32>,
        %swap3A_983 = vector.shape_cast %swap3A_982 : vector<1x16xf32> to vector<16xf32>
        %swap3A_984 = vector.shape_cast %get3A_979 : vector<16xf32> to vector<1x16xf32>
        tpu.vector_store %arg18[%swap3A_980, %swap3A_981], %swap3A_984 {strides = array<i32>} : memref<16x2883xf32, #tpu.memory_space<vmem>>, vector<1x16xf32>,
        %scan3A_985 = arith.constant 0 : i32
        scf.yield %scan3A_985 : i32
      }
      %scan3A_430 = arith.constant 16 : i32
      %add3A_431 = arith.constant 0 : i32
      %add3A_432 = arith.addi %add3A_431, %mul3A_40 : i32
      %get3A_433 = arith.index_cast %add3A_432 : i32 to index
      %get3A_434 = tpu.vector_load %arg8[%get3A_433] {strides = array<i32>} : memref<2880xf32, #tpu.memory_space<vmem>>, vector<16xf32>,
      %get3A_435 = vector.shape_cast %get3A_434 : vector<16xf32> to vector<16xf32>
      %add3A_436 = arith.constant 320 : i32
      %add3A_437 = arith.addi %add3A_436, %mul3A_40 : i32
      %get3A_438 = arith.index_cast %add3A_437 : i32 to index
      %get3A_439 = tpu.vector_load %arg8[%get3A_438] {strides = array<i32>} : memref<2880xf32, #tpu.memory_space<vmem>>, vector<16xf32>,
      %get3A_440 = vector.shape_cast %get3A_439 : vector<16xf32> to vector<16xf32>
      %add3A_441 = arith.constant 640 : i32
      %add3A_442 = arith.addi %add3A_441, %mul3A_40 : i32
      %get3A_443 = arith.index_cast %add3A_442 : i32 to index
      %get3A_444 = tpu.vector_load %arg8[%get3A_443] {strides = array<i32>} : memref<2880xf32, #tpu.memory_space<vmem>>, vector<16xf32>,
      %get3A_445 = vector.shape_cast %get3A_444 : vector<16xf32> to vector<16xf32>
      %get3A_446 = arith.constant 0 : i32
      %get3A_447 = arith.index_cast %get3A_446 : i32 to index
      %get3A_448 = arith.constant 0 : index
      %get3A_449 = tpu.vector_load %arg18[%get3A_447, %get3A_448] {strides = array<i32>} : memref<16x2883xf32, #tpu.memory_space<vmem>>, vector<1x16xf32>,
      %get3A_450 = vector.shape_cast %get3A_449 : vector<1x16xf32> to vector<16xf32>
      %eq3A = arith.constant 0 : i32
      %eq3A_451 = vector.broadcast %eq3A : i32 to vector<16xi32>
      %eq3A_452 = arith.cmpi eq, %iota3A, %eq3A_451 : vector<16xi32>
      %slice3A = vector.extract_strided_slice %get3A_435 {offsets = [0], sizes = [1], strides = [1]} : vector<16xf32> to vector<1xf32>
      %squeeze3A = vector.extract %slice3A[0] : f32 from vector<1xf32>
      %eq3A_453 = arith.constant 1 : i32
      %eq3A_454 = vector.broadcast %eq3A_453 : i32 to vector<16xi32>
      %eq3A_455 = arith.cmpi eq, %iota3A, %eq3A_454 : vector<16xi32>
      %slice3A_456 = vector.extract_strided_slice %get3A_440 {offsets = [0], sizes = [1], strides = [1]} : vector<16xf32> to vector<1xf32>
      %squeeze3A_457 = vector.extract %slice3A_456[0] : f32 from vector<1xf32>
      %eq3A_458 = arith.constant 2 : i32
      %eq3A_459 = vector.broadcast %eq3A_458 : i32 to vector<16xi32>
      %eq3A_460 = arith.cmpi eq, %iota3A, %eq3A_459 : vector<16xi32>
      %slice3A_461 = vector.extract_strided_slice %get3A_445 {offsets = [0], sizes = [1], strides = [1]} : vector<16xf32> to vector<1xf32>
      %squeeze3A_462 = vector.extract %slice3A_461[0] : f32 from vector<1xf32>
      %broadcast_in_dim3A = vector.broadcast %squeeze3A_462 : f32 to vector<16xf32>
      %select_n3A_463 = arith.select %eq3A_460, %broadcast_in_dim3A, %get3A_450 : vector<16xi1>, vector<16xf32>
      %broadcast_in_dim3A_464 = vector.broadcast %squeeze3A_457 : f32 to vector<16xf32>
      %select_n3A_465 = arith.select %eq3A_455, %broadcast_in_dim3A_464, %select_n3A_463 : vector<16xi1>, vector<16xf32>
      %broadcast_in_dim3A_466 = vector.broadcast %squeeze3A : f32 to vector<16xf32>
      %select_n3A_467 = arith.select %eq3A_452, %broadcast_in_dim3A_466, %select_n3A_465 : vector<16xi1>, vector<16xf32>
      %swap3A_468 = arith.constant 0 : i32
      %swap3A_469 = arith.index_cast %swap3A_468 : i32 to index
      %swap3A_470 = arith.constant 0 : index
      %swap3A_471 = tpu.vector_load %arg18[%swap3A_469, %swap3A_470] {strides = array<i32>} : memref<16x2883xf32, #tpu.memory_space<vmem>>, vector<1x16xf32>,
      %swap3A_472 = vector.shape_cast %swap3A_471 : vector<1x16xf32> to vector<16xf32>
      %swap3A_473 = vector.shape_cast %select_n3A_467 : vector<16xf32> to vector<1x16xf32>
      tpu.vector_store %arg18[%swap3A_469, %swap3A_470], %swap3A_473 {strides = array<i32>} : memref<16x2883xf32, #tpu.memory_space<vmem>>, vector<1x16xf32>,
      %get3A_474 = arith.constant 1 : i32
      %get3A_475 = arith.index_cast %get3A_474 : i32 to index
      %get3A_476 = arith.constant 0 : index
      %get3A_477 = tpu.vector_load %arg18[%get3A_475, %get3A_476] {strides = array<i32>} : memref<16x2883xf32, #tpu.memory_space<vmem>>, vector<1x16xf32>,
      %get3A_478 = vector.shape_cast %get3A_477 : vector<1x16xf32> to vector<16xf32>
      %eq3A_479 = arith.constant 0 : i32
      %eq3A_480 = vector.broadcast %eq3A_479 : i32 to vector<16xi32>
      %eq3A_481 = arith.cmpi eq, %iota3A, %eq3A_480 : vector<16xi32>
      %slice3A_482 = vector.extract_strided_slice %get3A_435 {offsets = [1], sizes = [1], strides = [1]} : vector<16xf32> to vector<1xf32>
      %squeeze3A_483 = vector.extract %slice3A_482[0] : f32 from vector<1xf32>
      %eq3A_484 = arith.constant 1 : i32
      %eq3A_485 = vector.broadcast %eq3A_484 : i32 to vector<16xi32>
      %eq3A_486 = arith.cmpi eq, %iota3A, %eq3A_485 : vector<16xi32>
      %slice3A_487 = vector.extract_strided_slice %get3A_440 {offsets = [1], sizes = [1], strides = [1]} : vector<16xf32> to vector<1xf32>
      %squeeze3A_488 = vector.extract %slice3A_487[0] : f32 from vector<1xf32>
      %eq3A_489 = arith.constant 2 : i32
      %eq3A_490 = vector.broadcast %eq3A_489 : i32 to vector<16xi32>
      %eq3A_491 = arith.cmpi eq, %iota3A, %eq3A_490 : vector<16xi32>
      %slice3A_492 = vector.extract_strided_slice %get3A_445 {offsets = [1], sizes = [1], strides = [1]} : vector<16xf32> to vector<1xf32>
      %squeeze3A_493 = vector.extract %slice3A_492[0] : f32 from vector<1xf32>
      %broadcast_in_dim3A_494 = vector.broadcast %squeeze3A_493 : f32 to vector<16xf32>
      %select_n3A_495 = arith.select %eq3A_491, %broadcast_in_dim3A_494, %get3A_478 : vector<16xi1>, vector<16xf32>
      %broadcast_in_dim3A_496 = vector.broadcast %squeeze3A_488 : f32 to vector<16xf32>
      %select_n3A_497 = arith.select %eq3A_486, %broadcast_in_dim3A_496, %select_n3A_495 : vector<16xi1>, vector<16xf32>
      %broadcast_in_dim3A_498 = vector.broadcast %squeeze3A_483 : f32 to vector<16xf32>
      %select_n3A_499 = arith.select %eq3A_481, %broadcast_in_dim3A_498, %select_n3A_497 : vector<16xi1>, vector<16xf32>
      %swap3A_500 = arith.constant 1 : i32
      %swap3A_501 = arith.index_cast %swap3A_500 : i32 to index
      %swap3A_502 = arith.constant 0 : index
      %swap3A_503 = tpu.vector_load %arg18[%swap3A_501, %swap3A_502] {strides = array<i32>} : memref<16x2883xf32, #tpu.memory_space<vmem>>, vector<1x16xf32>,
      %swap3A_504 = vector.shape_cast %swap3A_503 : vector<1x16xf32> to vector<16xf32>
      %swap3A_505 = vector.shape_cast %select_n3A_499 : vector<16xf32> to vector<1x16xf32>
      tpu.vector_store %arg18[%swap3A_501, %swap3A_502], %swap3A_505 {strides = array<i32>} : memref<16x2883xf32, #tpu.memory_space<vmem>>, vector<1x16xf32>,
      %get3A_506 = arith.constant 2 : i32
      %get3A_507 = arith.index_cast %get3A_506 : i32 to index
      %get3A_508 = arith.constant 0 : index
      %get3A_509 = tpu.vector_load %arg18[%get3A_507, %get3A_508] {strides = array<i32>} : memref<16x2883xf32, #tpu.memory_space<vmem>>, vector<1x16xf32>,
      %get3A_510 = vector.shape_cast %get3A_509 : vector<1x16xf32> to vector<16xf32>
      %eq3A_511 = arith.constant 0 : i32
      %eq3A_512 = vector.broadcast %eq3A_511 : i32 to vector<16xi32>
      %eq3A_513 = arith.cmpi eq, %iota3A, %eq3A_512 : vector<16xi32>
      %slice3A_514 = vector.extract_strided_slice %get3A_435 {offsets = [2], sizes = [1], strides = [1]} : vector<16xf32> to vector<1xf32>
      %squeeze3A_515 = vector.extract %slice3A_514[0] : f32 from vector<1xf32>
      %eq3A_516 = arith.constant 1 : i32
      %eq3A_517 = vector.broadcast %eq3A_516 : i32 to vector<16xi32>
      %eq3A_518 = arith.cmpi eq, %iota3A, %eq3A_517 : vector<16xi32>
      %slice3A_519 = vector.extract_strided_slice %get3A_440 {offsets = [2], sizes = [1], strides = [1]} : vector<16xf32> to vector<1xf32>
      %squeeze3A_520 = vector.extract %slice3A_519[0] : f32 from vector<1xf32>
      %eq3A_521 = arith.constant 2 : i32
      %eq3A_522 = vector.broadcast %eq3A_521 : i32 to vector<16xi32>
      %eq3A_523 = arith.cmpi eq, %iota3A, %eq3A_522 : vector<16xi32>
      %slice3A_524 = vector.extract_strided_slice %get3A_445 {offsets = [2], sizes = [1], strides = [1]} : vector<16xf32> to vector<1xf32>
      %squeeze3A_525 = vector.extract %slice3A_524[0] : f32 from vector<1xf32>
      %broadcast_in_dim3A_526 = vector.broadcast %squeeze3A_525 : f32 to vector<16xf32>
      %select_n3A_527 = arith.select %eq3A_523, %broadcast_in_dim3A_526, %get3A_510 : vector<16xi1>, vector<16xf32>
      %broadcast_in_dim3A_528 = vector.broadcast %squeeze3A_520 : f32 to vector<16xf32>
      %select_n3A_529 = arith.select %eq3A_518, %broadcast_in_dim3A_528, %select_n3A_527 : vector<16xi1>, vector<16xf32>
      %broadcast_in_dim3A_530 = vector.broadcast %squeeze3A_515 : f32 to vector<16xf32>
      %select_n3A_531 = arith.select %eq3A_513, %broadcast_in_dim3A_530, %select_n3A_529 : vector<16xi1>, vector<16xf32>
      %swap3A_532 = arith.constant 2 : i32
      %swap3A_533 = arith.index_cast %swap3A_532 : i32 to index
      %swap3A_534 = arith.constant 0 : index
      %swap3A_535 = tpu.vector_load %arg18[%swap3A_533, %swap3A_534] {strides = array<i32>} : memref<16x2883xf32, #tpu.memory_space<vmem>>, vector<1x16xf32>,
      %swap3A_536 = vector.shape_cast %swap3A_535 : vector<1x16xf32> to vector<16xf32>
      %swap3A_537 = vector.shape_cast %select_n3A_531 : vector<16xf32> to vector<1x16xf32>
      tpu.vector_store %arg18[%swap3A_533, %swap3A_534], %swap3A_537 {strides = array<i32>} : memref<16x2883xf32, #tpu.memory_space<vmem>>, vector<1x16xf32>,
      %get3A_538 = arith.constant 3 : i32
      %get3A_539 = arith.index_cast %get3A_538 : i32 to index
      %get3A_540 = arith.constant 0 : index
      %get3A_541 = tpu.vector_load %arg18[%get3A_539, %get3A_540] {strides = array<i32>} : memref<16x2883xf32, #tpu.memory_space<vmem>>, vector<1x16xf32>,
      %get3A_542 = vector.shape_cast %get3A_541 : vector<1x16xf32> to vector<16xf32>
      %eq3A_543 = arith.constant 0 : i32
      %eq3A_544 = vector.broadcast %eq3A_543 : i32 to vector<16xi32>
      %eq3A_545 = arith.cmpi eq, %iota3A, %eq3A_544 : vector<16xi32>
      %slice3A_546 = vector.extract_strided_slice %get3A_435 {offsets = [3], sizes = [1], strides = [1]} : vector<16xf32> to vector<1xf32>
      %squeeze3A_547 = vector.extract %slice3A_546[0] : f32 from vector<1xf32>
      %eq3A_548 = arith.constant 1 : i32
      %eq3A_549 = vector.broadcast %eq3A_548 : i32 to vector<16xi32>
      %eq3A_550 = arith.cmpi eq, %iota3A, %eq3A_549 : vector<16xi32>
      %slice3A_551 = vector.extract_strided_slice %get3A_440 {offsets = [3], sizes = [1], strides = [1]} : vector<16xf32> to vector<1xf32>
      %squeeze3A_552 = vector.extract %slice3A_551[0] : f32 from vector<1xf32>
      %eq3A_553 = arith.constant 2 : i32
      %eq3A_554 = vector.broadcast %eq3A_553 : i32 to vector<16xi32>
      %eq3A_555 = arith.cmpi eq, %iota3A, %eq3A_554 : vector<16xi32>
      %slice3A_556 = vector.extract_strided_slice %get3A_445 {offsets = [3], sizes = [1], strides = [1]} : vector<16xf32> to vector<1xf32>
      %squeeze3A_557 = vector.extract %slice3A_556[0] : f32 from vector<1xf32>
      %broadcast_in_dim3A_558 = vector.broadcast %squeeze3A_557 : f32 to vector<16xf32>
      %select_n3A_559 = arith.select %eq3A_555, %broadcast_in_dim3A_558, %get3A_542 : vector<16xi1>, vector<16xf32>
      %broadcast_in_dim3A_560 = vector.broadcast %squeeze3A_552 : f32 to vector<16xf32>
      %select_n3A_561 = arith.select %eq3A_550, %broadcast_in_dim3A_560, %select_n3A_559 : vector<16xi1>, vector<16xf32>
      %broadcast_in_dim3A_562 = vector.broadcast %squeeze3A_547 : f32 to vector<16xf32>
      %select_n3A_563 = arith.select %eq3A_545, %broadcast_in_dim3A_562, %select_n3A_561 : vector<16xi1>, vector<16xf32>
      %swap3A_564 = arith.constant 3 : i32
      %swap3A_565 = arith.index_cast %swap3A_564 : i32 to index
      %swap3A_566 = arith.constant 0 : index
      %swap3A_567 = tpu.vector_load %arg18[%swap3A_565, %swap3A_566] {strides = array<i32>} : memref<16x2883xf32, #tpu.memory_space<vmem>>, vector<1x16xf32>,
      %swap3A_568 = vector.shape_cast %swap3A_567 : vector<1x16xf32> to vector<16xf32>
      %swap3A_569 = vector.shape_cast %select_n3A_563 : vector<16xf32> to vector<1x16xf32>
      tpu.vector_store %arg18[%swap3A_565, %swap3A_566], %swap3A_569 {strides = array<i32>} : memref<16x2883xf32, #tpu.memory_space<vmem>>, vector<1x16xf32>,
      %get3A_570 = arith.constant 4 : i32
      %get3A_571 = arith.index_cast %get3A_570 : i32 to index
      %get3A_572 = arith.constant 0 : index
      %get3A_573 = tpu.vector_load %arg18[%get3A_571, %get3A_572] {strides = array<i32>} : memref<16x2883xf32, #tpu.memory_space<vmem>>, vector<1x16xf32>,
      %get3A_574 = vector.shape_cast %get3A_573 : vector<1x16xf32> to vector<16xf32>
      %eq3A_575 = arith.constant 0 : i32
      %eq3A_576 = vector.broadcast %eq3A_575 : i32 to vector<16xi32>
      %eq3A_577 = arith.cmpi eq, %iota3A, %eq3A_576 : vector<16xi32>
      %slice3A_578 = vector.extract_strided_slice %get3A_435 {offsets = [4], sizes = [1], strides = [1]} : vector<16xf32> to vector<1xf32>
      %squeeze3A_579 = vector.extract %slice3A_578[0] : f32 from vector<1xf32>
      %eq3A_580 = arith.constant 1 : i32
      %eq3A_581 = vector.broadcast %eq3A_580 : i32 to vector<16xi32>
      %eq3A_582 = arith.cmpi eq, %iota3A, %eq3A_581 : vector<16xi32>
      %slice3A_583 = vector.extract_strided_slice %get3A_440 {offsets = [4], sizes = [1], strides = [1]} : vector<16xf32> to vector<1xf32>
      %squeeze3A_584 = vector.extract %slice3A_583[0] : f32 from vector<1xf32>
      %eq3A_585 = arith.constant 2 : i32
      %eq3A_586 = vector.broadcast %eq3A_585 : i32 to vector<16xi32>
      %eq3A_587 = arith.cmpi eq, %iota3A, %eq3A_586 : vector<16xi32>
      %slice3A_588 = vector.extract_strided_slice %get3A_445 {offsets = [4], sizes = [1], strides = [1]} : vector<16xf32> to vector<1xf32>
      %squeeze3A_589 = vector.extract %slice3A_588[0] : f32 from vector<1xf32>
      %broadcast_in_dim3A_590 = vector.broadcast %squeeze3A_589 : f32 to vector<16xf32>
      %select_n3A_591 = arith.select %eq3A_587, %broadcast_in_dim3A_590, %get3A_574 : vector<16xi1>, vector<16xf32>
      %broadcast_in_dim3A_592 = vector.broadcast %squeeze3A_584 : f32 to vector<16xf32>
      %select_n3A_593 = arith.select %eq3A_582, %broadcast_in_dim3A_592, %select_n3A_591 : vector<16xi1>, vector<16xf32>
      %broadcast_in_dim3A_594 = vector.broadcast %squeeze3A_579 : f32 to vector<16xf32>
      %select_n3A_595 = arith.select %eq3A_577, %broadcast_in_dim3A_594, %select_n3A_593 : vector<16xi1>, vector<16xf32>
      %swap3A_596 = arith.constant 4 : i32
      %swap3A_597 = arith.index_cast %swap3A_596 : i32 to index
      %swap3A_598 = arith.constant 0 : index
      %swap3A_599 = tpu.vector_load %arg18[%swap3A_597, %swap3A_598] {strides = array<i32>} : memref<16x2883xf32, #tpu.memory_space<vmem>>, vector<1x16xf32>,
      %swap3A_600 = vector.shape_cast %swap3A_599 : vector<1x16xf32> to vector<16xf32>
      %swap3A_601 = vector.shape_cast %select_n3A_595 : vector<16xf32> to vector<1x16xf32>
      tpu.vector_store %arg18[%swap3A_597, %swap3A_598], %swap3A_601 {strides = array<i32>} : memref<16x2883xf32, #tpu.memory_space<vmem>>, vector<1x16xf32>,
      %get3A_602 = arith.constant 5 : i32
      %get3A_603 = arith.index_cast %get3A_602 : i32 to index
      %get3A_604 = arith.constant 0 : index
      %get3A_605 = tpu.vector_load %arg18[%get3A_603, %get3A_604] {strides = array<i32>} : memref<16x2883xf32, #tpu.memory_space<vmem>>, vector<1x16xf32>,
      %get3A_606 = vector.shape_cast %get3A_605 : vector<1x16xf32> to vector<16xf32>
      %eq3A_607 = arith.constant 0 : i32
      %eq3A_608 = vector.broadcast %eq3A_607 : i32 to vector<16xi32>
      %eq3A_609 = arith.cmpi eq, %iota3A, %eq3A_608 : vector<16xi32>
      %slice3A_610 = vector.extract_strided_slice %get3A_435 {offsets = [5], sizes = [1], strides = [1]} : vector<16xf32> to vector<1xf32>
      %squeeze3A_611 = vector.extract %slice3A_610[0] : f32 from vector<1xf32>
      %eq3A_612 = arith.constant 1 : i32
      %eq3A_613 = vector.broadcast %eq3A_612 : i32 to vector<16xi32>
      %eq3A_614 = arith.cmpi eq, %iota3A, %eq3A_613 : vector<16xi32>
      %slice3A_615 = vector.extract_strided_slice %get3A_440 {offsets = [5], sizes = [1], strides = [1]} : vector<16xf32> to vector<1xf32>
      %squeeze3A_616 = vector.extract %slice3A_615[0] : f32 from vector<1xf32>
      %eq3A_617 = arith.constant 2 : i32
      %eq3A_618 = vector.broadcast %eq3A_617 : i32 to vector<16xi32>
      %eq3A_619 = arith.cmpi eq, %iota3A, %eq3A_618 : vector<16xi32>
      %slice3A_620 = vector.extract_strided_slice %get3A_445 {offsets = [5], sizes = [1], strides = [1]} : vector<16xf32> to vector<1xf32>
      %squeeze3A_621 = vector.extract %slice3A_620[0] : f32 from vector<1xf32>
      %broadcast_in_dim3A_622 = vector.broadcast %squeeze3A_621 : f32 to vector<16xf32>
      %select_n3A_623 = arith.select %eq3A_619, %broadcast_in_dim3A_622, %get3A_606 : vector<16xi1>, vector<16xf32>
      %broadcast_in_dim3A_624 = vector.broadcast %squeeze3A_616 : f32 to vector<16xf32>
      %select_n3A_625 = arith.select %eq3A_614, %broadcast_in_dim3A_624, %select_n3A_623 : vector<16xi1>, vector<16xf32>
      %broadcast_in_dim3A_626 = vector.broadcast %squeeze3A_611 : f32 to vector<16xf32>
      %select_n3A_627 = arith.select %eq3A_609, %broadcast_in_dim3A_626, %select_n3A_625 : vector<16xi1>, vector<16xf32>
      %swap3A_628 = arith.constant 5 : i32
      %swap3A_629 = arith.index_cast %swap3A_628 : i32 to index
      %swap3A_630 = arith.constant 0 : index
      %swap3A_631 = tpu.vector_load %arg18[%swap3A_629, %swap3A_630] {strides = array<i32>} : memref<16x2883xf32, #tpu.memory_space<vmem>>, vector<1x16xf32>,
      %swap3A_632 = vector.shape_cast %swap3A_631 : vector<1x16xf32> to vector<16xf32>
      %swap3A_633 = vector.shape_cast %select_n3A_627 : vector<16xf32> to vector<1x16xf32>
      tpu.vector_store %arg18[%swap3A_629, %swap3A_630], %swap3A_633 {strides = array<i32>} : memref<16x2883xf32, #tpu.memory_space<vmem>>, vector<1x16xf32>,
      %get3A_634 = arith.constant 6 : i32
      %get3A_635 = arith.index_cast %get3A_634 : i32 to index
      %get3A_636 = arith.constant 0 : index
      %get3A_637 = tpu.vector_load %arg18[%get3A_635, %get3A_636] {strides = array<i32>} : memref<16x2883xf32, #tpu.memory_space<vmem>>, vector<1x16xf32>,
      %get3A_638 = vector.shape_cast %get3A_637 : vector<1x16xf32> to vector<16xf32>
      %eq3A_639 = arith.constant 0 : i32
      %eq3A_640 = vector.broadcast %eq3A_639 : i32 to vector<16xi32>
      %eq3A_641 = arith.cmpi eq, %iota3A, %eq3A_640 : vector<16xi32>
      %slice3A_642 = vector.extract_strided_slice %get3A_435 {offsets = [6], sizes = [1], strides = [1]} : vector<16xf32> to vector<1xf32>
      %squeeze3A_643 = vector.extract %slice3A_642[0] : f32 from vector<1xf32>
      %eq3A_644 = arith.constant 1 : i32
      %eq3A_645 = vector.broadcast %eq3A_644 : i32 to vector<16xi32>
      %eq3A_646 = arith.cmpi eq, %iota3A, %eq3A_645 : vector<16xi32>
      %slice3A_647 = vector.extract_strided_slice %get3A_440 {offsets = [6], sizes = [1], strides = [1]} : vector<16xf32> to vector<1xf32>
      %squeeze3A_648 = vector.extract %slice3A_647[0] : f32 from vector<1xf32>
      %eq3A_649 = arith.constant 2 : i32
      %eq3A_650 = vector.broadcast %eq3A_649 : i32 to vector<16xi32>
      %eq3A_651 = arith.cmpi eq, %iota3A, %eq3A_650 : vector<16xi32>
      %slice3A_652 = vector.extract_strided_slice %get3A_445 {offsets = [6], sizes = [1], strides = [1]} : vector<16xf32> to vector<1xf32>
      %squeeze3A_653 = vector.extract %slice3A_652[0] : f32 from vector<1xf32>
      %broadcast_in_dim3A_654 = vector.broadcast %squeeze3A_653 : f32 to vector<16xf32>
      %select_n3A_655 = arith.select %eq3A_651, %broadcast_in_dim3A_654, %get3A_638 : vector<16xi1>, vector<16xf32>
      %broadcast_in_dim3A_656 = vector.broadcast %squeeze3A_648 : f32 to vector<16xf32>
      %select_n3A_657 = arith.select %eq3A_646, %broadcast_in_dim3A_656, %select_n3A_655 : vector<16xi1>, vector<16xf32>
      %broadcast_in_dim3A_658 = vector.broadcast %squeeze3A_643 : f32 to vector<16xf32>
      %select_n3A_659 = arith.select %eq3A_641, %broadcast_in_dim3A_658, %select_n3A_657 : vector<16xi1>, vector<16xf32>
      %swap3A_660 = arith.constant 6 : i32
      %swap3A_661 = arith.index_cast %swap3A_660 : i32 to index
      %swap3A_662 = arith.constant 0 : index
      %swap3A_663 = tpu.vector_load %arg18[%swap3A_661, %swap3A_662] {strides = array<i32>} : memref<16x2883xf32, #tpu.memory_space<vmem>>, vector<1x16xf32>,
      %swap3A_664 = vector.shape_cast %swap3A_663 : vector<1x16xf32> to vector<16xf32>
      %swap3A_665 = vector.shape_cast %select_n3A_659 : vector<16xf32> to vector<1x16xf32>
      tpu.vector_store %arg18[%swap3A_661, %swap3A_662], %swap3A_665 {strides = array<i32>} : memref<16x2883xf32, #tpu.memory_space<vmem>>, vector<1x16xf32>,
      %get3A_666 = arith.constant 7 : i32
      %get3A_667 = arith.index_cast %get3A_666 : i32 to index
      %get3A_668 = arith.constant 0 : index
      %get3A_669 = tpu.vector_load %arg18[%get3A_667, %get3A_668] {strides = array<i32>} : memref<16x2883xf32, #tpu.memory_space<vmem>>, vector<1x16xf32>,
      %get3A_670 = vector.shape_cast %get3A_669 : vector<1x16xf32> to vector<16xf32>
      %eq3A_671 = arith.constant 0 : i32
      %eq3A_672 = vector.broadcast %eq3A_671 : i32 to vector<16xi32>
      %eq3A_673 = arith.cmpi eq, %iota3A, %eq3A_672 : vector<16xi32>
      %slice3A_674 = vector.extract_strided_slice %get3A_435 {offsets = [7], sizes = [1], strides = [1]} : vector<16xf32> to vector<1xf32>
      %squeeze3A_675 = vector.extract %slice3A_674[0] : f32 from vector<1xf32>
      %eq3A_676 = arith.constant 1 : i32
      %eq3A_677 = vector.broadcast %eq3A_676 : i32 to vector<16xi32>
      %eq3A_678 = arith.cmpi eq, %iota3A, %eq3A_677 : vector<16xi32>
      %slice3A_679 = vector.extract_strided_slice %get3A_440 {offsets = [7], sizes = [1], strides = [1]} : vector<16xf32> to vector<1xf32>
      %squeeze3A_680 = vector.extract %slice3A_679[0] : f32 from vector<1xf32>
      %eq3A_681 = arith.constant 2 : i32
      %eq3A_682 = vector.broadcast %eq3A_681 : i32 to vector<16xi32>
      %eq3A_683 = arith.cmpi eq, %iota3A, %eq3A_682 : vector<16xi32>
      %slice3A_684 = vector.extract_strided_slice %get3A_445 {offsets = [7], sizes = [1], strides = [1]} : vector<16xf32> to vector<1xf32>
      %squeeze3A_685 = vector.extract %slice3A_684[0] : f32 from vector<1xf32>
      %broadcast_in_dim3A_686 = vector.broadcast %squeeze3A_685 : f32 to vector<16xf32>
      %select_n3A_687 = arith.select %eq3A_683, %broadcast_in_dim3A_686, %get3A_670 : vector<16xi1>, vector<16xf32>
      %broadcast_in_dim3A_688 = vector.broadcast %squeeze3A_680 : f32 to vector<16xf32>
      %select_n3A_689 = arith.select %eq3A_678, %broadcast_in_dim3A_688, %select_n3A_687 : vector<16xi1>, vector<16xf32>
      %broadcast_in_dim3A_690 = vector.broadcast %squeeze3A_675 : f32 to vector<16xf32>
      %select_n3A_691 = arith.select %eq3A_673, %broadcast_in_dim3A_690, %select_n3A_689 : vector<16xi1>, vector<16xf32>
      %swap3A_692 = arith.constant 7 : i32
      %swap3A_693 = arith.index_cast %swap3A_692 : i32 to index
      %swap3A_694 = arith.constant 0 : index
      %swap3A_695 = tpu.vector_load %arg18[%swap3A_693, %swap3A_694] {strides = array<i32>} : memref<16x2883xf32, #tpu.memory_space<vmem>>, vector<1x16xf32>,
      %swap3A_696 = vector.shape_cast %swap3A_695 : vector<1x16xf32> to vector<16xf32>
      %swap3A_697 = vector.shape_cast %select_n3A_691 : vector<16xf32> to vector<1x16xf32>
      tpu.vector_store %arg18[%swap3A_693, %swap3A_694], %swap3A_697 {strides = array<i32>} : memref<16x2883xf32, #tpu.memory_space<vmem>>, vector<1x16xf32>,
      %get3A_698 = arith.constant 8 : i32
      %get3A_699 = arith.index_cast %get3A_698 : i32 to index
      %get3A_700 = arith.constant 0 : index
      %get3A_701 = tpu.vector_load %arg18[%get3A_699, %get3A_700] {strides = array<i32>} : memref<16x2883xf32, #tpu.memory_space<vmem>>, vector<1x16xf32>,
      %get3A_702 = vector.shape_cast %get3A_701 : vector<1x16xf32> to vector<16xf32>
      %eq3A_703 = arith.constant 0 : i32
      %eq3A_704 = vector.broadcast %eq3A_703 : i32 to vector<16xi32>
      %eq3A_705 = arith.cmpi eq, %iota3A, %eq3A_704 : vector<16xi32>
      %slice3A_706 = vector.extract_strided_slice %get3A_435 {offsets = [8], sizes = [1], strides = [1]} : vector<16xf32> to vector<1xf32>
      %squeeze3A_707 = vector.extract %slice3A_706[0] : f32 from vector<1xf32>
      %eq3A_708 = arith.constant 1 : i32
      %eq3A_709 = vector.broadcast %eq3A_708 : i32 to vector<16xi32>
      %eq3A_710 = arith.cmpi eq, %iota3A, %eq3A_709 : vector<16xi32>
      %slice3A_711 = vector.extract_strided_slice %get3A_440 {offsets = [8], sizes = [1], strides = [1]} : vector<16xf32> to vector<1xf32>
      %squeeze3A_712 = vector.extract %slice3A_711[0] : f32 from vector<1xf32>
      %eq3A_713 = arith.constant 2 : i32
      %eq3A_714 = vector.broadcast %eq3A_713 : i32 to vector<16xi32>
      %eq3A_715 = arith.cmpi eq, %iota3A, %eq3A_714 : vector<16xi32>
      %slice3A_716 = vector.extract_strided_slice %get3A_445 {offsets = [8], sizes = [1], strides = [1]} : vector<16xf32> to vector<1xf32>
      %squeeze3A_717 = vector.extract %slice3A_716[0] : f32 from vector<1xf32>
      %broadcast_in_dim3A_718 = vector.broadcast %squeeze3A_717 : f32 to vector<16xf32>
      %select_n3A_719 = arith.select %eq3A_715, %broadcast_in_dim3A_718, %get3A_702 : vector<16xi1>, vector<16xf32>
      %broadcast_in_dim3A_720 = vector.broadcast %squeeze3A_712 : f32 to vector<16xf32>
      %select_n3A_721 = arith.select %eq3A_710, %broadcast_in_dim3A_720, %select_n3A_719 : vector<16xi1>, vector<16xf32>
      %broadcast_in_dim3A_722 = vector.broadcast %squeeze3A_707 : f32 to vector<16xf32>
      %select_n3A_723 = arith.select %eq3A_705, %broadcast_in_dim3A_722, %select_n3A_721 : vector<16xi1>, vector<16xf32>
      %swap3A_724 = arith.constant 8 : i32
      %swap3A_725 = arith.index_cast %swap3A_724 : i32 to index
      %swap3A_726 = arith.constant 0 : index
      %swap3A_727 = tpu.vector_load %arg18[%swap3A_725, %swap3A_726] {strides = array<i32>} : memref<16x2883xf32, #tpu.memory_space<vmem>>, vector<1x16xf32>,
      %swap3A_728 = vector.shape_cast %swap3A_727 : vector<1x16xf32> to vector<16xf32>
      %swap3A_729 = vector.shape_cast %select_n3A_723 : vector<16xf32> to vector<1x16xf32>
      tpu.vector_store %arg18[%swap3A_725, %swap3A_726], %swap3A_729 {strides = array<i32>} : memref<16x2883xf32, #tpu.memory_space<vmem>>, vector<1x16xf32>,
      %get3A_730 = arith.constant 9 : i32
      %get3A_731 = arith.index_cast %get3A_730 : i32 to index
      %get3A_732 = arith.constant 0 : index
      %get3A_733 = tpu.vector_load %arg18[%get3A_731, %get3A_732] {strides = array<i32>} : memref<16x2883xf32, #tpu.memory_space<vmem>>, vector<1x16xf32>,
      %get3A_734 = vector.shape_cast %get3A_733 : vector<1x16xf32> to vector<16xf32>
      %eq3A_735 = arith.constant 0 : i32
      %eq3A_736 = vector.broadcast %eq3A_735 : i32 to vector<16xi32>
      %eq3A_737 = arith.cmpi eq, %iota3A, %eq3A_736 : vector<16xi32>
      %slice3A_738 = vector.extract_strided_slice %get3A_435 {offsets = [9], sizes = [1], strides = [1]} : vector<16xf32> to vector<1xf32>
      %squeeze3A_739 = vector.extract %slice3A_738[0] : f32 from vector<1xf32>
      %eq3A_740 = arith.constant 1 : i32
      %eq3A_741 = vector.broadcast %eq3A_740 : i32 to vector<16xi32>
      %eq3A_742 = arith.cmpi eq, %iota3A, %eq3A_741 : vector<16xi32>
      %slice3A_743 = vector.extract_strided_slice %get3A_440 {offsets = [9], sizes = [1], strides = [1]} : vector<16xf32> to vector<1xf32>
      %squeeze3A_744 = vector.extract %slice3A_743[0] : f32 from vector<1xf32>
      %eq3A_745 = arith.constant 2 : i32
      %eq3A_746 = vector.broadcast %eq3A_745 : i32 to vector<16xi32>
      %eq3A_747 = arith.cmpi eq, %iota3A, %eq3A_746 : vector<16xi32>
      %slice3A_748 = vector.extract_strided_slice %get3A_445 {offsets = [9], sizes = [1], strides = [1]} : vector<16xf32> to vector<1xf32>
      %squeeze3A_749 = vector.extract %slice3A_748[0] : f32 from vector<1xf32>
      %broadcast_in_dim3A_750 = vector.broadcast %squeeze3A_749 : f32 to vector<16xf32>
      %select_n3A_751 = arith.select %eq3A_747, %broadcast_in_dim3A_750, %get3A_734 : vector<16xi1>, vector<16xf32>
      %broadcast_in_dim3A_752 = vector.broadcast %squeeze3A_744 : f32 to vector<16xf32>
      %select_n3A_753 = arith.select %eq3A_742, %broadcast_in_dim3A_752, %select_n3A_751 : vector<16xi1>, vector<16xf32>
      %broadcast_in_dim3A_754 = vector.broadcast %squeeze3A_739 : f32 to vector<16xf32>
      %select_n3A_755 = arith.select %eq3A_737, %broadcast_in_dim3A_754, %select_n3A_753 : vector<16xi1>, vector<16xf32>
      %swap3A_756 = arith.constant 9 : i32
      %swap3A_757 = arith.index_cast %swap3A_756 : i32 to index
      %swap3A_758 = arith.constant 0 : index
      %swap3A_759 = tpu.vector_load %arg18[%swap3A_757, %swap3A_758] {strides = array<i32>} : memref<16x2883xf32, #tpu.memory_space<vmem>>, vector<1x16xf32>,
      %swap3A_760 = vector.shape_cast %swap3A_759 : vector<1x16xf32> to vector<16xf32>
      %swap3A_761 = vector.shape_cast %select_n3A_755 : vector<16xf32> to vector<1x16xf32>
      tpu.vector_store %arg18[%swap3A_757, %swap3A_758], %swap3A_761 {strides = array<i32>} : memref<16x2883xf32, #tpu.memory_space<vmem>>, vector<1x16xf32>,
      %get3A_762 = arith.constant 10 : i32
      %get3A_763 = arith.index_cast %get3A_762 : i32 to index
      %get3A_764 = arith.constant 0 : index
      %get3A_765 = tpu.vector_load %arg18[%get3A_763, %get3A_764] {strides = array<i32>} : memref<16x2883xf32, #tpu.memory_space<vmem>>, vector<1x16xf32>,
      %get3A_766 = vector.shape_cast %get3A_765 : vector<1x16xf32> to vector<16xf32>
      %eq3A_767 = arith.constant 0 : i32
      %eq3A_768 = vector.broadcast %eq3A_767 : i32 to vector<16xi32>
      %eq3A_769 = arith.cmpi eq, %iota3A, %eq3A_768 : vector<16xi32>
      %slice3A_770 = vector.extract_strided_slice %get3A_435 {offsets = [10], sizes = [1], strides = [1]} : vector<16xf32> to vector<1xf32>
      %squeeze3A_771 = vector.extract %slice3A_770[0] : f32 from vector<1xf32>
      %eq3A_772 = arith.constant 1 : i32
      %eq3A_773 = vector.broadcast %eq3A_772 : i32 to vector<16xi32>
      %eq3A_774 = arith.cmpi eq, %iota3A, %eq3A_773 : vector<16xi32>
      %slice3A_775 = vector.extract_strided_slice %get3A_440 {offsets = [10], sizes = [1], strides = [1]} : vector<16xf32> to vector<1xf32>
      %squeeze3A_776 = vector.extract %slice3A_775[0] : f32 from vector<1xf32>
      %eq3A_777 = arith.constant 2 : i32
      %eq3A_778 = vector.broadcast %eq3A_777 : i32 to vector<16xi32>
      %eq3A_779 = arith.cmpi eq, %iota3A, %eq3A_778 : vector<16xi32>
      %slice3A_780 = vector.extract_strided_slice %get3A_445 {offsets = [10], sizes = [1], strides = [1]} : vector<16xf32> to vector<1xf32>
      %squeeze3A_781 = vector.extract %slice3A_780[0] : f32 from vector<1xf32>
      %broadcast_in_dim3A_782 = vector.broadcast %squeeze3A_781 : f32 to vector<16xf32>
      %select_n3A_783 = arith.select %eq3A_779, %broadcast_in_dim3A_782, %get3A_766 : vector<16xi1>, vector<16xf32>
      %broadcast_in_dim3A_784 = vector.broadcast %squeeze3A_776 : f32 to vector<16xf32>
      %select_n3A_785 = arith.select %eq3A_774, %broadcast_in_dim3A_784, %select_n3A_783 : vector<16xi1>, vector<16xf32>
      %broadcast_in_dim3A_786 = vector.broadcast %squeeze3A_771 : f32 to vector<16xf32>
      %select_n3A_787 = arith.select %eq3A_769, %broadcast_in_dim3A_786, %select_n3A_785 : vector<16xi1>, vector<16xf32>
      %swap3A_788 = arith.constant 10 : i32
      %swap3A_789 = arith.index_cast %swap3A_788 : i32 to index
      %swap3A_790 = arith.constant 0 : index
      %swap3A_791 = tpu.vector_load %arg18[%swap3A_789, %swap3A_790] {strides = array<i32>} : memref<16x2883xf32, #tpu.memory_space<vmem>>, vector<1x16xf32>,
      %swap3A_792 = vector.shape_cast %swap3A_791 : vector<1x16xf32> to vector<16xf32>
      %swap3A_793 = vector.shape_cast %select_n3A_787 : vector<16xf32> to vector<1x16xf32>
      tpu.vector_store %arg18[%swap3A_789, %swap3A_790], %swap3A_793 {strides = array<i32>} : memref<16x2883xf32, #tpu.memory_space<vmem>>, vector<1x16xf32>,
      %get3A_794 = arith.constant 11 : i32
      %get3A_795 = arith.index_cast %get3A_794 : i32 to index
      %get3A_796 = arith.constant 0 : index
      %get3A_797 = tpu.vector_load %arg18[%get3A_795, %get3A_796] {strides = array<i32>} : memref<16x2883xf32, #tpu.memory_space<vmem>>, vector<1x16xf32>,
      %get3A_798 = vector.shape_cast %get3A_797 : vector<1x16xf32> to vector<16xf32>
      %eq3A_799 = arith.constant 0 : i32
      %eq3A_800 = vector.broadcast %eq3A_799 : i32 to vector<16xi32>
      %eq3A_801 = arith.cmpi eq, %iota3A, %eq3A_800 : vector<16xi32>
      %slice3A_802 = vector.extract_strided_slice %get3A_435 {offsets = [11], sizes = [1], strides = [1]} : vector<16xf32> to vector<1xf32>
      %squeeze3A_803 = vector.extract %slice3A_802[0] : f32 from vector<1xf32>
      %eq3A_804 = arith.constant 1 : i32
      %eq3A_805 = vector.broadcast %eq3A_804 : i32 to vector<16xi32>
      %eq3A_806 = arith.cmpi eq, %iota3A, %eq3A_805 : vector<16xi32>
      %slice3A_807 = vector.extract_strided_slice %get3A_440 {offsets = [11], sizes = [1], strides = [1]} : vector<16xf32> to vector<1xf32>
      %squeeze3A_808 = vector.extract %slice3A_807[0] : f32 from vector<1xf32>
      %eq3A_809 = arith.constant 2 : i32
      %eq3A_810 = vector.broadcast %eq3A_809 : i32 to vector<16xi32>
      %eq3A_811 = arith.cmpi eq, %iota3A, %eq3A_810 : vector<16xi32>
      %slice3A_812 = vector.extract_strided_slice %get3A_445 {offsets = [11], sizes = [1], strides = [1]} : vector<16xf32> to vector<1xf32>
      %squeeze3A_813 = vector.extract %slice3A_812[0] : f32 from vector<1xf32>
      %broadcast_in_dim3A_814 = vector.broadcast %squeeze3A_813 : f32 to vector<16xf32>
      %select_n3A_815 = arith.select %eq3A_811, %broadcast_in_dim3A_814, %get3A_798 : vector<16xi1>, vector<16xf32>
      %broadcast_in_dim3A_816 = vector.broadcast %squeeze3A_808 : f32 to vector<16xf32>
      %select_n3A_817 = arith.select %eq3A_806, %broadcast_in_dim3A_816, %select_n3A_815 : vector<16xi1>, vector<16xf32>
      %broadcast_in_dim3A_818 = vector.broadcast %squeeze3A_803 : f32 to vector<16xf32>
      %select_n3A_819 = arith.select %eq3A_801, %broadcast_in_dim3A_818, %select_n3A_817 : vector<16xi1>, vector<16xf32>
      %swap3A_820 = arith.constant 11 : i32
      %swap3A_821 = arith.index_cast %swap3A_820 : i32 to index
      %swap3A_822 = arith.constant 0 : index
      %swap3A_823 = tpu.vector_load %arg18[%swap3A_821, %swap3A_822] {strides = array<i32>} : memref<16x2883xf32, #tpu.memory_space<vmem>>, vector<1x16xf32>,
      %swap3A_824 = vector.shape_cast %swap3A_823 : vector<1x16xf32> to vector<16xf32>
      %swap3A_825 = vector.shape_cast %select_n3A_819 : vector<16xf32> to vector<1x16xf32>
      tpu.vector_store %arg18[%swap3A_821, %swap3A_822], %swap3A_825 {strides = array<i32>} : memref<16x2883xf32, #tpu.memory_space<vmem>>, vector<1x16xf32>,
      %get3A_826 = arith.constant 12 : i32
      %get3A_827 = arith.index_cast %get3A_826 : i32 to index
      %get3A_828 = arith.constant 0 : index
      %get3A_829 = tpu.vector_load %arg18[%get3A_827, %get3A_828] {strides = array<i32>} : memref<16x2883xf32, #tpu.memory_space<vmem>>, vector<1x16xf32>,
      %get3A_830 = vector.shape_cast %get3A_829 : vector<1x16xf32> to vector<16xf32>
      %eq3A_831 = arith.constant 0 : i32
      %eq3A_832 = vector.broadcast %eq3A_831 : i32 to vector<16xi32>
      %eq3A_833 = arith.cmpi eq, %iota3A, %eq3A_832 : vector<16xi32>
      %slice3A_834 = vector.extract_strided_slice %get3A_435 {offsets = [12], sizes = [1], strides = [1]} : vector<16xf32> to vector<1xf32>
      %squeeze3A_835 = vector.extract %slice3A_834[0] : f32 from vector<1xf32>
      %eq3A_836 = arith.constant 1 : i32
      %eq3A_837 = vector.broadcast %eq3A_836 : i32 to vector<16xi32>
      %eq3A_838 = arith.cmpi eq, %iota3A, %eq3A_837 : vector<16xi32>
      %slice3A_839 = vector.extract_strided_slice %get3A_440 {offsets = [12], sizes = [1], strides = [1]} : vector<16xf32> to vector<1xf32>
      %squeeze3A_840 = vector.extract %slice3A_839[0] : f32 from vector<1xf32>
      %eq3A_841 = arith.constant 2 : i32
      %eq3A_842 = vector.broadcast %eq3A_841 : i32 to vector<16xi32>
      %eq3A_843 = arith.cmpi eq, %iota3A, %eq3A_842 : vector<16xi32>
      %slice3A_844 = vector.extract_strided_slice %get3A_445 {offsets = [12], sizes = [1], strides = [1]} : vector<16xf32> to vector<1xf32>
      %squeeze3A_845 = vector.extract %slice3A_844[0] : f32 from vector<1xf32>
      %broadcast_in_dim3A_846 = vector.broadcast %squeeze3A_845 : f32 to vector<16xf32>
      %select_n3A_847 = arith.select %eq3A_843, %broadcast_in_dim3A_846, %get3A_830 : vector<16xi1>, vector<16xf32>
      %broadcast_in_dim3A_848 = vector.broadcast %squeeze3A_840 : f32 to vector<16xf32>
      %select_n3A_849 = arith.select %eq3A_838, %broadcast_in_dim3A_848, %select_n3A_847 : vector<16xi1>, vector<16xf32>
      %broadcast_in_dim3A_850 = vector.broadcast %squeeze3A_835 : f32 to vector<16xf32>
      %select_n3A_851 = arith.select %eq3A_833, %broadcast_in_dim3A_850, %select_n3A_849 : vector<16xi1>, vector<16xf32>
      %swap3A_852 = arith.constant 12 : i32
      %swap3A_853 = arith.index_cast %swap3A_852 : i32 to index
      %swap3A_854 = arith.constant 0 : index
      %swap3A_855 = tpu.vector_load %arg18[%swap3A_853, %swap3A_854] {strides = array<i32>} : memref<16x2883xf32, #tpu.memory_space<vmem>>, vector<1x16xf32>,
      %swap3A_856 = vector.shape_cast %swap3A_855 : vector<1x16xf32> to vector<16xf32>
      %swap3A_857 = vector.shape_cast %select_n3A_851 : vector<16xf32> to vector<1x16xf32>
      tpu.vector_store %arg18[%swap3A_853, %swap3A_854], %swap3A_857 {strides = array<i32>} : memref<16x2883xf32, #tpu.memory_space<vmem>>, vector<1x16xf32>,
      %get3A_858 = arith.constant 13 : i32
      %get3A_859 = arith.index_cast %get3A_858 : i32 to index
      %get3A_860 = arith.constant 0 : index
      %get3A_861 = tpu.vector_load %arg18[%get3A_859, %get3A_860] {strides = array<i32>} : memref<16x2883xf32, #tpu.memory_space<vmem>>, vector<1x16xf32>,
      %get3A_862 = vector.shape_cast %get3A_861 : vector<1x16xf32> to vector<16xf32>
      %eq3A_863 = arith.constant 0 : i32
      %eq3A_864 = vector.broadcast %eq3A_863 : i32 to vector<16xi32>
      %eq3A_865 = arith.cmpi eq, %iota3A, %eq3A_864 : vector<16xi32>
      %slice3A_866 = vector.extract_strided_slice %get3A_435 {offsets = [13], sizes = [1], strides = [1]} : vector<16xf32> to vector<1xf32>
      %squeeze3A_867 = vector.extract %slice3A_866[0] : f32 from vector<1xf32>
      %eq3A_868 = arith.constant 1 : i32
      %eq3A_869 = vector.broadcast %eq3A_868 : i32 to vector<16xi32>
      %eq3A_870 = arith.cmpi eq, %iota3A, %eq3A_869 : vector<16xi32>
      %slice3A_871 = vector.extract_strided_slice %get3A_440 {offsets = [13], sizes = [1], strides = [1]} : vector<16xf32> to vector<1xf32>
      %squeeze3A_872 = vector.extract %slice3A_871[0] : f32 from vector<1xf32>
      %eq3A_873 = arith.constant 2 : i32
      %eq3A_874 = vector.broadcast %eq3A_873 : i32 to vector<16xi32>
      %eq3A_875 = arith.cmpi eq, %iota3A, %eq3A_874 : vector<16xi32>
      %slice3A_876 = vector.extract_strided_slice %get3A_445 {offsets = [13], sizes = [1], strides = [1]} : vector<16xf32> to vector<1xf32>
      %squeeze3A_877 = vector.extract %slice3A_876[0] : f32 from vector<1xf32>
      %broadcast_in_dim3A_878 = vector.broadcast %squeeze3A_877 : f32 to vector<16xf32>
      %select_n3A_879 = arith.select %eq3A_875, %broadcast_in_dim3A_878, %get3A_862 : vector<16xi1>, vector<16xf32>
      %broadcast_in_dim3A_880 = vector.broadcast %squeeze3A_872 : f32 to vector<16xf32>
      %select_n3A_881 = arith.select %eq3A_870, %broadcast_in_dim3A_880, %select_n3A_879 : vector<16xi1>, vector<16xf32>
      %broadcast_in_dim3A_882 = vector.broadcast %squeeze3A_867 : f32 to vector<16xf32>
      %select_n3A_883 = arith.select %eq3A_865, %broadcast_in_dim3A_882, %select_n3A_881 : vector<16xi1>, vector<16xf32>
      %swap3A_884 = arith.constant 13 : i32
      %swap3A_885 = arith.index_cast %swap3A_884 : i32 to index
      %swap3A_886 = arith.constant 0 : index
      %swap3A_887 = tpu.vector_load %arg18[%swap3A_885, %swap3A_886] {strides = array<i32>} : memref<16x2883xf32, #tpu.memory_space<vmem>>, vector<1x16xf32>,
      %swap3A_888 = vector.shape_cast %swap3A_887 : vector<1x16xf32> to vector<16xf32>
      %swap3A_889 = vector.shape_cast %select_n3A_883 : vector<16xf32> to vector<1x16xf32>
      tpu.vector_store %arg18[%swap3A_885, %swap3A_886], %swap3A_889 {strides = array<i32>} : memref<16x2883xf32, #tpu.memory_space<vmem>>, vector<1x16xf32>,
      %get3A_890 = arith.constant 14 : i32
      %get3A_891 = arith.index_cast %get3A_890 : i32 to index
      %get3A_892 = arith.constant 0 : index
      %get3A_893 = tpu.vector_load %arg18[%get3A_891, %get3A_892] {strides = array<i32>} : memref<16x2883xf32, #tpu.memory_space<vmem>>, vector<1x16xf32>,
      %get3A_894 = vector.shape_cast %get3A_893 : vector<1x16xf32> to vector<16xf32>
      %eq3A_895 = arith.constant 0 : i32
      %eq3A_896 = vector.broadcast %eq3A_895 : i32 to vector<16xi32>
      %eq3A_897 = arith.cmpi eq, %iota3A, %eq3A_896 : vector<16xi32>
      %slice3A_898 = vector.extract_strided_slice %get3A_435 {offsets = [14], sizes = [1], strides = [1]} : vector<16xf32> to vector<1xf32>
      %squeeze3A_899 = vector.extract %slice3A_898[0] : f32 from vector<1xf32>
      %eq3A_900 = arith.constant 1 : i32
      %eq3A_901 = vector.broadcast %eq3A_900 : i32 to vector<16xi32>
      %eq3A_902 = arith.cmpi eq, %iota3A, %eq3A_901 : vector<16xi32>
      %slice3A_903 = vector.extract_strided_slice %get3A_440 {offsets = [14], sizes = [1], strides = [1]} : vector<16xf32> to vector<1xf32>
      %squeeze3A_904 = vector.extract %slice3A_903[0] : f32 from vector<1xf32>
      %eq3A_905 = arith.constant 2 : i32
      %eq3A_906 = vector.broadcast %eq3A_905 : i32 to vector<16xi32>
      %eq3A_907 = arith.cmpi eq, %iota3A, %eq3A_906 : vector<16xi32>
      %slice3A_908 = vector.extract_strided_slice %get3A_445 {offsets = [14], sizes = [1], strides = [1]} : vector<16xf32> to vector<1xf32>
      %squeeze3A_909 = vector.extract %slice3A_908[0] : f32 from vector<1xf32>
      %broadcast_in_dim3A_910 = vector.broadcast %squeeze3A_909 : f32 to vector<16xf32>
      %select_n3A_911 = arith.select %eq3A_907, %broadcast_in_dim3A_910, %get3A_894 : vector<16xi1>, vector<16xf32>
      %broadcast_in_dim3A_912 = vector.broadcast %squeeze3A_904 : f32 to vector<16xf32>
      %select_n3A_913 = arith.select %eq3A_902, %broadcast_in_dim3A_912, %select_n3A_911 : vector<16xi1>, vector<16xf32>
      %broadcast_in_dim3A_914 = vector.broadcast %squeeze3A_899 : f32 to vector<16xf32>
      %select_n3A_915 = arith.select %eq3A_897, %broadcast_in_dim3A_914, %select_n3A_913 : vector<16xi1>, vector<16xf32>
      %swap3A_916 = arith.constant 14 : i32
      %swap3A_917 = arith.index_cast %swap3A_916 : i32 to index
      %swap3A_918 = arith.constant 0 : index
      %swap3A_919 = tpu.vector_load %arg18[%swap3A_917, %swap3A_918] {strides = array<i32>} : memref<16x2883xf32, #tpu.memory_space<vmem>>, vector<1x16xf32>,
      %swap3A_920 = vector.shape_cast %swap3A_919 : vector<1x16xf32> to vector<16xf32>
      %swap3A_921 = vector.shape_cast %select_n3A_915 : vector<16xf32> to vector<1x16xf32>
      tpu.vector_store %arg18[%swap3A_917, %swap3A_918], %swap3A_921 {strides = array<i32>} : memref<16x2883xf32, #tpu.memory_space<vmem>>, vector<1x16xf32>,
      %get3A_922 = arith.constant 15 : i32
      %get3A_923 = arith.index_cast %get3A_922 : i32 to index
      %get3A_924 = arith.constant 0 : index
      %get3A_925 = tpu.vector_load %arg18[%get3A_923, %get3A_924] {strides = array<i32>} : memref<16x2883xf32, #tpu.memory_space<vmem>>, vector<1x16xf32>,
      %get3A_926 = vector.shape_cast %get3A_925 : vector<1x16xf32> to vector<16xf32>
      %eq3A_927 = arith.constant 0 : i32
      %eq3A_928 = vector.broadcast %eq3A_927 : i32 to vector<16xi32>
      %eq3A_929 = arith.cmpi eq, %iota3A, %eq3A_928 : vector<16xi32>
      %slice3A_930 = vector.extract_strided_slice %get3A_435 {offsets = [15], sizes = [1], strides = [1]} : vector<16xf32> to vector<1xf32>
      %squeeze3A_931 = vector.extract %slice3A_930[0] : f32 from vector<1xf32>
      %eq3A_932 = arith.constant 1 : i32
      %eq3A_933 = vector.broadcast %eq3A_932 : i32 to vector<16xi32>
      %eq3A_934 = arith.cmpi eq, %iota3A, %eq3A_933 : vector<16xi32>
      %slice3A_935 = vector.extract_strided_slice %get3A_440 {offsets = [15], sizes = [1], strides = [1]} : vector<16xf32> to vector<1xf32>
      %squeeze3A_936 = vector.extract %slice3A_935[0] : f32 from vector<1xf32>
      %eq3A_937 = arith.constant 2 : i32
      %eq3A_938 = vector.broadcast %eq3A_937 : i32 to vector<16xi32>
      %eq3A_939 = arith.cmpi eq, %iota3A, %eq3A_938 : vector<16xi32>
      %slice3A_940 = vector.extract_strided_slice %get3A_445 {offsets = [15], sizes = [1], strides = [1]} : vector<16xf32> to vector<1xf32>
      %squeeze3A_941 = vector.extract %slice3A_940[0] : f32 from vector<1xf32>
      %broadcast_in_dim3A_942 = vector.broadcast %squeeze3A_941 : f32 to vector<16xf32>
      %select_n3A_943 = arith.select %eq3A_939, %broadcast_in_dim3A_942, %get3A_926 : vector<16xi1>, vector<16xf32>
      %broadcast_in_dim3A_944 = vector.broadcast %squeeze3A_936 : f32 to vector<16xf32>
      %select_n3A_945 = arith.select %eq3A_934, %broadcast_in_dim3A_944, %select_n3A_943 : vector<16xi1>, vector<16xf32>
      %broadcast_in_dim3A_946 = vector.broadcast %squeeze3A_931 : f32 to vector<16xf32>
      %select_n3A_947 = arith.select %eq3A_929, %broadcast_in_dim3A_946, %select_n3A_945 : vector<16xi1>, vector<16xf32>
      %swap3A_948 = arith.constant 15 : i32
      %swap3A_949 = arith.index_cast %swap3A_948 : i32 to index
      %swap3A_950 = arith.constant 0 : index
      %swap3A_951 = tpu.vector_load %arg18[%swap3A_949, %swap3A_950] {strides = array<i32>} : memref<16x2883xf32, #tpu.memory_space<vmem>>, vector<1x16xf32>,
      %swap3A_952 = vector.shape_cast %swap3A_951 : vector<1x16xf32> to vector<16xf32>
      %swap3A_953 = vector.shape_cast %select_n3A_947 : vector<16xf32> to vector<1x16xf32>
      tpu.vector_store %arg18[%swap3A_949, %swap3A_950], %swap3A_953 {strides = array<i32>} : memref<16x2883xf32, #tpu.memory_space<vmem>>, vector<1x16xf32>,
      %add3A_954 = arith.addi %add3A_4, %while3A_38 : i32
      %mul3A_955 = arith.constant 16 : i32
      %mul3A_956 = arith.muli %add3A_954, %mul3A_955 : i32
      "tpu.region"() ({
        %run_scoped3A = tpu.sem_alloc : memref<!tpu.dma_semaphore, #tpu.memory_space<semaphore_mem>>
        %dma_start3A_957 = arith.constant 0 : i32
        %dma_start3A_958 = tpu.memref_slice %arg7[%mul3A_956, %dma_start3A_957] : memref<10000x2883xf32, #tpu.memory_space<hbm>> -> memref<16x2883xf32, #tpu.memory_space<hbm>>
        %dma_start3A_959 = arith.constant 0 : i32
        %dma_start3A_960 = tpu.memref_slice %arg7[%mul3A_956, %dma_start3A_959] : memref<10000x2883xf32, #tpu.memory_space<hbm>> -> memref<16x2883xf32, #tpu.memory_space<hbm>>
        tpu.enqueue_dma source(%arg18 : memref<16x2883xf32, #tpu.memory_space<vmem>>) target(%dma_start3A_960 : memref<16x2883xf32, #tpu.memory_space<hbm>>) target_semaphore(%run_scoped3A : memref<!tpu.dma_semaphore, #tpu.memory_space<semaphore_mem>>)
        %dma_wait3A_961 = arith.constant 0 : i32
        %dma_wait3A_962 = tpu.memref_slice %arg7[%mul3A_956, %dma_wait3A_961] : memref<10000x2883xf32, #tpu.memory_space<hbm>> -> memref<16x2883xf32, #tpu.memory_space<hbm>>
        %dma_wait3A_963 = arith.constant 0 : i32
        %dma_wait3A_964 = tpu.memref_slice %arg7[%mul3A_956, %dma_wait3A_963] : memref<10000x2883xf32, #tpu.memory_space<hbm>> -> memref<16x2883xf32, #tpu.memory_space<hbm>>
        tpu.wait_dma2 semaphore(%run_scoped3A : memref<!tpu.dma_semaphore, #tpu.memory_space<semaphore_mem>>) src(%arg18 : memref<16x2883xf32, #tpu.memory_space<vmem>>) dst(%dma_wait3A_964 : memref<16x2883xf32, #tpu.memory_space<hbm>>)
        tpu.yield
      }) : () -> ()
    }
    %while3A_37 = arith.constant 1 : i32
    scf.for %while3A_38 = %while3A_35 to %while3A_31 step %while3A_37  : i32 {
      %mul3A_39 = arith.constant 16 : i32
      %mul3A_40 = arith.muli %while3A_38, %mul3A_39 : i32
      %add3A_41 = arith.constant 960 : i32
      %add3A_42 = arith.addi %add3A_41, %mul3A_40 : i32
      %get3A = arith.index_cast %add3A_42 : i32 to index
      %get3A_43 = tpu.vector_load %arg8[%get3A] {strides = array<i32>} : memref<2880xf32, #tpu.memory_space<vmem>>, vector<16xf32>,
      %get3A_44 = vector.shape_cast %get3A_43 : vector<16xf32> to vector<16xf32>
      %add3A_45 = arith.constant 1920 : i32
      %add3A_46 = arith.addi %add3A_45, %mul3A_40 : i32
      %get3A_47 = arith.index_cast %add3A_46 : i32 to index
      %get3A_48 = tpu.vector_load %arg8[%get3A_47] {strides = array<i32>} : memref<2880xf32, #tpu.memory_space<vmem>>, vector<16xf32>,
      %get3A_49 = vector.shape_cast %get3A_48 : vector<16xf32> to vector<16xf32>
      %mul3A_50 = arith.constant 2.500000e-01 : f32
      %mul3A_51 = vector.broadcast %mul3A_50 : f32 to vector<16xf32>
      %mul3A_52 = arith.mulf %get3A_44, %mul3A_51 : vector<16xf32>
      %convert_element_type3A = arith.fptosi %mul3A_52 : vector<16xf32> to vector<16xi32>
      %mul3A_53 = arith.constant 2.500000e-01 : f32
      %mul3A_54 = vector.broadcast %mul3A_53 : f32 to vector<16xf32>
      %mul3A_55 = arith.mulf %get3A_49, %mul3A_54 : vector<16xf32>
      %convert_element_type3A_56 = arith.fptosi %mul3A_55 : vector<16xf32> to vector<16xi32>
      %max3A = arith.constant 0 : i32
      %max3A_57 = vector.broadcast %max3A : i32 to vector<16xi32>
      %max3A_58 = arith.maxsi %convert_element_type3A, %max3A_57 : vector<16xi32>
      %min3A_59 = arith.constant 55 : i32
      %min3A_60 = vector.broadcast %min3A_59 : i32 to vector<16xi32>
      %min3A_61 = arith.minsi %max3A_58, %min3A_60 : vector<16xi32>
      %max3A_62 = arith.constant 0 : i32
      %max3A_63 = vector.broadcast %max3A_62 : i32 to vector<16xi32>
      %max3A_64 = arith.maxsi %convert_element_type3A_56, %max3A_63 : vector<16xi32>
      %min3A_65 = arith.constant 55 : i32
      %min3A_66 = vector.broadcast %min3A_65 : i32 to vector<16xi32>
      %min3A_67 = arith.minsi %max3A_64, %min3A_66 : vector<16xi32>
      %mul3A_68 = arith.constant 56 : i32
      %mul3A_69 = vector.broadcast %mul3A_68 : i32 to vector<16xi32>
      %mul3A_70 = arith.muli %min3A_61, %mul3A_69 : vector<16xi32>
      %add3A_71 = arith.addi %mul3A_70, %min3A_67 : vector<16xi32>
      %swap3A = arith.constant 0 : index
      %swap3A_72 = tpu.vector_load %arg13[%swap3A] {strides = array<i32>} : memref<48xi32, #tpu.memory_space<vmem>>, vector<16xi32>,
      %swap3A_73 = vector.shape_cast %swap3A_72 : vector<16xi32> to vector<16xi32>
      %swap3A_74 = vector.shape_cast %add3A_71 : vector<16xi32> to vector<16xi32>
      tpu.vector_store %arg13[%swap3A], %swap3A_74 {strides = array<i32>} : memref<48xi32, #tpu.memory_space<vmem>>, vector<16xi32>,
      %mul3A_75 = arith.constant 1.250000e-01 : f32
      %mul3A_76 = vector.broadcast %mul3A_75 : f32 to vector<16xf32>
      %mul3A_77 = arith.mulf %get3A_44, %mul3A_76 : vector<16xf32>
      %convert_element_type3A_78 = arith.fptosi %mul3A_77 : vector<16xf32> to vector<16xi32>
      %mul3A_79 = arith.constant 1.250000e-01 : f32
      %mul3A_80 = vector.broadcast %mul3A_79 : f32 to vector<16xf32>
      %mul3A_81 = arith.mulf %get3A_49, %mul3A_80 : vector<16xf32>
      %convert_element_type3A_82 = arith.fptosi %mul3A_81 : vector<16xf32> to vector<16xi32>
      %max3A_83 = arith.constant 0 : i32
      %max3A_84 = vector.broadcast %max3A_83 : i32 to vector<16xi32>
      %max3A_85 = arith.maxsi %convert_element_type3A_78, %max3A_84 : vector<16xi32>
      %min3A_86 = arith.constant 27 : i32
      %min3A_87 = vector.broadcast %min3A_86 : i32 to vector<16xi32>
      %min3A_88 = arith.minsi %max3A_85, %min3A_87 : vector<16xi32>
      %max3A_89 = arith.constant 0 : i32
      %max3A_90 = vector.broadcast %max3A_89 : i32 to vector<16xi32>
      %max3A_91 = arith.maxsi %convert_element_type3A_82, %max3A_90 : vector<16xi32>
      %min3A_92 = arith.constant 27 : i32
      %min3A_93 = vector.broadcast %min3A_92 : i32 to vector<16xi32>
      %min3A_94 = arith.minsi %max3A_91, %min3A_93 : vector<16xi32>
      %mul3A_95 = arith.constant 28 : i32
      %mul3A_96 = vector.broadcast %mul3A_95 : i32 to vector<16xi32>
      %mul3A_97 = arith.muli %min3A_88, %mul3A_96 : vector<16xi32>
      %add3A_98 = arith.addi %mul3A_97, %min3A_94 : vector<16xi32>
      %swap3A_99 = arith.constant 0 : index
      %swap3A_100 = tpu.vector_load %arg14[%swap3A_99] {strides = array<i32>} : memref<48xi32, #tpu.memory_space<vmem>>, vector<16xi32>,
      %swap3A_101 = vector.shape_cast %swap3A_100 : vector<16xi32> to vector<16xi32>
      %swap3A_102 = vector.shape_cast %add3A_98 : vector<16xi32> to vector<16xi32>
      tpu.vector_store %arg14[%swap3A_99], %swap3A_102 {strides = array<i32>} : memref<48xi32, #tpu.memory_space<vmem>>, vector<16xi32>,
      %mul3A_103 = arith.constant 6.250000e-02 : f32
      %mul3A_104 = vector.broadcast %mul3A_103 : f32 to vector<16xf32>
      %mul3A_105 = arith.mulf %get3A_44, %mul3A_104 : vector<16xf32>
      %convert_element_type3A_106 = arith.fptosi %mul3A_105 : vector<16xf32> to vector<16xi32>
      %mul3A_107 = arith.constant 6.250000e-02 : f32
      %mul3A_108 = vector.broadcast %mul3A_107 : f32 to vector<16xf32>
      %mul3A_109 = arith.mulf %get3A_49, %mul3A_108 : vector<16xf32>
      %convert_element_type3A_110 = arith.fptosi %mul3A_109 : vector<16xf32> to vector<16xi32>
      %max3A_111 = arith.constant 0 : i32
      %max3A_112 = vector.broadcast %max3A_111 : i32 to vector<16xi32>
      %max3A_113 = arith.maxsi %convert_element_type3A_106, %max3A_112 : vector<16xi32>
      %min3A_114 = arith.constant 13 : i32
      %min3A_115 = vector.broadcast %min3A_114 : i32 to vector<16xi32>
      %min3A_116 = arith.minsi %max3A_113, %min3A_115 : vector<16xi32>
      %max3A_117 = arith.constant 0 : i32
      %max3A_118 = vector.broadcast %max3A_117 : i32 to vector<16xi32>
      %max3A_119 = arith.maxsi %convert_element_type3A_110, %max3A_118 : vector<16xi32>
      %min3A_120 = arith.constant 13 : i32
      %min3A_121 = vector.broadcast %min3A_120 : i32 to vector<16xi32>
      %min3A_122 = arith.minsi %max3A_119, %min3A_121 : vector<16xi32>
      %mul3A_123 = arith.constant 14 : i32
      %mul3A_124 = vector.broadcast %mul3A_123 : i32 to vector<16xi32>
      %mul3A_125 = arith.muli %min3A_116, %mul3A_124 : vector<16xi32>
      %add3A_126 = arith.addi %mul3A_125, %min3A_122 : vector<16xi32>
      %swap3A_127 = arith.constant 0 : index
      %swap3A_128 = tpu.vector_load %arg15[%swap3A_127] {strides = array<i32>} : memref<48xi32, #tpu.memory_space<vmem>>, vector<16xi32>,
      %swap3A_129 = vector.shape_cast %swap3A_128 : vector<16xi32> to vector<16xi32>
      %swap3A_130 = vector.shape_cast %add3A_126 : vector<16xi32> to vector<16xi32>
      tpu.vector_store %arg15[%swap3A_127], %swap3A_130 {strides = array<i32>} : memref<48xi32, #tpu.memory_space<vmem>>, vector<16xi32>,
      %mul3A_131 = arith.constant 3.125000e-02 : f32
      %mul3A_132 = vector.broadcast %mul3A_131 : f32 to vector<16xf32>
      %mul3A_133 = arith.mulf %get3A_44, %mul3A_132 : vector<16xf32>
      %convert_element_type3A_134 = arith.fptosi %mul3A_133 : vector<16xf32> to vector<16xi32>
      %mul3A_135 = arith.constant 3.125000e-02 : f32
      %mul3A_136 = vector.broadcast %mul3A_135 : f32 to vector<16xf32>
      %mul3A_137 = arith.mulf %get3A_49, %mul3A_136 : vector<16xf32>
      %convert_element_type3A_138 = arith.fptosi %mul3A_137 : vector<16xf32> to vector<16xi32>
      %max3A_139 = arith.constant 0 : i32
      %max3A_140 = vector.broadcast %max3A_139 : i32 to vector<16xi32>
      %max3A_141 = arith.maxsi %convert_element_type3A_134, %max3A_140 : vector<16xi32>
      %min3A_142 = arith.constant 6 : i32
      %min3A_143 = vector.broadcast %min3A_142 : i32 to vector<16xi32>
      %min3A_144 = arith.minsi %max3A_141, %min3A_143 : vector<16xi32>
      %max3A_145 = arith.constant 0 : i32
      %max3A_146 = vector.broadcast %max3A_145 : i32 to vector<16xi32>
      %max3A_147 = arith.maxsi %convert_element_type3A_138, %max3A_146 : vector<16xi32>
      %min3A_148 = arith.constant 6 : i32
      %min3A_149 = vector.broadcast %min3A_148 : i32 to vector<16xi32>
      %min3A_150 = arith.minsi %max3A_147, %min3A_149 : vector<16xi32>
      %mul3A_151 = arith.constant 7 : i32
      %mul3A_152 = vector.broadcast %mul3A_151 : i32 to vector<16xi32>
      %mul3A_153 = arith.muli %min3A_144, %mul3A_152 : vector<16xi32>
      %add3A_154 = arith.addi %mul3A_153, %min3A_150 : vector<16xi32>
      %swap3A_155 = arith.constant 0 : index
      %swap3A_156 = tpu.vector_load %arg16[%swap3A_155] {strides = array<i32>} : memref<48xi32, #tpu.memory_space<vmem>>, vector<16xi32>,
      %swap3A_157 = vector.shape_cast %swap3A_156 : vector<16xi32> to vector<16xi32>
      %swap3A_158 = vector.shape_cast %add3A_154 : vector<16xi32> to vector<16xi32>
      tpu.vector_store %arg16[%swap3A_155], %swap3A_158 {strides = array<i32>} : memref<48xi32, #tpu.memory_space<vmem>>, vector<16xi32>,
      %add3A_159 = arith.constant 1280 : i32
      %add3A_160 = arith.addi %add3A_159, %mul3A_40 : i32
      %get3A_161 = arith.index_cast %add3A_160 : i32 to index
      %get3A_162 = tpu.vector_load %arg8[%get3A_161] {strides = array<i32>} : memref<2880xf32, #tpu.memory_space<vmem>>, vector<16xf32>,
      %get3A_163 = vector.shape_cast %get3A_162 : vector<16xf32> to vector<16xf32>
      %add3A_164 = arith.constant 2240 : i32
      %add3A_165 = arith.addi %add3A_164, %mul3A_40 : i32
      %get3A_166 = arith.index_cast %add3A_165 : i32 to index
      %get3A_167 = tpu.vector_load %arg8[%get3A_166] {strides = array<i32>} : memref<2880xf32, #tpu.memory_space<vmem>>, vector<16xf32>,
      %get3A_168 = vector.shape_cast %get3A_167 : vector<16xf32> to vector<16xf32>
      %mul3A_169 = arith.constant 2.500000e-01 : f32
      %mul3A_170 = vector.broadcast %mul3A_169 : f32 to vector<16xf32>
      %mul3A_171 = arith.mulf %get3A_163, %mul3A_170 : vector<16xf32>
      %convert_element_type3A_172 = arith.fptosi %mul3A_171 : vector<16xf32> to vector<16xi32>
      %mul3A_173 = arith.constant 2.500000e-01 : f32
      %mul3A_174 = vector.broadcast %mul3A_173 : f32 to vector<16xf32>
      %mul3A_175 = arith.mulf %get3A_168, %mul3A_174 : vector<16xf32>
      %convert_element_type3A_176 = arith.fptosi %mul3A_175 : vector<16xf32> to vector<16xi32>
      %max3A_177 = arith.constant 0 : i32
      %max3A_178 = vector.broadcast %max3A_177 : i32 to vector<16xi32>
      %max3A_179 = arith.maxsi %convert_element_type3A_172, %max3A_178 : vector<16xi32>
      %min3A_180 = arith.constant 55 : i32
      %min3A_181 = vector.broadcast %min3A_180 : i32 to vector<16xi32>
      %min3A_182 = arith.minsi %max3A_179, %min3A_181 : vector<16xi32>
      %max3A_183 = arith.constant 0 : i32
      %max3A_184 = vector.broadcast %max3A_183 : i32 to vector<16xi32>
      %max3A_185 = arith.maxsi %convert_element_type3A_176, %max3A_184 : vector<16xi32>
      %min3A_186 = arith.constant 55 : i32
      %min3A_187 = vector.broadcast %min3A_186 : i32 to vector<16xi32>
      %min3A_188 = arith.minsi %max3A_185, %min3A_187 : vector<16xi32>
      %mul3A_189 = arith.constant 56 : i32
      %mul3A_190 = vector.broadcast %mul3A_189 : i32 to vector<16xi32>
      %mul3A_191 = arith.muli %min3A_182, %mul3A_190 : vector<16xi32>
      %add3A_192 = arith.addi %mul3A_191, %min3A_188 : vector<16xi32>
      %swap3A_193 = arith.constant 16 : index
      %swap3A_194 = tpu.vector_load %arg13[%swap3A_193] {strides = array<i32>} : memref<48xi32, #tpu.memory_space<vmem>>, vector<16xi32>,
      %swap3A_195 = vector.shape_cast %swap3A_194 : vector<16xi32> to vector<16xi32>
      %swap3A_196 = vector.shape_cast %add3A_192 : vector<16xi32> to vector<16xi32>
      tpu.vector_store %arg13[%swap3A_193], %swap3A_196 {strides = array<i32>} : memref<48xi32, #tpu.memory_space<vmem>>, vector<16xi32>,
      %mul3A_197 = arith.constant 1.250000e-01 : f32
      %mul3A_198 = vector.broadcast %mul3A_197 : f32 to vector<16xf32>
      %mul3A_199 = arith.mulf %get3A_163, %mul3A_198 : vector<16xf32>
      %convert_element_type3A_200 = arith.fptosi %mul3A_199 : vector<16xf32> to vector<16xi32>
      %mul3A_201 = arith.constant 1.250000e-01 : f32
      %mul3A_202 = vector.broadcast %mul3A_201 : f32 to vector<16xf32>
      %mul3A_203 = arith.mulf %get3A_168, %mul3A_202 : vector<16xf32>
      %convert_element_type3A_204 = arith.fptosi %mul3A_203 : vector<16xf32> to vector<16xi32>
      %max3A_205 = arith.constant 0 : i32
      %max3A_206 = vector.broadcast %max3A_205 : i32 to vector<16xi32>
      %max3A_207 = arith.maxsi %convert_element_type3A_200, %max3A_206 : vector<16xi32>
      %min3A_208 = arith.constant 27 : i32
      %min3A_209 = vector.broadcast %min3A_208 : i32 to vector<16xi32>
      %min3A_210 = arith.minsi %max3A_207, %min3A_209 : vector<16xi32>
      %max3A_211 = arith.constant 0 : i32
      %max3A_212 = vector.broadcast %max3A_211 : i32 to vector<16xi32>
      %max3A_213 = arith.maxsi %convert_element_type3A_204, %max3A_212 : vector<16xi32>
      %min3A_214 = arith.constant 27 : i32
      %min3A_215 = vector.broadcast %min3A_214 : i32 to vector<16xi32>
      %min3A_216 = arith.minsi %max3A_213, %min3A_215 : vector<16xi32>
      %mul3A_217 = arith.constant 28 : i32
      %mul3A_218 = vector.broadcast %mul3A_217 : i32 to vector<16xi32>
      %mul3A_219 = arith.muli %min3A_210, %mul3A_218 : vector<16xi32>
      %add3A_220 = arith.addi %mul3A_219, %min3A_216 : vector<16xi32>
      %swap3A_221 = arith.constant 16 : index
      %swap3A_222 = tpu.vector_load %arg14[%swap3A_221] {strides = array<i32>} : memref<48xi32, #tpu.memory_space<vmem>>, vector<16xi32>,
      %swap3A_223 = vector.shape_cast %swap3A_222 : vector<16xi32> to vector<16xi32>
      %swap3A_224 = vector.shape_cast %add3A_220 : vector<16xi32> to vector<16xi32>
      tpu.vector_store %arg14[%swap3A_221], %swap3A_224 {strides = array<i32>} : memref<48xi32, #tpu.memory_space<vmem>>, vector<16xi32>,
      %mul3A_225 = arith.constant 6.250000e-02 : f32
      %mul3A_226 = vector.broadcast %mul3A_225 : f32 to vector<16xf32>
      %mul3A_227 = arith.mulf %get3A_163, %mul3A_226 : vector<16xf32>
      %convert_element_type3A_228 = arith.fptosi %mul3A_227 : vector<16xf32> to vector<16xi32>
      %mul3A_229 = arith.constant 6.250000e-02 : f32
      %mul3A_230 = vector.broadcast %mul3A_229 : f32 to vector<16xf32>
      %mul3A_231 = arith.mulf %get3A_168, %mul3A_230 : vector<16xf32>
      %convert_element_type3A_232 = arith.fptosi %mul3A_231 : vector<16xf32> to vector<16xi32>
      %max3A_233 = arith.constant 0 : i32
      %max3A_234 = vector.broadcast %max3A_233 : i32 to vector<16xi32>
      %max3A_235 = arith.maxsi %convert_element_type3A_228, %max3A_234 : vector<16xi32>
      %min3A_236 = arith.constant 13 : i32
      %min3A_237 = vector.broadcast %min3A_236 : i32 to vector<16xi32>
      %min3A_238 = arith.minsi %max3A_235, %min3A_237 : vector<16xi32>
      %max3A_239 = arith.constant 0 : i32
      %max3A_240 = vector.broadcast %max3A_239 : i32 to vector<16xi32>
      %max3A_241 = arith.maxsi %convert_element_type3A_232, %max3A_240 : vector<16xi32>
      %min3A_242 = arith.constant 13 : i32
      %min3A_243 = vector.broadcast %min3A_242 : i32 to vector<16xi32>
      %min3A_244 = arith.minsi %max3A_241, %min3A_243 : vector<16xi32>
      %mul3A_245 = arith.constant 14 : i32
      %mul3A_246 = vector.broadcast %mul3A_245 : i32 to vector<16xi32>
      %mul3A_247 = arith.muli %min3A_238, %mul3A_246 : vector<16xi32>
      %add3A_248 = arith.addi %mul3A_247, %min3A_244 : vector<16xi32>
      %swap3A_249 = arith.constant 16 : index
      %swap3A_250 = tpu.vector_load %arg15[%swap3A_249] {strides = array<i32>} : memref<48xi32, #tpu.memory_space<vmem>>, vector<16xi32>,
      %swap3A_251 = vector.shape_cast %swap3A_250 : vector<16xi32> to vector<16xi32>
      %swap3A_252 = vector.shape_cast %add3A_248 : vector<16xi32> to vector<16xi32>
      tpu.vector_store %arg15[%swap3A_249], %swap3A_252 {strides = array<i32>} : memref<48xi32, #tpu.memory_space<vmem>>, vector<16xi32>,
      %mul3A_253 = arith.constant 3.125000e-02 : f32
      %mul3A_254 = vector.broadcast %mul3A_253 : f32 to vector<16xf32>
      %mul3A_255 = arith.mulf %get3A_163, %mul3A_254 : vector<16xf32>
      %convert_element_type3A_256 = arith.fptosi %mul3A_255 : vector<16xf32> to vector<16xi32>
      %mul3A_257 = arith.constant 3.125000e-02 : f32
      %mul3A_258 = vector.broadcast %mul3A_257 : f32 to vector<16xf32>
      %mul3A_259 = arith.mulf %get3A_168, %mul3A_258 : vector<16xf32>
      %convert_element_type3A_260 = arith.fptosi %mul3A_259 : vector<16xf32> to vector<16xi32>
      %max3A_261 = arith.constant 0 : i32
      %max3A_262 = vector.broadcast %max3A_261 : i32 to vector<16xi32>
      %max3A_263 = arith.maxsi %convert_element_type3A_256, %max3A_262 : vector<16xi32>
      %min3A_264 = arith.constant 6 : i32
      %min3A_265 = vector.broadcast %min3A_264 : i32 to vector<16xi32>
      %min3A_266 = arith.minsi %max3A_263, %min3A_265 : vector<16xi32>
      %max3A_267 = arith.constant 0 : i32
      %max3A_268 = vector.broadcast %max3A_267 : i32 to vector<16xi32>
      %max3A_269 = arith.maxsi %convert_element_type3A_260, %max3A_268 : vector<16xi32>
      %min3A_270 = arith.constant 6 : i32
      %min3A_271 = vector.broadcast %min3A_270 : i32 to vector<16xi32>
      %min3A_272 = arith.minsi %max3A_269, %min3A_271 : vector<16xi32>
      %mul3A_273 = arith.constant 7 : i32
      %mul3A_274 = vector.broadcast %mul3A_273 : i32 to vector<16xi32>
      %mul3A_275 = arith.muli %min3A_266, %mul3A_274 : vector<16xi32>
      %add3A_276 = arith.addi %mul3A_275, %min3A_272 : vector<16xi32>
      %swap3A_277 = arith.constant 16 : index
      %swap3A_278 = tpu.vector_load %arg16[%swap3A_277] {strides = array<i32>} : memref<48xi32, #tpu.memory_space<vmem>>, vector<16xi32>,
      %swap3A_279 = vector.shape_cast %swap3A_278 : vector<16xi32> to vector<16xi32>
      %swap3A_280 = vector.shape_cast %add3A_276 : vector<16xi32> to vector<16xi32>
      tpu.vector_store %arg16[%swap3A_277], %swap3A_280 {strides = array<i32>} : memref<48xi32, #tpu.memory_space<vmem>>, vector<16xi32>,
      %add3A_281 = arith.constant 1600 : i32
      %add3A_282 = arith.addi %add3A_281, %mul3A_40 : i32
      %get3A_283 = arith.index_cast %add3A_282 : i32 to index
      %get3A_284 = tpu.vector_load %arg8[%get3A_283] {strides = array<i32>} : memref<2880xf32, #tpu.memory_space<vmem>>, vector<16xf32>,
      %get3A_285 = vector.shape_cast %get3A_284 : vector<16xf32> to vector<16xf32>
      %add3A_286 = arith.constant 2560 : i32
      %add3A_287 = arith.addi %add3A_286, %mul3A_40 : i32
      %get3A_288 = arith.index_cast %add3A_287 : i32 to index
      %get3A_289 = tpu.vector_load %arg8[%get3A_288] {strides = array<i32>} : memref<2880xf32, #tpu.memory_space<vmem>>, vector<16xf32>,
      %get3A_290 = vector.shape_cast %get3A_289 : vector<16xf32> to vector<16xf32>
      %mul3A_291 = arith.constant 2.500000e-01 : f32
      %mul3A_292 = vector.broadcast %mul3A_291 : f32 to vector<16xf32>
      %mul3A_293 = arith.mulf %get3A_285, %mul3A_292 : vector<16xf32>
      %convert_element_type3A_294 = arith.fptosi %mul3A_293 : vector<16xf32> to vector<16xi32>
      %mul3A_295 = arith.constant 2.500000e-01 : f32
      %mul3A_296 = vector.broadcast %mul3A_295 : f32 to vector<16xf32>
      %mul3A_297 = arith.mulf %get3A_290, %mul3A_296 : vector<16xf32>
      %convert_element_type3A_298 = arith.fptosi %mul3A_297 : vector<16xf32> to vector<16xi32>
      %max3A_299 = arith.constant 0 : i32
      %max3A_300 = vector.broadcast %max3A_299 : i32 to vector<16xi32>
      %max3A_301 = arith.maxsi %convert_element_type3A_294, %max3A_300 : vector<16xi32>
      %min3A_302 = arith.constant 55 : i32
      %min3A_303 = vector.broadcast %min3A_302 : i32 to vector<16xi32>
      %min3A_304 = arith.minsi %max3A_301, %min3A_303 : vector<16xi32>
      %max3A_305 = arith.constant 0 : i32
      %max3A_306 = vector.broadcast %max3A_305 : i32 to vector<16xi32>
      %max3A_307 = arith.maxsi %convert_element_type3A_298, %max3A_306 : vector<16xi32>
      %min3A_308 = arith.constant 55 : i32
      %min3A_309 = vector.broadcast %min3A_308 : i32 to vector<16xi32>
      %min3A_310 = arith.minsi %max3A_307, %min3A_309 : vector<16xi32>
      %mul3A_311 = arith.constant 56 : i32
      %mul3A_312 = vector.broadcast %mul3A_311 : i32 to vector<16xi32>
      %mul3A_313 = arith.muli %min3A_304, %mul3A_312 : vector<16xi32>
      %add3A_314 = arith.addi %mul3A_313, %min3A_310 : vector<16xi32>
      %swap3A_315 = arith.constant 32 : index
      %swap3A_316 = tpu.vector_load %arg13[%swap3A_315] {strides = array<i32>} : memref<48xi32, #tpu.memory_space<vmem>>, vector<16xi32>,
      %swap3A_317 = vector.shape_cast %swap3A_316 : vector<16xi32> to vector<16xi32>
      %swap3A_318 = vector.shape_cast %add3A_314 : vector<16xi32> to vector<16xi32>
      tpu.vector_store %arg13[%swap3A_315], %swap3A_318 {strides = array<i32>} : memref<48xi32, #tpu.memory_space<vmem>>, vector<16xi32>,
      %mul3A_319 = arith.constant 1.250000e-01 : f32
      %mul3A_320 = vector.broadcast %mul3A_319 : f32 to vector<16xf32>
      %mul3A_321 = arith.mulf %get3A_285, %mul3A_320 : vector<16xf32>
      %convert_element_type3A_322 = arith.fptosi %mul3A_321 : vector<16xf32> to vector<16xi32>
      %mul3A_323 = arith.constant 1.250000e-01 : f32
      %mul3A_324 = vector.broadcast %mul3A_323 : f32 to vector<16xf32>
      %mul3A_325 = arith.mulf %get3A_290, %mul3A_324 : vector<16xf32>
      %convert_element_type3A_326 = arith.fptosi %mul3A_325 : vector<16xf32> to vector<16xi32>
      %max3A_327 = arith.constant 0 : i32
      %max3A_328 = vector.broadcast %max3A_327 : i32 to vector<16xi32>
      %max3A_329 = arith.maxsi %convert_element_type3A_322, %max3A_328 : vector<16xi32>
      %min3A_330 = arith.constant 27 : i32
      %min3A_331 = vector.broadcast %min3A_330 : i32 to vector<16xi32>
      %min3A_332 = arith.minsi %max3A_329, %min3A_331 : vector<16xi32>
      %max3A_333 = arith.constant 0 : i32
      %max3A_334 = vector.broadcast %max3A_333 : i32 to vector<16xi32>
      %max3A_335 = arith.maxsi %convert_element_type3A_326, %max3A_334 : vector<16xi32>
      %min3A_336 = arith.constant 27 : i32
      %min3A_337 = vector.broadcast %min3A_336 : i32 to vector<16xi32>
      %min3A_338 = arith.minsi %max3A_335, %min3A_337 : vector<16xi32>
      %mul3A_339 = arith.constant 28 : i32
      %mul3A_340 = vector.broadcast %mul3A_339 : i32 to vector<16xi32>
      %mul3A_341 = arith.muli %min3A_332, %mul3A_340 : vector<16xi32>
      %add3A_342 = arith.addi %mul3A_341, %min3A_338 : vector<16xi32>
      %swap3A_343 = arith.constant 32 : index
      %swap3A_344 = tpu.vector_load %arg14[%swap3A_343] {strides = array<i32>} : memref<48xi32, #tpu.memory_space<vmem>>, vector<16xi32>,
      %swap3A_345 = vector.shape_cast %swap3A_344 : vector<16xi32> to vector<16xi32>
      %swap3A_346 = vector.shape_cast %add3A_342 : vector<16xi32> to vector<16xi32>
      tpu.vector_store %arg14[%swap3A_343], %swap3A_346 {strides = array<i32>} : memref<48xi32, #tpu.memory_space<vmem>>, vector<16xi32>,
      %mul3A_347 = arith.constant 6.250000e-02 : f32
      %mul3A_348 = vector.broadcast %mul3A_347 : f32 to vector<16xf32>
      %mul3A_349 = arith.mulf %get3A_285, %mul3A_348 : vector<16xf32>
      %convert_element_type3A_350 = arith.fptosi %mul3A_349 : vector<16xf32> to vector<16xi32>
      %mul3A_351 = arith.constant 6.250000e-02 : f32
      %mul3A_352 = vector.broadcast %mul3A_351 : f32 to vector<16xf32>
      %mul3A_353 = arith.mulf %get3A_290, %mul3A_352 : vector<16xf32>
      %convert_element_type3A_354 = arith.fptosi %mul3A_353 : vector<16xf32> to vector<16xi32>
      %max3A_355 = arith.constant 0 : i32
      %max3A_356 = vector.broadcast %max3A_355 : i32 to vector<16xi32>
      %max3A_357 = arith.maxsi %convert_element_type3A_350, %max3A_356 : vector<16xi32>
      %min3A_358 = arith.constant 13 : i32
      %min3A_359 = vector.broadcast %min3A_358 : i32 to vector<16xi32>
      %min3A_360 = arith.minsi %max3A_357, %min3A_359 : vector<16xi32>
      %max3A_361 = arith.constant 0 : i32
      %max3A_362 = vector.broadcast %max3A_361 : i32 to vector<16xi32>
      %max3A_363 = arith.maxsi %convert_element_type3A_354, %max3A_362 : vector<16xi32>
      %min3A_364 = arith.constant 13 : i32
      %min3A_365 = vector.broadcast %min3A_364 : i32 to vector<16xi32>
      %min3A_366 = arith.minsi %max3A_363, %min3A_365 : vector<16xi32>
      %mul3A_367 = arith.constant 14 : i32
      %mul3A_368 = vector.broadcast %mul3A_367 : i32 to vector<16xi32>
      %mul3A_369 = arith.muli %min3A_360, %mul3A_368 : vector<16xi32>
      %add3A_370 = arith.addi %mul3A_369, %min3A_366 : vector<16xi32>
      %swap3A_371 = arith.constant 32 : index
      %swap3A_372 = tpu.vector_load %arg15[%swap3A_371] {strides = array<i32>} : memref<48xi32, #tpu.memory_space<vmem>>, vector<16xi32>,
      %swap3A_373 = vector.shape_cast %swap3A_372 : vector<16xi32> to vector<16xi32>
      %swap3A_374 = vector.shape_cast %add3A_370 : vector<16xi32> to vector<16xi32>
      tpu.vector_store %arg15[%swap3A_371], %swap3A_374 {strides = array<i32>} : memref<48xi32, #tpu.memory_space<vmem>>, vector<16xi32>,
      %mul3A_375 = arith.constant 3.125000e-02 : f32
      %mul3A_376 = vector.broadcast %mul3A_375 : f32 to vector<16xf32>
      %mul3A_377 = arith.mulf %get3A_285, %mul3A_376 : vector<16xf32>
      %convert_element_type3A_378 = arith.fptosi %mul3A_377 : vector<16xf32> to vector<16xi32>
      %mul3A_379 = arith.constant 3.125000e-02 : f32
      %mul3A_380 = vector.broadcast %mul3A_379 : f32 to vector<16xf32>
      %mul3A_381 = arith.mulf %get3A_290, %mul3A_380 : vector<16xf32>
      %convert_element_type3A_382 = arith.fptosi %mul3A_381 : vector<16xf32> to vector<16xi32>
      %max3A_383 = arith.constant 0 : i32
      %max3A_384 = vector.broadcast %max3A_383 : i32 to vector<16xi32>
      %max3A_385 = arith.maxsi %convert_element_type3A_378, %max3A_384 : vector<16xi32>
      %min3A_386 = arith.constant 6 : i32
      %min3A_387 = vector.broadcast %min3A_386 : i32 to vector<16xi32>
      %min3A_388 = arith.minsi %max3A_385, %min3A_387 : vector<16xi32>
      %max3A_389 = arith.constant 0 : i32
      %max3A_390 = vector.broadcast %max3A_389 : i32 to vector<16xi32>
      %max3A_391 = arith.maxsi %convert_element_type3A_382, %max3A_390 : vector<16xi32>
      %min3A_392 = arith.constant 6 : i32
      %min3A_393 = vector.broadcast %min3A_392 : i32 to vector<16xi32>
      %min3A_394 = arith.minsi %max3A_391, %min3A_393 : vector<16xi32>
      %mul3A_395 = arith.constant 7 : i32
      %mul3A_396 = vector.broadcast %mul3A_395 : i32 to vector<16xi32>
      %mul3A_397 = arith.muli %min3A_388, %mul3A_396 : vector<16xi32>
      %add3A_398 = arith.addi %mul3A_397, %min3A_394 : vector<16xi32>
      %swap3A_399 = arith.constant 32 : index
      %swap3A_400 = tpu.vector_load %arg16[%swap3A_399] {strides = array<i32>} : memref<48xi32, #tpu.memory_space<vmem>>, vector<16xi32>,
      %swap3A_401 = vector.shape_cast %swap3A_400 : vector<16xi32> to vector<16xi32>
      %swap3A_402 = vector.shape_cast %add3A_398 : vector<16xi32> to vector<16xi32>
      tpu.vector_store %arg16[%swap3A_399], %swap3A_402 {strides = array<i32>} : memref<48xi32, #tpu.memory_space<vmem>>, vector<16xi32>,
      %dma_start3A = arith.constant 0 : i32
      %dma_start3A_403 = arith.constant 0 : i32
      %dma_start3A_404 = tpu.memref_slice %arg3[%dma_start3A, %dma_start3A_403] : memref<3136x128xf32, #tpu.memory_space<hbm>> -> memref<3136x128xf32, #tpu.memory_space<hbm>>
      tpu.enqueue_indirect_dma source(%dma_start3A_404 : memref<3136x128xf32, #tpu.memory_space<hbm>>) target(%arg9 : memref<48x128xf32, #tpu.memory_space<vmem>>) offsets(%arg13 : memref<48xi32, #tpu.memory_space<vmem>>) semaphore(%arg19 : memref<!tpu.dma_semaphore, #tpu.memory_space<semaphore_mem>>)
      %dma_start3A_405 = arith.constant 0 : i32
      %dma_start3A_406 = arith.constant 0 : i32
      %dma_start3A_407 = tpu.memref_slice %arg4[%dma_start3A_405, %dma_start3A_406] : memref<784x128xf32, #tpu.memory_space<hbm>> -> memref<784x128xf32, #tpu.memory_space<hbm>>
      tpu.enqueue_indirect_dma source(%dma_start3A_407 : memref<784x128xf32, #tpu.memory_space<hbm>>) target(%arg10 : memref<48x128xf32, #tpu.memory_space<vmem>>) offsets(%arg14 : memref<48xi32, #tpu.memory_space<vmem>>) semaphore(%arg20 : memref<!tpu.dma_semaphore, #tpu.memory_space<semaphore_mem>>)
      %dma_start3A_408 = arith.constant 0 : i32
      %dma_start3A_409 = arith.constant 0 : i32
      %dma_start3A_410 = tpu.memref_slice %arg5[%dma_start3A_408, %dma_start3A_409] : memref<196x256xf32, #tpu.memory_space<hbm>> -> memref<196x256xf32, #tpu.memory_space<hbm>>
      tpu.enqueue_indirect_dma source(%dma_start3A_410 : memref<196x256xf32, #tpu.memory_space<hbm>>) target(%arg11 : memref<48x256xf32, #tpu.memory_space<vmem>>) offsets(%arg15 : memref<48xi32, #tpu.memory_space<vmem>>) semaphore(%arg21 : memref<!tpu.dma_semaphore, #tpu.memory_space<semaphore_mem>>)
      %dma_start3A_411 = arith.constant 0 : i32
      %dma_start3A_412 = arith.constant 0 : i32
      %dma_start3A_413 = tpu.memref_slice %arg6[%dma_start3A_411, %dma_start3A_412] : memref<49x512xf32, #tpu.memory_space<hbm>> -> memref<49x512xf32, #tpu.memory_space<hbm>>
      tpu.enqueue_indirect_dma source(%dma_start3A_413 : memref<49x512xf32, #tpu.memory_space<hbm>>) target(%arg12 : memref<48x512xf32, #tpu.memory_space<vmem>>) offsets(%arg16 : memref<48xi32, #tpu.memory_space<vmem>>) semaphore(%arg22 : memref<!tpu.dma_semaphore, #tpu.memory_space<semaphore_mem>>)
      %dma_wait3A = arith.constant 0 : i32
      %dma_wait3A_414 = arith.constant 0 : i32
      %dma_wait3A_415 = tpu.memref_slice %arg3[%dma_wait3A, %dma_wait3A_414] : memref<3136x128xf32, #tpu.memory_space<hbm>> -> memref<3136x128xf32, #tpu.memory_space<hbm>>
      tpu.wait_indirect_dma semaphore(%arg19 : memref<!tpu.dma_semaphore, #tpu.memory_space<semaphore_mem>>) src(%dma_wait3A_415 : memref<3136x128xf32, #tpu.memory_space<hbm>>) dst(%arg9 : memref<48x128xf32, #tpu.memory_space<vmem>>)
      %dma_wait3A_416 = arith.constant 0 : i32
      %dma_wait3A_417 = arith.constant 0 : i32
      %dma_wait3A_418 = tpu.memref_slice %arg4[%dma_wait3A_416, %dma_wait3A_417] : memref<784x128xf32, #tpu.memory_space<hbm>> -> memref<784x128xf32, #tpu.memory_space<hbm>>
      tpu.wait_indirect_dma semaphore(%arg20 : memref<!tpu.dma_semaphore, #tpu.memory_space<semaphore_mem>>) src(%dma_wait3A_418 : memref<784x128xf32, #tpu.memory_space<hbm>>) dst(%arg10 : memref<48x128xf32, #tpu.memory_space<vmem>>)
      %dma_wait3A_419 = arith.constant 0 : i32
      %dma_wait3A_420 = arith.constant 0 : i32
      %dma_wait3A_421 = tpu.memref_slice %arg5[%dma_wait3A_419, %dma_wait3A_420] : memref<196x256xf32, #tpu.memory_space<hbm>> -> memref<196x256xf32, #tpu.memory_space<hbm>>
      tpu.wait_indirect_dma semaphore(%arg21 : memref<!tpu.dma_semaphore, #tpu.memory_space<semaphore_mem>>) src(%dma_wait3A_421 : memref<196x256xf32, #tpu.memory_space<hbm>>) dst(%arg11 : memref<48x256xf32, #tpu.memory_space<vmem>>)
      %dma_wait3A_422 = arith.constant 0 : i32
      %dma_wait3A_423 = arith.constant 0 : i32
      %dma_wait3A_424 = tpu.memref_slice %arg6[%dma_wait3A_422, %dma_wait3A_423] : memref<49x512xf32, #tpu.memory_space<hbm>> -> memref<49x512xf32, #tpu.memory_space<hbm>>
      tpu.wait_indirect_dma semaphore(%arg22 : memref<!tpu.dma_semaphore, #tpu.memory_space<semaphore_mem>>) src(%dma_wait3A_424 : memref<49x512xf32, #tpu.memory_space<hbm>>) dst(%arg12 : memref<48x512xf32, #tpu.memory_space<vmem>>)
      %scan3A = arith.constant 0 : i32
      %scan3A_425 = arith.constant 0 : i32
      %scan3A_426 = arith.constant 16 : i32
      %scan3A_427 = arith.addi %scan3A_425, %scan3A_426 : i32
      %scan3A_428 = arith.constant 1 : i32
      %scan3A_429 = scf.for %scan3A_957 = %scan3A_425 to %scan3A_427 step %scan3A_428 iter_args(%scan3A_958 = %scan3A) -> (i32)  : i32 {
        %parallel_loop3A = arith.constant 0 : i32
        %parallel_loop3A_959 = arith.constant 4 : i32
        %parallel_loop3A_960 = arith.constant 1 : i32
        scf.for %parallel_loop3A_986 = %parallel_loop3A to %parallel_loop3A_959 step %parallel_loop3A_960  : i32 {
          %parallel_loop3A_987 = arith.constant 16 : i32
          %parallel_loop3A_988 = arith.muli %parallel_loop3A_986, %parallel_loop3A_987 : i32
          %parallel_loop3A_989 = arith.index_cast %scan3A_957 : i32 to index
          %parallel_loop3A_990 = arith.index_cast %parallel_loop3A_988 : i32 to index
          %parallel_loop3A_991 = tpu.vector_load %arg9[%parallel_loop3A_989, %parallel_loop3A_990] {strides = array<i32>} : memref<48x128xf32, #tpu.memory_space<vmem>>, vector<1x16xf32>,
          %parallel_loop3A_992 = vector.shape_cast %parallel_loop3A_991 : vector<1x16xf32> to vector<16xf32>
          %parallel_loop3A_993 = arith.constant 16 : i32
          %parallel_loop3A_994 = arith.addi %parallel_loop3A_993, %scan3A_957 : i32
          %parallel_loop3A_995 = arith.index_cast %parallel_loop3A_994 : i32 to index
          %parallel_loop3A_996 = arith.index_cast %parallel_loop3A_988 : i32 to index
          %parallel_loop3A_997 = tpu.vector_load %arg9[%parallel_loop3A_995, %parallel_loop3A_996] {strides = array<i32>} : memref<48x128xf32, #tpu.memory_space<vmem>>, vector<1x16xf32>,
          %parallel_loop3A_998 = vector.shape_cast %parallel_loop3A_997 : vector<1x16xf32> to vector<16xf32>
          %parallel_loop3A_999 = arith.constant 32 : i32
          %parallel_loop3A_1000 = arith.addi %parallel_loop3A_999, %scan3A_957 : i32
          %parallel_loop3A_1001 = arith.index_cast %parallel_loop3A_1000 : i32 to index
          %parallel_loop3A_1002 = arith.index_cast %parallel_loop3A_988 : i32 to index
          %parallel_loop3A_1003 = tpu.vector_load %arg9[%parallel_loop3A_1001, %parallel_loop3A_1002] {strides = array<i32>} : memref<48x128xf32, #tpu.memory_space<vmem>>, vector<1x16xf32>,
          %parallel_loop3A_1004 = vector.shape_cast %parallel_loop3A_1003 : vector<1x16xf32> to vector<16xf32>
          %parallel_loop3A_1005 = arith.maximumf %parallel_loop3A_992, %parallel_loop3A_998 : vector<16xf32>
          %parallel_loop3A_1006 = arith.maximumf %parallel_loop3A_1005, %parallel_loop3A_1004 : vector<16xf32>
          %parallel_loop3A_1007 = arith.addf %parallel_loop3A_992, %parallel_loop3A_998 : vector<16xf32>
          %parallel_loop3A_1008 = arith.addf %parallel_loop3A_1007, %parallel_loop3A_1004 : vector<16xf32>
          %parallel_loop3A_1009 = arith.constant 0.333333343 : f32
          %parallel_loop3A_1010 = vector.broadcast %parallel_loop3A_1009 : f32 to vector<16xf32>
          %parallel_loop3A_1011 = arith.mulf %parallel_loop3A_1008, %parallel_loop3A_1010 : vector<16xf32>
          %parallel_loop3A_1012 = arith.subf %parallel_loop3A_992, %parallel_loop3A_1011 : vector<16xf32>
          %parallel_loop3A_1013 = arith.subf %parallel_loop3A_998, %parallel_loop3A_1011 : vector<16xf32>
          %parallel_loop3A_1014 = arith.subf %parallel_loop3A_1004, %parallel_loop3A_1011 : vector<16xf32>
          %parallel_loop3A_1015 = arith.mulf %parallel_loop3A_1012, %parallel_loop3A_1012 : vector<16xf32>
          %parallel_loop3A_1016 = arith.mulf %parallel_loop3A_1013, %parallel_loop3A_1013 : vector<16xf32>
          %parallel_loop3A_1017 = arith.addf %parallel_loop3A_1015, %parallel_loop3A_1016 : vector<16xf32>
          %parallel_loop3A_1018 = arith.mulf %parallel_loop3A_1014, %parallel_loop3A_1014 : vector<16xf32>
          %parallel_loop3A_1019 = arith.addf %parallel_loop3A_1017, %parallel_loop3A_1018 : vector<16xf32>
          %parallel_loop3A_1020 = arith.constant 0.333333343 : f32
          %parallel_loop3A_1021 = vector.broadcast %parallel_loop3A_1020 : f32 to vector<16xf32>
          %parallel_loop3A_1022 = arith.mulf %parallel_loop3A_1019, %parallel_loop3A_1021 : vector<16xf32>
          %parallel_loop3A_1023 = tpu.bitcast %parallel_loop3A_1022 : vector<16xf32> -> vector<16xi32>
          %parallel_loop3A_1024 = arith.constant 1 : i32
          %parallel_loop3A_1025 = vector.broadcast %parallel_loop3A_1024 : i32 to vector<16xi32>
          %parallel_loop3A_1026 = arith.shrsi %parallel_loop3A_1023, %parallel_loop3A_1025 : vector<16xi32>
          %parallel_loop3A_1027 = arith.constant 1597463007 : i32
          %parallel_loop3A_1028 = vector.broadcast %parallel_loop3A_1027 : i32 to vector<16xi32>
          %parallel_loop3A_1029 = arith.subi %parallel_loop3A_1028, %parallel_loop3A_1026 : vector<16xi32>
          %parallel_loop3A_1030 = tpu.bitcast %parallel_loop3A_1029 : vector<16xi32> -> vector<16xf32>
          %parallel_loop3A_1031 = arith.constant 5.000000e-01 : f32
          %parallel_loop3A_1032 = vector.broadcast %parallel_loop3A_1031 : f32 to vector<16xf32>
          %parallel_loop3A_1033 = arith.mulf %parallel_loop3A_1022, %parallel_loop3A_1032 : vector<16xf32>
          %parallel_loop3A_1034 = arith.mulf %parallel_loop3A_1033, %parallel_loop3A_1030 : vector<16xf32>
          %parallel_loop3A_1035 = arith.mulf %parallel_loop3A_1034, %parallel_loop3A_1030 : vector<16xf32>
          %parallel_loop3A_1036 = arith.constant 1.500000e+00 : f32
          %parallel_loop3A_1037 = vector.broadcast %parallel_loop3A_1036 : f32 to vector<16xf32>
          %parallel_loop3A_1038 = arith.subf %parallel_loop3A_1037, %parallel_loop3A_1035 : vector<16xf32>
          %parallel_loop3A_1039 = arith.mulf %parallel_loop3A_1030, %parallel_loop3A_1038 : vector<16xf32>
          %parallel_loop3A_1040 = arith.mulf %parallel_loop3A_1033, %parallel_loop3A_1039 : vector<16xf32>
          %parallel_loop3A_1041 = arith.mulf %parallel_loop3A_1040, %parallel_loop3A_1039 : vector<16xf32>
          %parallel_loop3A_1042 = arith.constant 1.500000e+00 : f32
          %parallel_loop3A_1043 = vector.broadcast %parallel_loop3A_1042 : f32 to vector<16xf32>
          %parallel_loop3A_1044 = arith.subf %parallel_loop3A_1043, %parallel_loop3A_1041 : vector<16xf32>
          %parallel_loop3A_1045 = arith.mulf %parallel_loop3A_1039, %parallel_loop3A_1044 : vector<16xf32>
          %parallel_loop3A_1046 = arith.mulf %parallel_loop3A_1022, %parallel_loop3A_1045 : vector<16xf32>
          %parallel_loop3A_1047 = arith.constant 16 : i32
          %parallel_loop3A_1048 = arith.muli %parallel_loop3A_986, %parallel_loop3A_1047 : i32
          %parallel_loop3A_1049 = arith.constant 0 : i32
          %parallel_loop3A_1050 = arith.addi %parallel_loop3A_1049, %parallel_loop3A_1048 : i32
          %parallel_loop3A_1051 = arith.constant 3 : i32
          %parallel_loop3A_1052 = arith.addi %parallel_loop3A_1050, %parallel_loop3A_1051 : i32
          %parallel_loop3A_1053 = arith.index_cast %parallel_loop3A_1052 : i32 to index
          %parallel_loop3A_1054 = tpu.vector_load %arg17[%parallel_loop3A_1053] {strides = array<i32>} : memref<2896xf32, #tpu.memory_space<vmem>>, vector<16xf32>,
          %parallel_loop3A_1055 = vector.shape_cast %parallel_loop3A_1054 : vector<16xf32> to vector<16xf32>
          %parallel_loop3A_1056 = vector.shape_cast %parallel_loop3A_1006 : vector<16xf32> to vector<16xf32>
          tpu.vector_store %arg17[%parallel_loop3A_1053], %parallel_loop3A_1056 {strides = array<i32>} : memref<2896xf32, #tpu.memory_space<vmem>>, vector<16xf32>,
          %parallel_loop3A_1057 = arith.constant 3 : i32
          %parallel_loop3A_1058 = arith.addi %parallel_loop3A_1050, %parallel_loop3A_1057 : i32
          %parallel_loop3A_1059 = arith.constant 960 : i32
          %parallel_loop3A_1060 = arith.addi %parallel_loop3A_1058, %parallel_loop3A_1059 : i32
          %parallel_loop3A_1061 = arith.index_cast %parallel_loop3A_1060 : i32 to index
          %parallel_loop3A_1062 = tpu.vector_load %arg17[%parallel_loop3A_1061] {strides = array<i32>} : memref<2896xf32, #tpu.memory_space<vmem>>, vector<16xf32>,
          %parallel_loop3A_1063 = vector.shape_cast %parallel_loop3A_1062 : vector<16xf32> to vector<16xf32>
          %parallel_loop3A_1064 = vector.shape_cast %parallel_loop3A_1011 : vector<16xf32> to vector<16xf32>
          tpu.vector_store %arg17[%parallel_loop3A_1061], %parallel_loop3A_1064 {strides = array<i32>} : memref<2896xf32, #tpu.memory_space<vmem>>, vector<16xf32>,
          %parallel_loop3A_1065 = arith.constant 3 : i32
          %parallel_loop3A_1066 = arith.addi %parallel_loop3A_1050, %parallel_loop3A_1065 : i32
          %parallel_loop3A_1067 = arith.constant 1920 : i32
          %parallel_loop3A_1068 = arith.addi %parallel_loop3A_1066, %parallel_loop3A_1067 : i32
          %parallel_loop3A_1069 = arith.index_cast %parallel_loop3A_1068 : i32 to index
          %parallel_loop3A_1070 = tpu.vector_load %arg17[%parallel_loop3A_1069] {strides = array<i32>} : memref<2896xf32, #tpu.memory_space<vmem>>, vector<16xf32>,
          %parallel_loop3A_1071 = vector.shape_cast %parallel_loop3A_1070 : vector<16xf32> to vector<16xf32>
          %parallel_loop3A_1072 = vector.shape_cast %parallel_loop3A_1046 : vector<16xf32> to vector<16xf32>
          tpu.vector_store %arg17[%parallel_loop3A_1069], %parallel_loop3A_1072 {strides = array<i32>} : memref<2896xf32, #tpu.memory_space<vmem>>, vector<16xf32>,
        } {sc.loop_unroll_factor = 4 : i64, sc.parallel_access}
        %parallel_loop3A_961 = arith.constant 0 : i32
        %parallel_loop3A_962 = arith.constant 8 : i32
        %parallel_loop3A_963 = arith.constant 1 : i32
        scf.for %parallel_loop3A_986 = %parallel_loop3A_961 to %parallel_loop3A_962 step %parallel_loop3A_963  : i32 {
          %parallel_loop3A_987 = arith.constant 16 : i32
          %parallel_loop3A_988 = arith.muli %parallel_loop3A_986, %parallel_loop3A_987 : i32
          %parallel_loop3A_989 = arith.index_cast %scan3A_957 : i32 to index
          %parallel_loop3A_990 = arith.index_cast %parallel_loop3A_988 : i32 to index
          %parallel_loop3A_991 = tpu.vector_load %arg10[%parallel_loop3A_989, %parallel_loop3A_990] {strides = array<i32>} : memref<48x128xf32, #tpu.memory_space<vmem>>, vector<1x16xf32>,
          %parallel_loop3A_992 = vector.shape_cast %parallel_loop3A_991 : vector<1x16xf32> to vector<16xf32>
          %parallel_loop3A_993 = arith.constant 16 : i32
          %parallel_loop3A_994 = arith.addi %parallel_loop3A_993, %scan3A_957 : i32
          %parallel_loop3A_995 = arith.index_cast %parallel_loop3A_994 : i32 to index
          %parallel_loop3A_996 = arith.index_cast %parallel_loop3A_988 : i32 to index
          %parallel_loop3A_997 = tpu.vector_load %arg10[%parallel_loop3A_995, %parallel_loop3A_996] {strides = array<i32>} : memref<48x128xf32, #tpu.memory_space<vmem>>, vector<1x16xf32>,
          %parallel_loop3A_998 = vector.shape_cast %parallel_loop3A_997 : vector<1x16xf32> to vector<16xf32>
          %parallel_loop3A_999 = arith.constant 32 : i32
          %parallel_loop3A_1000 = arith.addi %parallel_loop3A_999, %scan3A_957 : i32
          %parallel_loop3A_1001 = arith.index_cast %parallel_loop3A_1000 : i32 to index
          %parallel_loop3A_1002 = arith.index_cast %parallel_loop3A_988 : i32 to index
          %parallel_loop3A_1003 = tpu.vector_load %arg10[%parallel_loop3A_1001, %parallel_loop3A_1002] {strides = array<i32>} : memref<48x128xf32, #tpu.memory_space<vmem>>, vector<1x16xf32>,
          %parallel_loop3A_1004 = vector.shape_cast %parallel_loop3A_1003 : vector<1x16xf32> to vector<16xf32>
          %parallel_loop3A_1005 = arith.maximumf %parallel_loop3A_992, %parallel_loop3A_998 : vector<16xf32>
          %parallel_loop3A_1006 = arith.maximumf %parallel_loop3A_1005, %parallel_loop3A_1004 : vector<16xf32>
          %parallel_loop3A_1007 = arith.addf %parallel_loop3A_992, %parallel_loop3A_998 : vector<16xf32>
          %parallel_loop3A_1008 = arith.addf %parallel_loop3A_1007, %parallel_loop3A_1004 : vector<16xf32>
          %parallel_loop3A_1009 = arith.constant 0.333333343 : f32
          %parallel_loop3A_1010 = vector.broadcast %parallel_loop3A_1009 : f32 to vector<16xf32>
          %parallel_loop3A_1011 = arith.mulf %parallel_loop3A_1008, %parallel_loop3A_1010 : vector<16xf32>
          %parallel_loop3A_1012 = arith.subf %parallel_loop3A_992, %parallel_loop3A_1011 : vector<16xf32>
          %parallel_loop3A_1013 = arith.subf %parallel_loop3A_998, %parallel_loop3A_1011 : vector<16xf32>
          %parallel_loop3A_1014 = arith.subf %parallel_loop3A_1004, %parallel_loop3A_1011 : vector<16xf32>
          %parallel_loop3A_1015 = arith.mulf %parallel_loop3A_1012, %parallel_loop3A_1012 : vector<16xf32>
          %parallel_loop3A_1016 = arith.mulf %parallel_loop3A_1013, %parallel_loop3A_1013 : vector<16xf32>
          %parallel_loop3A_1017 = arith.addf %parallel_loop3A_1015, %parallel_loop3A_1016 : vector<16xf32>
          %parallel_loop3A_1018 = arith.mulf %parallel_loop3A_1014, %parallel_loop3A_1014 : vector<16xf32>
          %parallel_loop3A_1019 = arith.addf %parallel_loop3A_1017, %parallel_loop3A_1018 : vector<16xf32>
          %parallel_loop3A_1020 = arith.constant 0.333333343 : f32
          %parallel_loop3A_1021 = vector.broadcast %parallel_loop3A_1020 : f32 to vector<16xf32>
          %parallel_loop3A_1022 = arith.mulf %parallel_loop3A_1019, %parallel_loop3A_1021 : vector<16xf32>
          %parallel_loop3A_1023 = tpu.bitcast %parallel_loop3A_1022 : vector<16xf32> -> vector<16xi32>
          %parallel_loop3A_1024 = arith.constant 1 : i32
          %parallel_loop3A_1025 = vector.broadcast %parallel_loop3A_1024 : i32 to vector<16xi32>
          %parallel_loop3A_1026 = arith.shrsi %parallel_loop3A_1023, %parallel_loop3A_1025 : vector<16xi32>
          %parallel_loop3A_1027 = arith.constant 1597463007 : i32
          %parallel_loop3A_1028 = vector.broadcast %parallel_loop3A_1027 : i32 to vector<16xi32>
          %parallel_loop3A_1029 = arith.subi %parallel_loop3A_1028, %parallel_loop3A_1026 : vector<16xi32>
          %parallel_loop3A_1030 = tpu.bitcast %parallel_loop3A_1029 : vector<16xi32> -> vector<16xf32>
          %parallel_loop3A_1031 = arith.constant 5.000000e-01 : f32
          %parallel_loop3A_1032 = vector.broadcast %parallel_loop3A_1031 : f32 to vector<16xf32>
          %parallel_loop3A_1033 = arith.mulf %parallel_loop3A_1022, %parallel_loop3A_1032 : vector<16xf32>
          %parallel_loop3A_1034 = arith.mulf %parallel_loop3A_1033, %parallel_loop3A_1030 : vector<16xf32>
          %parallel_loop3A_1035 = arith.mulf %parallel_loop3A_1034, %parallel_loop3A_1030 : vector<16xf32>
          %parallel_loop3A_1036 = arith.constant 1.500000e+00 : f32
          %parallel_loop3A_1037 = vector.broadcast %parallel_loop3A_1036 : f32 to vector<16xf32>
          %parallel_loop3A_1038 = arith.subf %parallel_loop3A_1037, %parallel_loop3A_1035 : vector<16xf32>
          %parallel_loop3A_1039 = arith.mulf %parallel_loop3A_1030, %parallel_loop3A_1038 : vector<16xf32>
          %parallel_loop3A_1040 = arith.mulf %parallel_loop3A_1033, %parallel_loop3A_1039 : vector<16xf32>
          %parallel_loop3A_1041 = arith.mulf %parallel_loop3A_1040, %parallel_loop3A_1039 : vector<16xf32>
          %parallel_loop3A_1042 = arith.constant 1.500000e+00 : f32
          %parallel_loop3A_1043 = vector.broadcast %parallel_loop3A_1042 : f32 to vector<16xf32>
          %parallel_loop3A_1044 = arith.subf %parallel_loop3A_1043, %parallel_loop3A_1041 : vector<16xf32>
          %parallel_loop3A_1045 = arith.mulf %parallel_loop3A_1039, %parallel_loop3A_1044 : vector<16xf32>
          %parallel_loop3A_1046 = arith.mulf %parallel_loop3A_1022, %parallel_loop3A_1045 : vector<16xf32>
          %parallel_loop3A_1047 = arith.constant 16 : i32
          %parallel_loop3A_1048 = arith.muli %parallel_loop3A_986, %parallel_loop3A_1047 : i32
          %parallel_loop3A_1049 = arith.constant 64 : i32
          %parallel_loop3A_1050 = arith.addi %parallel_loop3A_1049, %parallel_loop3A_1048 : i32
          %parallel_loop3A_1051 = arith.constant 3 : i32
          %parallel_loop3A_1052 = arith.addi %parallel_loop3A_1050, %parallel_loop3A_1051 : i32
          %parallel_loop3A_1053 = arith.index_cast %parallel_loop3A_1052 : i32 to index
          %parallel_loop3A_1054 = tpu.vector_load %arg17[%parallel_loop3A_1053] {strides = array<i32>} : memref<2896xf32, #tpu.memory_space<vmem>>, vector<16xf32>,
          %parallel_loop3A_1055 = vector.shape_cast %parallel_loop3A_1054 : vector<16xf32> to vector<16xf32>
          %parallel_loop3A_1056 = vector.shape_cast %parallel_loop3A_1006 : vector<16xf32> to vector<16xf32>
          tpu.vector_store %arg17[%parallel_loop3A_1053], %parallel_loop3A_1056 {strides = array<i32>} : memref<2896xf32, #tpu.memory_space<vmem>>, vector<16xf32>,
          %parallel_loop3A_1057 = arith.constant 3 : i32
          %parallel_loop3A_1058 = arith.addi %parallel_loop3A_1050, %parallel_loop3A_1057 : i32
          %parallel_loop3A_1059 = arith.constant 960 : i32
          %parallel_loop3A_1060 = arith.addi %parallel_loop3A_1058, %parallel_loop3A_1059 : i32
          %parallel_loop3A_1061 = arith.index_cast %parallel_loop3A_1060 : i32 to index
          %parallel_loop3A_1062 = tpu.vector_load %arg17[%parallel_loop3A_1061] {strides = array<i32>} : memref<2896xf32, #tpu.memory_space<vmem>>, vector<16xf32>,
          %parallel_loop3A_1063 = vector.shape_cast %parallel_loop3A_1062 : vector<16xf32> to vector<16xf32>
          %parallel_loop3A_1064 = vector.shape_cast %parallel_loop3A_1011 : vector<16xf32> to vector<16xf32>
          tpu.vector_store %arg17[%parallel_loop3A_1061], %parallel_loop3A_1064 {strides = array<i32>} : memref<2896xf32, #tpu.memory_space<vmem>>, vector<16xf32>,
          %parallel_loop3A_1065 = arith.constant 3 : i32
          %parallel_loop3A_1066 = arith.addi %parallel_loop3A_1050, %parallel_loop3A_1065 : i32
          %parallel_loop3A_1067 = arith.constant 1920 : i32
          %parallel_loop3A_1068 = arith.addi %parallel_loop3A_1066, %parallel_loop3A_1067 : i32
          %parallel_loop3A_1069 = arith.index_cast %parallel_loop3A_1068 : i32 to index
          %parallel_loop3A_1070 = tpu.vector_load %arg17[%parallel_loop3A_1069] {strides = array<i32>} : memref<2896xf32, #tpu.memory_space<vmem>>, vector<16xf32>,
          %parallel_loop3A_1071 = vector.shape_cast %parallel_loop3A_1070 : vector<16xf32> to vector<16xf32>
          %parallel_loop3A_1072 = vector.shape_cast %parallel_loop3A_1046 : vector<16xf32> to vector<16xf32>
          tpu.vector_store %arg17[%parallel_loop3A_1069], %parallel_loop3A_1072 {strides = array<i32>} : memref<2896xf32, #tpu.memory_space<vmem>>, vector<16xf32>,
        } {sc.loop_unroll_factor = 8 : i64, sc.parallel_access}
        %parallel_loop3A_964 = arith.constant 0 : i32
        %parallel_loop3A_965 = arith.constant 16 : i32
        %parallel_loop3A_966 = arith.constant 1 : i32
        scf.for %parallel_loop3A_986 = %parallel_loop3A_964 to %parallel_loop3A_965 step %parallel_loop3A_966  : i32 {
          %parallel_loop3A_987 = arith.constant 16 : i32
          %parallel_loop3A_988 = arith.muli %parallel_loop3A_986, %parallel_loop3A_987 : i32
          %parallel_loop3A_989 = arith.index_cast %scan3A_957 : i32 to index
          %parallel_loop3A_990 = arith.index_cast %parallel_loop3A_988 : i32 to index
          %parallel_loop3A_991 = tpu.vector_load %arg11[%parallel_loop3A_989, %parallel_loop3A_990] {strides = array<i32>} : memref<48x256xf32, #tpu.memory_space<vmem>>, vector<1x16xf32>,
          %parallel_loop3A_992 = vector.shape_cast %parallel_loop3A_991 : vector<1x16xf32> to vector<16xf32>
          %parallel_loop3A_993 = arith.constant 16 : i32
          %parallel_loop3A_994 = arith.addi %parallel_loop3A_993, %scan3A_957 : i32
          %parallel_loop3A_995 = arith.index_cast %parallel_loop3A_994 : i32 to index
          %parallel_loop3A_996 = arith.index_cast %parallel_loop3A_988 : i32 to index
          %parallel_loop3A_997 = tpu.vector_load %arg11[%parallel_loop3A_995, %parallel_loop3A_996] {strides = array<i32>} : memref<48x256xf32, #tpu.memory_space<vmem>>, vector<1x16xf32>,
          %parallel_loop3A_998 = vector.shape_cast %parallel_loop3A_997 : vector<1x16xf32> to vector<16xf32>
          %parallel_loop3A_999 = arith.constant 32 : i32
          %parallel_loop3A_1000 = arith.addi %parallel_loop3A_999, %scan3A_957 : i32
          %parallel_loop3A_1001 = arith.index_cast %parallel_loop3A_1000 : i32 to index
          %parallel_loop3A_1002 = arith.index_cast %parallel_loop3A_988 : i32 to index
          %parallel_loop3A_1003 = tpu.vector_load %arg11[%parallel_loop3A_1001, %parallel_loop3A_1002] {strides = array<i32>} : memref<48x256xf32, #tpu.memory_space<vmem>>, vector<1x16xf32>,
          %parallel_loop3A_1004 = vector.shape_cast %parallel_loop3A_1003 : vector<1x16xf32> to vector<16xf32>
          %parallel_loop3A_1005 = arith.maximumf %parallel_loop3A_992, %parallel_loop3A_998 : vector<16xf32>
          %parallel_loop3A_1006 = arith.maximumf %parallel_loop3A_1005, %parallel_loop3A_1004 : vector<16xf32>
          %parallel_loop3A_1007 = arith.addf %parallel_loop3A_992, %parallel_loop3A_998 : vector<16xf32>
          %parallel_loop3A_1008 = arith.addf %parallel_loop3A_1007, %parallel_loop3A_1004 : vector<16xf32>
          %parallel_loop3A_1009 = arith.constant 0.333333343 : f32
          %parallel_loop3A_1010 = vector.broadcast %parallel_loop3A_1009 : f32 to vector<16xf32>
          %parallel_loop3A_1011 = arith.mulf %parallel_loop3A_1008, %parallel_loop3A_1010 : vector<16xf32>
          %parallel_loop3A_1012 = arith.subf %parallel_loop3A_992, %parallel_loop3A_1011 : vector<16xf32>
          %parallel_loop3A_1013 = arith.subf %parallel_loop3A_998, %parallel_loop3A_1011 : vector<16xf32>
          %parallel_loop3A_1014 = arith.subf %parallel_loop3A_1004, %parallel_loop3A_1011 : vector<16xf32>
          %parallel_loop3A_1015 = arith.mulf %parallel_loop3A_1012, %parallel_loop3A_1012 : vector<16xf32>
          %parallel_loop3A_1016 = arith.mulf %parallel_loop3A_1013, %parallel_loop3A_1013 : vector<16xf32>
          %parallel_loop3A_1017 = arith.addf %parallel_loop3A_1015, %parallel_loop3A_1016 : vector<16xf32>
          %parallel_loop3A_1018 = arith.mulf %parallel_loop3A_1014, %parallel_loop3A_1014 : vector<16xf32>
          %parallel_loop3A_1019 = arith.addf %parallel_loop3A_1017, %parallel_loop3A_1018 : vector<16xf32>
          %parallel_loop3A_1020 = arith.constant 0.333333343 : f32
          %parallel_loop3A_1021 = vector.broadcast %parallel_loop3A_1020 : f32 to vector<16xf32>
          %parallel_loop3A_1022 = arith.mulf %parallel_loop3A_1019, %parallel_loop3A_1021 : vector<16xf32>
          %parallel_loop3A_1023 = tpu.bitcast %parallel_loop3A_1022 : vector<16xf32> -> vector<16xi32>
          %parallel_loop3A_1024 = arith.constant 1 : i32
          %parallel_loop3A_1025 = vector.broadcast %parallel_loop3A_1024 : i32 to vector<16xi32>
          %parallel_loop3A_1026 = arith.shrsi %parallel_loop3A_1023, %parallel_loop3A_1025 : vector<16xi32>
          %parallel_loop3A_1027 = arith.constant 1597463007 : i32
          %parallel_loop3A_1028 = vector.broadcast %parallel_loop3A_1027 : i32 to vector<16xi32>
          %parallel_loop3A_1029 = arith.subi %parallel_loop3A_1028, %parallel_loop3A_1026 : vector<16xi32>
          %parallel_loop3A_1030 = tpu.bitcast %parallel_loop3A_1029 : vector<16xi32> -> vector<16xf32>
          %parallel_loop3A_1031 = arith.constant 5.000000e-01 : f32
          %parallel_loop3A_1032 = vector.broadcast %parallel_loop3A_1031 : f32 to vector<16xf32>
          %parallel_loop3A_1033 = arith.mulf %parallel_loop3A_1022, %parallel_loop3A_1032 : vector<16xf32>
          %parallel_loop3A_1034 = arith.mulf %parallel_loop3A_1033, %parallel_loop3A_1030 : vector<16xf32>
          %parallel_loop3A_1035 = arith.mulf %parallel_loop3A_1034, %parallel_loop3A_1030 : vector<16xf32>
          %parallel_loop3A_1036 = arith.constant 1.500000e+00 : f32
          %parallel_loop3A_1037 = vector.broadcast %parallel_loop3A_1036 : f32 to vector<16xf32>
          %parallel_loop3A_1038 = arith.subf %parallel_loop3A_1037, %parallel_loop3A_1035 : vector<16xf32>
          %parallel_loop3A_1039 = arith.mulf %parallel_loop3A_1030, %parallel_loop3A_1038 : vector<16xf32>
          %parallel_loop3A_1040 = arith.mulf %parallel_loop3A_1033, %parallel_loop3A_1039 : vector<16xf32>
          %parallel_loop3A_1041 = arith.mulf %parallel_loop3A_1040, %parallel_loop3A_1039 : vector<16xf32>
          %parallel_loop3A_1042 = arith.constant 1.500000e+00 : f32
          %parallel_loop3A_1043 = vector.broadcast %parallel_loop3A_1042 : f32 to vector<16xf32>
          %parallel_loop3A_1044 = arith.subf %parallel_loop3A_1043, %parallel_loop3A_1041 : vector<16xf32>
          %parallel_loop3A_1045 = arith.mulf %parallel_loop3A_1039, %parallel_loop3A_1044 : vector<16xf32>
          %parallel_loop3A_1046 = arith.mulf %parallel_loop3A_1022, %parallel_loop3A_1045 : vector<16xf32>
          %parallel_loop3A_1047 = arith.constant 16 : i32
          %parallel_loop3A_1048 = arith.muli %parallel_loop3A_986, %parallel_loop3A_1047 : i32
          %parallel_loop3A_1049 = arith.constant 192 : i32
          %parallel_loop3A_1050 = arith.addi %parallel_loop3A_1049, %parallel_loop3A_1048 : i32
          %parallel_loop3A_1051 = arith.constant 3 : i32
          %parallel_loop3A_1052 = arith.addi %parallel_loop3A_1050, %parallel_loop3A_1051 : i32
          %parallel_loop3A_1053 = arith.index_cast %parallel_loop3A_1052 : i32 to index
          %parallel_loop3A_1054 = tpu.vector_load %arg17[%parallel_loop3A_1053] {strides = array<i32>} : memref<2896xf32, #tpu.memory_space<vmem>>, vector<16xf32>,
          %parallel_loop3A_1055 = vector.shape_cast %parallel_loop3A_1054 : vector<16xf32> to vector<16xf32>
          %parallel_loop3A_1056 = vector.shape_cast %parallel_loop3A_1006 : vector<16xf32> to vector<16xf32>
          tpu.vector_store %arg17[%parallel_loop3A_1053], %parallel_loop3A_1056 {strides = array<i32>} : memref<2896xf32, #tpu.memory_space<vmem>>, vector<16xf32>,
          %parallel_loop3A_1057 = arith.constant 3 : i32
          %parallel_loop3A_1058 = arith.addi %parallel_loop3A_1050, %parallel_loop3A_1057 : i32
          %parallel_loop3A_1059 = arith.constant 960 : i32
          %parallel_loop3A_1060 = arith.addi %parallel_loop3A_1058, %parallel_loop3A_1059 : i32
          %parallel_loop3A_1061 = arith.index_cast %parallel_loop3A_1060 : i32 to index
          %parallel_loop3A_1062 = tpu.vector_load %arg17[%parallel_loop3A_1061] {strides = array<i32>} : memref<2896xf32, #tpu.memory_space<vmem>>, vector<16xf32>,
          %parallel_loop3A_1063 = vector.shape_cast %parallel_loop3A_1062 : vector<16xf32> to vector<16xf32>
          %parallel_loop3A_1064 = vector.shape_cast %parallel_loop3A_1011 : vector<16xf32> to vector<16xf32>
          tpu.vector_store %arg17[%parallel_loop3A_1061], %parallel_loop3A_1064 {strides = array<i32>} : memref<2896xf32, #tpu.memory_space<vmem>>, vector<16xf32>,
          %parallel_loop3A_1065 = arith.constant 3 : i32
          %parallel_loop3A_1066 = arith.addi %parallel_loop3A_1050, %parallel_loop3A_1065 : i32
          %parallel_loop3A_1067 = arith.constant 1920 : i32
          %parallel_loop3A_1068 = arith.addi %parallel_loop3A_1066, %parallel_loop3A_1067 : i32
          %parallel_loop3A_1069 = arith.index_cast %parallel_loop3A_1068 : i32 to index
          %parallel_loop3A_1070 = tpu.vector_load %arg17[%parallel_loop3A_1069] {strides = array<i32>} : memref<2896xf32, #tpu.memory_space<vmem>>, vector<16xf32>,
          %parallel_loop3A_1071 = vector.shape_cast %parallel_loop3A_1070 : vector<16xf32> to vector<16xf32>
          %parallel_loop3A_1072 = vector.shape_cast %parallel_loop3A_1046 : vector<16xf32> to vector<16xf32>
          tpu.vector_store %arg17[%parallel_loop3A_1069], %parallel_loop3A_1072 {strides = array<i32>} : memref<2896xf32, #tpu.memory_space<vmem>>, vector<16xf32>,
        } {sc.loop_unroll_factor = 8 : i64, sc.parallel_access}
        %parallel_loop3A_967 = arith.constant 0 : i32
        %parallel_loop3A_968 = arith.constant 32 : i32
        %parallel_loop3A_969 = arith.constant 1 : i32
        scf.for %parallel_loop3A_986 = %parallel_loop3A_967 to %parallel_loop3A_968 step %parallel_loop3A_969  : i32 {
          %parallel_loop3A_987 = arith.constant 16 : i32
          %parallel_loop3A_988 = arith.muli %parallel_loop3A_986, %parallel_loop3A_987 : i32
          %parallel_loop3A_989 = arith.index_cast %scan3A_957 : i32 to index
          %parallel_loop3A_990 = arith.index_cast %parallel_loop3A_988 : i32 to index
          %parallel_loop3A_991 = tpu.vector_load %arg12[%parallel_loop3A_989, %parallel_loop3A_990] {strides = array<i32>} : memref<48x512xf32, #tpu.memory_space<vmem>>, vector<1x16xf32>,
          %parallel_loop3A_992 = vector.shape_cast %parallel_loop3A_991 : vector<1x16xf32> to vector<16xf32>
          %parallel_loop3A_993 = arith.constant 16 : i32
          %parallel_loop3A_994 = arith.addi %parallel_loop3A_993, %scan3A_957 : i32
          %parallel_loop3A_995 = arith.index_cast %parallel_loop3A_994 : i32 to index
          %parallel_loop3A_996 = arith.index_cast %parallel_loop3A_988 : i32 to index
          %parallel_loop3A_997 = tpu.vector_load %arg12[%parallel_loop3A_995, %parallel_loop3A_996] {strides = array<i32>} : memref<48x512xf32, #tpu.memory_space<vmem>>, vector<1x16xf32>,
          %parallel_loop3A_998 = vector.shape_cast %parallel_loop3A_997 : vector<1x16xf32> to vector<16xf32>
          %parallel_loop3A_999 = arith.constant 32 : i32
          %parallel_loop3A_1000 = arith.addi %parallel_loop3A_999, %scan3A_957 : i32
          %parallel_loop3A_1001 = arith.index_cast %parallel_loop3A_1000 : i32 to index
          %parallel_loop3A_1002 = arith.index_cast %parallel_loop3A_988 : i32 to index
          %parallel_loop3A_1003 = tpu.vector_load %arg12[%parallel_loop3A_1001, %parallel_loop3A_1002] {strides = array<i32>} : memref<48x512xf32, #tpu.memory_space<vmem>>, vector<1x16xf32>,
          %parallel_loop3A_1004 = vector.shape_cast %parallel_loop3A_1003 : vector<1x16xf32> to vector<16xf32>
          %parallel_loop3A_1005 = arith.maximumf %parallel_loop3A_992, %parallel_loop3A_998 : vector<16xf32>
          %parallel_loop3A_1006 = arith.maximumf %parallel_loop3A_1005, %parallel_loop3A_1004 : vector<16xf32>
          %parallel_loop3A_1007 = arith.addf %parallel_loop3A_992, %parallel_loop3A_998 : vector<16xf32>
          %parallel_loop3A_1008 = arith.addf %parallel_loop3A_1007, %parallel_loop3A_1004 : vector<16xf32>
          %parallel_loop3A_1009 = arith.constant 0.333333343 : f32
          %parallel_loop3A_1010 = vector.broadcast %parallel_loop3A_1009 : f32 to vector<16xf32>
          %parallel_loop3A_1011 = arith.mulf %parallel_loop3A_1008, %parallel_loop3A_1010 : vector<16xf32>
          %parallel_loop3A_1012 = arith.subf %parallel_loop3A_992, %parallel_loop3A_1011 : vector<16xf32>
          %parallel_loop3A_1013 = arith.subf %parallel_loop3A_998, %parallel_loop3A_1011 : vector<16xf32>
          %parallel_loop3A_1014 = arith.subf %parallel_loop3A_1004, %parallel_loop3A_1011 : vector<16xf32>
          %parallel_loop3A_1015 = arith.mulf %parallel_loop3A_1012, %parallel_loop3A_1012 : vector<16xf32>
          %parallel_loop3A_1016 = arith.mulf %parallel_loop3A_1013, %parallel_loop3A_1013 : vector<16xf32>
          %parallel_loop3A_1017 = arith.addf %parallel_loop3A_1015, %parallel_loop3A_1016 : vector<16xf32>
          %parallel_loop3A_1018 = arith.mulf %parallel_loop3A_1014, %parallel_loop3A_1014 : vector<16xf32>
          %parallel_loop3A_1019 = arith.addf %parallel_loop3A_1017, %parallel_loop3A_1018 : vector<16xf32>
          %parallel_loop3A_1020 = arith.constant 0.333333343 : f32
          %parallel_loop3A_1021 = vector.broadcast %parallel_loop3A_1020 : f32 to vector<16xf32>
          %parallel_loop3A_1022 = arith.mulf %parallel_loop3A_1019, %parallel_loop3A_1021 : vector<16xf32>
          %parallel_loop3A_1023 = tpu.bitcast %parallel_loop3A_1022 : vector<16xf32> -> vector<16xi32>
          %parallel_loop3A_1024 = arith.constant 1 : i32
          %parallel_loop3A_1025 = vector.broadcast %parallel_loop3A_1024 : i32 to vector<16xi32>
          %parallel_loop3A_1026 = arith.shrsi %parallel_loop3A_1023, %parallel_loop3A_1025 : vector<16xi32>
          %parallel_loop3A_1027 = arith.constant 1597463007 : i32
          %parallel_loop3A_1028 = vector.broadcast %parallel_loop3A_1027 : i32 to vector<16xi32>
          %parallel_loop3A_1029 = arith.subi %parallel_loop3A_1028, %parallel_loop3A_1026 : vector<16xi32>
          %parallel_loop3A_1030 = tpu.bitcast %parallel_loop3A_1029 : vector<16xi32> -> vector<16xf32>
          %parallel_loop3A_1031 = arith.constant 5.000000e-01 : f32
          %parallel_loop3A_1032 = vector.broadcast %parallel_loop3A_1031 : f32 to vector<16xf32>
          %parallel_loop3A_1033 = arith.mulf %parallel_loop3A_1022, %parallel_loop3A_1032 : vector<16xf32>
          %parallel_loop3A_1034 = arith.mulf %parallel_loop3A_1033, %parallel_loop3A_1030 : vector<16xf32>
          %parallel_loop3A_1035 = arith.mulf %parallel_loop3A_1034, %parallel_loop3A_1030 : vector<16xf32>
          %parallel_loop3A_1036 = arith.constant 1.500000e+00 : f32
          %parallel_loop3A_1037 = vector.broadcast %parallel_loop3A_1036 : f32 to vector<16xf32>
          %parallel_loop3A_1038 = arith.subf %parallel_loop3A_1037, %parallel_loop3A_1035 : vector<16xf32>
          %parallel_loop3A_1039 = arith.mulf %parallel_loop3A_1030, %parallel_loop3A_1038 : vector<16xf32>
          %parallel_loop3A_1040 = arith.mulf %parallel_loop3A_1033, %parallel_loop3A_1039 : vector<16xf32>
          %parallel_loop3A_1041 = arith.mulf %parallel_loop3A_1040, %parallel_loop3A_1039 : vector<16xf32>
          %parallel_loop3A_1042 = arith.constant 1.500000e+00 : f32
          %parallel_loop3A_1043 = vector.broadcast %parallel_loop3A_1042 : f32 to vector<16xf32>
          %parallel_loop3A_1044 = arith.subf %parallel_loop3A_1043, %parallel_loop3A_1041 : vector<16xf32>
          %parallel_loop3A_1045 = arith.mulf %parallel_loop3A_1039, %parallel_loop3A_1044 : vector<16xf32>
          %parallel_loop3A_1046 = arith.mulf %parallel_loop3A_1022, %parallel_loop3A_1045 : vector<16xf32>
          %parallel_loop3A_1047 = arith.constant 16 : i32
          %parallel_loop3A_1048 = arith.muli %parallel_loop3A_986, %parallel_loop3A_1047 : i32
          %parallel_loop3A_1049 = arith.constant 448 : i32
          %parallel_loop3A_1050 = arith.addi %parallel_loop3A_1049, %parallel_loop3A_1048 : i32
          %parallel_loop3A_1051 = arith.constant 3 : i32
          %parallel_loop3A_1052 = arith.addi %parallel_loop3A_1050, %parallel_loop3A_1051 : i32
          %parallel_loop3A_1053 = arith.index_cast %parallel_loop3A_1052 : i32 to index
          %parallel_loop3A_1054 = tpu.vector_load %arg17[%parallel_loop3A_1053] {strides = array<i32>} : memref<2896xf32, #tpu.memory_space<vmem>>, vector<16xf32>,
          %parallel_loop3A_1055 = vector.shape_cast %parallel_loop3A_1054 : vector<16xf32> to vector<16xf32>
          %parallel_loop3A_1056 = vector.shape_cast %parallel_loop3A_1006 : vector<16xf32> to vector<16xf32>
          tpu.vector_store %arg17[%parallel_loop3A_1053], %parallel_loop3A_1056 {strides = array<i32>} : memref<2896xf32, #tpu.memory_space<vmem>>, vector<16xf32>,
          %parallel_loop3A_1057 = arith.constant 3 : i32
          %parallel_loop3A_1058 = arith.addi %parallel_loop3A_1050, %parallel_loop3A_1057 : i32
          %parallel_loop3A_1059 = arith.constant 960 : i32
          %parallel_loop3A_1060 = arith.addi %parallel_loop3A_1058, %parallel_loop3A_1059 : i32
          %parallel_loop3A_1061 = arith.index_cast %parallel_loop3A_1060 : i32 to index
          %parallel_loop3A_1062 = tpu.vector_load %arg17[%parallel_loop3A_1061] {strides = array<i32>} : memref<2896xf32, #tpu.memory_space<vmem>>, vector<16xf32>,
          %parallel_loop3A_1063 = vector.shape_cast %parallel_loop3A_1062 : vector<16xf32> to vector<16xf32>
          %parallel_loop3A_1064 = vector.shape_cast %parallel_loop3A_1011 : vector<16xf32> to vector<16xf32>
          tpu.vector_store %arg17[%parallel_loop3A_1061], %parallel_loop3A_1064 {strides = array<i32>} : memref<2896xf32, #tpu.memory_space<vmem>>, vector<16xf32>,
          %parallel_loop3A_1065 = arith.constant 3 : i32
          %parallel_loop3A_1066 = arith.addi %parallel_loop3A_1050, %parallel_loop3A_1065 : i32
          %parallel_loop3A_1067 = arith.constant 1920 : i32
          %parallel_loop3A_1068 = arith.addi %parallel_loop3A_1066, %parallel_loop3A_1067 : i32
          %parallel_loop3A_1069 = arith.index_cast %parallel_loop3A_1068 : i32 to index
          %parallel_loop3A_1070 = tpu.vector_load %arg17[%parallel_loop3A_1069] {strides = array<i32>} : memref<2896xf32, #tpu.memory_space<vmem>>, vector<16xf32>,
          %parallel_loop3A_1071 = vector.shape_cast %parallel_loop3A_1070 : vector<16xf32> to vector<16xf32>
          %parallel_loop3A_1072 = vector.shape_cast %parallel_loop3A_1046 : vector<16xf32> to vector<16xf32>
          tpu.vector_store %arg17[%parallel_loop3A_1069], %parallel_loop3A_1072 {strides = array<i32>} : memref<2896xf32, #tpu.memory_space<vmem>>, vector<16xf32>,
        } {sc.loop_unroll_factor = 8 : i64, sc.parallel_access}
        %parallel_loop3A_970 = arith.constant 0 : i32
        %parallel_loop3A_971 = arith.constant 180 : i32
        %parallel_loop3A_972 = arith.constant 1 : i32
        scf.for %parallel_loop3A_986 = %parallel_loop3A_970 to %parallel_loop3A_971 step %parallel_loop3A_972  : i32 {
          %parallel_loop3A_987 = arith.constant 16 : i32
          %parallel_loop3A_988 = arith.muli %parallel_loop3A_986, %parallel_loop3A_987 : i32
          %parallel_loop3A_989 = arith.index_cast %parallel_loop3A_988 : i32 to index
          %parallel_loop3A_990 = tpu.vector_load %arg17[%parallel_loop3A_989] {strides = array<i32>} : memref<2896xf32, #tpu.memory_space<vmem>>, vector<16xf32>,
          %parallel_loop3A_991 = vector.shape_cast %parallel_loop3A_990 : vector<16xf32> to vector<16xf32>
          %parallel_loop3A_992 = arith.constant 16 : i32
          %parallel_loop3A_993 = arith.muli %parallel_loop3A_986, %parallel_loop3A_992 : i32
          %parallel_loop3A_994 = arith.index_cast %scan3A_957 : i32 to index
          %parallel_loop3A_995 = arith.index_cast %parallel_loop3A_993 : i32 to index
          %parallel_loop3A_996 = tpu.vector_load %arg18[%parallel_loop3A_994, %parallel_loop3A_995] {strides = array<i32>} : memref<16x2883xf32, #tpu.memory_space<vmem>>, vector<1x16xf32>,
          %parallel_loop3A_997 = vector.shape_cast %parallel_loop3A_996 : vector<1x16xf32> to vector<16xf32>
          %parallel_loop3A_998 = vector.shape_cast %parallel_loop3A_991 : vector<16xf32> to vector<1x16xf32>
          tpu.vector_store %arg18[%parallel_loop3A_994, %parallel_loop3A_995], %parallel_loop3A_998 {strides = array<i32>} : memref<16x2883xf32, #tpu.memory_space<vmem>>, vector<1x16xf32>,
        } {sc.loop_unroll_factor = 8 : i64, sc.parallel_access}
        %mul3A_973 = arith.constant 0 : i32
        %mul3A_974 = arith.muli %add3A, %mul3A_973 : i32
        %add3A_975 = arith.constant 2880 : i32
        %add3A_976 = arith.addi %add3A_975, %mul3A_974 : i32
        %get3A_977 = arith.constant 2880 : index
        %get3A_978 = tpu.vector_load %arg17[%get3A_977] {strides = array<i32>} : memref<2896xf32, #tpu.memory_space<vmem>>, vector<16xf32>,
        %get3A_979 = vector.shape_cast %get3A_978 : vector<16xf32> to vector<16xf32>
        %swap3A_980 = arith.index_cast %scan3A_957 : i32 to index
        %swap3A_981 = arith.index_cast %add3A_976 : i32 to index
        %swap3A_982 = tpu.vector_load %arg18[%swap3A_980, %swap3A_981] {strides = array<i32>} : memref<16x2883xf32, #tpu.memory_space<vmem>>, vector<1x16xf32>,
        %swap3A_983 = vector.shape_cast %swap3A_982 : vector<1x16xf32> to vector<16xf32>
        %swap3A_984 = vector.shape_cast %get3A_979 : vector<16xf32> to vector<1x16xf32>
        tpu.vector_store %arg18[%swap3A_980, %swap3A_981], %swap3A_984 {strides = array<i32>} : memref<16x2883xf32, #tpu.memory_space<vmem>>, vector<1x16xf32>,
        %scan3A_985 = arith.constant 0 : i32
        scf.yield %scan3A_985 : i32
      }
      %scan3A_430 = arith.constant 16 : i32
      %add3A_431 = arith.constant 0 : i32
      %add3A_432 = arith.addi %add3A_431, %mul3A_40 : i32
      %get3A_433 = arith.index_cast %add3A_432 : i32 to index
      %get3A_434 = tpu.vector_load %arg8[%get3A_433] {strides = array<i32>} : memref<2880xf32, #tpu.memory_space<vmem>>, vector<16xf32>,
      %get3A_435 = vector.shape_cast %get3A_434 : vector<16xf32> to vector<16xf32>
      %add3A_436 = arith.constant 320 : i32
      %add3A_437 = arith.addi %add3A_436, %mul3A_40 : i32
      %get3A_438 = arith.index_cast %add3A_437 : i32 to index
      %get3A_439 = tpu.vector_load %arg8[%get3A_438] {strides = array<i32>} : memref<2880xf32, #tpu.memory_space<vmem>>, vector<16xf32>,
      %get3A_440 = vector.shape_cast %get3A_439 : vector<16xf32> to vector<16xf32>
      %add3A_441 = arith.constant 640 : i32
      %add3A_442 = arith.addi %add3A_441, %mul3A_40 : i32
      %get3A_443 = arith.index_cast %add3A_442 : i32 to index
      %get3A_444 = tpu.vector_load %arg8[%get3A_443] {strides = array<i32>} : memref<2880xf32, #tpu.memory_space<vmem>>, vector<16xf32>,
      %get3A_445 = vector.shape_cast %get3A_444 : vector<16xf32> to vector<16xf32>
      %get3A_446 = arith.constant 0 : i32
      %get3A_447 = arith.index_cast %get3A_446 : i32 to index
      %get3A_448 = arith.constant 0 : index
      %get3A_449 = tpu.vector_load %arg18[%get3A_447, %get3A_448] {strides = array<i32>} : memref<16x2883xf32, #tpu.memory_space<vmem>>, vector<1x16xf32>,
      %get3A_450 = vector.shape_cast %get3A_449 : vector<1x16xf32> to vector<16xf32>
      %eq3A = arith.constant 0 : i32
      %eq3A_451 = vector.broadcast %eq3A : i32 to vector<16xi32>
      %eq3A_452 = arith.cmpi eq, %iota3A, %eq3A_451 : vector<16xi32>
      %slice3A = vector.extract_strided_slice %get3A_435 {offsets = [0], sizes = [1], strides = [1]} : vector<16xf32> to vector<1xf32>
      %squeeze3A = vector.extract %slice3A[0] : f32 from vector<1xf32>
      %eq3A_453 = arith.constant 1 : i32
      %eq3A_454 = vector.broadcast %eq3A_453 : i32 to vector<16xi32>
      %eq3A_455 = arith.cmpi eq, %iota3A, %eq3A_454 : vector<16xi32>
      %slice3A_456 = vector.extract_strided_slice %get3A_440 {offsets = [0], sizes = [1], strides = [1]} : vector<16xf32> to vector<1xf32>
      %squeeze3A_457 = vector.extract %slice3A_456[0] : f32 from vector<1xf32>
      %eq3A_458 = arith.constant 2 : i32
      %eq3A_459 = vector.broadcast %eq3A_458 : i32 to vector<16xi32>
      %eq3A_460 = arith.cmpi eq, %iota3A, %eq3A_459 : vector<16xi32>
      %slice3A_461 = vector.extract_strided_slice %get3A_445 {offsets = [0], sizes = [1], strides = [1]} : vector<16xf32> to vector<1xf32>
      %squeeze3A_462 = vector.extract %slice3A_461[0] : f32 from vector<1xf32>
      %broadcast_in_dim3A = vector.broadcast %squeeze3A_462 : f32 to vector<16xf32>
      %select_n3A_463 = arith.select %eq3A_460, %broadcast_in_dim3A, %get3A_450 : vector<16xi1>, vector<16xf32>
      %broadcast_in_dim3A_464 = vector.broadcast %squeeze3A_457 : f32 to vector<16xf32>
      %select_n3A_465 = arith.select %eq3A_455, %broadcast_in_dim3A_464, %select_n3A_463 : vector<16xi1>, vector<16xf32>
      %broadcast_in_dim3A_466 = vector.broadcast %squeeze3A : f32 to vector<16xf32>
      %select_n3A_467 = arith.select %eq3A_452, %broadcast_in_dim3A_466, %select_n3A_465 : vector<16xi1>, vector<16xf32>
      %swap3A_468 = arith.constant 0 : i32
      %swap3A_469 = arith.index_cast %swap3A_468 : i32 to index
      %swap3A_470 = arith.constant 0 : index
      %swap3A_471 = tpu.vector_load %arg18[%swap3A_469, %swap3A_470] {strides = array<i32>} : memref<16x2883xf32, #tpu.memory_space<vmem>>, vector<1x16xf32>,
      %swap3A_472 = vector.shape_cast %swap3A_471 : vector<1x16xf32> to vector<16xf32>
      %swap3A_473 = vector.shape_cast %select_n3A_467 : vector<16xf32> to vector<1x16xf32>
      tpu.vector_store %arg18[%swap3A_469, %swap3A_470], %swap3A_473 {strides = array<i32>} : memref<16x2883xf32, #tpu.memory_space<vmem>>, vector<1x16xf32>,
      %get3A_474 = arith.constant 1 : i32
      %get3A_475 = arith.index_cast %get3A_474 : i32 to index
      %get3A_476 = arith.constant 0 : index
      %get3A_477 = tpu.vector_load %arg18[%get3A_475, %get3A_476] {strides = array<i32>} : memref<16x2883xf32, #tpu.memory_space<vmem>>, vector<1x16xf32>,
      %get3A_478 = vector.shape_cast %get3A_477 : vector<1x16xf32> to vector<16xf32>
      %eq3A_479 = arith.constant 0 : i32
      %eq3A_480 = vector.broadcast %eq3A_479 : i32 to vector<16xi32>
      %eq3A_481 = arith.cmpi eq, %iota3A, %eq3A_480 : vector<16xi32>
      %slice3A_482 = vector.extract_strided_slice %get3A_435 {offsets = [1], sizes = [1], strides = [1]} : vector<16xf32> to vector<1xf32>
      %squeeze3A_483 = vector.extract %slice3A_482[0] : f32 from vector<1xf32>
      %eq3A_484 = arith.constant 1 : i32
      %eq3A_485 = vector.broadcast %eq3A_484 : i32 to vector<16xi32>
      %eq3A_486 = arith.cmpi eq, %iota3A, %eq3A_485 : vector<16xi32>
      %slice3A_487 = vector.extract_strided_slice %get3A_440 {offsets = [1], sizes = [1], strides = [1]} : vector<16xf32> to vector<1xf32>
      %squeeze3A_488 = vector.extract %slice3A_487[0] : f32 from vector<1xf32>
      %eq3A_489 = arith.constant 2 : i32
      %eq3A_490 = vector.broadcast %eq3A_489 : i32 to vector<16xi32>
      %eq3A_491 = arith.cmpi eq, %iota3A, %eq3A_490 : vector<16xi32>
      %slice3A_492 = vector.extract_strided_slice %get3A_445 {offsets = [1], sizes = [1], strides = [1]} : vector<16xf32> to vector<1xf32>
      %squeeze3A_493 = vector.extract %slice3A_492[0] : f32 from vector<1xf32>
      %broadcast_in_dim3A_494 = vector.broadcast %squeeze3A_493 : f32 to vector<16xf32>
      %select_n3A_495 = arith.select %eq3A_491, %broadcast_in_dim3A_494, %get3A_478 : vector<16xi1>, vector<16xf32>
      %broadcast_in_dim3A_496 = vector.broadcast %squeeze3A_488 : f32 to vector<16xf32>
      %select_n3A_497 = arith.select %eq3A_486, %broadcast_in_dim3A_496, %select_n3A_495 : vector<16xi1>, vector<16xf32>
      %broadcast_in_dim3A_498 = vector.broadcast %squeeze3A_483 : f32 to vector<16xf32>
      %select_n3A_499 = arith.select %eq3A_481, %broadcast_in_dim3A_498, %select_n3A_497 : vector<16xi1>, vector<16xf32>
      %swap3A_500 = arith.constant 1 : i32
      %swap3A_501 = arith.index_cast %swap3A_500 : i32 to index
      %swap3A_502 = arith.constant 0 : index
      %swap3A_503 = tpu.vector_load %arg18[%swap3A_501, %swap3A_502] {strides = array<i32>} : memref<16x2883xf32, #tpu.memory_space<vmem>>, vector<1x16xf32>,
      %swap3A_504 = vector.shape_cast %swap3A_503 : vector<1x16xf32> to vector<16xf32>
      %swap3A_505 = vector.shape_cast %select_n3A_499 : vector<16xf32> to vector<1x16xf32>
      tpu.vector_store %arg18[%swap3A_501, %swap3A_502], %swap3A_505 {strides = array<i32>} : memref<16x2883xf32, #tpu.memory_space<vmem>>, vector<1x16xf32>,
      %get3A_506 = arith.constant 2 : i32
      %get3A_507 = arith.index_cast %get3A_506 : i32 to index
      %get3A_508 = arith.constant 0 : index
      %get3A_509 = tpu.vector_load %arg18[%get3A_507, %get3A_508] {strides = array<i32>} : memref<16x2883xf32, #tpu.memory_space<vmem>>, vector<1x16xf32>,
      %get3A_510 = vector.shape_cast %get3A_509 : vector<1x16xf32> to vector<16xf32>
      %eq3A_511 = arith.constant 0 : i32
      %eq3A_512 = vector.broadcast %eq3A_511 : i32 to vector<16xi32>
      %eq3A_513 = arith.cmpi eq, %iota3A, %eq3A_512 : vector<16xi32>
      %slice3A_514 = vector.extract_strided_slice %get3A_435 {offsets = [2], sizes = [1], strides = [1]} : vector<16xf32> to vector<1xf32>
      %squeeze3A_515 = vector.extract %slice3A_514[0] : f32 from vector<1xf32>
      %eq3A_516 = arith.constant 1 : i32
      %eq3A_517 = vector.broadcast %eq3A_516 : i32 to vector<16xi32>
      %eq3A_518 = arith.cmpi eq, %iota3A, %eq3A_517 : vector<16xi32>
      %slice3A_519 = vector.extract_strided_slice %get3A_440 {offsets = [2], sizes = [1], strides = [1]} : vector<16xf32> to vector<1xf32>
      %squeeze3A_520 = vector.extract %slice3A_519[0] : f32 from vector<1xf32>
      %eq3A_521 = arith.constant 2 : i32
      %eq3A_522 = vector.broadcast %eq3A_521 : i32 to vector<16xi32>
      %eq3A_523 = arith.cmpi eq, %iota3A, %eq3A_522 : vector<16xi32>
      %slice3A_524 = vector.extract_strided_slice %get3A_445 {offsets = [2], sizes = [1], strides = [1]} : vector<16xf32> to vector<1xf32>
      %squeeze3A_525 = vector.extract %slice3A_524[0] : f32 from vector<1xf32>
      %broadcast_in_dim3A_526 = vector.broadcast %squeeze3A_525 : f32 to vector<16xf32>
      %select_n3A_527 = arith.select %eq3A_523, %broadcast_in_dim3A_526, %get3A_510 : vector<16xi1>, vector<16xf32>
      %broadcast_in_dim3A_528 = vector.broadcast %squeeze3A_520 : f32 to vector<16xf32>
      %select_n3A_529 = arith.select %eq3A_518, %broadcast_in_dim3A_528, %select_n3A_527 : vector<16xi1>, vector<16xf32>
      %broadcast_in_dim3A_530 = vector.broadcast %squeeze3A_515 : f32 to vector<16xf32>
      %select_n3A_531 = arith.select %eq3A_513, %broadcast_in_dim3A_530, %select_n3A_529 : vector<16xi1>, vector<16xf32>
      %swap3A_532 = arith.constant 2 : i32
      %swap3A_533 = arith.index_cast %swap3A_532 : i32 to index
      %swap3A_534 = arith.constant 0 : index
      %swap3A_535 = tpu.vector_load %arg18[%swap3A_533, %swap3A_534] {strides = array<i32>} : memref<16x2883xf32, #tpu.memory_space<vmem>>, vector<1x16xf32>,
      %swap3A_536 = vector.shape_cast %swap3A_535 : vector<1x16xf32> to vector<16xf32>
      %swap3A_537 = vector.shape_cast %select_n3A_531 : vector<16xf32> to vector<1x16xf32>
      tpu.vector_store %arg18[%swap3A_533, %swap3A_534], %swap3A_537 {strides = array<i32>} : memref<16x2883xf32, #tpu.memory_space<vmem>>, vector<1x16xf32>,
      %get3A_538 = arith.constant 3 : i32
      %get3A_539 = arith.index_cast %get3A_538 : i32 to index
      %get3A_540 = arith.constant 0 : index
      %get3A_541 = tpu.vector_load %arg18[%get3A_539, %get3A_540] {strides = array<i32>} : memref<16x2883xf32, #tpu.memory_space<vmem>>, vector<1x16xf32>,
      %get3A_542 = vector.shape_cast %get3A_541 : vector<1x16xf32> to vector<16xf32>
      %eq3A_543 = arith.constant 0 : i32
      %eq3A_544 = vector.broadcast %eq3A_543 : i32 to vector<16xi32>
      %eq3A_545 = arith.cmpi eq, %iota3A, %eq3A_544 : vector<16xi32>
      %slice3A_546 = vector.extract_strided_slice %get3A_435 {offsets = [3], sizes = [1], strides = [1]} : vector<16xf32> to vector<1xf32>
      %squeeze3A_547 = vector.extract %slice3A_546[0] : f32 from vector<1xf32>
      %eq3A_548 = arith.constant 1 : i32
      %eq3A_549 = vector.broadcast %eq3A_548 : i32 to vector<16xi32>
      %eq3A_550 = arith.cmpi eq, %iota3A, %eq3A_549 : vector<16xi32>
      %slice3A_551 = vector.extract_strided_slice %get3A_440 {offsets = [3], sizes = [1], strides = [1]} : vector<16xf32> to vector<1xf32>
      %squeeze3A_552 = vector.extract %slice3A_551[0] : f32 from vector<1xf32>
      %eq3A_553 = arith.constant 2 : i32
      %eq3A_554 = vector.broadcast %eq3A_553 : i32 to vector<16xi32>
      %eq3A_555 = arith.cmpi eq, %iota3A, %eq3A_554 : vector<16xi32>
      %slice3A_556 = vector.extract_strided_slice %get3A_445 {offsets = [3], sizes = [1], strides = [1]} : vector<16xf32> to vector<1xf32>
      %squeeze3A_557 = vector.extract %slice3A_556[0] : f32 from vector<1xf32>
      %broadcast_in_dim3A_558 = vector.broadcast %squeeze3A_557 : f32 to vector<16xf32>
      %select_n3A_559 = arith.select %eq3A_555, %broadcast_in_dim3A_558, %get3A_542 : vector<16xi1>, vector<16xf32>
      %broadcast_in_dim3A_560 = vector.broadcast %squeeze3A_552 : f32 to vector<16xf32>
      %select_n3A_561 = arith.select %eq3A_550, %broadcast_in_dim3A_560, %select_n3A_559 : vector<16xi1>, vector<16xf32>
      %broadcast_in_dim3A_562 = vector.broadcast %squeeze3A_547 : f32 to vector<16xf32>
      %select_n3A_563 = arith.select %eq3A_545, %broadcast_in_dim3A_562, %select_n3A_561 : vector<16xi1>, vector<16xf32>
      %swap3A_564 = arith.constant 3 : i32
      %swap3A_565 = arith.index_cast %swap3A_564 : i32 to index
      %swap3A_566 = arith.constant 0 : index
      %swap3A_567 = tpu.vector_load %arg18[%swap3A_565, %swap3A_566] {strides = array<i32>} : memref<16x2883xf32, #tpu.memory_space<vmem>>, vector<1x16xf32>,
      %swap3A_568 = vector.shape_cast %swap3A_567 : vector<1x16xf32> to vector<16xf32>
      %swap3A_569 = vector.shape_cast %select_n3A_563 : vector<16xf32> to vector<1x16xf32>
      tpu.vector_store %arg18[%swap3A_565, %swap3A_566], %swap3A_569 {strides = array<i32>} : memref<16x2883xf32, #tpu.memory_space<vmem>>, vector<1x16xf32>,
      %get3A_570 = arith.constant 4 : i32
      %get3A_571 = arith.index_cast %get3A_570 : i32 to index
      %get3A_572 = arith.constant 0 : index
      %get3A_573 = tpu.vector_load %arg18[%get3A_571, %get3A_572] {strides = array<i32>} : memref<16x2883xf32, #tpu.memory_space<vmem>>, vector<1x16xf32>,
      %get3A_574 = vector.shape_cast %get3A_573 : vector<1x16xf32> to vector<16xf32>
      %eq3A_575 = arith.constant 0 : i32
      %eq3A_576 = vector.broadcast %eq3A_575 : i32 to vector<16xi32>
      %eq3A_577 = arith.cmpi eq, %iota3A, %eq3A_576 : vector<16xi32>
      %slice3A_578 = vector.extract_strided_slice %get3A_435 {offsets = [4], sizes = [1], strides = [1]} : vector<16xf32> to vector<1xf32>
      %squeeze3A_579 = vector.extract %slice3A_578[0] : f32 from vector<1xf32>
      %eq3A_580 = arith.constant 1 : i32
      %eq3A_581 = vector.broadcast %eq3A_580 : i32 to vector<16xi32>
      %eq3A_582 = arith.cmpi eq, %iota3A, %eq3A_581 : vector<16xi32>
      %slice3A_583 = vector.extract_strided_slice %get3A_440 {offsets = [4], sizes = [1], strides = [1]} : vector<16xf32> to vector<1xf32>
      %squeeze3A_584 = vector.extract %slice3A_583[0] : f32 from vector<1xf32>
      %eq3A_585 = arith.constant 2 : i32
      %eq3A_586 = vector.broadcast %eq3A_585 : i32 to vector<16xi32>
      %eq3A_587 = arith.cmpi eq, %iota3A, %eq3A_586 : vector<16xi32>
      %slice3A_588 = vector.extract_strided_slice %get3A_445 {offsets = [4], sizes = [1], strides = [1]} : vector<16xf32> to vector<1xf32>
      %squeeze3A_589 = vector.extract %slice3A_588[0] : f32 from vector<1xf32>
      %broadcast_in_dim3A_590 = vector.broadcast %squeeze3A_589 : f32 to vector<16xf32>
      %select_n3A_591 = arith.select %eq3A_587, %broadcast_in_dim3A_590, %get3A_574 : vector<16xi1>, vector<16xf32>
      %broadcast_in_dim3A_592 = vector.broadcast %squeeze3A_584 : f32 to vector<16xf32>
      %select_n3A_593 = arith.select %eq3A_582, %broadcast_in_dim3A_592, %select_n3A_591 : vector<16xi1>, vector<16xf32>
      %broadcast_in_dim3A_594 = vector.broadcast %squeeze3A_579 : f32 to vector<16xf32>
      %select_n3A_595 = arith.select %eq3A_577, %broadcast_in_dim3A_594, %select_n3A_593 : vector<16xi1>, vector<16xf32>
      %swap3A_596 = arith.constant 4 : i32
      %swap3A_597 = arith.index_cast %swap3A_596 : i32 to index
      %swap3A_598 = arith.constant 0 : index
      %swap3A_599 = tpu.vector_load %arg18[%swap3A_597, %swap3A_598] {strides = array<i32>} : memref<16x2883xf32, #tpu.memory_space<vmem>>, vector<1x16xf32>,
      %swap3A_600 = vector.shape_cast %swap3A_599 : vector<1x16xf32> to vector<16xf32>
      %swap3A_601 = vector.shape_cast %select_n3A_595 : vector<16xf32> to vector<1x16xf32>
      tpu.vector_store %arg18[%swap3A_597, %swap3A_598], %swap3A_601 {strides = array<i32>} : memref<16x2883xf32, #tpu.memory_space<vmem>>, vector<1x16xf32>,
      %get3A_602 = arith.constant 5 : i32
      %get3A_603 = arith.index_cast %get3A_602 : i32 to index
      %get3A_604 = arith.constant 0 : index
      %get3A_605 = tpu.vector_load %arg18[%get3A_603, %get3A_604] {strides = array<i32>} : memref<16x2883xf32, #tpu.memory_space<vmem>>, vector<1x16xf32>,
      %get3A_606 = vector.shape_cast %get3A_605 : vector<1x16xf32> to vector<16xf32>
      %eq3A_607 = arith.constant 0 : i32
      %eq3A_608 = vector.broadcast %eq3A_607 : i32 to vector<16xi32>
      %eq3A_609 = arith.cmpi eq, %iota3A, %eq3A_608 : vector<16xi32>
      %slice3A_610 = vector.extract_strided_slice %get3A_435 {offsets = [5], sizes = [1], strides = [1]} : vector<16xf32> to vector<1xf32>
      %squeeze3A_611 = vector.extract %slice3A_610[0] : f32 from vector<1xf32>
      %eq3A_612 = arith.constant 1 : i32
      %eq3A_613 = vector.broadcast %eq3A_612 : i32 to vector<16xi32>
      %eq3A_614 = arith.cmpi eq, %iota3A, %eq3A_613 : vector<16xi32>
      %slice3A_615 = vector.extract_strided_slice %get3A_440 {offsets = [5], sizes = [1], strides = [1]} : vector<16xf32> to vector<1xf32>
      %squeeze3A_616 = vector.extract %slice3A_615[0] : f32 from vector<1xf32>
      %eq3A_617 = arith.constant 2 : i32
      %eq3A_618 = vector.broadcast %eq3A_617 : i32 to vector<16xi32>
      %eq3A_619 = arith.cmpi eq, %iota3A, %eq3A_618 : vector<16xi32>
      %slice3A_620 = vector.extract_strided_slice %get3A_445 {offsets = [5], sizes = [1], strides = [1]} : vector<16xf32> to vector<1xf32>
      %squeeze3A_621 = vector.extract %slice3A_620[0] : f32 from vector<1xf32>
      %broadcast_in_dim3A_622 = vector.broadcast %squeeze3A_621 : f32 to vector<16xf32>
      %select_n3A_623 = arith.select %eq3A_619, %broadcast_in_dim3A_622, %get3A_606 : vector<16xi1>, vector<16xf32>
      %broadcast_in_dim3A_624 = vector.broadcast %squeeze3A_616 : f32 to vector<16xf32>
      %select_n3A_625 = arith.select %eq3A_614, %broadcast_in_dim3A_624, %select_n3A_623 : vector<16xi1>, vector<16xf32>
      %broadcast_in_dim3A_626 = vector.broadcast %squeeze3A_611 : f32 to vector<16xf32>
      %select_n3A_627 = arith.select %eq3A_609, %broadcast_in_dim3A_626, %select_n3A_625 : vector<16xi1>, vector<16xf32>
      %swap3A_628 = arith.constant 5 : i32
      %swap3A_629 = arith.index_cast %swap3A_628 : i32 to index
      %swap3A_630 = arith.constant 0 : index
      %swap3A_631 = tpu.vector_load %arg18[%swap3A_629, %swap3A_630] {strides = array<i32>} : memref<16x2883xf32, #tpu.memory_space<vmem>>, vector<1x16xf32>,
      %swap3A_632 = vector.shape_cast %swap3A_631 : vector<1x16xf32> to vector<16xf32>
      %swap3A_633 = vector.shape_cast %select_n3A_627 : vector<16xf32> to vector<1x16xf32>
      tpu.vector_store %arg18[%swap3A_629, %swap3A_630], %swap3A_633 {strides = array<i32>} : memref<16x2883xf32, #tpu.memory_space<vmem>>, vector<1x16xf32>,
      %get3A_634 = arith.constant 6 : i32
      %get3A_635 = arith.index_cast %get3A_634 : i32 to index
      %get3A_636 = arith.constant 0 : index
      %get3A_637 = tpu.vector_load %arg18[%get3A_635, %get3A_636] {strides = array<i32>} : memref<16x2883xf32, #tpu.memory_space<vmem>>, vector<1x16xf32>,
      %get3A_638 = vector.shape_cast %get3A_637 : vector<1x16xf32> to vector<16xf32>
      %eq3A_639 = arith.constant 0 : i32
      %eq3A_640 = vector.broadcast %eq3A_639 : i32 to vector<16xi32>
      %eq3A_641 = arith.cmpi eq, %iota3A, %eq3A_640 : vector<16xi32>
      %slice3A_642 = vector.extract_strided_slice %get3A_435 {offsets = [6], sizes = [1], strides = [1]} : vector<16xf32> to vector<1xf32>
      %squeeze3A_643 = vector.extract %slice3A_642[0] : f32 from vector<1xf32>
      %eq3A_644 = arith.constant 1 : i32
      %eq3A_645 = vector.broadcast %eq3A_644 : i32 to vector<16xi32>
      %eq3A_646 = arith.cmpi eq, %iota3A, %eq3A_645 : vector<16xi32>
      %slice3A_647 = vector.extract_strided_slice %get3A_440 {offsets = [6], sizes = [1], strides = [1]} : vector<16xf32> to vector<1xf32>
      %squeeze3A_648 = vector.extract %slice3A_647[0] : f32 from vector<1xf32>
      %eq3A_649 = arith.constant 2 : i32
      %eq3A_650 = vector.broadcast %eq3A_649 : i32 to vector<16xi32>
      %eq3A_651 = arith.cmpi eq, %iota3A, %eq3A_650 : vector<16xi32>
      %slice3A_652 = vector.extract_strided_slice %get3A_445 {offsets = [6], sizes = [1], strides = [1]} : vector<16xf32> to vector<1xf32>
      %squeeze3A_653 = vector.extract %slice3A_652[0] : f32 from vector<1xf32>
      %broadcast_in_dim3A_654 = vector.broadcast %squeeze3A_653 : f32 to vector<16xf32>
      %select_n3A_655 = arith.select %eq3A_651, %broadcast_in_dim3A_654, %get3A_638 : vector<16xi1>, vector<16xf32>
      %broadcast_in_dim3A_656 = vector.broadcast %squeeze3A_648 : f32 to vector<16xf32>
      %select_n3A_657 = arith.select %eq3A_646, %broadcast_in_dim3A_656, %select_n3A_655 : vector<16xi1>, vector<16xf32>
      %broadcast_in_dim3A_658 = vector.broadcast %squeeze3A_643 : f32 to vector<16xf32>
      %select_n3A_659 = arith.select %eq3A_641, %broadcast_in_dim3A_658, %select_n3A_657 : vector<16xi1>, vector<16xf32>
      %swap3A_660 = arith.constant 6 : i32
      %swap3A_661 = arith.index_cast %swap3A_660 : i32 to index
      %swap3A_662 = arith.constant 0 : index
      %swap3A_663 = tpu.vector_load %arg18[%swap3A_661, %swap3A_662] {strides = array<i32>} : memref<16x2883xf32, #tpu.memory_space<vmem>>, vector<1x16xf32>,
      %swap3A_664 = vector.shape_cast %swap3A_663 : vector<1x16xf32> to vector<16xf32>
      %swap3A_665 = vector.shape_cast %select_n3A_659 : vector<16xf32> to vector<1x16xf32>
      tpu.vector_store %arg18[%swap3A_661, %swap3A_662], %swap3A_665 {strides = array<i32>} : memref<16x2883xf32, #tpu.memory_space<vmem>>, vector<1x16xf32>,
      %get3A_666 = arith.constant 7 : i32
      %get3A_667 = arith.index_cast %get3A_666 : i32 to index
      %get3A_668 = arith.constant 0 : index
      %get3A_669 = tpu.vector_load %arg18[%get3A_667, %get3A_668] {strides = array<i32>} : memref<16x2883xf32, #tpu.memory_space<vmem>>, vector<1x16xf32>,
      %get3A_670 = vector.shape_cast %get3A_669 : vector<1x16xf32> to vector<16xf32>
      %eq3A_671 = arith.constant 0 : i32
      %eq3A_672 = vector.broadcast %eq3A_671 : i32 to vector<16xi32>
      %eq3A_673 = arith.cmpi eq, %iota3A, %eq3A_672 : vector<16xi32>
      %slice3A_674 = vector.extract_strided_slice %get3A_435 {offsets = [7], sizes = [1], strides = [1]} : vector<16xf32> to vector<1xf32>
      %squeeze3A_675 = vector.extract %slice3A_674[0] : f32 from vector<1xf32>
      %eq3A_676 = arith.constant 1 : i32
      %eq3A_677 = vector.broadcast %eq3A_676 : i32 to vector<16xi32>
      %eq3A_678 = arith.cmpi eq, %iota3A, %eq3A_677 : vector<16xi32>
      %slice3A_679 = vector.extract_strided_slice %get3A_440 {offsets = [7], sizes = [1], strides = [1]} : vector<16xf32> to vector<1xf32>
      %squeeze3A_680 = vector.extract %slice3A_679[0] : f32 from vector<1xf32>
      %eq3A_681 = arith.constant 2 : i32
      %eq3A_682 = vector.broadcast %eq3A_681 : i32 to vector<16xi32>
      %eq3A_683 = arith.cmpi eq, %iota3A, %eq3A_682 : vector<16xi32>
      %slice3A_684 = vector.extract_strided_slice %get3A_445 {offsets = [7], sizes = [1], strides = [1]} : vector<16xf32> to vector<1xf32>
      %squeeze3A_685 = vector.extract %slice3A_684[0] : f32 from vector<1xf32>
      %broadcast_in_dim3A_686 = vector.broadcast %squeeze3A_685 : f32 to vector<16xf32>
      %select_n3A_687 = arith.select %eq3A_683, %broadcast_in_dim3A_686, %get3A_670 : vector<16xi1>, vector<16xf32>
      %broadcast_in_dim3A_688 = vector.broadcast %squeeze3A_680 : f32 to vector<16xf32>
      %select_n3A_689 = arith.select %eq3A_678, %broadcast_in_dim3A_688, %select_n3A_687 : vector<16xi1>, vector<16xf32>
      %broadcast_in_dim3A_690 = vector.broadcast %squeeze3A_675 : f32 to vector<16xf32>
      %select_n3A_691 = arith.select %eq3A_673, %broadcast_in_dim3A_690, %select_n3A_689 : vector<16xi1>, vector<16xf32>
      %swap3A_692 = arith.constant 7 : i32
      %swap3A_693 = arith.index_cast %swap3A_692 : i32 to index
      %swap3A_694 = arith.constant 0 : index
      %swap3A_695 = tpu.vector_load %arg18[%swap3A_693, %swap3A_694] {strides = array<i32>} : memref<16x2883xf32, #tpu.memory_space<vmem>>, vector<1x16xf32>,
      %swap3A_696 = vector.shape_cast %swap3A_695 : vector<1x16xf32> to vector<16xf32>
      %swap3A_697 = vector.shape_cast %select_n3A_691 : vector<16xf32> to vector<1x16xf32>
      tpu.vector_store %arg18[%swap3A_693, %swap3A_694], %swap3A_697 {strides = array<i32>} : memref<16x2883xf32, #tpu.memory_space<vmem>>, vector<1x16xf32>,
      %get3A_698 = arith.constant 8 : i32
      %get3A_699 = arith.index_cast %get3A_698 : i32 to index
      %get3A_700 = arith.constant 0 : index
      %get3A_701 = tpu.vector_load %arg18[%get3A_699, %get3A_700] {strides = array<i32>} : memref<16x2883xf32, #tpu.memory_space<vmem>>, vector<1x16xf32>,
      %get3A_702 = vector.shape_cast %get3A_701 : vector<1x16xf32> to vector<16xf32>
      %eq3A_703 = arith.constant 0 : i32
      %eq3A_704 = vector.broadcast %eq3A_703 : i32 to vector<16xi32>
      %eq3A_705 = arith.cmpi eq, %iota3A, %eq3A_704 : vector<16xi32>
      %slice3A_706 = vector.extract_strided_slice %get3A_435 {offsets = [8], sizes = [1], strides = [1]} : vector<16xf32> to vector<1xf32>
      %squeeze3A_707 = vector.extract %slice3A_706[0] : f32 from vector<1xf32>
      %eq3A_708 = arith.constant 1 : i32
      %eq3A_709 = vector.broadcast %eq3A_708 : i32 to vector<16xi32>
      %eq3A_710 = arith.cmpi eq, %iota3A, %eq3A_709 : vector<16xi32>
      %slice3A_711 = vector.extract_strided_slice %get3A_440 {offsets = [8], sizes = [1], strides = [1]} : vector<16xf32> to vector<1xf32>
      %squeeze3A_712 = vector.extract %slice3A_711[0] : f32 from vector<1xf32>
      %eq3A_713 = arith.constant 2 : i32
      %eq3A_714 = vector.broadcast %eq3A_713 : i32 to vector<16xi32>
      %eq3A_715 = arith.cmpi eq, %iota3A, %eq3A_714 : vector<16xi32>
      %slice3A_716 = vector.extract_strided_slice %get3A_445 {offsets = [8], sizes = [1], strides = [1]} : vector<16xf32> to vector<1xf32>
      %squeeze3A_717 = vector.extract %slice3A_716[0] : f32 from vector<1xf32>
      %broadcast_in_dim3A_718 = vector.broadcast %squeeze3A_717 : f32 to vector<16xf32>
      %select_n3A_719 = arith.select %eq3A_715, %broadcast_in_dim3A_718, %get3A_702 : vector<16xi1>, vector<16xf32>
      %broadcast_in_dim3A_720 = vector.broadcast %squeeze3A_712 : f32 to vector<16xf32>
      %select_n3A_721 = arith.select %eq3A_710, %broadcast_in_dim3A_720, %select_n3A_719 : vector<16xi1>, vector<16xf32>
      %broadcast_in_dim3A_722 = vector.broadcast %squeeze3A_707 : f32 to vector<16xf32>
      %select_n3A_723 = arith.select %eq3A_705, %broadcast_in_dim3A_722, %select_n3A_721 : vector<16xi1>, vector<16xf32>
      %swap3A_724 = arith.constant 8 : i32
      %swap3A_725 = arith.index_cast %swap3A_724 : i32 to index
      %swap3A_726 = arith.constant 0 : index
      %swap3A_727 = tpu.vector_load %arg18[%swap3A_725, %swap3A_726] {strides = array<i32>} : memref<16x2883xf32, #tpu.memory_space<vmem>>, vector<1x16xf32>,
      %swap3A_728 = vector.shape_cast %swap3A_727 : vector<1x16xf32> to vector<16xf32>
      %swap3A_729 = vector.shape_cast %select_n3A_723 : vector<16xf32> to vector<1x16xf32>
      tpu.vector_store %arg18[%swap3A_725, %swap3A_726], %swap3A_729 {strides = array<i32>} : memref<16x2883xf32, #tpu.memory_space<vmem>>, vector<1x16xf32>,
      %get3A_730 = arith.constant 9 : i32
      %get3A_731 = arith.index_cast %get3A_730 : i32 to index
      %get3A_732 = arith.constant 0 : index
      %get3A_733 = tpu.vector_load %arg18[%get3A_731, %get3A_732] {strides = array<i32>} : memref<16x2883xf32, #tpu.memory_space<vmem>>, vector<1x16xf32>,
      %get3A_734 = vector.shape_cast %get3A_733 : vector<1x16xf32> to vector<16xf32>
      %eq3A_735 = arith.constant 0 : i32
      %eq3A_736 = vector.broadcast %eq3A_735 : i32 to vector<16xi32>
      %eq3A_737 = arith.cmpi eq, %iota3A, %eq3A_736 : vector<16xi32>
      %slice3A_738 = vector.extract_strided_slice %get3A_435 {offsets = [9], sizes = [1], strides = [1]} : vector<16xf32> to vector<1xf32>
      %squeeze3A_739 = vector.extract %slice3A_738[0] : f32 from vector<1xf32>
      %eq3A_740 = arith.constant 1 : i32
      %eq3A_741 = vector.broadcast %eq3A_740 : i32 to vector<16xi32>
      %eq3A_742 = arith.cmpi eq, %iota3A, %eq3A_741 : vector<16xi32>
      %slice3A_743 = vector.extract_strided_slice %get3A_440 {offsets = [9], sizes = [1], strides = [1]} : vector<16xf32> to vector<1xf32>
      %squeeze3A_744 = vector.extract %slice3A_743[0] : f32 from vector<1xf32>
      %eq3A_745 = arith.constant 2 : i32
      %eq3A_746 = vector.broadcast %eq3A_745 : i32 to vector<16xi32>
      %eq3A_747 = arith.cmpi eq, %iota3A, %eq3A_746 : vector<16xi32>
      %slice3A_748 = vector.extract_strided_slice %get3A_445 {offsets = [9], sizes = [1], strides = [1]} : vector<16xf32> to vector<1xf32>
      %squeeze3A_749 = vector.extract %slice3A_748[0] : f32 from vector<1xf32>
      %broadcast_in_dim3A_750 = vector.broadcast %squeeze3A_749 : f32 to vector<16xf32>
      %select_n3A_751 = arith.select %eq3A_747, %broadcast_in_dim3A_750, %get3A_734 : vector<16xi1>, vector<16xf32>
      %broadcast_in_dim3A_752 = vector.broadcast %squeeze3A_744 : f32 to vector<16xf32>
      %select_n3A_753 = arith.select %eq3A_742, %broadcast_in_dim3A_752, %select_n3A_751 : vector<16xi1>, vector<16xf32>
      %broadcast_in_dim3A_754 = vector.broadcast %squeeze3A_739 : f32 to vector<16xf32>
      %select_n3A_755 = arith.select %eq3A_737, %broadcast_in_dim3A_754, %select_n3A_753 : vector<16xi1>, vector<16xf32>
      %swap3A_756 = arith.constant 9 : i32
      %swap3A_757 = arith.index_cast %swap3A_756 : i32 to index
      %swap3A_758 = arith.constant 0 : index
      %swap3A_759 = tpu.vector_load %arg18[%swap3A_757, %swap3A_758] {strides = array<i32>} : memref<16x2883xf32, #tpu.memory_space<vmem>>, vector<1x16xf32>,
      %swap3A_760 = vector.shape_cast %swap3A_759 : vector<1x16xf32> to vector<16xf32>
      %swap3A_761 = vector.shape_cast %select_n3A_755 : vector<16xf32> to vector<1x16xf32>
      tpu.vector_store %arg18[%swap3A_757, %swap3A_758], %swap3A_761 {strides = array<i32>} : memref<16x2883xf32, #tpu.memory_space<vmem>>, vector<1x16xf32>,
      %get3A_762 = arith.constant 10 : i32
      %get3A_763 = arith.index_cast %get3A_762 : i32 to index
      %get3A_764 = arith.constant 0 : index
      %get3A_765 = tpu.vector_load %arg18[%get3A_763, %get3A_764] {strides = array<i32>} : memref<16x2883xf32, #tpu.memory_space<vmem>>, vector<1x16xf32>,
      %get3A_766 = vector.shape_cast %get3A_765 : vector<1x16xf32> to vector<16xf32>
      %eq3A_767 = arith.constant 0 : i32
      %eq3A_768 = vector.broadcast %eq3A_767 : i32 to vector<16xi32>
      %eq3A_769 = arith.cmpi eq, %iota3A, %eq3A_768 : vector<16xi32>
      %slice3A_770 = vector.extract_strided_slice %get3A_435 {offsets = [10], sizes = [1], strides = [1]} : vector<16xf32> to vector<1xf32>
      %squeeze3A_771 = vector.extract %slice3A_770[0] : f32 from vector<1xf32>
      %eq3A_772 = arith.constant 1 : i32
      %eq3A_773 = vector.broadcast %eq3A_772 : i32 to vector<16xi32>
      %eq3A_774 = arith.cmpi eq, %iota3A, %eq3A_773 : vector<16xi32>
      %slice3A_775 = vector.extract_strided_slice %get3A_440 {offsets = [10], sizes = [1], strides = [1]} : vector<16xf32> to vector<1xf32>
      %squeeze3A_776 = vector.extract %slice3A_775[0] : f32 from vector<1xf32>
      %eq3A_777 = arith.constant 2 : i32
      %eq3A_778 = vector.broadcast %eq3A_777 : i32 to vector<16xi32>
      %eq3A_779 = arith.cmpi eq, %iota3A, %eq3A_778 : vector<16xi32>
      %slice3A_780 = vector.extract_strided_slice %get3A_445 {offsets = [10], sizes = [1], strides = [1]} : vector<16xf32> to vector<1xf32>
      %squeeze3A_781 = vector.extract %slice3A_780[0] : f32 from vector<1xf32>
      %broadcast_in_dim3A_782 = vector.broadcast %squeeze3A_781 : f32 to vector<16xf32>
      %select_n3A_783 = arith.select %eq3A_779, %broadcast_in_dim3A_782, %get3A_766 : vector<16xi1>, vector<16xf32>
      %broadcast_in_dim3A_784 = vector.broadcast %squeeze3A_776 : f32 to vector<16xf32>
      %select_n3A_785 = arith.select %eq3A_774, %broadcast_in_dim3A_784, %select_n3A_783 : vector<16xi1>, vector<16xf32>
      %broadcast_in_dim3A_786 = vector.broadcast %squeeze3A_771 : f32 to vector<16xf32>
      %select_n3A_787 = arith.select %eq3A_769, %broadcast_in_dim3A_786, %select_n3A_785 : vector<16xi1>, vector<16xf32>
      %swap3A_788 = arith.constant 10 : i32
      %swap3A_789 = arith.index_cast %swap3A_788 : i32 to index
      %swap3A_790 = arith.constant 0 : index
      %swap3A_791 = tpu.vector_load %arg18[%swap3A_789, %swap3A_790] {strides = array<i32>} : memref<16x2883xf32, #tpu.memory_space<vmem>>, vector<1x16xf32>,
      %swap3A_792 = vector.shape_cast %swap3A_791 : vector<1x16xf32> to vector<16xf32>
      %swap3A_793 = vector.shape_cast %select_n3A_787 : vector<16xf32> to vector<1x16xf32>
      tpu.vector_store %arg18[%swap3A_789, %swap3A_790], %swap3A_793 {strides = array<i32>} : memref<16x2883xf32, #tpu.memory_space<vmem>>, vector<1x16xf32>,
      %get3A_794 = arith.constant 11 : i32
      %get3A_795 = arith.index_cast %get3A_794 : i32 to index
      %get3A_796 = arith.constant 0 : index
      %get3A_797 = tpu.vector_load %arg18[%get3A_795, %get3A_796] {strides = array<i32>} : memref<16x2883xf32, #tpu.memory_space<vmem>>, vector<1x16xf32>,
      %get3A_798 = vector.shape_cast %get3A_797 : vector<1x16xf32> to vector<16xf32>
      %eq3A_799 = arith.constant 0 : i32
      %eq3A_800 = vector.broadcast %eq3A_799 : i32 to vector<16xi32>
      %eq3A_801 = arith.cmpi eq, %iota3A, %eq3A_800 : vector<16xi32>
      %slice3A_802 = vector.extract_strided_slice %get3A_435 {offsets = [11], sizes = [1], strides = [1]} : vector<16xf32> to vector<1xf32>
      %squeeze3A_803 = vector.extract %slice3A_802[0] : f32 from vector<1xf32>
      %eq3A_804 = arith.constant 1 : i32
      %eq3A_805 = vector.broadcast %eq3A_804 : i32 to vector<16xi32>
      %eq3A_806 = arith.cmpi eq, %iota3A, %eq3A_805 : vector<16xi32>
      %slice3A_807 = vector.extract_strided_slice %get3A_440 {offsets = [11], sizes = [1], strides = [1]} : vector<16xf32> to vector<1xf32>
      %squeeze3A_808 = vector.extract %slice3A_807[0] : f32 from vector<1xf32>
      %eq3A_809 = arith.constant 2 : i32
      %eq3A_810 = vector.broadcast %eq3A_809 : i32 to vector<16xi32>
      %eq3A_811 = arith.cmpi eq, %iota3A, %eq3A_810 : vector<16xi32>
      %slice3A_812 = vector.extract_strided_slice %get3A_445 {offsets = [11], sizes = [1], strides = [1]} : vector<16xf32> to vector<1xf32>
      %squeeze3A_813 = vector.extract %slice3A_812[0] : f32 from vector<1xf32>
      %broadcast_in_dim3A_814 = vector.broadcast %squeeze3A_813 : f32 to vector<16xf32>
      %select_n3A_815 = arith.select %eq3A_811, %broadcast_in_dim3A_814, %get3A_798 : vector<16xi1>, vector<16xf32>
      %broadcast_in_dim3A_816 = vector.broadcast %squeeze3A_808 : f32 to vector<16xf32>
      %select_n3A_817 = arith.select %eq3A_806, %broadcast_in_dim3A_816, %select_n3A_815 : vector<16xi1>, vector<16xf32>
      %broadcast_in_dim3A_818 = vector.broadcast %squeeze3A_803 : f32 to vector<16xf32>
      %select_n3A_819 = arith.select %eq3A_801, %broadcast_in_dim3A_818, %select_n3A_817 : vector<16xi1>, vector<16xf32>
      %swap3A_820 = arith.constant 11 : i32
      %swap3A_821 = arith.index_cast %swap3A_820 : i32 to index
      %swap3A_822 = arith.constant 0 : index
      %swap3A_823 = tpu.vector_load %arg18[%swap3A_821, %swap3A_822] {strides = array<i32>} : memref<16x2883xf32, #tpu.memory_space<vmem>>, vector<1x16xf32>,
      %swap3A_824 = vector.shape_cast %swap3A_823 : vector<1x16xf32> to vector<16xf32>
      %swap3A_825 = vector.shape_cast %select_n3A_819 : vector<16xf32> to vector<1x16xf32>
      tpu.vector_store %arg18[%swap3A_821, %swap3A_822], %swap3A_825 {strides = array<i32>} : memref<16x2883xf32, #tpu.memory_space<vmem>>, vector<1x16xf32>,
      %get3A_826 = arith.constant 12 : i32
      %get3A_827 = arith.index_cast %get3A_826 : i32 to index
      %get3A_828 = arith.constant 0 : index
      %get3A_829 = tpu.vector_load %arg18[%get3A_827, %get3A_828] {strides = array<i32>} : memref<16x2883xf32, #tpu.memory_space<vmem>>, vector<1x16xf32>,
      %get3A_830 = vector.shape_cast %get3A_829 : vector<1x16xf32> to vector<16xf32>
      %eq3A_831 = arith.constant 0 : i32
      %eq3A_832 = vector.broadcast %eq3A_831 : i32 to vector<16xi32>
      %eq3A_833 = arith.cmpi eq, %iota3A, %eq3A_832 : vector<16xi32>
      %slice3A_834 = vector.extract_strided_slice %get3A_435 {offsets = [12], sizes = [1], strides = [1]} : vector<16xf32> to vector<1xf32>
      %squeeze3A_835 = vector.extract %slice3A_834[0] : f32 from vector<1xf32>
      %eq3A_836 = arith.constant 1 : i32
      %eq3A_837 = vector.broadcast %eq3A_836 : i32 to vector<16xi32>
      %eq3A_838 = arith.cmpi eq, %iota3A, %eq3A_837 : vector<16xi32>
      %slice3A_839 = vector.extract_strided_slice %get3A_440 {offsets = [12], sizes = [1], strides = [1]} : vector<16xf32> to vector<1xf32>
      %squeeze3A_840 = vector.extract %slice3A_839[0] : f32 from vector<1xf32>
      %eq3A_841 = arith.constant 2 : i32
      %eq3A_842 = vector.broadcast %eq3A_841 : i32 to vector<16xi32>
      %eq3A_843 = arith.cmpi eq, %iota3A, %eq3A_842 : vector<16xi32>
      %slice3A_844 = vector.extract_strided_slice %get3A_445 {offsets = [12], sizes = [1], strides = [1]} : vector<16xf32> to vector<1xf32>
      %squeeze3A_845 = vector.extract %slice3A_844[0] : f32 from vector<1xf32>
      %broadcast_in_dim3A_846 = vector.broadcast %squeeze3A_845 : f32 to vector<16xf32>
      %select_n3A_847 = arith.select %eq3A_843, %broadcast_in_dim3A_846, %get3A_830 : vector<16xi1>, vector<16xf32>
      %broadcast_in_dim3A_848 = vector.broadcast %squeeze3A_840 : f32 to vector<16xf32>
      %select_n3A_849 = arith.select %eq3A_838, %broadcast_in_dim3A_848, %select_n3A_847 : vector<16xi1>, vector<16xf32>
      %broadcast_in_dim3A_850 = vector.broadcast %squeeze3A_835 : f32 to vector<16xf32>
      %select_n3A_851 = arith.select %eq3A_833, %broadcast_in_dim3A_850, %select_n3A_849 : vector<16xi1>, vector<16xf32>
      %swap3A_852 = arith.constant 12 : i32
      %swap3A_853 = arith.index_cast %swap3A_852 : i32 to index
      %swap3A_854 = arith.constant 0 : index
      %swap3A_855 = tpu.vector_load %arg18[%swap3A_853, %swap3A_854] {strides = array<i32>} : memref<16x2883xf32, #tpu.memory_space<vmem>>, vector<1x16xf32>,
      %swap3A_856 = vector.shape_cast %swap3A_855 : vector<1x16xf32> to vector<16xf32>
      %swap3A_857 = vector.shape_cast %select_n3A_851 : vector<16xf32> to vector<1x16xf32>
      tpu.vector_store %arg18[%swap3A_853, %swap3A_854], %swap3A_857 {strides = array<i32>} : memref<16x2883xf32, #tpu.memory_space<vmem>>, vector<1x16xf32>,
      %get3A_858 = arith.constant 13 : i32
      %get3A_859 = arith.index_cast %get3A_858 : i32 to index
      %get3A_860 = arith.constant 0 : index
      %get3A_861 = tpu.vector_load %arg18[%get3A_859, %get3A_860] {strides = array<i32>} : memref<16x2883xf32, #tpu.memory_space<vmem>>, vector<1x16xf32>,
      %get3A_862 = vector.shape_cast %get3A_861 : vector<1x16xf32> to vector<16xf32>
      %eq3A_863 = arith.constant 0 : i32
      %eq3A_864 = vector.broadcast %eq3A_863 : i32 to vector<16xi32>
      %eq3A_865 = arith.cmpi eq, %iota3A, %eq3A_864 : vector<16xi32>
      %slice3A_866 = vector.extract_strided_slice %get3A_435 {offsets = [13], sizes = [1], strides = [1]} : vector<16xf32> to vector<1xf32>
      %squeeze3A_867 = vector.extract %slice3A_866[0] : f32 from vector<1xf32>
      %eq3A_868 = arith.constant 1 : i32
      %eq3A_869 = vector.broadcast %eq3A_868 : i32 to vector<16xi32>
      %eq3A_870 = arith.cmpi eq, %iota3A, %eq3A_869 : vector<16xi32>
      %slice3A_871 = vector.extract_strided_slice %get3A_440 {offsets = [13], sizes = [1], strides = [1]} : vector<16xf32> to vector<1xf32>
      %squeeze3A_872 = vector.extract %slice3A_871[0] : f32 from vector<1xf32>
      %eq3A_873 = arith.constant 2 : i32
      %eq3A_874 = vector.broadcast %eq3A_873 : i32 to vector<16xi32>
      %eq3A_875 = arith.cmpi eq, %iota3A, %eq3A_874 : vector<16xi32>
      %slice3A_876 = vector.extract_strided_slice %get3A_445 {offsets = [13], sizes = [1], strides = [1]} : vector<16xf32> to vector<1xf32>
      %squeeze3A_877 = vector.extract %slice3A_876[0] : f32 from vector<1xf32>
      %broadcast_in_dim3A_878 = vector.broadcast %squeeze3A_877 : f32 to vector<16xf32>
      %select_n3A_879 = arith.select %eq3A_875, %broadcast_in_dim3A_878, %get3A_862 : vector<16xi1>, vector<16xf32>
      %broadcast_in_dim3A_880 = vector.broadcast %squeeze3A_872 : f32 to vector<16xf32>
      %select_n3A_881 = arith.select %eq3A_870, %broadcast_in_dim3A_880, %select_n3A_879 : vector<16xi1>, vector<16xf32>
      %broadcast_in_dim3A_882 = vector.broadcast %squeeze3A_867 : f32 to vector<16xf32>
      %select_n3A_883 = arith.select %eq3A_865, %broadcast_in_dim3A_882, %select_n3A_881 : vector<16xi1>, vector<16xf32>
      %swap3A_884 = arith.constant 13 : i32
      %swap3A_885 = arith.index_cast %swap3A_884 : i32 to index
      %swap3A_886 = arith.constant 0 : index
      %swap3A_887 = tpu.vector_load %arg18[%swap3A_885, %swap3A_886] {strides = array<i32>} : memref<16x2883xf32, #tpu.memory_space<vmem>>, vector<1x16xf32>,
      %swap3A_888 = vector.shape_cast %swap3A_887 : vector<1x16xf32> to vector<16xf32>
      %swap3A_889 = vector.shape_cast %select_n3A_883 : vector<16xf32> to vector<1x16xf32>
      tpu.vector_store %arg18[%swap3A_885, %swap3A_886], %swap3A_889 {strides = array<i32>} : memref<16x2883xf32, #tpu.memory_space<vmem>>, vector<1x16xf32>,
      %get3A_890 = arith.constant 14 : i32
      %get3A_891 = arith.index_cast %get3A_890 : i32 to index
      %get3A_892 = arith.constant 0 : index
      %get3A_893 = tpu.vector_load %arg18[%get3A_891, %get3A_892] {strides = array<i32>} : memref<16x2883xf32, #tpu.memory_space<vmem>>, vector<1x16xf32>,
      %get3A_894 = vector.shape_cast %get3A_893 : vector<1x16xf32> to vector<16xf32>
      %eq3A_895 = arith.constant 0 : i32
      %eq3A_896 = vector.broadcast %eq3A_895 : i32 to vector<16xi32>
      %eq3A_897 = arith.cmpi eq, %iota3A, %eq3A_896 : vector<16xi32>
      %slice3A_898 = vector.extract_strided_slice %get3A_435 {offsets = [14], sizes = [1], strides = [1]} : vector<16xf32> to vector<1xf32>
      %squeeze3A_899 = vector.extract %slice3A_898[0] : f32 from vector<1xf32>
      %eq3A_900 = arith.constant 1 : i32
      %eq3A_901 = vector.broadcast %eq3A_900 : i32 to vector<16xi32>
      %eq3A_902 = arith.cmpi eq, %iota3A, %eq3A_901 : vector<16xi32>
      %slice3A_903 = vector.extract_strided_slice %get3A_440 {offsets = [14], sizes = [1], strides = [1]} : vector<16xf32> to vector<1xf32>
      %squeeze3A_904 = vector.extract %slice3A_903[0] : f32 from vector<1xf32>
      %eq3A_905 = arith.constant 2 : i32
      %eq3A_906 = vector.broadcast %eq3A_905 : i32 to vector<16xi32>
      %eq3A_907 = arith.cmpi eq, %iota3A, %eq3A_906 : vector<16xi32>
      %slice3A_908 = vector.extract_strided_slice %get3A_445 {offsets = [14], sizes = [1], strides = [1]} : vector<16xf32> to vector<1xf32>
      %squeeze3A_909 = vector.extract %slice3A_908[0] : f32 from vector<1xf32>
      %broadcast_in_dim3A_910 = vector.broadcast %squeeze3A_909 : f32 to vector<16xf32>
      %select_n3A_911 = arith.select %eq3A_907, %broadcast_in_dim3A_910, %get3A_894 : vector<16xi1>, vector<16xf32>
      %broadcast_in_dim3A_912 = vector.broadcast %squeeze3A_904 : f32 to vector<16xf32>
      %select_n3A_913 = arith.select %eq3A_902, %broadcast_in_dim3A_912, %select_n3A_911 : vector<16xi1>, vector<16xf32>
      %broadcast_in_dim3A_914 = vector.broadcast %squeeze3A_899 : f32 to vector<16xf32>
      %select_n3A_915 = arith.select %eq3A_897, %broadcast_in_dim3A_914, %select_n3A_913 : vector<16xi1>, vector<16xf32>
      %swap3A_916 = arith.constant 14 : i32
      %swap3A_917 = arith.index_cast %swap3A_916 : i32 to index
      %swap3A_918 = arith.constant 0 : index
      %swap3A_919 = tpu.vector_load %arg18[%swap3A_917, %swap3A_918] {strides = array<i32>} : memref<16x2883xf32, #tpu.memory_space<vmem>>, vector<1x16xf32>,
      %swap3A_920 = vector.shape_cast %swap3A_919 : vector<1x16xf32> to vector<16xf32>
      %swap3A_921 = vector.shape_cast %select_n3A_915 : vector<16xf32> to vector<1x16xf32>
      tpu.vector_store %arg18[%swap3A_917, %swap3A_918], %swap3A_921 {strides = array<i32>} : memref<16x2883xf32, #tpu.memory_space<vmem>>, vector<1x16xf32>,
      %get3A_922 = arith.constant 15 : i32
      %get3A_923 = arith.index_cast %get3A_922 : i32 to index
      %get3A_924 = arith.constant 0 : index
      %get3A_925 = tpu.vector_load %arg18[%get3A_923, %get3A_924] {strides = array<i32>} : memref<16x2883xf32, #tpu.memory_space<vmem>>, vector<1x16xf32>,
      %get3A_926 = vector.shape_cast %get3A_925 : vector<1x16xf32> to vector<16xf32>
      %eq3A_927 = arith.constant 0 : i32
      %eq3A_928 = vector.broadcast %eq3A_927 : i32 to vector<16xi32>
      %eq3A_929 = arith.cmpi eq, %iota3A, %eq3A_928 : vector<16xi32>
      %slice3A_930 = vector.extract_strided_slice %get3A_435 {offsets = [15], sizes = [1], strides = [1]} : vector<16xf32> to vector<1xf32>
      %squeeze3A_931 = vector.extract %slice3A_930[0] : f32 from vector<1xf32>
      %eq3A_932 = arith.constant 1 : i32
      %eq3A_933 = vector.broadcast %eq3A_932 : i32 to vector<16xi32>
      %eq3A_934 = arith.cmpi eq, %iota3A, %eq3A_933 : vector<16xi32>
      %slice3A_935 = vector.extract_strided_slice %get3A_440 {offsets = [15], sizes = [1], strides = [1]} : vector<16xf32> to vector<1xf32>
      %squeeze3A_936 = vector.extract %slice3A_935[0] : f32 from vector<1xf32>
      %eq3A_937 = arith.constant 2 : i32
      %eq3A_938 = vector.broadcast %eq3A_937 : i32 to vector<16xi32>
      %eq3A_939 = arith.cmpi eq, %iota3A, %eq3A_938 : vector<16xi32>
      %slice3A_940 = vector.extract_strided_slice %get3A_445 {offsets = [15], sizes = [1], strides = [1]} : vector<16xf32> to vector<1xf32>
      %squeeze3A_941 = vector.extract %slice3A_940[0] : f32 from vector<1xf32>
      %broadcast_in_dim3A_942 = vector.broadcast %squeeze3A_941 : f32 to vector<16xf32>
      %select_n3A_943 = arith.select %eq3A_939, %broadcast_in_dim3A_942, %get3A_926 : vector<16xi1>, vector<16xf32>
      %broadcast_in_dim3A_944 = vector.broadcast %squeeze3A_936 : f32 to vector<16xf32>
      %select_n3A_945 = arith.select %eq3A_934, %broadcast_in_dim3A_944, %select_n3A_943 : vector<16xi1>, vector<16xf32>
      %broadcast_in_dim3A_946 = vector.broadcast %squeeze3A_931 : f32 to vector<16xf32>
      %select_n3A_947 = arith.select %eq3A_929, %broadcast_in_dim3A_946, %select_n3A_945 : vector<16xi1>, vector<16xf32>
      %swap3A_948 = arith.constant 15 : i32
      %swap3A_949 = arith.index_cast %swap3A_948 : i32 to index
      %swap3A_950 = arith.constant 0 : index
      %swap3A_951 = tpu.vector_load %arg18[%swap3A_949, %swap3A_950] {strides = array<i32>} : memref<16x2883xf32, #tpu.memory_space<vmem>>, vector<1x16xf32>,
      %swap3A_952 = vector.shape_cast %swap3A_951 : vector<1x16xf32> to vector<16xf32>
      %swap3A_953 = vector.shape_cast %select_n3A_947 : vector<16xf32> to vector<1x16xf32>
      tpu.vector_store %arg18[%swap3A_949, %swap3A_950], %swap3A_953 {strides = array<i32>} : memref<16x2883xf32, #tpu.memory_space<vmem>>, vector<1x16xf32>,
      %add3A_954 = arith.addi %add3A_4, %while3A_38 : i32
      %mul3A_955 = arith.constant 16 : i32
      %mul3A_956 = arith.muli %add3A_954, %mul3A_955 : i32
      "tpu.region"() ({
        %run_scoped3A = tpu.sem_alloc : memref<!tpu.dma_semaphore, #tpu.memory_space<semaphore_mem>>
        %dma_start3A_957 = arith.constant 0 : i32
        %dma_start3A_958 = tpu.memref_slice %arg7[%mul3A_956, %dma_start3A_957] : memref<10000x2883xf32, #tpu.memory_space<hbm>> -> memref<16x2883xf32, #tpu.memory_space<hbm>>
        %dma_start3A_959 = arith.constant 0 : i32
        %dma_start3A_960 = tpu.memref_slice %arg7[%mul3A_956, %dma_start3A_959] : memref<10000x2883xf32, #tpu.memory_space<hbm>> -> memref<16x2883xf32, #tpu.memory_space<hbm>>
        tpu.enqueue_dma source(%arg18 : memref<16x2883xf32, #tpu.memory_space<vmem>>) target(%dma_start3A_960 : memref<16x2883xf32, #tpu.memory_space<hbm>>) target_semaphore(%run_scoped3A : memref<!tpu.dma_semaphore, #tpu.memory_space<semaphore_mem>>)
        %dma_wait3A_961 = arith.constant 0 : i32
        %dma_wait3A_962 = tpu.memref_slice %arg7[%mul3A_956, %dma_wait3A_961] : memref<10000x2883xf32, #tpu.memory_space<hbm>> -> memref<16x2883xf32, #tpu.memory_space<hbm>>
        %dma_wait3A_963 = arith.constant 0 : i32
        %dma_wait3A_964 = tpu.memref_slice %arg7[%mul3A_956, %dma_wait3A_963] : memref<10000x2883xf32, #tpu.memory_space<hbm>> -> memref<16x2883xf32, #tpu.memory_space<hbm>>
        tpu.wait_dma2 semaphore(%run_scoped3A : memref<!tpu.dma_semaphore, #tpu.memory_space<semaphore_mem>>) src(%arg18 : memref<16x2883xf32, #tpu.memory_space<vmem>>) dst(%dma_wait3A_964 : memref<16x2883xf32, #tpu.memory_space<hbm>>)
        tpu.yield
      }) : () -> ()
    }
    return
  }
}

</mosaic_0001>

<sc_bundles>
// kernel: kernel.3.cloned.1.call-start
scs
__scs_entry_jumppad:
0x0: {  	(pc) =	sbr.rel $0x88, $3  }
0x1: {  	(tag) =	ssettag $0x0;
	lr =	simm.s32 $0x1  }
0x2: {  	[smem:$0x3F9B] =	sst lr;
	_ =	strace $0xD0000000  }
0x3: {  	_ = 	snop  }
0x4: {  	_ = 	snop  }
0x5: {  	_ = 	snop  }
0x6: {  	_ = 	snop  }
0x7: {  	_ = 	snop  }
__scs_overlays_trampoline_lowered:
0x8: {  	[smem:$0x3FAA] =	sst s0  }
0x9: {  	[smem:$0x3FAB] =	sst s1  }
0xa: {  	[smem:$0x3FAC] =	sst s2  }
0xb: {  	[smem:$0x3FAD] =	sst s3  }
0xc: {  	[smem:$0x3FAE] =	sst s4  }
0xd: {  	[smem:$0x3FAF] =	sst s5  }
0xe: {  	[smem:$0x3FB0] =	sst s6  }
0xf: {  	[smem:$0x3FB1] =	sst s7  }
0x10: {  	[smem:$0x3FB2] =	sst s8  }
0x11: {  	[smem:$0x3FB3] =	sst s9;
	s0 =	simm.s32 @!p0 $0x0  }
0x12: {  	s1 =	sld [smem:$0x3F99];
	s0 =	simm.s32 @p0 $0x1  }
0x13: {  	[smem:$0x3FB4] =	sst s0;
	s0 =	simm.s32 @!p1 $0x0  }
0x14: {  	s2 =	sld [smem:$0x3F98];
	s0 =	simm.s32 @p1 $0x1  }
0x15: {  	[smem:$0x3FB5] =	sst s0;
	s0 =	simm.s32 @!p2 $0x0  }
0x16: {  	s3 =	sld [smem:$0x3FDB];
	s0 =	simm.s32 @p2 $0x1  }
0x17: {  	s4 =	simm.s32 $0x1BF5;
	[smem:$0x3FB7] =	sst s0  }
0x18: {  	s0 =	sld [smem:$0x3F9A];
	_ =	swait.ge [sflag:s4], $0x0  }
0x19: {  	s7 =	sld [smem:$0x3F9B]  }
0x1a: {  	s8 =	sadd.s32 $0xFFFFE003, lr  }
0x1b: {  	s9 =	sadd.s32 $0xFFFFFEF7, lr;
	s5 =	simm.s32 $0xFFFFFFFF;
	p2 =	slt.u32 s8, $0xFFFFF086  }
0x1c: {  	p1 =	slt.u32 s9, $0xF7A;
	s5 =	simm.s32 @!p2 $0x0  }
0x1d: {  	s5 =	simm.s32 @p1 $0x1;
	p0 =	seq.s32 s7, s2  }
0x1e: {  	s7 =	smul.u32 @!p0 $0xF7A, s2;
	p2 =	seq.s32 @!p0 s5, $0x0  }
0x1f: {  	s9 =	smul.u32 $0xF7A, s1;
	s8 =	simm.s32 @!p0 $0x1BF5;
	p2 =	por !p2, p0  }
0x20: {  	[sflag:s8] =	ssyncset.s32 @!p0 $0xFFFFF086;
	s6 =	sadd.s32 @!p0 s3, s7;
	s7 =	simm.s32 @!p0 $0x108  }
0x21: {  	s3 =	sadd.s32 s3, s9;
	s6 =	sadd.s32 @!p0 $0x88, s6;
	s7 =	simm.s32 @p2 $0x1082  }
0x22: {  	[simem:s7], [sflag:s8] =	dma.local @!p0 [hbm:s6], $0xF7A  }
0x23: {  	s9 =	sor.u32 $0xD0000000, s2;
	s6 =	simm.s32 $0x108;
	_ =	swait.ge @!p0 [sflag:s8], $0x0  }
0x24: {  	s3 =	sadd.s32 $0x88, s3;
	s6 =	simm.s32 @!p1 $0x1082;
	[sflag:s4] =	ssyncset.s32 $0xFFFFF086  }
0x25: {  	[simem:s6], [sflag:s4] =	dma.local [hbm:s3], $0xF7A  }
0x26: {  	[smem:$0x3F9B] =	sst s1;
	(tag) =	ssettag s2;
	_ =	strace s9  }
0x27: {  	s1 =	sld [smem:$0x3FAB]  }
0x28: {  	s2 =	sld [smem:$0x3FAC]  }
0x29: {  	s4 =	sld [smem:$0x3FAE]  }
0x2a: {  	p0 =	seq.s32 s5, $0x0;
	s5 =	sld [smem:$0x3FAF]  }
0x2b: {  	s6 =	sld [smem:$0x3FB0]  }
0x2c: {  	s7 =	sld [smem:$0x3FB1]  }
0x2d: {  	s3 =	simm.s32 $0x108;
	s8 =	sld [smem:$0x3FB2]  }
0x2e: {  	s3 =	simm.s32 @!p0 $0x1082;
	s9 =	sld [smem:$0x3FB3]  }
0x2f: {  	lr =	sadd.s32 s0, s3;
	s0 =	sld [smem:$0x3FAA]  }
0x30: {  	s3 =	sld [smem:$0x3FAD]  }
0x31: {  	[smem:$0x3FB6] =	sst s10  }
0x32: {  	s10 =	sld [smem:$0x3FB4];
	_ =	sdelay $0x3  }
0x33: {  	p0 =	seq.s32 s10, $0x1;
	s10 =	sld [smem:$0x3FB6];
	_ =	sdelay $0x3  }
0x34: {  	[smem:$0x3FB6] =	sst s10  }
0x35: {  	s10 =	sld [smem:$0x3FB5];
	_ =	sdelay $0x3  }
0x36: {  	p1 =	seq.s32 s10, $0x1;
	s10 =	sld [smem:$0x3FB6];
	_ =	sdelay $0x3  }
0x37: {  	[smem:$0x3FB6] =	sst s10  }
0x38: {  	s10 =	sld [smem:$0x3FB7]  }
0x39: {  	_ = 	snop;
	(pc) =	sbr.ind lr, $3  }
0x3a: {  	_ = 	snop  }
0x3b: {  	_ = 	snop  }
0x3c: {  	p2 =	seq.s32 s10, $0x1;
	s10 =	sld [smem:$0x3FB6]  }
0x3d: {  	_ =	shalt  }
0x3e: {  	_ =	shalt  }
0x3f: {  	_ =	shalt  }
0x40: {  	_ =	shalt  }
0x41: {  	_ =	shalt  }
0x42: {  	_ =	shalt  }
0x43: {  	_ =	shalt  }
0x44: {  	_ =	shalt  }
0x45: {  	_ =	shalt  }
0x46: {  	_ =	shalt  }
0x47: {  	_ =	shalt  }
0x48: {  	_ =	shalt  }
0x49: {  	_ =	shalt  }
0x4a: {  	_ =	shalt  }
0x4b: {  	_ =	shalt  }
0x4c: {  	_ =	shalt  }
0x4d: {  	_ =	shalt  }
0x4e: {  	_ =	shalt  }
0x4f: {  	_ =	shalt  }
0x50: {  	_ =	shalt  }
0x51: {  	_ =	shalt  }
0x52: {  	_ =	shalt  }
0x53: {  	_ =	shalt  }
0x54: {  	_ =	shalt  }
0x55: {  	_ =	shalt  }
0x56: {  	_ =	shalt  }
0x57: {  	_ =	shalt  }
0x58: {  	_ =	shalt  }
0x59: {  	_ =	shalt  }
0x5a: {  	_ =	shalt  }
0x5b: {  	_ =	shalt  }
0x5c: {  	_ =	shalt  }
0x5d: {  	_ =	shalt  }
0x5e: {  	_ =	shalt  }
0x5f: {  	_ =	shalt  }
0x60: {  	_ =	shalt  }
0x61: {  	_ =	shalt  }
0x62: {  	_ =	shalt  }
0x63: {  	_ =	shalt  }
0x64: {  	_ =	shalt  }
0x65: {  	_ =	shalt  }
0x66: {  	_ =	shalt  }
0x67: {  	_ =	shalt  }
0x68: {  	_ =	shalt  }
0x69: {  	_ =	shalt  }
0x6a: {  	_ =	shalt  }
0x6b: {  	_ =	shalt  }
0x6c: {  	_ =	shalt  }
0x6d: {  	_ =	shalt  }
0x6e: {  	_ =	shalt  }
0x6f: {  	_ =	shalt  }
0x70: {  	_ =	shalt  }
0x71: {  	_ =	shalt  }
0x72: {  	_ =	shalt  }
0x73: {  	_ =	shalt  }
0x74: {  	_ =	shalt  }
0x75: {  	_ =	shalt  }
0x76: {  	_ =	shalt  }
0x77: {  	_ =	shalt  }
0x78: {  	_ =	shalt  }
0x79: {  	_ =	shalt  }
0x7a: {  	_ =	shalt  }
0x7b: {  	_ =	shalt  }
0x7c: {  	_ =	shalt  }
0x7d: {  	_ =	shalt  }
0x7e: {  	_ =	shalt  }
0x7f: {  	_ =	shalt  }
0x80: {  	_ =	shalt  }
0x81: {  	_ =	shalt  }
0x82: {  	_ =	shalt  }
0x83: {  	_ =	shalt  }
0x84: {  	_ =	shalt  }
0x85: {  	_ =	shalt  }
0x86: {  	_ =	shalt  }
0x87: {  	_ =	shalt  }
.Lfunc_end0:
.L_simem_size_0:
called_computation_lowered:
.L_overlay_start_0:
0x88: {  	s2 =	sld [smem:$0x3FD9]  }
0x89: {  	s3 =	sld [smem:$0x3FFE];
	_ =	sdelay $0x1  }
0x8a: {  	s1 =	srdreg.scid  }
0x8b: {  	s0 =	sand.u32 $0x1, s1  }
0x8c: {  	s17 =	sshll.u32 s0, $0xA;
	s2 =	sadd.s32 s3, s2  }
0x8d: {  	s2 =	sadd.s32 s2, s17  }
0x8e: {  	[smem:$0x3FC2] =	sst s2  }
0x8f: {  	_ = 	snop  }
0x90: {  	s2 =	sld [smem:$0x3FD0];
	(tm) =	ssettm $0x1  }
0x91: {  	s18 =	sld [smem:$0x3FFB];
	_ =	sdelay $0x3  }
0x92: {  	_ =	strace s18  }
0x93: {  	s3 =	sld [smem:$0x3FFC];
	_ =	sdelay $0x3  }
0x94: {  	_ =	strace s3  }
0x95: {  	s3 =	sld [smem:$0x3FFD];
	_ =	sdelay $0x3  }
0x96: {  	_ =	strace s3  }
0x97: {  	_ =	strace $0x8FFFFFFF  }
0x98: {  	s19 =	sld [smem:$0x3FDB];
	_ =	sdelay $0x1  }
0x99: {  	s4 =	simm.s32 $_scs_section_size  }
0x9a: {  	s5 =	simm.s32 $_size__tile_overlayer_lowered;
	s6 =	simm.s32 $_tile_overlayer_lowered  }
0x9b: {  	s22 =	simm.s32 $0x1BFF;
	s21 =	sshll.u32 s6, $0x1;
	s3 =	sadd.s32 s4, s19  }
0x9c: {  	s7 =	simm.s32 $0x0;
	s20 =	sshll.u32 s5, $0x1;
	s5 =	sadd.s32 s21, s3  }
0x9d: {  	[timem:s7], [sflag:s22] =	dma.local [hbm:s5], s20  }
0x9e: {  	_ =	swait.ge [sflag:s22], s20  }
0x9f: {  	s4 =	ssub.s32 $0x0, s20;
	[sflag:s22] =	ssyncset.done $0x0  }
0xa0: {  	[sflag:s22] =	ssyncadd.s32 s4;
	_ =	sdelay $0x1  }
0xa1: {  	s23 =	simm.s32 $0x1B8B  }
0xa2: {  	_ =	swait.ge [sflag:s23], $0x1  }
0xa3: {  	[sflag:s23] =	ssyncset.done $0x0  }
0xa4: {  	s25 =	simm.s32 $0x1B8E;
	s24 =	sld [smem:$0x3FFE];
	[sflag:s23] =	ssyncadd.s32 $0xFFFFFFFF  }
0xa5: {  	s26 =	simm.s32 $execute0_lowered;
	[smem:$0x3FD2] =	sst s25  }
0xa6: {  	s5 =	sshll.u32 s26, $0x1;
	_ =	strace $0x80000046;
	[dreg:$0x1] =	wrdreg $0xFFFFFFFF  }
0xa7: {  	s28 =	simm.s32 $_size_execute0_lowered;
	s3 =	sadd.s32 s3, s5;
	[dreg:$0x0] =	wrdreg $0x0  }
0xa8: {  	s5 =	sshll.u32 s28, $0x1;
	[dreg:$0x2] =	wrdreg s3  }
0xa9: {  	[dreg:$0x3] =	wrdreg s5  }
0xaa: {  	[dreg:$0x4] =	wrdreg $0xC0  }
0xab: {  	_ =	task [dreg:s7], $0x5FFFF  }
0xac: {  	[dreg:$0x1] =	wrdreg $0xFFFFFFFF  }
0xad: {  	[dreg:$0x0] =	wrdreg $0x60  }
0xae: {  	[dreg:$0x2] =	wrdreg s24  }
0xaf: {  	[dreg:$0x3] =	wrdreg s2  }
0xb0: {  	[dreg:$0x4] =	wrdreg $0x9  }
0xb1: {  	_ =	task.clear_ibuf [dreg:s7], $0x5FFFF;
	_ =	strace $0x90000046  }
0xb2: {  	s29 =	simm.s32 $0x9;
	_ =	strace $0x80000048  }
0xb3: {  	_ =	swait.ge [sflag:s29], $0x1  }
0xb4: {  	[sflag:s29] =	ssyncadd.s32 $0xFFFFFFFF  }
0xb5: {  	_ =	strace $0x90000048  }
0xb6: {  	_ =	sfence  }
0xb7: {  	s30 =	sld [smem:$0x0];
	_ =	sdelay $0x2  }
0xb8: {  	s31 =	sshll.u32 s1, $0xD;
	s1 =	sshrl.u32 s1, $0x2  }
0xb9: {  	s3 =	sand.u32 $0x4000, s31;
	s1 =	sadd.s32 s1, s30  }
0xba: {  	s0 =	sor.u32 s3, s0;
	s1 =	sshll.u32 s1, $0x11  }
0xbb: {  	s0 =	sor.u32 s1, s0  }
0xbc: {  	s0 =	sadd.s32 $0x8F2B, s0  }
0xbd: {  	[sflag:s0] =	ssyncadd.remote.s32 $0x1  }
0xbe: {  	_ =	sfence.sel $0xFFFF  }
0xbf: {  	[dreg:$0x0] =	wrdreg $0xFFFFFFFF;
	(pc) =	sbr.abs _section_cstart, $3  }
0xc0: {  	[dreg:$0x1] =	wrdreg $0xFFFFFFFF  }
0xc1: {  	_ =	task.clear_ibuf [dreg:s7], $0x2FFFF;
	_ =	strace $0x9FFFFFFF  }
0xc2: {  	(tm) =	ssettm $0x7FFFFFFF  }
0xc3: {  	_ =	shalt  }
tec
execute0_lowered:
.L_overlay_start_1:
0x0: {  	(tag) =	ssettag $0x1  }
0x1: {  	s0 =	srdreg.scid  }
0x2: {  	s1 =	stileid.u32;
	s2 =	rddreg [dreg:$0x0]  }
0x3: {  	s5 =	simm.s32 $0x0;
	s0 =	sand.u32 $0x1, s0;
	s1 =	sshll.u32 s1, $0x1  }
0x4: {  	[smem:$0x7FF] =	sst s5;
	s1 =	sor.u32 s0, s1  }
0x5: {  	s18 =	sadd.s32 $0x6400, s2;
	s19 =	sadd.s32 $0x9600, s2;
	s3 =	smul.u32 $0x13, s1  }
0x6: {  	_ =	strace $0x80000047;
	s0 =	ssub.s32 $0x2, s0;
	s4 =	smin.u32 s1, $0x11  }
0x7: {  	[dreg:$0x3] =	wrdreg s18;
	s20 =	sshrl.u32 s0, $0x1;
	s3 =	sadd.s32 s4, s3  }
0x8: {  	s0 =	ssub.s32 s0, s20;
	s8 =	smov.u32 s3;
	s3 =	sshll.u32 s3, $0x1  }
0x9: {  	[dreg:$0x4] =	wrdreg s19;
	s0 =	smax.u32 s0, $0x1;
	s3 =	sadd.s32 s3, s2  }
0xa: {  	[dreg:$0xe] =	wrdreg s0;
	s21 =	sadd.s32 $0x3600, s3  }
0xb: {  	s22 =	sadd.s32 $0x3AE4, s3;
	[dreg:$0x5] =	wrdreg s21  }
0xc: {  	s9 =	simm.s32 $0x14;
	s23 =	sadd.s32 $0x3FC8, s3;
	[dreg:$0x6] =	wrdreg s22  }
0xd: {  	s31 =	simm.s32 $0x30;
	s24 =	sadd.s32 $0x44AC, s3;
	[dreg:$0x7] =	wrdreg s23  }
0xe: {  	s7 =	sadd.s32 $0x2800, s2;
	s25 =	sadd.s32 $0x4990, s3;
	[dreg:$0x8] =	wrdreg s24  }
0xf: {  	s19 =	sadd.s32 $0x2900, s2;
	s26 =	sadd.s32 $0x4E74, s3;
	[dreg:$0x9] =	wrdreg s25  }
0x10: {  	p0 =	slt.u32 s1, $0x11;
	s28 =	sadd.s32 $0x5358, s3;
	[dreg:$0xa] =	wrdreg s26  }
0x11: {  	v2 =	vlaneseq.u32;
	s9 =	simm.s32 @!p0 $0x13;
	s29 =	sadd.s32 $0x583C, s3;
	[dreg:$0xb] =	wrdreg s28  }
0x12: {  	vm0 =	vmmov $0xffff;
	vm1 =	vcmask $0xB08;
	vm2 =	vcmask $0x3F08;
	s0 =	simm.s32 $0x1;
	s30 =	sadd.s32 $0x5D20, s3;
	[dreg:$0xc] =	wrdreg s29  }
0x13: {  	vm3 =	vcmask $0x3F04;
	vm4 =	vcmask $0x3F0C;
	v1 =	vshrl.u32 v2, $0x3;
	s3 =	simm.s32 $0x0;
	[dreg:$0xd] =	wrdreg s30;
	s21 =	simm.s32 $0x5  }
0x14: {  	v0 =	vand.u32 $0x7, v2;
	v2 =	vor.u32 $0x8, v2;
	v1 =	vmul.u32 $0x8, v1;
	s22 =	simm.s32 $0x2;
	s23 =	simm.s32 $0x3;
	s24 =	simm.s32 $0x4  }
.LBB2_1:
0x15: {  	[dreg:$0xf] =	wrdreg s3  }
0x16: {  	s1 =	simm.s32 $0x0;
	s6 =	rddreg [dreg:$0x5]  }
0x17: {  	[tilespmem:s1], [sflag:$0x5] =	stream.linear.gather [hbm4b:s6+s1], $0x140, $0x38;
	[tilespmem:$0x19100] =	vst v63  }
0x18: {  	_ =	swait.ge [sflag:s21], $0x140  }
0x19: {  	[sflag:s21] =	ssyncset.done $0x0  }
0x1a: {  	s4 =	simm.s32 $0x140;
	s10 =	rddreg [dreg:$0x6];
	[sflag:s21] =	ssyncadd.s32 $0xFFFFFEC0  }
0x1b: {  	[tilespmem:s4], [sflag:$0x5] =	stream.linear.gather [hbm4b:s10+s1], $0x140, $0x38;
	[tilespmem:$0x19100] =	vst v63  }
0x1c: {  	_ =	swait.ge [sflag:s21], $0x140  }
0x1d: {  	[sflag:s21] =	ssyncset.done $0x0  }
0x1e: {  	s12 =	simm.s32 $0x280;
	s11 =	rddreg [dreg:$0x7];
	[sflag:s21] =	ssyncadd.s32 $0xFFFFFEC0  }
0x1f: {  	[tilespmem:s12], [sflag:$0x5] =	stream.linear.gather [hbm4b:s11+s1], $0x140, $0x38;
	[tilespmem:$0x19100] =	vst v63  }
0x20: {  	_ =	swait.ge [sflag:s21], $0x140  }
0x21: {  	[sflag:s21] =	ssyncset.done $0x0  }
0x22: {  	s14 =	simm.s32 $0x3C0;
	s13 =	rddreg [dreg:$0x8];
	[sflag:s21] =	ssyncadd.s32 $0xFFFFFEC0  }
0x23: {  	[tilespmem:s14], [sflag:$0x5] =	stream.linear.gather [hbm4b:s13+s1], $0x140, $0x38;
	[tilespmem:$0x19100] =	vst v63  }
0x24: {  	_ =	swait.ge [sflag:s21], $0x140  }
0x25: {  	[sflag:s21] =	ssyncset.done $0x0  }
0x26: {  	s16 =	simm.s32 $0x500;
	s15 =	rddreg [dreg:$0x9];
	[sflag:s21] =	ssyncadd.s32 $0xFFFFFEC0  }
0x27: {  	[tilespmem:s16], [sflag:$0x5] =	stream.linear.gather [hbm4b:s15+s1], $0x140, $0x38;
	[tilespmem:$0x19100] =	vst v63  }
0x28: {  	_ =	swait.ge [sflag:s21], $0x140  }
0x29: {  	[sflag:s21] =	ssyncset.done $0x0  }
0x2a: {  	s18 =	simm.s32 $0x640;
	s17 =	rddreg [dreg:$0xa];
	[sflag:s21] =	ssyncadd.s32 $0xFFFFFEC0  }
0x2b: {  	[tilespmem:s18], [sflag:$0x5] =	stream.linear.gather [hbm4b:s17+s1], $0x140, $0x38;
	[tilespmem:$0x19100] =	vst v63  }
0x2c: {  	_ =	swait.ge [sflag:s21], $0x140  }
0x2d: {  	[sflag:s21] =	ssyncset.done $0x0  }
0x2e: {  	s25 =	simm.s32 $0x780;
	s20 =	rddreg [dreg:$0xb];
	[sflag:s21] =	ssyncadd.s32 $0xFFFFFEC0  }
0x2f: {  	[tilespmem:s25], [sflag:$0x5] =	stream.linear.gather [hbm4b:s20+s1], $0x140, $0x38;
	[tilespmem:$0x19100] =	vst v63  }
0x30: {  	_ =	swait.ge [sflag:s21], $0x140  }
0x31: {  	[sflag:s21] =	ssyncset.done $0x0  }
0x32: {  	s28 =	simm.s32 $0x8C0;
	s26 =	rddreg [dreg:$0xc];
	[sflag:s21] =	ssyncadd.s32 $0xFFFFFEC0  }
0x33: {  	[tilespmem:s28], [sflag:$0x5] =	stream.linear.gather [hbm4b:s26+s1], $0x140, $0x38;
	[tilespmem:$0x19100] =	vst v63  }
0x34: {  	_ =	swait.ge [sflag:s21], $0x140  }
0x35: {  	[sflag:s21] =	ssyncset.done $0x0  }
0x36: {  	s30 =	simm.s32 $0xA00;
	s29 =	rddreg [dreg:$0xd];
	[sflag:s21] =	ssyncadd.s32 $0xFFFFFEC0  }
0x37: {  	[tilespmem:s30], [sflag:$0x5] =	stream.linear.gather [hbm4b:s29+s1], $0x140, $0x38;
	[tilespmem:$0x19100] =	vst v63  }
0x38: {  	_ =	swait.ge [sflag:s21], $0x140  }
0x39: {  	[sflag:s21] =	ssyncset.done $0x0  }
0x3a: {  	s26 =	simm.s32 $0x0;
	[sflag:s21] =	ssyncadd.s32 $0xFFFFFEC0  }
.LBB2_2:
0x3b: {  	s28 =	sshll.u32 s26, $0x4  }
0x3c: {  	v3 =	vld [tilespmem:s28+$0x3C0]  }
0x3d: {  	s29 =	sand.u32 $0xFFFFFF80, s28;
	s30 =	sand.u32 $0x70, s28  }
0x3e: {  	s1 =	sor.u32 s30, s29  }
0x3f: {  	v4 =	vld [tilespmem:s1+$0x780];
	_ =	sdelay $0x1  }
0x40: {  	v5 =	vmul.f32 $2.500000000e-01, v3  }
0x41: {  	v7 =	vmul.f32 $1.250000000e-01, v3;
	v9 =	vmul.f32 $6.250000000e-02, v3  }
0x42: {  	v3 =	vmul.f32 $3.125000000e-02, v3;
	v5 =	vtrunc.f32 v5  }
0x43: {  	v6 =	vmul.f32 $2.500000000e-01, v4;
	v7 =	vtrunc.f32 v7  }
0x44: {  	v8 =	vmul.f32 $1.250000000e-01, v4;
	v10 =	vmul.f32 $6.250000000e-02, v4  }
0x45: {  	v33 =	vtrunc.f32 v9;
	v3 =	vtrunc.f32 v3  }
0x46: {  	v4 =	vmul.f32 $3.125000000e-02, v4;
	v5 =	vcvt.f32.s32 v5  }
0x47: {  	v7 =	vcvt.f32.s32 v7;
	v6 =	vtrunc.f32 v6  }
0x48: {  	v3 =	vcvt.f32.s32 v3;
	v6 =	vcvt.f32.s32 v6  }
0x49: {  	v8 =	vtrunc.f32 v8;
	v34 =	vtrunc.f32 v10;
	vm5 =	vgt.s32 v5, $0x0  }
0x4a: {  	v4 =	vtrunc.f32 v4;
	v5 =	vnsel vm5, $0x0, v5;
	vm5 =	vgt.s32 v6, $0x0  }
0x4b: {  	v8 =	vcvt.f32.s32 v8;
	v6 =	vnsel vm5, $0x0, v6;
	vm5 =	vgt.s32 v7, $0x0  }
0x4c: {  	v9 =	vcvt.f32.s32 v34;
	v5 =	vmin.u32 v5, $0x37;
	v7 =	vnsel vm5, $0x0, v7  }
0x4d: {  	v5 =	vmul.u32 $0x38, v5;
	v32 =	vmin.u32 v7, $0x1B;
	v7 =	vcvt.f32.s32 v33  }
0x4e: {  	v4 =	vcvt.f32.s32 v4;
	v6 =	vmin.u32 v6, $0x37;
	vm5 =	vgt.s32 v8, $0x0  }
0x4f: {  	v5 =	vadd.s32 v6, v5;
	v8 =	vnsel vm5, $0x0, v8;
	vm5 =	vgt.s32 v7, $0x0  }
0x50: {  	v6 =	vmul.u32 $0x1C, v32;
	v7 =	vnsel vm5, $0x0, v7;
	vm5 =	vgt.s32 v9, $0x0  }
0x51: {  	v8 =	vmin.u32 v8, $0x1B;
	v9 =	vnsel vm5, $0x0, v9;
	vm5 =	vgt.s32 v3, $0x0  }
0x52: {  	v6 =	vadd.s32 v8, v6;
	v7 =	vmin.u32 v7, $0xD;
	v3 =	vnsel vm5, $0x0, v3  }
0x53: {  	v7 =	vmul.u32 $0xE, v7;
	vm5 =	vgt.s32 v4, $0x0;
	v3 =	vmin.u32 v3, $0x6  }
0x54: {  	[tilespmem:$0xCB80] =	vst v5;
	v35 =	vmin.u32 v9, $0xD;
	v4 =	vnsel vm5, $0x0, v4;
	v3 =	vmul.u32 $0x7, v3  }
0x55: {  	[tilespmem:$0xCC00] =	vst v6;
	v5 =	vadd.s32 v35, v7;
	v4 =	vmin.u32 v4, $0x6  }
0x56: {  	[tilespmem:$0xCC80] =	vst v5;
	v3 =	vadd.s32 v4, v3  }
0x57: {  	[tilespmem:$0xCD00] =	vst v3  }
0x58: {  	v3 =	vld [tilespmem:s1+$0x500]  }
0x59: {  	v36 =	vld [tilespmem:s28+$0x8C0];
	_ =	sdelay $0x3  }
0x5a: {  	v37 =	vmul.f32 $2.500000000e-01, v3  }
0x5b: {  	v38 =	vmul.f32 $2.500000000e-01, v36;
	v39 =	vmul.f32 $1.250000000e-01, v3  }
0x5c: {  	v40 =	vmul.f32 $1.250000000e-01, v36;
	v41 =	vmul.f32 $6.250000000e-02, v3  }
0x5d: {  	v42 =	vmul.f32 $6.250000000e-02, v36;
	v3 =	vmul.f32 $3.125000000e-02, v3  }
0x5e: {  	v4 =	vmul.f32 $3.125000000e-02, v36;
	v5 =	vtrunc.f32 v37  }
0x5f: {  	v6 =	vtrunc.f32 v38;
	v7 =	vtrunc.f32 v39  }
0x60: {  	v8 =	vtrunc.f32 v40;
	v44 =	vtrunc.f32 v41  }
0x61: {  	v45 =	vtrunc.f32 v42;
	v5 =	vcvt.f32.s32 v5  }
0x62: {  	v3 =	vtrunc.f32 v3;
	v6 =	vcvt.f32.s32 v6  }
0x63: {  	v4 =	vtrunc.f32 v4;
	v7 =	vcvt.f32.s32 v7;
	vm5 =	vgt.s32 v5, $0x0  }
0x64: {  	v8 =	vcvt.f32.s32 v8;
	v5 =	vnsel vm5, $0x0, v5;
	vm5 =	vgt.s32 v6, $0x0  }
0x65: {  	v9 =	vcvt.f32.s32 v45;
	v6 =	vnsel vm5, $0x0, v6;
	vm5 =	vgt.s32 v7, $0x0  }
0x66: {  	v3 =	vcvt.f32.s32 v3;
	v5 =	vmin.u32 v5, $0x37;
	v7 =	vnsel vm5, $0x0, v7  }
0x67: {  	v5 =	vmul.u32 $0x38, v5;
	v43 =	vmin.u32 v7, $0x1B;
	v7 =	vcvt.f32.s32 v44  }
0x68: {  	v4 =	vcvt.f32.s32 v4;
	v6 =	vmin.u32 v6, $0x37;
	vm5 =	vgt.s32 v8, $0x0  }
0x69: {  	v8 =	vnsel vm5, $0x0, v8;
	v5 =	vadd.s32 v6, v5;
	vm5 =	vgt.s32 v7, $0x0  }
0x6a: {  	v6 =	vmul.u32 $0x1C, v43;
	v7 =	vnsel vm5, $0x0, v7;
	vm5 =	vgt.s32 v9, $0x0  }
0x6b: {  	v8 =	vmin.u32 v8, $0x1B;
	v9 =	vnsel vm5, $0x0, v9;
	vm5 =	vgt.s32 v3, $0x0  }
0x6c: {  	v6 =	vadd.s32 v8, v6;
	v7 =	vmin.u32 v7, $0xD;
	v3 =	vnsel vm5, $0x0, v3  }
0x6d: {  	v7 =	vmul.u32 $0xE, v7;
	vm5 =	vgt.s32 v4, $0x0;
	v3 =	vmin.u32 v3, $0x6  }
0x6e: {  	[tilespmem:$0xCB90] =	vst v5;
	v46 =	vmin.u32 v9, $0xD;
	v4 =	vnsel vm5, $0x0, v4;
	v3 =	vmul.u32 $0x7, v3  }
0x6f: {  	[tilespmem:$0xCC10] =	vst v6;
	v5 =	vadd.s32 v46, v7;
	v4 =	vmin.u32 v4, $0x6  }
0x70: {  	[tilespmem:$0xCC90] =	vst v5;
	v3 =	vadd.s32 v4, v3  }
0x71: {  	[tilespmem:$0xCD10] =	vst v3  }
0x72: {  	v3 =	vld [tilespmem:s28+$0x640]  }
0x73: {  	v47 =	vld [tilespmem:s1+$0xA00];
	_ =	sdelay $0x3  }
0x74: {  	v48 =	vmul.f32 $2.500000000e-01, v3  }
0x75: {  	v49 =	vmul.f32 $2.500000000e-01, v47;
	v50 =	vmul.f32 $1.250000000e-01, v3  }
0x76: {  	v51 =	vmul.f32 $1.250000000e-01, v47;
	v52 =	vmul.f32 $6.250000000e-02, v3  }
0x77: {  	v53 =	vmul.f32 $6.250000000e-02, v47;
	v3 =	vmul.f32 $3.125000000e-02, v3  }
0x78: {  	v4 =	vmul.f32 $3.125000000e-02, v47;
	v5 =	vtrunc.f32 v48  }
0x79: {  	v6 =	vtrunc.f32 v49;
	v7 =	vtrunc.f32 v50  }
0x7a: {  	v8 =	vtrunc.f32 v51;
	v55 =	vtrunc.f32 v52  }
0x7b: {  	v56 =	vtrunc.f32 v53;
	v5 =	vcvt.f32.s32 v5  }
0x7c: {  	v3 =	vtrunc.f32 v3;
	v6 =	vcvt.f32.s32 v6  }
0x7d: {  	v4 =	vtrunc.f32 v4;
	v7 =	vcvt.f32.s32 v7;
	vm5 =	vgt.s32 v5, $0x0  }
0x7e: {  	v8 =	vcvt.f32.s32 v8;
	v5 =	vnsel vm5, $0x0, v5;
	vm5 =	vgt.s32 v6, $0x0  }
0x7f: {  	v9 =	vcvt.f32.s32 v56;
	v6 =	vnsel vm5, $0x0, v6;
	vm5 =	vgt.s32 v7, $0x0  }
0x80: {  	v3 =	vcvt.f32.s32 v3;
	v5 =	vmin.u32 v5, $0x37;
	v7 =	vnsel vm5, $0x0, v7  }
0x81: {  	v5 =	vmul.u32 $0x38, v5;
	v54 =	vmin.u32 v7, $0x1B;
	v7 =	vcvt.f32.s32 v55  }
0x82: {  	v4 =	vcvt.f32.s32 v4;
	v6 =	vmin.u32 v6, $0x37;
	vm5 =	vgt.s32 v8, $0x0  }
0x83: {  	v8 =	vnsel vm5, $0x0, v8;
	v5 =	vadd.s32 v6, v5;
	vm5 =	vgt.s32 v7, $0x0  }
0x84: {  	v6 =	vmul.u32 $0x1C, v54;
	v7 =	vnsel vm5, $0x0, v7;
	vm5 =	vgt.s32 v9, $0x0  }
0x85: {  	v8 =	vmin.u32 v8, $0x1B;
	v9 =	vnsel vm5, $0x0, v9;
	vm5 =	vgt.s32 v3, $0x0  }
0x86: {  	v6 =	vadd.s32 v8, v6;
	v7 =	vmin.u32 v7, $0xD;
	v3 =	vnsel vm5, $0x0, v3  }
0x87: {  	v7 =	vmul.u32 $0xE, v7;
	vm5 =	vgt.s32 v4, $0x0;
	v3 =	vmin.u32 v3, $0x6  }
0x88: {  	[tilespmem:$0xCBA0] =	vst v5;
	v57 =	vmin.u32 v9, $0xD;
	v4 =	vnsel vm5, $0x0, v4;
	v3 =	vmul.u32 $0x7, v3  }
0x89: {  	[tilespmem:$0xCC20] =	vst v6;
	v5 =	vadd.s32 v57, v7;
	v4 =	vmin.u32 v4, $0x6  }
0x8a: {  	[tilespmem:$0xCCA0] =	vst v5;
	v3 =	vadd.s32 v4, v3  }
0x8b: {  	s13 =	rddreg [dreg:$0x1];
	s3 =	simm.s32 $0xCB80;
	s4 =	simm.s32 $0xB80;
	[tilespmem:$0xCD20] =	vst v3  }
0x8c: {  	[tilespmem:s4], [sflag:$0x1] =	stream.indirect.gather [hbm4b:s13+s31], $0x80, s3, s31, $0xb8;
	[tilespmem:$0x19100] =	vst v63  }
0x8d: {  	s14 =	rddreg [dreg:$0x3];
	s15 =	simm.s32 $0xCC00;
	s16 =	simm.s32 $0x2380  }
0x8e: {  	[tilespmem:s16], [sflag:$0x2] =	stream.indirect.gather [hbm4b:s14+s31], $0x80, s15, s31, $0xb8;
	[tilespmem:$0x19100] =	vst v63  }
0x8f: {  	v3 =	vld [tilespmem:$0xCC80];
	_ =	sdelay $0x4  }
0x90: {  	v58 =	vshll.u32 v3, $0x1  }
0x91: {  	v3 =	vand.u32 $0x7, v3;
	v4 =	vand.u32 $0xFFFFFFF0, v58  }
0x92: {  	v3 =	vor.u32 v3, v4  }
0x93: {  	v4 =	vperm.xlane v3, v0;
	_ =	sdelay $0x1  }
0x94: {  	v3 =	vperm.xlane v3, v2;
	v4 =	vadd.s32 v1, v4;
	_ =	sdelay $0x1  }
0x95: {  	v3 =	vadd.s32 v1, v3;
	_ =	sdelay $0x1  }
0x96: {  	s10 =	simm.s32 $0x0;
	s17 =	simm.s32 $0x3B80  }
0x97: {  	[tilespmem:s17], [sflag:$0x3] =	stream.indirect_vreg.gather [hbm4b:s2+s10], $0x80, v4, vm0, $0xb8;
	[tilespmem:$0x19100] =	vst v63  }
0x98: {  	s18 =	simm.s32 $0x4380  }
0x99: {  	[tilespmem:s18], [sflag:$0x3] =	stream.indirect_vreg.gather [hbm4b:s2+s10], $0x80, v3, vm0, $0xb8;
	[tilespmem:$0x19100] =	vst v63  }
0x9a: {  	v3 =	vld [tilespmem:$0xCC90];
	_ =	sdelay $0x4  }
0x9b: {  	v59 =	vshll.u32 v3, $0x1  }
0x9c: {  	v3 =	vand.u32 $0x7, v3;
	v4 =	vand.u32 $0xFFFFFFF0, v59  }
0x9d: {  	v3 =	vor.u32 v3, v4  }
0x9e: {  	v4 =	vperm.xlane v3, v0;
	_ =	sdelay $0x1  }
0x9f: {  	v3 =	vperm.xlane v3, v2;
	v4 =	vadd.s32 v1, v4;
	_ =	sdelay $0x1  }
0xa0: {  	v3 =	vadd.s32 v1, v3;
	_ =	sdelay $0x1  }
0xa1: {  	s20 =	simm.s32 $0x4B80  }
0xa2: {  	[tilespmem:s20], [sflag:$0x3] =	stream.indirect_vreg.gather [hbm4b:s2+s10], $0x80, v4, vm0, $0xb8;
	[tilespmem:$0x19100] =	vst v63  }
0xa3: {  	s25 =	simm.s32 $0x5380  }
0xa4: {  	[tilespmem:s25], [sflag:$0x3] =	stream.indirect_vreg.gather [hbm4b:s2+s10], $0x80, v3, vm0, $0xb8;
	[tilespmem:$0x19100] =	vst v63  }
0xa5: {  	v3 =	vld [tilespmem:$0xCCA0];
	_ =	sdelay $0x4  }
0xa6: {  	v60 =	vshll.u32 v3, $0x1  }
0xa7: {  	v3 =	vand.u32 $0x7, v3;
	v4 =	vand.u32 $0xFFFFFFF0, v60  }
0xa8: {  	v3 =	vor.u32 v3, v4  }
0xa9: {  	v4 =	vperm.xlane v3, v0;
	_ =	sdelay $0x1  }
0xaa: {  	v3 =	vperm.xlane v3, v2;
	v4 =	vadd.s32 v1, v4;
	_ =	sdelay $0x1  }
0xab: {  	v3 =	vadd.s32 v1, v3;
	_ =	sdelay $0x1  }
0xac: {  	s3 =	simm.s32 $0x5B80  }
0xad: {  	[tilespmem:s3], [sflag:$0x3] =	stream.indirect_vreg.gather [hbm4b:s2+s10], $0x80, v4, vm0, $0xb8;
	[tilespmem:$0x19100] =	vst v63  }
0xae: {  	s4 =	simm.s32 $0x6380  }
0xaf: {  	[tilespmem:s4], [sflag:$0x3] =	stream.indirect_vreg.gather [hbm4b:s2+s10], $0x80, v3, vm0, $0xb8;
	[tilespmem:$0x19100] =	vst v63  }
0xb0: {  	v3 =	vld [tilespmem:$0xCD00];
	_ =	sdelay $0x4  }
0xb1: {  	v61 =	vshll.u32 v3, $0x2  }
0xb2: {  	v3 =	vand.u32 $0x7, v3;
	v4 =	vand.u32 $0xFFFFFFE0, v61  }
0xb3: {  	v3 =	vor.u32 v3, v4  }
0xb4: {  	v4 =	vperm.xlane v3, v0;
	_ =	sdelay $0x1  }
0xb5: {  	v4 =	vadd.s32 v1, v4;
	_ =	sdelay $0x1  }
0xb6: {  	v3 =	vperm.xlane v3, v2;
	_ =	sdelay $0x1  }
0xb7: {  	s5 =	simm.s32 $0x6B80;
	v3 =	vadd.s32 v1, v3  }
0xb8: {  	[tilespmem:s5], [sflag:$0x4] =	stream.indirect_vreg.gather [hbm4b:s7+s10], $0x80, v4, vm0, $0xb8;
	[tilespmem:$0x19100] =	vst v63  }
0xb9: {  	s6 =	simm.s32 $0x7380  }
0xba: {  	[tilespmem:s6], [sflag:$0x4] =	stream.indirect_vreg.gather [hbm4b:s19+s10], $0x80, v4, vm0, $0xb8;
	[tilespmem:$0x19100] =	vst v63  }
0xbb: {  	s11 =	simm.s32 $0x7B80  }
0xbc: {  	[tilespmem:s11], [sflag:$0x4] =	stream.indirect_vreg.gather [hbm4b:s7+s10], $0x80, v3, vm0, $0xb8;
	[tilespmem:$0x19100] =	vst v63  }
0xbd: {  	s12 =	simm.s32 $0x8380  }
0xbe: {  	[tilespmem:s12], [sflag:$0x4] =	stream.indirect_vreg.gather [hbm4b:s19+s10], $0x80, v3, vm0, $0xb8;
	[tilespmem:$0x19100] =	vst v63  }
0xbf: {  	v3 =	vld [tilespmem:$0xCD10];
	_ =	sdelay $0x4  }
0xc0: {  	v62 =	vshll.u32 v3, $0x2  }
0xc1: {  	v3 =	vand.u32 $0x7, v3;
	v4 =	vand.u32 $0xFFFFFFE0, v62  }
0xc2: {  	v3 =	vor.u32 v3, v4  }
0xc3: {  	v4 =	vperm.xlane v3, v0;
	_ =	sdelay $0x1  }
0xc4: {  	v4 =	vadd.s32 v1, v4;
	_ =	sdelay $0x1  }
0xc5: {  	v3 =	vperm.xlane v3, v2;
	_ =	sdelay $0x1  }
0xc6: {  	s13 =	simm.s32 $0x8B80;
	v3 =	vadd.s32 v1, v3  }
0xc7: {  	[tilespmem:s13], [sflag:$0x4] =	stream.indirect_vreg.gather [hbm4b:s7+s10], $0x80, v4, vm0, $0xb8;
	[tilespmem:$0x19100] =	vst v63  }
0xc8: {  	s14 =	simm.s32 $0x9380  }
0xc9: {  	[tilespmem:s14], [sflag:$0x4] =	stream.indirect_vreg.gather [hbm4b:s19+s10], $0x80, v4, vm0, $0xb8;
	[tilespmem:$0x19100] =	vst v63  }
0xca: {  	s15 =	simm.s32 $0x9B80  }
0xcb: {  	[tilespmem:s15], [sflag:$0x4] =	stream.indirect_vreg.gather [hbm4b:s7+s10], $0x80, v3, vm0, $0xb8;
	[tilespmem:$0x19100] =	vst v63  }
0xcc: {  	s16 =	simm.s32 $0xA380  }
0xcd: {  	[tilespmem:s16], [sflag:$0x4] =	stream.indirect_vreg.gather [hbm4b:s19+s10], $0x80, v3, vm0, $0xb8;
	[tilespmem:$0x19100] =	vst v63  }
0xce: {  	v3 =	vld [tilespmem:$0xCD20];
	_ =	sdelay $0x4  }
0xcf: {  	v63 =	vshll.u32 v3, $0x2  }
0xd0: {  	v3 =	vand.u32 $0x7, v3;
	v4 =	vand.u32 $0xFFFFFFE0, v63  }
0xd1: {  	v3 =	vor.u32 v3, v4  }
0xd2: {  	v4 =	vperm.xlane v3, v0;
	_ =	sdelay $0x1  }
0xd3: {  	v4 =	vadd.s32 v1, v4;
	_ =	sdelay $0x1  }
0xd4: {  	v3 =	vperm.xlane v3, v2;
	_ =	sdelay $0x1  }
0xd5: {  	s17 =	simm.s32 $0xAB80;
	v3 =	vadd.s32 v1, v3  }
0xd6: {  	[tilespmem:s17], [sflag:$0x4] =	stream.indirect_vreg.gather [hbm4b:s7+s10], $0x80, v4, vm0, $0xb8;
	[tilespmem:$0x19100] =	vst v63  }
0xd7: {  	s18 =	simm.s32 $0xB380  }
0xd8: {  	[tilespmem:s18], [sflag:$0x4] =	stream.indirect_vreg.gather [hbm4b:s19+s10], $0x80, v4, vm0, $0xb8;
	[tilespmem:$0x19100] =	vst v63  }
0xd9: {  	s20 =	simm.s32 $0xBB80  }
0xda: {  	[tilespmem:s20], [sflag:$0x4] =	stream.indirect_vreg.gather [hbm4b:s7+s10], $0x80, v3, vm0, $0xb8;
	[tilespmem:$0x19100] =	vst v63  }
0xdb: {  	s25 =	simm.s32 $0xC380  }
0xdc: {  	[tilespmem:s25], [sflag:$0x4] =	stream.indirect_vreg.gather [hbm4b:s19+s10], $0x80, v3, vm0, $0xb8;
	[tilespmem:$0x19100] =	vst v63  }
0xdd: {  	_ =	swait.ge [sflag:s0], $0x1800  }
0xde: {  	[sflag:s0] =	ssyncset.done $0x0  }
0xdf: {  	[sflag:s0] =	ssyncadd.s32 $0xFFFFE800  }
0xe0: {  	_ =	swait.ge [sflag:s22], $0x1800  }
0xe1: {  	[sflag:s22] =	ssyncset.done $0x0  }
0xe2: {  	[sflag:s22] =	ssyncadd.s32 $0xFFFFE800  }
0xe3: {  	_ =	swait.ge [sflag:s23], $0x3000  }
0xe4: {  	[sflag:s23] =	ssyncset.done $0x0  }
0xe5: {  	[sflag:s23] =	ssyncadd.s32 $0xFFFFD000  }
0xe6: {  	_ =	swait.ge [sflag:s24], $0x6000  }
0xe7: {  	s11 =	simm.s32 $0x2000;
	[sflag:s24] =	ssyncset.done $0x0  }
0xe8: {  	s12 =	simm.s32 $0x0;
	s13 =	simm.s32 $0x0;
	[sflag:s24] =	ssyncadd.s32 $0xFFFFA000  }
.LBB2_3:
0xe9: {  	s3 =	sshll.u32 s13, $0x7  }
0xea: {  	v3 =	vld [tilespmem:s3+$0xB80]  }
0xeb: {  	v7 =	vld [tilespmem:s3+$0xB90]  }
0xec: {  	s17 =	sor.u32 $0x10, s13;
	v12 =	vld [tilespmem:s3+$0xBA0]  }
0xed: {  	s20 =	sor.u32 $0x20, s13;
	s14 =	sshll.u32 s17, $0x7;
	v17 =	vld [tilespmem:s3+$0xBB0]  }
0xee: {  	s1 =	sshll.u32 s20, $0x7;
	v4 =	vld [tilespmem:s14+$0xB80]  }
0xef: {  	v5 =	vld [tilespmem:s1+$0xB80]  }
0xf0: {  	v8 =	vld [tilespmem:s14+$0xB90]  }
0xf1: {  	v9 =	vld [tilespmem:s1+$0xB90]  }
0xf2: {  	v14 =	vld [tilespmem:s14+$0xBA0]  }
0xf3: {  	v50 =	vld [tilespmem:s14+$0xBB0];
	v6 =	vadd.f32 v4, v3;
	_ =	sdelay $0x1  }
0xf4: {  	v18 =	vld [tilespmem:s1+$0xBB0];
	v13 =	vadd.f32 v8, v7;
	v6 =	vadd.f32 v5, v6;
	_ =	sdelay $0x1  }
0xf5: {  	v13 =	vadd.f32 v9, v13;
	v6 =	vmul.f32 $3.333333430e-01, v6  }
0xf6: {  	v16 =	vld [tilespmem:s1+$0xBA0];
	v51 =	vadd.f32 v14, v12;
	v22 =	vadd.f32 v50, v17  }
0xf7: {  	v13 =	vmul.f32 $3.333333430e-01, v13;
	v10 =	vsub.f32 v3, v6;
	v11 =	vsub.f32 v4, v6  }
0xf8: {  	v53 =	vadd.f32 v18, v22;
	v15 =	vsub.f32 v5, v6  }
0xf9: {  	v19 =	vsub.f32 v7, v13;
	v10 =	vmul.f32 v10, v10;
	v11 =	vmul.f32 v11, v11  }
0xfa: {  	v55 =	vmul.f32 $3.333333430e-01, v53;
	v20 =	vsub.f32 v8, v13;
	v21 =	vsub.f32 v9, v13  }
0xfb: {  	v10 =	vadd.f32 v11, v10;
	v11 =	vadd.f32 v16, v51  }
0xfc: {  	v26 =	vsub.f32 v17, v55;
	v27 =	vsub.f32 v50, v55;
	v49 =	vmul.f32 v15, v15  }
0xfd: {  	v57 =	vsub.f32 v18, v55;
	v19 =	vmul.f32 v19, v19;
	v11 =	vmul.f32 $3.333333430e-01, v11  }
0xfe: {  	v20 =	vmul.f32 v20, v20;
	v52 =	vmul.f32 v21, v21;
	v10 =	vadd.f32 v10, v49  }
0xff: {  	v26 =	vmul.f32 v26, v26;
	v23 =	vsub.f32 v12, v11;
	v24 =	vsub.f32 v14, v11  }
0x100: {  	v27 =	vmul.f32 v27, v27;
	v19 =	vadd.f32 v20, v19;
	v10 =	vmul.f32 $3.333333430e-01, v10  }
0x101: {  	v56 =	vsub.f32 v16, v11;
	v23 =	vmul.f32 v23, v23;
	v24 =	vmul.f32 v24, v24  }
0x102: {  	v19 =	vadd.f32 v19, v52;
	v54 =	vshra.s32 v10, $0x1;
	v25 =	vmul.f32 $5.000000000e-01, v10  }
0x103: {  	v21 =	vmul.f32 v56, v56;
	v22 =	vsub.s32 $0x5F3759DF, v54;
	v23 =	vadd.f32 v24, v23  }
0x104: {  	v19 =	vmul.f32 $3.333333430e-01, v19;
	v28 =	vmul.f32 v22, v25  }
0x105: {  	v26 =	vadd.f32 v27, v26;
	v24 =	vmul.f32 v57, v57;
	v21 =	vadd.f32 v23, v21  }
0x106: {  	v29 =	vshra.s32 v19, $0x1;
	v58 =	vmul.f32 $5.000000000e-01, v19;
	v59 =	vmul.f32 v22, v28  }
0x107: {  	v60 =	vsub.s32 $0x5F3759DF, v29;
	v24 =	vadd.f32 v26, v24;
	v21 =	vmul.f32 $3.333333430e-01, v21  }
0x108: {  	v29 =	vmul.f32 v60, v58;
	v61 =	vsub.f32 $1.500000000e+00, v59  }
0x109: {  	v24 =	vmul.f32 $3.333333430e-01, v24;
	v62 =	vshra.s32 v21, $0x1;
	v30 =	vmul.f32 $5.000000000e-01, v21  }
0x10a: {  	v29 =	vmul.f32 v60, v29;
	v22 =	vmul.f32 v22, v61;
	v27 =	vsub.s32 $0x5F3759DF, v62  }
0x10b: {  	v31 =	vshra.s32 v24, $0x1;
	v32 =	vmul.f32 $5.000000000e-01, v24;
	v63 =	vmul.f32 v27, v30  }
0x10c: {  	v29 =	vsub.f32 $1.500000000e+00, v29;
	v31 =	vsub.s32 $0x5F3759DF, v31;
	v25 =	vmul.f32 v22, v25  }
0x10d: {  	v36 =	vmul.f32 v31, v32;
	v26 =	vmul.f32 v27, v63  }
0x10e: {  	v28 =	vmul.f32 v60, v29;
	v25 =	vmul.f32 v25, v22  }
0x10f: {  	v29 =	vmul.f32 v31, v36;
	v26 =	vsub.f32 $1.500000000e+00, v26  }
0x110: {  	v23 =	vmul.f32 v28, v58;
	v25 =	vsub.f32 $1.500000000e+00, v25  }
0x111: {  	v37 =	vsub.f32 $1.500000000e+00, v29;
	v26 =	vmul.f32 v27, v26  }
0x112: {  	v3 =	vmax.f32 v3, v4;
	v23 =	vmul.f32 v23, v28;
	v4 =	vmul.f32 v25, v22  }
0x113: {  	v39 =	vmul.f32 v31, v37;
	v38 =	vmul.f32 v26, v30  }
0x114: {  	[tilespmem:$0xD143] =	vst v6;
	v6 =	vmax.f32 v7, v8;
	v3 =	vmax.f32 v3, v5;
	v4 =	vmul.f32 v4, v10  }
0x115: {  	[tilespmem:$0xCD83] =	vst v3;
	v5 =	vsub.f32 $1.500000000e+00, v23;
	v7 =	vmul.f32 v39, v32;
	v3 =	vmul.f32 v38, v26  }
0x116: {  	[tilespmem:$0xD503] =	vst v4;
	v4 =	vmax.f32 v6, v9  }
0x117: {  	v5 =	vmul.f32 v5, v28;
	[tilespmem:$0xCD93] =	vst v4;
	v4 =	vmul.f32 v7, v39;
	v3 =	vsub.f32 $1.500000000e+00, v3  }
0x118: {  	[tilespmem:$0xD153] =	vst v13  }
0x119: {  	[tilespmem:$0xD173] =	vst v55;
	v5 =	vmul.f32 v5, v19;
	v4 =	vsub.f32 $1.500000000e+00, v4;
	v3 =	vmul.f32 v3, v26  }
0x11a: {  	[tilespmem:$0xD163] =	vst v11;
	v6 =	vmax.f32 v12, v14  }
0x11b: {  	[tilespmem:$0xD513] =	vst v5;
	v5 =	vmax.f32 v6, v16;
	v4 =	vmul.f32 v4, v39;
	v3 =	vmul.f32 v3, v21  }
0x11c: {  	[tilespmem:$0xCDA3] =	vst v5;
	v5 =	vmax.f32 v17, v50  }
0x11d: {  	v4 =	vmul.f32 v4, v24;
	[tilespmem:$0xD523] =	vst v3;
	v3 =	vmax.f32 v5, v18  }
0x11e: {  	[tilespmem:$0xCDB3] =	vst v3  }
0x11f: {  	[tilespmem:$0xD533] =	vst v4  }
0x120: {  	v13 =	vld [tilespmem:s3+$0x2380]  }
0x121: {  	v40 =	vld [tilespmem:s14+$0x2380];
	_ =	sdelay $0x1  }
0x122: {  	v16 =	vld [tilespmem:s1+$0x2380];
	_ =	sdelay $0x1  }
0x123: {  	v17 =	vld [tilespmem:s3+$0x2390]  }
0x124: {  	v18 =	vld [tilespmem:s14+$0x2390];
	v3 =	vadd.f32 v40, v13;
	_ =	sdelay $0x1  }
0x125: {  	v26 =	vld [tilespmem:s1+$0x2390];
	v3 =	vadd.f32 v16, v3;
	_ =	sdelay $0x1  }
0x126: {  	v5 =	vmul.f32 $3.333333430e-01, v3  }
0x127: {  	v6 =	vadd.f32 v18, v17  }
0x128: {  	v23 =	vld [tilespmem:s3+$0x23A0];
	v3 =	vsub.f32 v13, v5;
	v4 =	vsub.f32 v40, v5  }
0x129: {  	v25 =	vld [tilespmem:s14+$0x23A0];
	v6 =	vadd.f32 v26, v6  }
0x12a: {  	v7 =	vsub.f32 v16, v5;
	v41 =	vmul.f32 v3, v3;
	v4 =	vmul.f32 v4, v4  }
0x12b: {  	v6 =	vmul.f32 $3.333333430e-01, v6;
	v3 =	vld [tilespmem:s1+$0x23A0]  }
0x12c: {  	v7 =	vmul.f32 v7, v7;
	v4 =	vadd.f32 v4, v41  }
0x12d: {  	v42 =	vsub.f32 v17, v6;
	v43 =	vsub.f32 v18, v6  }
0x12e: {  	v4 =	vadd.f32 v4, v7;
	v7 =	vadd.f32 v25, v23  }
0x12f: {  	v8 =	vld [tilespmem:s14+$0x23B0];
	v45 =	vsub.f32 v26, v6;
	v46 =	vmul.f32 v42, v42;
	v9 =	vmul.f32 v43, v43  }
0x130: {  	v44 =	vmul.f32 $3.333333430e-01, v4;
	v7 =	vadd.f32 v3, v7;
	v4 =	vld [tilespmem:s3+$0x23B0]  }
0x131: {  	v10 =	vmul.f32 v45, v45;
	v11 =	vadd.f32 v9, v46  }
0x132: {  	v9 =	vld [tilespmem:s1+$0x23B0];
	v7 =	vmul.f32 $3.333333430e-01, v7  }
0x133: {  	v10 =	vadd.f32 v11, v10;
	v47 =	vshra.s32 v44, $0x1;
	v48 =	vmul.f32 $5.000000000e-01, v44  }
0x134: {  	v12 =	vsub.s32 $0x5F3759DF, v47;
	v49 =	vsub.f32 v23, v7;
	v50 =	vsub.f32 v25, v7  }
0x135: {  	v54 =	vmul.f32 $3.333333430e-01, v10;
	v51 =	vmul.f32 v12, v48;
	v53 =	vadd.f32 v8, v4  }
0x136: {  	v52 =	vsub.f32 v3, v7;
	v20 =	vmul.f32 v49, v49;
	v21 =	vmul.f32 v50, v50  }
0x137: {  	v58 =	vshra.s32 v54, $0x1;
	v22 =	vmul.f32 v12, v51;
	v57 =	vadd.f32 v9, v53  }
0x138: {  	v59 =	vmul.f32 $5.000000000e-01, v54;
	v11 =	vmul.f32 v52, v52;
	v55 =	vadd.f32 v21, v20  }
0x139: {  	v56 =	vsub.f32 $1.500000000e+00, v22;
	v22 =	vsub.s32 $0x5F3759DF, v58;
	v10 =	vmul.f32 $3.333333430e-01, v57  }
0x13a: {  	v60 =	vmul.f32 v22, v59;
	v11 =	vadd.f32 v55, v11  }
0x13b: {  	v20 =	vmul.f32 v12, v56;
	v21 =	vsub.f32 v4, v10;
	v62 =	vsub.f32 v8, v10  }
0x13c: {  	v63 =	vmul.f32 v22, v60;
	v33 =	vsub.f32 v9, v10;
	v61 =	vmul.f32 $3.333333430e-01, v11  }
0x13d: {  	v14 =	vmul.f32 v20, v48;
	v21 =	vmul.f32 v21, v21  }
0x13e: {  	v12 =	vld [tilespmem:s14+$0x23C0];
	v29 =	vmul.f32 v62, v62;
	v30 =	vsub.f32 $1.500000000e+00, v63;
	v38 =	vmul.f32 v33, v33  }
0x13f: {  	v11 =	vld [tilespmem:s3+$0x23C0];
	v36 =	vshra.s32 v61, $0x1;
	v37 =	vmul.f32 $5.000000000e-01, v61;
	v34 =	vmul.f32 v14, v20  }
0x140: {  	v31 =	vsub.s32 $0x5F3759DF, v36;
	v21 =	vadd.f32 v29, v21;
	v22 =	vmul.f32 v22, v30  }
0x141: {  	v14 =	vld [tilespmem:s1+$0x23C0];
	v35 =	vmul.f32 v31, v37;
	v39 =	vsub.f32 $1.500000000e+00, v34  }
0x142: {  	v21 =	vadd.f32 v21, v38;
	v24 =	vmul.f32 v22, v59  }
0x143: {  	v15 =	vld [tilespmem:s3+$0x23D0];
	v13 =	vmax.f32 v13, v40;
	v40 =	vmul.f32 v31, v35;
	v20 =	vmul.f32 v39, v20  }
0x144: {  	v19 =	vld [tilespmem:s14+$0x23D0];
	v30 =	vmax.f32 v13, v16;
	v41 =	vadd.f32 v12, v11;
	v33 =	vmul.f32 $3.333333430e-01, v21  }
0x145: {  	v43 =	vmul.f32 v24, v22;
	v42 =	vsub.f32 $1.500000000e+00, v40;
	v34 =	vmul.f32 v20, v44  }
0x146: {  	v21 =	vld [tilespmem:s1+$0x23D0];
	v44 =	vadd.f32 v14, v41;
	v46 =	vshra.s32 v33, $0x1;
	v47 =	vmul.f32 $5.000000000e-01, v33  }
0x147: {  	v16 =	vsub.f32 $1.500000000e+00, v43;
	v45 =	vmul.f32 v31, v42;
	v48 =	vsub.s32 $0x5F3759DF, v46  }
0x148: {  	v18 =	vmax.f32 v17, v18;
	v17 =	vld [tilespmem:s3+$0x23E0];
	v24 =	vmul.f32 $3.333333430e-01, v44;
	v50 =	vmul.f32 v48, v47  }
0x149: {  	v38 =	vadd.f32 v19, v15;
	v16 =	vmul.f32 v16, v22;
	v22 =	vld [tilespmem:s14+$0x23E0];
	v49 =	vmul.f32 v45, v37  }
0x14a: {  	v51 =	vsub.f32 v11, v24;
	v36 =	vsub.f32 v12, v24;
	v37 =	vmul.f32 v48, v50  }
0x14b: {  	v20 =	vld [tilespmem:s1+$0x23E0];
	v38 =	vadd.f32 v21, v38;
	v27 =	vmul.f32 v16, v54;
	v13 =	vmul.f32 v49, v45  }
0x14c: {  	v39 =	vsub.f32 v14, v24;
	v16 =	vld [tilespmem:s14+$0x23F0];
	v32 =	vmul.f32 v51, v51;
	v36 =	vmul.f32 v36, v36  }
0x14d: {  	v38 =	vmul.f32 $3.333333430e-01, v38;
	v37 =	vsub.f32 $1.500000000e+00, v37;
	v40 =	vsub.f32 $1.500000000e+00, v13;
	v13 =	vld [tilespmem:s3+$0x23F0]  }
0x14e: {  	v26 =	vmax.f32 v18, v26;
	v32 =	vadd.f32 v36, v32;
	v53 =	vadd.f32 v22, v17  }
0x14f: {  	v18 =	vld [tilespmem:s1+$0x23F0];
	v52 =	vmul.f32 v39, v39;
	v54 =	vsub.f32 v15, v38;
	v55 =	vsub.f32 v19, v38  }
0x150: {  	v56 =	vsub.f32 v21, v38;
	v35 =	vmul.f32 v48, v37;
	v29 =	vmul.f32 v40, v45  }
0x151: {  	v32 =	vadd.f32 v32, v52;
	v36 =	vadd.f32 v20, v53;
	v37 =	vmul.f32 v55, v55  }
0x152: {  	v28 =	vmul.f32 v29, v61;
	v29 =	vmul.f32 v54, v54;
	v57 =	vadd.f32 v16, v13  }
0x153: {  	v23 =	vmax.f32 v23, v25;
	v25 =	vmul.f32 $3.333333430e-01, v32;
	v32 =	vmul.f32 $3.333333430e-01, v36  }
0x154: {  	v58 =	vmul.f32 v56, v56;
	v29 =	vadd.f32 v37, v29;
	v59 =	vadd.f32 v18, v57  }
0x155: {  	v31 =	vmul.f32 v35, v47;
	v61 =	vsub.f32 v17, v32;
	v41 =	vsub.f32 v22, v32  }
0x156: {  	v60 =	vshra.s32 v25, $0x1;
	v62 =	vsub.f32 v20, v32;
	v36 =	vmul.f32 $3.333333430e-01, v59  }
0x157: {  	v29 =	vadd.f32 v29, v58;
	v40 =	vmul.f32 v61, v61;
	v41 =	vmul.f32 v41, v41  }
0x158: {  	v42 =	vmul.f32 $5.000000000e-01, v25;
	v43 =	vsub.f32 v13, v36;
	v44 =	vsub.f32 v16, v36  }
0x159: {  	v37 =	vmul.f32 v62, v62;
	v29 =	vmul.f32 $3.333333430e-01, v29;
	v40 =	vadd.f32 v41, v40  }
0x15a: {  	v63 =	vsub.f32 v18, v36;
	v43 =	vmul.f32 v43, v43;
	v44 =	vmul.f32 v44, v44  }
0x15b: {  	v39 =	vsub.s32 $0x5F3759DF, v60;
	v46 =	vshra.s32 v29, $0x1;
	v37 =	vadd.f32 v40, v37  }
0x15c: {  	v48 =	vmul.f32 $5.000000000e-01, v29;
	v41 =	vmul.f32 v63, v63;
	v43 =	vadd.f32 v44, v43  }
0x15d: {  	v45 =	vmul.f32 v39, v42;
	v50 =	vsub.s32 $0x5F3759DF, v46;
	v37 =	vmul.f32 $3.333333430e-01, v37  }
0x15e: {  	v31 =	vmul.f32 v31, v35;
	v46 =	vmul.f32 v50, v48;
	v41 =	vadd.f32 v43, v41  }
0x15f: {  	v49 =	vmul.f32 v39, v45;
	v52 =	vshra.s32 v37, $0x1;
	v53 =	vmul.f32 $5.000000000e-01, v37  }
0x160: {  	[tilespmem:$0xD183] =	vst v5;
	v5 =	vmul.f32 v50, v46;
	v43 =	vsub.s32 $0x5F3759DF, v52;
	v41 =	vmul.f32 $3.333333430e-01, v41  }
0x161: {  	[tilespmem:$0xCDD3] =	vst v26;
	v31 =	vsub.f32 $1.500000000e+00, v31;
	v51 =	vsub.f32 $1.500000000e+00, v49;
	v54 =	vmul.f32 v43, v53  }
0x162: {  	[tilespmem:$0xCDC3] =	vst v30;
	v5 =	vsub.f32 $1.500000000e+00, v5;
	v55 =	vshra.s32 v41, $0x1;
	v56 =	vmul.f32 $5.000000000e-01, v41  }
0x163: {  	[tilespmem:$0xD543] =	vst v34;
	v30 =	vmul.f32 v39, v51;
	v34 =	vmul.f32 v43, v54;
	v26 =	vsub.s32 $0x5F3759DF, v55  }
0x164: {  	[tilespmem:$0xD193] =	vst v6;
	v3 =	vmax.f32 v23, v3;
	v5 =	vmul.f32 v50, v5;
	v57 =	vmul.f32 v26, v56  }
0x165: {  	[tilespmem:$0xCDE3] =	vst v3;
	v3 =	vmul.f32 v31, v35;
	v6 =	vmul.f32 v30, v42;
	v58 =	vsub.f32 $1.500000000e+00, v34  }
0x166: {  	[tilespmem:$0xD1A3] =	vst v7;
	v4 =	vmax.f32 v4, v8;
	v7 =	vmul.f32 v5, v48;
	v59 =	vmul.f32 v26, v57  }
0x167: {  	v4 =	vmax.f32 v4, v9;
	v6 =	vmul.f32 v6, v30;
	v60 =	vmul.f32 v43, v58  }
0x168: {  	[tilespmem:$0xCDF3] =	vst v4;
	v3 =	vmul.f32 v3, v33;
	v4 =	vmul.f32 v7, v5;
	v7 =	vsub.f32 $1.500000000e+00, v59  }
0x169: {  	[tilespmem:$0xD1B3] =	vst v10;
	v61 =	vmax.f32 v11, v12;
	v6 =	vsub.f32 $1.500000000e+00, v6;
	v62 =	vmul.f32 v60, v53  }
0x16a: {  	[tilespmem:$0xD573] =	vst v3;
	v3 =	vmax.f32 v61, v14;
	v4 =	vsub.f32 $1.500000000e+00, v4;
	v7 =	vmul.f32 v26, v7  }
0x16b: {  	s18 =	sshrl.u32 s13, $0x3;
	[tilespmem:$0xCE03] =	vst v3;
	v6 =	vmul.f32 v6, v30;
	v3 =	vmul.f32 v62, v60  }
0x16c: {  	s25 =	sshll.u32 s10, $0x9;
	s4 =	sshll.u32 s12, $0x2;
	s15 =	sshll.u32 s11, $0x2;
	[tilespmem:$0xD1C3] =	vst v24;
	v4 =	vmul.f32 v4, v5;
	v5 =	vmul.f32 v7, v56  }
0x16d: {  	s16 =	smul.u32 $0x17000, s18;
	s25 =	sand.u32 $0xE00, s25;
	s4 =	sand.u32 $0xFFFFC000, s4;
	[tilespmem:$0xD553] =	vst v27;
	v6 =	vmul.f32 v6, v25  }
0x16e: {  	s6 =	sshll.u32 s13, $0x8;
	s18 =	sand.u32 $0xFFFFC000, s15;
	s4 =	sor.u32 s25, s4;
	[tilespmem:$0xD1D3] =	vst v38;
	v63 =	vmax.f32 v15, v19;
	v3 =	vsub.f32 $1.500000000e+00, v3;
	v5 =	vmul.f32 v5, v7  }
0x16f: {  	s5 =	sor.u32 s25, s18;
	s18 =	sand.u32 $0x800, s6;
	s1 =	sor.u32 s25, s16;
	[tilespmem:$0xD583] =	vst v6;
	v6 =	vmax.f32 v63, v21  }
0x170: {  	s6 =	sshll.u32 s20, $0x8;
	s4 =	sshrl.u32 s4, $0x2;
	s1 =	sshra.s32 s1, $0x2;
	[tilespmem:$0xD563] =	vst v28;
	v4 =	vmul.f32 v4, v29;
	v3 =	vmul.f32 v3, v60;
	v5 =	vsub.f32 $1.500000000e+00, v5  }
0x171: {  	s15 =	sadd.s32 $0xD940, s1;
	s14 =	sadd.s32 $0xD900, s1;
	s1 =	sadd.s32 $0x6BC0, s4;
	[tilespmem:$0xCE13] =	vst v6;
	v6 =	vmax.f32 v17, v22  }
0x172: {  	s4 =	sshrl.u32 s5, $0x2;
	s5 =	sshll.u32 s17, $0x8;
	s17 =	sand.u32 $0x380, s3;
	[tilespmem:$0xD593] =	vst v4;
	v4 =	vmax.f32 v6, v20;
	v3 =	vmul.f32 v3, v37;
	v5 =	vmul.f32 v5, v7  }
0x173: {  	s6 =	sand.u32 $0x2800, s6;
	s5 =	sand.u32 $0x1800, s5;
	s18 =	sor.u32 s17, s18;
	[tilespmem:$0xCE23] =	vst v4;
	v4 =	vmax.f32 v13, v16  }
0x174: {  	s3 =	sor.u32 s17, s5;
	s5 =	sor.u32 s17, s6;
	s6 =	sadd.s32 $0x3B80, s18;
	[tilespmem:$0xD5A3] =	vst v3;
	v3 =	vmax.f32 v4, v18;
	v4 =	vmul.f32 v5, v41  }
0x175: {  	s3 =	sadd.s32 $0x3B80, s3;
	[tilespmem:$0xCE33] =	vst v3;
	v3 =	vmov s6  }
0x176: {  	[tilespmem:$0xD5B3] =	vst v4;
	v4 =	vmov s3  }
0x177: {  	s5 =	sadd.s32 $0x3B80, s5;
	[tilespmem:$0xD1E3] =	vst v32  }
0x178: {  	p0 =	por $0x1, $0x1;
	s18 =	sadd.s32 $0x6BC0, s4;
	[tilespmem:$0xD1F3] =	vst v36;
	v5 =	vmov s5;
	s3 =	simm.s32 $0x0  }
.LBB2_4:
0x179: {  	s4 =	sshll.u32 s3, $0x7  }
0x17a: {  	v17 =	vld.idx.msk [tilespmem:v3+s4+$0x0 ss:$0x1], $0xffff  }
0x17b: {  	v18 =	vld.idx.msk [tilespmem:v4+s4+$0x0 ss:$0x1], $0xffff;
	_ =	sdelay $0x1  }
0x17c: {  	v19 =	vld.idx.msk [tilespmem:v5+s4+$0x0 ss:$0x1], $0xffff;
	_ =	sdelay $0x1  }
0x17d: {  	v20 =	vld.idx.msk [tilespmem:v3+s4+$0x10 ss:$0x1], $0xffff  }
0x17e: {  	v24 =	vld.idx.msk [tilespmem:v4+s4+$0x10 ss:$0x1], $0xffff;
	v6 =	vadd.f32 v18, v17;
	_ =	sdelay $0x1  }
0x17f: {  	v26 =	vld.idx.msk [tilespmem:v5+s4+$0x10 ss:$0x1], $0xffff;
	v6 =	vadd.f32 v19, v6;
	_ =	sdelay $0x1  }
0x180: {  	v8 =	vmul.f32 $3.333333430e-01, v6  }
0x181: {  	v21 =	vld.idx.msk [tilespmem:v3+s4+$0x20 ss:$0x1], $0xffff;
	v9 =	vadd.f32 v24, v20  }
0x182: {  	v23 =	vld.idx.msk [tilespmem:v4+s4+$0x20 ss:$0x1], $0xffff;
	v6 =	vsub.f32 v17, v8;
	v7 =	vsub.f32 v18, v8  }
0x183: {  	v9 =	vadd.f32 v26, v9  }
0x184: {  	v10 =	vsub.f32 v19, v8;
	v11 =	vmul.f32 v6, v6;
	v7 =	vmul.f32 v7, v7;
	v6 =	vld.idx.msk [tilespmem:v5+s4+$0x20 ss:$0x1], $0xffff  }
0x185: {  	v9 =	vmul.f32 $3.333333430e-01, v9  }
0x186: {  	v10 =	vmul.f32 v10, v10;
	v7 =	vadd.f32 v7, v11  }
0x187: {  	v37 =	vadd.f32 v23, v21;
	v38 =	vsub.f32 v20, v9  }
0x188: {  	v12 =	vsub.f32 v24, v9;
	v7 =	vadd.f32 v7, v10  }
0x189: {  	v13 =	vsub.f32 v26, v9;
	v14 =	vmul.f32 v38, v38;
	v10 =	vadd.f32 v6, v37  }
0x18a: {  	v12 =	vmul.f32 v12, v12;
	v11 =	vld.idx.msk [tilespmem:v4+s4+$0x30 ss:$0x1], $0xffff;
	v22 =	vmul.f32 $3.333333430e-01, v7  }
0x18b: {  	v13 =	vmul.f32 v13, v13;
	v7 =	vld.idx.msk [tilespmem:v3+s4+$0x30 ss:$0x1], $0xffff;
	v10 =	vmul.f32 $3.333333430e-01, v10  }
0x18c: {  	v14 =	vadd.f32 v12, v14;
	v15 =	vshra.s32 v22, $0x1;
	v16 =	vmul.f32 $5.000000000e-01, v22  }
0x18d: {  	v12 =	vld.idx.msk [tilespmem:v5+s4+$0x30 ss:$0x1], $0xffff;
	v15 =	vsub.s32 $0x5F3759DF, v15;
	v25 =	vsub.f32 v21, v10;
	v27 =	vsub.f32 v23, v10  }
0x18e: {  	v13 =	vadd.f32 v14, v13;
	v28 =	vmul.f32 v15, v16  }
0x18f: {  	v39 =	vsub.f32 v6, v10;
	v25 =	vmul.f32 v25, v25;
	v27 =	vmul.f32 v27, v27  }
0x190: {  	v30 =	vmul.f32 $3.333333430e-01, v13;
	v29 =	vadd.f32 v11, v7  }
0x191: {  	v14 =	vmul.f32 v39, v39;
	v28 =	vmul.f32 v15, v28;
	v40 =	vadd.f32 v27, v25  }
0x192: {  	v43 =	vshra.s32 v30, $0x1;
	v44 =	vmul.f32 $5.000000000e-01, v30;
	v42 =	vadd.f32 v12, v29  }
0x193: {  	v41 =	vsub.f32 $1.500000000e+00, v28;
	v28 =	vsub.s32 $0x5F3759DF, v43;
	v14 =	vadd.f32 v40, v14  }
0x194: {  	v13 =	vmul.f32 $3.333333430e-01, v42;
	v45 =	vmul.f32 v28, v44  }
0x195: {  	v25 =	vmul.f32 v15, v41;
	v27 =	vmul.f32 $3.333333430e-01, v14  }
0x196: {  	v31 =	vsub.f32 v7, v13;
	v32 =	vsub.f32 v11, v13;
	v33 =	vmul.f32 v28, v45  }
0x197: {  	v15 =	vld.idx.msk [tilespmem:v4+s4+$0x40 ss:$0x1], $0xffff;
	v36 =	vsub.f32 v12, v13;
	v16 =	vmul.f32 v25, v16;
	v35 =	vmul.f32 $5.000000000e-01, v27  }
0x198: {  	v14 =	vld.idx.msk [tilespmem:v3+s4+$0x40 ss:$0x1], $0xffff;
	v34 =	vshra.s32 v27, $0x1;
	v31 =	vmul.f32 v31, v31;
	v32 =	vmul.f32 v32, v32  }
0x199: {  	v33 =	vsub.f32 $1.500000000e+00, v33;
	v46 =	vmul.f32 v36, v36;
	v34 =	vsub.s32 $0x5F3759DF, v34  }
0x19a: {  	v37 =	vmul.f32 v16, v25;
	v16 =	vld.idx.msk [tilespmem:v5+s4+$0x40 ss:$0x1], $0xffff;
	v38 =	vmul.f32 v34, v35;
	v31 =	vadd.f32 v32, v31  }
0x19b: {  	v58 =	vmax.f32 v20, v24;
	v17 =	vmax.f32 v17, v18;
	v28 =	vmul.f32 v28, v33  }
0x19c: {  	v18 =	vld.idx.msk [tilespmem:v4+s4+$0x50 ss:$0x1], $0xffff;
	v47 =	vsub.f32 $1.500000000e+00, v37;
	v48 =	vmul.f32 v34, v38;
	v31 =	vadd.f32 v31, v46  }
0x19d: {  	v33 =	vmax.f32 v17, v19;
	v17 =	vld.idx.msk [tilespmem:v3+s4+$0x50 ss:$0x1], $0xffff;
	v49 =	vadd.f32 v15, v14;
	v29 =	vmul.f32 v28, v44  }
0x19e: {  	v25 =	vmul.f32 v47, v25;
	v50 =	vsub.f32 $1.500000000e+00, v48;
	v31 =	vmul.f32 $3.333333430e-01, v31  }
0x19f: {  	v20 =	vld.idx.msk [tilespmem:v3+s4+$0x60 ss:$0x1], $0xffff;
	v26 =	vmax.f32 v58, v26;
	v51 =	vmul.f32 v29, v28;
	v52 =	vadd.f32 v16, v49  }
0x1a0: {  	v19 =	vld.idx.msk [tilespmem:v5+s4+$0x50 ss:$0x1], $0xffff;
	v36 =	vmul.f32 v25, v22;
	v53 =	vmul.f32 v34, v50;
	v54 =	vshra.s32 v31, $0x1  }
0x1a1: {  	v24 =	vld.idx.msk [tilespmem:v4+s4+$0x60 ss:$0x1], $0xffff;
	v55 =	vmul.f32 $5.000000000e-01, v31;
	v56 =	vsub.f32 $1.500000000e+00, v51;
	v22 =	vmul.f32 $3.333333430e-01, v52  }
0x1a2: {  	v63 =	vadd.f32 v18, v17;
	v57 =	vsub.s32 $0x5F3759DF, v54;
	v59 =	vmul.f32 v53, v35  }
0x1a3: {  	v60 =	vmul.f32 v57, v55;
	v28 =	vmul.f32 v56, v28;
	v61 =	vsub.f32 v14, v22  }
0x1a4: {  	v42 =	vld.idx.msk [tilespmem:v5+s4+$0x60 ss:$0x1], $0xffff;
	v62 =	vsub.f32 v15, v22;
	v41 =	vsub.f32 v16, v22;
	v39 =	vmul.f32 v59, v53  }
0x1a5: {  	v25 =	vld.idx.msk [tilespmem:v3+s4+$0x70 ss:$0x1], $0xffff;
	v45 =	vadd.f32 v19, v63;
	v40 =	vmul.f32 v57, v60;
	v34 =	vmul.f32 v61, v61  }
0x1a6: {  	v47 =	vadd.f32 v24, v20;
	v35 =	vmul.f32 v62, v62;
	v46 =	vmul.f32 v41, v41;
	v41 =	vld.idx.msk [tilespmem:v4+s4+$0x70 ss:$0x1], $0xffff  }
0x1a7: {  	v28 =	vmul.f32 v28, v30;
	v30 =	vmul.f32 $3.333333430e-01, v45;
	v44 =	vsub.f32 $1.500000000e+00, v39  }
0x1a8: {  	v21 =	vmax.f32 v21, v23;
	v38 =	vld.idx.msk [tilespmem:v5+s4+$0x70 ss:$0x1], $0xffff;
	v40 =	vsub.f32 $1.500000000e+00, v40;
	v34 =	vadd.f32 v35, v34  }
0x1a9: {  	v6 =	vmax.f32 v21, v6;
	v48 =	vsub.f32 v17, v30;
	v39 =	vsub.f32 v18, v30  }
0x1aa: {  	v35 =	vadd.f32 v42, v47;
	v29 =	vmul.f32 v44, v53;
	v34 =	vadd.f32 v34, v46  }
0x1ab: {  	v37 =	vmul.f32 v57, v40;
	v39 =	vmul.f32 v39, v39;
	v43 =	vadd.f32 v41, v25  }
0x1ac: {  	v49 =	vsub.f32 v19, v30;
	v23 =	vmul.f32 $3.333333430e-01, v34;
	v34 =	vmul.f32 $3.333333430e-01, v35  }
0x1ad: {  	v27 =	vmul.f32 v29, v27;
	v29 =	vmul.f32 v48, v48;
	v51 =	vadd.f32 v38, v43  }
0x1ae: {  	v50 =	vmul.f32 v49, v49;
	v32 =	vmul.f32 v37, v55;
	v53 =	vsub.f32 v20, v34  }
0x1af: {  	v29 =	vadd.f32 v39, v29;
	v44 =	vsub.f32 v24, v34;
	v35 =	vmul.f32 $3.333333430e-01, v51  }
0x1b0: {  	v54 =	vsub.f32 v42, v34;
	v45 =	vmul.f32 $5.000000000e-01, v23;
	v43 =	vmul.f32 v53, v53  }
0x1b1: {  	v44 =	vmul.f32 v44, v44;
	v46 =	vsub.f32 v25, v35;
	v47 =	vsub.f32 v41, v35  }
0x1b2: {  	v29 =	vadd.f32 v29, v50;
	v39 =	vmul.f32 v54, v54;
	v55 =	vsub.f32 v38, v35  }
0x1b3: {  	v43 =	vadd.f32 v44, v43;
	v46 =	vmul.f32 v46, v46;
	v47 =	vmul.f32 v47, v47  }
0x1b4: {  	v52 =	vshra.s32 v23, $0x1;
	v32 =	vmul.f32 v32, v37;
	v29 =	vmul.f32 $3.333333430e-01, v29  }
0x1b5: {  	v44 =	vmul.f32 v55, v55;
	v39 =	vadd.f32 v43, v39;
	v46 =	vadd.f32 v47, v46  }
0x1b6: {  	s6 =	sshll.u32 s3, $0x4;
	v40 =	vsub.s32 $0x5F3759DF, v52;
	v49 =	vshra.s32 v29, $0x1;
	v56 =	vmul.f32 $5.000000000e-01, v29  }
0x1b7: {  	s3 =	sand.u32 $0x3FFFFFF0, s6;
	v58 =	vsub.s32 $0x5F3759DF, v49;
	v39 =	vmul.f32 $3.333333430e-01, v39;
	v44 =	vadd.f32 v46, v44  }
0x1b8: {  	[tilespmem:s3+$0xD203] =	vst v8;
	v7 =	vmax.f32 v7, v11;
	v48 =	vmul.f32 v40, v45;
	v49 =	vmul.f32 v58, v56  }
0x1b9: {  	[tilespmem:s3+$0xD213] =	vst v9;
	v60 =	vshra.s32 v39, $0x1;
	v61 =	vmul.f32 $5.000000000e-01, v39;
	v44 =	vmul.f32 $3.333333430e-01, v44  }
0x1ba: {  	[tilespmem:s3+$0xCE53] =	vst v26;
	v57 =	vmul.f32 v40, v48;
	v62 =	vmul.f32 v58, v49;
	v46 =	vsub.s32 $0x5F3759DF, v60  }
0x1bb: {  	[tilespmem:s3+$0xD223] =	vst v10;
	v63 =	vmul.f32 v46, v61;
	v49 =	vshra.s32 v44, $0x1;
	v50 =	vmul.f32 $5.000000000e-01, v44  }
0x1bc: {  	[tilespmem:s3+$0xCE63] =	vst v6;
	v59 =	vsub.f32 $1.500000000e+00, v57;
	v8 =	vsub.f32 $1.500000000e+00, v62;
	v26 =	vsub.s32 $0x5F3759DF, v49  }
0x1bd: {  	[tilespmem:s3+$0xD5C3] =	vst v36;
	v32 =	vsub.f32 $1.500000000e+00, v32;
	v36 =	vmul.f32 v46, v63;
	v52 =	vmul.f32 v26, v50  }
0x1be: {  	v7 =	vmax.f32 v7, v12;
	[tilespmem:s3+$0xCE43] =	vst v33;
	v33 =	vmul.f32 v40, v59;
	v8 =	vmul.f32 v58, v8  }
0x1bf: {  	[tilespmem:s3+$0xD233] =	vst v13;
	v6 =	vmul.f32 v32, v37;
	v53 =	vsub.f32 $1.500000000e+00, v36;
	v55 =	vmul.f32 v26, v52  }
0x1c0: {  	[tilespmem:s3+$0xCE73] =	vst v7;
	v51 =	vmul.f32 v33, v45;
	v54 =	vmul.f32 v8, v56  }
0x1c1: {  	[tilespmem:s3+$0xD243] =	vst v22;
	v6 =	vmul.f32 v6, v31;
	v56 =	vmul.f32 v46, v53;
	v57 =	vsub.f32 $1.500000000e+00, v55  }
0x1c2: {  	[tilespmem:s3+$0xD5D3] =	vst v28;
	v9 =	vmul.f32 v51, v33;
	v7 =	vmul.f32 v54, v8  }
0x1c3: {  	[tilespmem:s3+$0xD253] =	vst v30;
	v58 =	vmax.f32 v14, v15;
	v59 =	vmul.f32 v56, v61;
	v10 =	vmul.f32 v26, v57  }
0x1c4: {  	[tilespmem:s3+$0xD5F3] =	vst v6;
	v9 =	vsub.f32 $1.500000000e+00, v9;
	v6 =	vmax.f32 v58, v16  }
0x1c5: {  	[tilespmem:s3+$0xCE83] =	vst v6;
	v7 =	vsub.f32 $1.500000000e+00, v7;
	v6 =	vmul.f32 v59, v56;
	v61 =	vmul.f32 v10, v50  }
0x1c6: {  	[tilespmem:s3+$0xD5E3] =	vst v27;
	v60 =	vmax.f32 v17, v18;
	v9 =	vmul.f32 v9, v33  }
0x1c7: {  	[tilespmem:s3+$0xD263] =	vst v34;
	v7 =	vmul.f32 v7, v8;
	v6 =	vsub.f32 $1.500000000e+00, v6;
	v8 =	vmul.f32 v61, v10  }
0x1c8: {  	[tilespmem:s3+$0xD273] =	vst v35;
	v62 =	vmax.f32 v60, v19;
	v9 =	vmul.f32 v9, v23  }
0x1c9: {  	[tilespmem:s3+$0xCE93] =	vst v62;
	v7 =	vmul.f32 v7, v29;
	v6 =	vmul.f32 v6, v56;
	v8 =	vsub.f32 $1.500000000e+00, v8  }
0x1ca: {  	p1 =	por p0, p0;
	v63 =	vmax.f32 v20, v24;
	[tilespmem:s3+$0xD603] =	vst v9  }
.Ltmp0:
0x1cb: {  	[tilespmem:s3+$0xD613] =	vst v7;
	v7 =	vmax.f32 v63, v42;
	v6 =	vmul.f32 v6, v39;
	v8 =	vmul.f32 v8, v10;
	(pc) =	sbr.rel @p1 .LBB2_4-.Ltmp0, $4  }
0x1cc: {  	[tilespmem:s3+$0xCEA3] =	vst v7;
	v7 =	vmax.f32 v25, v41  }
0x1cd: {  	[tilespmem:s3+$0xD623] =	vst v6;
	v6 =	vmax.f32 v7, v38;
	v7 =	vmul.f32 v8, v44  }
0x1ce: {  	[tilespmem:s3+$0xCEB3] =	vst v6  }
0x1cf: {  	p0 =	por $0x0, $0x0;
	[tilespmem:s3+$0xD633] =	vst v7;
	s3 =	simm.s32 $0x8  }
0x1d0: {  	v16 =	vld [tilespmem:s1+$0x30]  }
0x1d1: {  	v17 =	vld [tilespmem:s18+$0x30]  }
0x1d2: {  	v8 =	vld [tilespmem:s18+$0xFFFFFFC0]  }
0x1d3: {  	v9 =	vld [tilespmem:s1+$0xFFFFFFD0]  }
0x1d4: {  	v10 =	vld [tilespmem:s18+$0xFFFFFFD0]  }
0x1d5: {  	v11 =	vld [tilespmem:s1+$0xFFFFFFE0]  }
0x1d6: {  	v12 =	vld [tilespmem:s18+$0xFFFFFFE0]  }
0x1d7: {  	v13 =	vld [tilespmem:s1+$0xFFFFFFF0]  }
0x1d8: {  	v15 =	vld [tilespmem:s18+$0xFFFFFFF0]  }
0x1d9: {  	s3 =	sshll.u32 s20, $0xB;
	v26 =	vld [tilespmem:s1+$0x0]  }
0x1da: {  	v27 =	vld [tilespmem:s18+$0x0];
	s3 =	sand.u32 $0x14000, s3  }
0x1db: {  	v29 =	vld [tilespmem:s1+$0x10];
	s3 =	sor.u32 s3, s25  }
0x1dc: {  	v30 =	vld [tilespmem:s18+$0x10];
	s3 =	sshrl.u32 s3, $0x2  }
0x1dd: {  	v20 =	vld [tilespmem:s1+$0x20];
	s3 =	sadd.s32 $0x6BC0, s3  }
0x1de: {  	v3 =	vld [tilespmem:s3+$0x30]  }
0x1df: {  	v24 =	vld [tilespmem:s18+$0x20]  }
0x1e0: {  	v31 =	vld [tilespmem:s1+$0xFFFFFFC0]  }
0x1e1: {  	v4 =	vadd.f32 v17, v16;
	v21 =	vld [tilespmem:s3+$0xFFFFFFD0]  }
0x1e2: {  	v7 =	vadd.f32 v10, v9  }
0x1e3: {  	v32 =	vadd.f32 v12, v11;
	v22 =	vld [tilespmem:s3+$0xFFFFFFE0];
	v4 =	vadd.f32 v3, v4  }
0x1e4: {  	v33 =	vadd.f32 v15, v13;
	v34 =	vadd.f32 v27, v26;
	v25 =	vmax.f32 v9, v10  }
0x1e5: {  	v36 =	vadd.f32 v30, v29;
	v28 =	vmax.f32 v11, v12;
	v18 =	vld [tilespmem:s3+$0xFFFFFFF0];
	v14 =	vmul.f32 $3.333333430e-01, v4  }
0x1e6: {  	v38 =	vadd.f32 v24, v20;
	v35 =	vmax.f32 v31, v8;
	v42 =	vadd.f32 v21, v7  }
0x1e7: {  	v19 =	vmax.f32 v13, v15;
	v4 =	vsub.f32 v16, v14;
	v5 =	vsub.f32 v17, v14  }
0x1e8: {  	v32 =	vadd.f32 v22, v32;
	v7 =	vmax.f32 v26, v27;
	v42 =	vmul.f32 $3.333333430e-01, v42  }
0x1e9: {  	v6 =	vsub.f32 v3, v14;
	v4 =	vmul.f32 v4, v4;
	v5 =	vmul.f32 v5, v5  }
0x1ea: {  	v23 =	vld [tilespmem:s3+$0xFFFFFFC0];
	v33 =	vadd.f32 v18, v33;
	v44 =	vmul.f32 $3.333333430e-01, v32;
	v9 =	vsub.f32 v9, v42  }
0x1eb: {  	v10 =	vsub.f32 v10, v42;
	v4 =	vadd.f32 v5, v4;
	v5 =	vmul.f32 v6, v6  }
0x1ec: {  	v11 =	vsub.f32 v11, v44;
	v12 =	vsub.f32 v12, v44;
	v9 =	vmul.f32 v9, v9;
	v6 =	vld [tilespmem:s3+$0x0]  }
0x1ed: {  	v10 =	vmul.f32 v10, v10;
	v4 =	vadd.f32 v4, v5;
	v5 =	vadd.f32 v8, v31  }
0x1ee: {  	v48 =	vsub.f32 v21, v42;
	v11 =	vmul.f32 v11, v11;
	v12 =	vmul.f32 v12, v12  }
0x1ef: {  	v62 =	vsub.f32 v22, v44;
	v37 =	vmul.f32 $3.333333430e-01, v4;
	v4 =	vld [tilespmem:s3+$0x10];
	v41 =	vadd.f32 v23, v5  }
0x1f0: {  	v9 =	vadd.f32 v10, v9;
	v10 =	vmul.f32 v48, v48;
	v11 =	vadd.f32 v12, v11;
	v5 =	vld [tilespmem:s3+$0x20]  }
0x1f1: {  	v51 =	vadd.f32 v6, v34;
	v39 =	vshra.s32 v37, $0x1;
	v41 =	vmul.f32 $3.333333430e-01, v41  }
0x1f2: {  	v9 =	vadd.f32 v9, v10;
	v40 =	vmul.f32 $5.000000000e-01, v37;
	v39 =	vsub.s32 $0x5F3759DF, v39  }
0x1f3: {  	v45 =	vmul.f32 $3.333333430e-01, v51;
	v31 =	vsub.f32 v31, v41;
	v8 =	vsub.f32 v8, v41  }
0x1f4: {  	v43 =	vmul.f32 v39, v40;
	v61 =	vsub.f32 v23, v41;
	v53 =	vadd.f32 v4, v36  }
0x1f5: {  	v21 =	vmax.f32 v25, v21;
	v54 =	vadd.f32 v5, v38;
	v26 =	vsub.f32 v26, v45  }
0x1f6: {  	v27 =	vsub.f32 v27, v45;
	v52 =	vmul.f32 v39, v43;
	v43 =	vmul.f32 $3.333333430e-01, v33  }
0x1f7: {  	v63 =	vsub.f32 v6, v45;
	v31 =	vmul.f32 v31, v31;
	v8 =	vmul.f32 v8, v8  }
0x1f8: {  	v46 =	vmul.f32 $3.333333430e-01, v53;
	v47 =	vmul.f32 $3.333333430e-01, v54;
	v34 =	vsub.f32 $1.500000000e+00, v52  }
0x1f9: {  	v26 =	vmul.f32 v26, v26;
	v13 =	vsub.f32 v13, v43;
	v15 =	vsub.f32 v15, v43  }
0x1fa: {  	v27 =	vmul.f32 v27, v27;
	v49 =	vsub.f32 v18, v43;
	v8 =	vadd.f32 v8, v31  }
0x1fb: {  	v31 =	vmul.f32 v61, v61;
	v57 =	vsub.f32 v29, v46;
	v58 =	vsub.f32 v30, v46  }
0x1fc: {  	v59 =	vsub.f32 v20, v47;
	v55 =	vmul.f32 v39, v34;
	v13 =	vmul.f32 v13, v13  }
0x1fd: {  	v60 =	vsub.f32 v24, v47;
	v15 =	vmul.f32 v15, v15;
	v54 =	vmul.f32 v49, v49  }
0x1fe: {  	v50 =	vsub.f32 v4, v46;
	v34 =	vmul.f32 v57, v57;
	v36 =	vmul.f32 v58, v58  }
0x1ff: {  	v51 =	vsub.f32 v5, v47;
	v38 =	vmul.f32 v59, v59;
	v39 =	vmul.f32 v60, v60  }
0x200: {  	v8 =	vadd.f32 v8, v31;
	v31 =	vmul.f32 v50, v50;
	v56 =	vmul.f32 v55, v40  }
0x201: {  	v12 =	vadd.f32 v15, v13;
	v13 =	vmul.f32 v62, v62;
	v15 =	vadd.f32 v27, v26  }
0x202: {  	v26 =	vmax.f32 v29, v30;
	v27 =	vadd.f32 v36, v34;
	v33 =	vmul.f32 v56, v55  }
0x203: {  	v36 =	vmax.f32 v16, v17;
	v16 =	vmax.f32 v35, v23;
	v56 =	vmul.f32 v51, v51  }
0x204: {  	v10 =	vadd.f32 v11, v13;
	v11 =	vmul.f32 $3.333333430e-01, v8;
	v33 =	vsub.f32 $1.500000000e+00, v33  }
0x205: {  	s20 =	simm.s32 $0xD303;
	v8 =	vadd.f32 v12, v54;
	v13 =	vmul.f32 $3.333333430e-01, v9;
	v9 =	vadd.f32 v27, v31  }
0x206: {  	[tilespmem:s20+$0xFFFFFC40] =	vst v16;
	v16 =	vmax.f32 v19, v18;
	v57 =	vshra.s32 v11, $0x1;
	v32 =	vmul.f32 v33, v55  }
0x207: {  	v34 =	vmul.f32 $5.000000000e-01, v11;
	v9 =	vmul.f32 $3.333333430e-01, v9;
	v55 =	vadd.f32 v39, v38  }
0x208: {  	v50 =	vsub.s32 $0x5F3759DF, v57;
	v37 =	vmul.f32 v32, v37;
	v32 =	vmul.f32 v63, v63  }
0x209: {  	v58 =	vshra.s32 v13, $0x1;
	v57 =	vmul.f32 v50, v34;
	v27 =	vadd.f32 v55, v56  }
0x20a: {  	v62 =	vshra.s32 v9, $0x1;
	v12 =	vadd.f32 v15, v32;
	v15 =	vmul.f32 $3.333333430e-01, v10  }
0x20b: {  	v56 =	vsub.s32 $0x5F3759DF, v58;
	v10 =	vmul.f32 $3.333333430e-01, v8;
	v8 =	vmul.f32 $3.333333430e-01, v27  }
0x20c: {  	v40 =	vsub.s32 $0x5F3759DF, v62;
	v32 =	vmul.f32 $5.000000000e-01, v13;
	v27 =	vmul.f32 $5.000000000e-01, v9  }
0x20d: {  	[tilespmem:s20+$0x430] =	vst v37;
	v37 =	vmax.f32 v20, v24;
	v12 =	vmul.f32 $3.333333430e-01, v12;
	v59 =	vshra.s32 v15, $0x1  }
0x20e: {  	v30 =	vmul.f32 $5.000000000e-01, v15;
	v60 =	vshra.s32 v10, $0x1;
	v29 =	vmul.f32 $5.000000000e-01, v10  }
0x20f: {  	v63 =	vshra.s32 v8, $0x1;
	v33 =	vmul.f32 $5.000000000e-01, v8;
	v58 =	vmul.f32 v56, v32  }
0x210: {  	[tilespmem:s20+$0x10] =	vst v42;
	v17 =	vmul.f32 v40, v27;
	v52 =	vsub.s32 $0x5F3759DF, v59;
	v53 =	vsub.s32 $0x5F3759DF, v60  }
0x211: {  	[tilespmem:s20+$0x20] =	vst v44;
	v38 =	vsub.s32 $0x5F3759DF, v63;
	v60 =	vmul.f32 v50, v57;
	v31 =	vmul.f32 $5.000000000e-01, v12  }
0x212: {  	[tilespmem:s20+$0x70] =	vst v14;
	v61 =	vshra.s32 v12, $0x1;
	v59 =	vmul.f32 v52, v30;
	v20 =	vmul.f32 v53, v29  }
0x213: {  	[tilespmem:s20+$0xFFFFFC50] =	vst v21;
	v23 =	vmul.f32 v38, v33;
	v25 =	vmul.f32 v56, v58;
	v39 =	vsub.s32 $0x5F3759DF, v61  }
0x214: {  	[tilespmem:s20+$0x0] =	vst v41;
	v17 =	vmul.f32 v40, v17;
	v61 =	vmax.f32 v28, v22;
	v24 =	vmul.f32 v39, v31  }
0x215: {  	[tilespmem:s20+$0x40] =	vst v45;
	v28 =	vsub.f32 $1.500000000e+00, v60;
	v22 =	vmul.f32 v52, v59;
	v20 =	vmul.f32 v53, v20  }
0x216: {  	[tilespmem:s20+$0x30] =	vst v43;
	v14 =	vsub.f32 $1.500000000e+00, v25;
	v63 =	vmul.f32 v38, v23;
	v24 =	vmul.f32 v39, v24  }
0x217: {  	[tilespmem:s20+$0x50] =	vst v46;
	v23 =	vmul.f32 v50, v28;
	v62 =	vsub.f32 $1.500000000e+00, v22;
	v20 =	vsub.f32 $1.500000000e+00, v20  }
0x218: {  	[tilespmem:s20+$0x60] =	vst v47;
	v28 =	vsub.f32 $1.500000000e+00, v17;
	v22 =	vmul.f32 v56, v14;
	v25 =	vsub.f32 $1.500000000e+00, v24  }
0x219: {  	s1 =	sadd.s32 $0x400, s1;
	s25 =	simm.s32 $0x0;
	[tilespmem:s20+$0xFFFFFC60] =	vst v61;
	v24 =	vsub.f32 $1.500000000e+00, v63;
	v21 =	vmul.f32 v52, v62;
	v17 =	vmul.f32 v53, v20  }
.LBB2_6:
0x21a: {  	v14 =	vld [tilespmem:s1+$0x30];
	[tilespmem:s20+$0xFFFFFC70] =	vst v16;
	v6 =	vmax.f32 v7, v6;
	v7 =	vmul.f32 v39, v25;
	v19 =	vmul.f32 v40, v28;
	s18 =	sadd.s32 $0x400, s18  }
0x21b: {  	s25 =	sadd.s32 $0x8, s25;
	v18 =	vmul.f32 v23, v34;
	v4 =	vmax.f32 v26, v4;
	v16 =	vld [tilespmem:s18+$0x30];
	[tilespmem:s20+$0xFFFFFC80] =	vst v6;
	v6 =	vmul.f32 v38, v24  }
0x21c: {  	v20 =	vmul.f32 v22, v32;
	s3 =	sadd.s32 $0x400, s3;
	p0 =	slt.u32 s25, $0x18;
	v24 =	vmul.f32 v21, v30;
	v34 =	vld [tilespmem:s18+$0xFFFFFFC0];
	[tilespmem:s20+$0xFFFFFC90] =	vst v4;
	v4 =	vmax.f32 v37, v5  }
0x21d: {  	v5 =	vmul.f32 v17, v29;
	v25 =	vmul.f32 v7, v31;
	[tilespmem:s20+$0xFFFFFCA0] =	vst v4;
	v4 =	vmax.f32 v36, v3;
	v3 =	vld [tilespmem:s3+$0x30]  }
0x21e: {  	v26 =	vmul.f32 v19, v27;
	v27 =	vmul.f32 v6, v33;
	v30 =	vld [tilespmem:s1+$0xFFFFFFD0];
	[tilespmem:s20+$0xFFFFFCB0] =	vst v4  }
0x21f: {  	v4 =	vmul.f32 v18, v23;
	v18 =	vmul.f32 v20, v22;
	v31 =	vld [tilespmem:s18+$0xFFFFFFD0]  }
0x220: {  	v24 =	vmul.f32 v24, v21;
	v5 =	vmul.f32 v5, v17;
	v32 =	vld [tilespmem:s1+$0xFFFFFFE0];
	v20 =	vadd.f32 v16, v14  }
0x221: {  	v25 =	vmul.f32 v25, v7;
	v26 =	vmul.f32 v26, v19;
	v4 =	vsub.f32 $1.500000000e+00, v4;
	v33 =	vld [tilespmem:s18+$0xFFFFFFE0]  }
0x222: {  	v28 =	vmul.f32 v27, v6;
	v18 =	vsub.f32 $1.500000000e+00, v18;
	v35 =	vld [tilespmem:s1+$0xFFFFFFF0];
	v20 =	vadd.f32 v3, v20  }
0x223: {  	v5 =	vsub.f32 $1.500000000e+00, v5;
	v4 =	vmul.f32 v4, v23;
	v23 =	vsub.f32 $1.500000000e+00, v24;
	v36 =	vld [tilespmem:s18+$0xFFFFFFF0]  }
0x224: {  	v37 =	vadd.f32 v31, v30;
	v38 =	vld [tilespmem:s1+$0x0];
	v27 =	vmul.f32 $3.333333430e-01, v20;
	v20 =	vsub.f32 $1.500000000e+00, v25  }
0x225: {  	v22 =	vmul.f32 v18, v22;
	v24 =	vsub.f32 $1.500000000e+00, v26;
	v25 =	vsub.f32 $1.500000000e+00, v28;
	v39 =	vld [tilespmem:s18+$0x0]  }
0x226: {  	v41 =	vmul.f32 v23, v21;
	v26 =	vld [tilespmem:s1+$0x10];
	v28 =	vsub.f32 v14, v27;
	v40 =	vsub.f32 v16, v27  }
0x227: {  	v5 =	vmul.f32 v5, v17;
	v42 =	vadd.f32 v33, v32;
	v7 =	vmul.f32 v20, v7;
	v29 =	vld [tilespmem:s18+$0x10]  }
0x228: {  	v17 =	vsub.f32 v3, v27;
	v18 =	vld [tilespmem:s1+$0x20];
	v20 =	vmul.f32 v28, v28;
	v23 =	vmul.f32 v40, v40  }
0x229: {  	v43 =	vmul.f32 v25, v6;
	v40 =	vadd.f32 v36, v35;
	v28 =	vmul.f32 v24, v19;
	v21 =	vld [tilespmem:s18+$0x20]  }
0x22a: {  	v17 =	vmul.f32 v17, v17;
	v44 =	vld [tilespmem:s1+$0xFFFFFFC0];
	v45 =	vadd.f32 v39, v38;
	v6 =	vadd.f32 v23, v20  }
0x22b: {  	v4 =	vmul.f32 v4, v11;
	v11 =	vmul.f32 v22, v13;
	v19 =	vmax.f32 v30, v31;
	v23 =	vld [tilespmem:s3+$0xFFFFFFC0]  }
0x22c: {  	v15 =	vmul.f32 v41, v15;
	v22 =	vld [tilespmem:s3+$0xFFFFFFD0];
	v13 =	vadd.f32 v29, v26;
	v6 =	vadd.f32 v6, v17  }
0x22d: {  	v5 =	vmul.f32 v5, v10;
	v25 =	vmax.f32 v32, v33;
	v7 =	vmul.f32 v7, v12;
	v24 =	vld [tilespmem:s3+$0xFFFFFFE0];
	[tilespmem:s20+$0x3C0] =	vst v4  }
0x22e: {  	v9 =	vmul.f32 v28, v9;
	v17 =	vld [tilespmem:s3+$0xFFFFFFF0];
	v10 =	vadd.f32 v21, v18;
	v12 =	vmul.f32 $3.333333430e-01, v6;
	[tilespmem:s20+$0x3D0] =	vst v11  }
0x22f: {  	v8 =	vmul.f32 v43, v8;
	v28 =	vmax.f32 v44, v34;
	v11 =	vadd.f32 v34, v44;
	v6 =	vld [tilespmem:s3+$0x0];
	[tilespmem:s20+$0x3E0] =	vst v15  }
0x230: {  	v20 =	vmax.f32 v35, v36;
	v4 =	vld [tilespmem:s3+$0x10];
	v15 =	vshra.s32 v12, $0x1;
	v41 =	vmul.f32 $5.000000000e-01, v12;
	[tilespmem:s20+$0x3F0] =	vst v5  }
0x231: {  	v11 =	vadd.f32 v23, v11;
	v37 =	vadd.f32 v22, v37;
	v5 =	vld [tilespmem:s3+$0x20];
	v15 =	vsub.s32 $0x5F3759DF, v15;
	[tilespmem:s20+$0x400] =	vst v7  }
0x232: {  	v7 =	vmax.f32 v38, v39;
	v42 =	vadd.f32 v24, v42;
	v43 =	vmul.f32 v15, v41;
	[tilespmem:s20+$0x410] =	vst v9  }
0x233: {  	v9 =	vmul.f32 $3.333333430e-01, v11;
	v11 =	vmul.f32 $3.333333430e-01, v37;
	v37 =	vadd.f32 v17, v40;
	[tilespmem:s20+$0x420] =	vst v8  }
0x234: {  	v8 =	vmul.f32 $3.333333430e-01, v42;
	v40 =	vadd.f32 v6, v45;
	v42 =	vmul.f32 v15, v43  }
0x235: {  	v43 =	vsub.f32 v44, v9;
	v37 =	vmul.f32 $3.333333430e-01, v37;
	v13 =	vadd.f32 v4, v13  }
0x236: {  	v40 =	vmul.f32 $3.333333430e-01, v40;
	v10 =	vadd.f32 v5, v10;
	v42 =	vsub.f32 $1.500000000e+00, v42  }
0x237: {  	v34 =	vsub.f32 v34, v9;
	v30 =	vsub.f32 v30, v11;
	v13 =	vmul.f32 $3.333333430e-01, v13  }
0x238: {  	v31 =	vsub.f32 v31, v11;
	v10 =	vmul.f32 $3.333333430e-01, v10;
	v15 =	vmul.f32 v15, v42  }
0x239: {  	v32 =	vsub.f32 v32, v8;
	v33 =	vsub.f32 v33, v8;
	v42 =	vmul.f32 v43, v43  }
0x23a: {  	v35 =	vsub.f32 v35, v37;
	v36 =	vsub.f32 v36, v37;
	v41 =	vmul.f32 v15, v41  }
0x23b: {  	v34 =	vmul.f32 v34, v34;
	v38 =	vsub.f32 v38, v40;
	v39 =	vsub.f32 v39, v40  }
0x23c: {  	v43 =	vsub.f32 v26, v13;
	v44 =	vsub.f32 v29, v13;
	v41 =	vmul.f32 v41, v15  }
0x23d: {  	v30 =	vmul.f32 v30, v30;
	v45 =	vsub.f32 v18, v10;
	v46 =	vsub.f32 v21, v10  }
0x23e: {  	v31 =	vmul.f32 v31, v31;
	v32 =	vmul.f32 v32, v32;
	v41 =	vsub.f32 $1.500000000e+00, v41  }
0x23f: {  	v47 =	vsub.f32 v23, v9;
	v33 =	vmul.f32 v33, v33;
	v35 =	vmul.f32 v35, v35  }
0x240: {  	v48 =	vsub.f32 v22, v11;
	v36 =	vmul.f32 v36, v36;
	v15 =	vmul.f32 v41, v15  }
0x241: {  	v38 =	vmul.f32 v38, v38;
	v39 =	vmul.f32 v39, v39;
	v41 =	vsub.f32 v24, v8  }
0x242: {  	v49 =	vsub.f32 v17, v37;
	v43 =	vmul.f32 v43, v43;
	v12 =	vmul.f32 v15, v12  }
0x243: {  	s20 =	sadd.s32 $0x80, s20;
	v44 =	vmul.f32 v44, v44;
	v45 =	vmul.f32 v45, v45;
	v15 =	vsub.f32 v6, v40  }
0x244: {  	v50 =	vsub.f32 v4, v13;
	v51 =	vsub.f32 v5, v10;
	v46 =	vmul.f32 v46, v46;
	[tilespmem:s20+$0x430] =	vst v12  }
0x245: {  	v12 =	vadd.f32 v34, v42;
	v34 =	vmul.f32 v47, v47;
	[tilespmem:s20+$0x0] =	vst v9;
	v9 =	vadd.f32 v31, v30  }
0x246: {  	v30 =	vmul.f32 v48, v48;
	v31 =	vadd.f32 v36, v35;
	[tilespmem:s20+$0x10] =	vst v11;
	v11 =	vadd.f32 v33, v32  }
0x247: {  	v32 =	vmul.f32 v41, v41;
	v33 =	vadd.f32 v44, v43;
	[tilespmem:s20+$0x20] =	vst v8;
	v8 =	vadd.f32 v39, v38  }
0x248: {  	v15 =	vmul.f32 v15, v15;
	v35 =	vmul.f32 v49, v49;
	v36 =	vadd.f32 v46, v45;
	[tilespmem:s20+$0x30] =	vst v37  }
0x249: {  	v12 =	vadd.f32 v12, v34;
	v34 =	vmul.f32 v50, v50;
	v37 =	vmul.f32 v51, v51;
	[tilespmem:s20+$0x40] =	vst v40  }
0x24a: {  	v26 =	vmax.f32 v26, v29;
	v9 =	vadd.f32 v9, v30;
	v30 =	vadd.f32 v11, v32;
	[tilespmem:s20+$0x50] =	vst v13  }
0x24b: {  	v11 =	vmul.f32 $3.333333430e-01, v12;
	v12 =	vadd.f32 v31, v35;
	v8 =	vadd.f32 v8, v15;
	[tilespmem:s20+$0x60] =	vst v10  }
0x24c: {  	v13 =	vmul.f32 $3.333333430e-01, v9;
	v9 =	vadd.f32 v33, v34;
	v29 =	vadd.f32 v36, v37;
	[tilespmem:s20+$0x70] =	vst v27  }
0x24d: {  	v33 =	vshra.s32 v11, $0x1;
	v15 =	vmul.f32 $3.333333430e-01, v30;
	v10 =	vmul.f32 $3.333333430e-01, v12  }
0x24e: {  	v12 =	vmul.f32 $3.333333430e-01, v8;
	v35 =	vshra.s32 v13, $0x1;
	v9 =	vmul.f32 $3.333333430e-01, v9  }
0x24f: {  	v34 =	vmul.f32 $5.000000000e-01, v11;
	v36 =	vshra.s32 v15, $0x1;
	v8 =	vmul.f32 $3.333333430e-01, v29  }
0x250: {  	v32 =	vmul.f32 $5.000000000e-01, v13;
	v30 =	vmul.f32 $5.000000000e-01, v15;
	v37 =	vshra.s32 v10, $0x1  }
0x251: {  	v29 =	vmul.f32 $5.000000000e-01, v10;
	v38 =	vshra.s32 v12, $0x1;
	v31 =	vmul.f32 $5.000000000e-01, v12  }
0x252: {  	v40 =	vshra.s32 v9, $0x1;
	v27 =	vmul.f32 $5.000000000e-01, v9;
	v41 =	vshra.s32 v8, $0x1  }
0x253: {  	v42 =	vsub.s32 $0x5F3759DF, v33;
	v35 =	vsub.s32 $0x5F3759DF, v35;
	v33 =	vmul.f32 $5.000000000e-01, v8  }
0x254: {  	v43 =	vsub.s32 $0x5F3759DF, v36;
	v44 =	vsub.s32 $0x5F3759DF, v37;
	v39 =	vsub.s32 $0x5F3759DF, v38  }
0x255: {  	v45 =	vmul.f32 v42, v34;
	v40 =	vsub.s32 $0x5F3759DF, v40;
	v38 =	vsub.s32 $0x5F3759DF, v41  }
0x256: {  	v46 =	vmul.f32 v43, v30;
	v37 =	vmax.f32 v18, v21;
	v41 =	vmul.f32 v35, v32  }
0x257: {  	v36 =	vmax.f32 v14, v16;
	v18 =	vmul.f32 v44, v29;
	v21 =	vmul.f32 v39, v31  }
0x258: {  	v14 =	vmax.f32 v28, v23;
	v16 =	vmul.f32 v40, v27;
	v23 =	vmul.f32 v38, v33  }
0x259: {  	v28 =	vmul.f32 v42, v45;
	[tilespmem:s20+$0xFFFFFC40] =	vst v14;
	v14 =	vmax.f32 v19, v22;
	v19 =	vmul.f32 v35, v41  }
0x25a: {  	v18 =	vmul.f32 v44, v18;
	v22 =	vmul.f32 v43, v46;
	[tilespmem:s20+$0xFFFFFC50] =	vst v14;
	v14 =	vmax.f32 v25, v24  }
.Ltmp1:
0x25b: {  	v16 =	vmul.f32 v40, v16;
	v24 =	vsub.f32 $1.500000000e+00, v28;
	[tilespmem:s20+$0xFFFFFC60] =	vst v14;
	v14 =	vmul.f32 v39, v21;
	(pc) =	sbr.rel @p0 .LBB2_6-.Ltmp1, $4  }
0x25c: {  	v41 =	vmul.f32 v38, v23;
	v19 =	vsub.f32 $1.500000000e+00, v19;
	v21 =	vsub.f32 $1.500000000e+00, v22  }
0x25d: {  	v18 =	vsub.f32 $1.500000000e+00, v18;
	v23 =	vmul.f32 v42, v24;
	v25 =	vsub.f32 $1.500000000e+00, v14  }
0x25e: {  	v28 =	vsub.f32 $1.500000000e+00, v16;
	v24 =	vsub.f32 $1.500000000e+00, v41;
	v22 =	vmul.f32 v35, v19  }
0x25f: {  	s1 =	sadd.s32 $0x400, s1;
	v16 =	vmax.f32 v20, v17;
	v17 =	vmul.f32 v44, v18;
	v21 =	vmul.f32 v43, v21  }
0x260: {  	v14 =	vmul.f32 v39, v25  }
0x261: {  	v18 =	vmul.f32 v40, v28;
	v19 =	vmul.f32 v23, v34  }
0x262: {  	v6 =	vmax.f32 v7, v6;
	v7 =	vmul.f32 v38, v24;
	v20 =	vmul.f32 v22, v32  }
0x263: {  	v4 =	vmax.f32 v26, v4;
	v55 =	vmul.f32 v21, v30;
	v56 =	vmul.f32 v17, v29  }
0x264: {  	v5 =	vmax.f32 v37, v5;
	v57 =	vmul.f32 v14, v31;
	v19 =	vmul.f32 v19, v23  }
0x265: {  	v3 =	vmax.f32 v36, v3;
	v27 =	vmul.f32 v18, v27;
	v20 =	vmul.f32 v20, v22  }
0x266: {  	v58 =	vmul.f32 v7, v33;
	v24 =	vmul.f32 v55, v21;
	v19 =	vsub.f32 $1.500000000e+00, v19  }
0x267: {  	[tilespmem:s20+$0xFFFFFC70] =	vst v16;
	v59 =	vmul.f32 v56, v17;
	v60 =	vmul.f32 v57, v14;
	v20 =	vsub.f32 $1.500000000e+00, v20  }
0x268: {  	[tilespmem:s20+$0xFFFFFC80] =	vst v6;
	v6 =	vmul.f32 v27, v18;
	v61 =	vsub.f32 $1.500000000e+00, v24;
	v19 =	vmul.f32 v19, v23  }
0x269: {  	[tilespmem:s20+$0xFFFFFC90] =	vst v4;
	v4 =	vmul.f32 v58, v7;
	v16 =	vsub.f32 $1.500000000e+00, v59;
	v20 =	vmul.f32 v20, v22  }
0x26a: {  	[tilespmem:s20+$0xFFFFFCA0] =	vst v5;
	v5 =	vsub.f32 $1.500000000e+00, v60;
	v62 =	vmul.f32 v61, v21;
	v11 =	vmul.f32 v19, v11  }
0x26b: {  	[tilespmem:s20+$0xFFFFFCB0] =	vst v3;
	v3 =	vsub.f32 $1.500000000e+00, v6;
	v6 =	vmul.f32 v16, v17;
	v13 =	vmul.f32 v20, v13  }
0x26c: {  	v4 =	vsub.f32 $1.500000000e+00, v4;
	v5 =	vmul.f32 v5, v14;
	v63 =	vmul.f32 v62, v15;
	[tilespmem:s20+$0x3C0] =	vst v11  }
0x26d: {  	v3 =	vmul.f32 v3, v18;
	v6 =	vmul.f32 v6, v10;
	[tilespmem:s20+$0x3D0] =	vst v13  }
0x26e: {  	v4 =	vmul.f32 v4, v7;
	v5 =	vmul.f32 v5, v12;
	[tilespmem:s20+$0x3E0] =	vst v63  }
0x26f: {  	v3 =	vmul.f32 v3, v9;
	[tilespmem:s20+$0x3F0] =	vst v6  }
0x270: {  	v4 =	vmul.f32 v4, v8;
	[tilespmem:s20+$0x400] =	vst v5  }
0x271: {  	[tilespmem:s20+$0x410] =	vst v3  }
0x272: {  	s25 =	simm.s32 $0xCDC0;
	[tilespmem:s20+$0x420] =	vst v4  }
0x273: {  	v6 =	vld [tilespmem:s25+$0x30]  }
0x274: {  	v7 =	vld [tilespmem:s25+$0xFFFFFFD0]  }
0x275: {  	v8 =	vld [tilespmem:s25+$0xFFFFFFE0]  }
0x276: {  	v4 =	vld [tilespmem:s25+$0xFFFFFFF0]  }
0x277: {  	v3 =	vld [tilespmem:s25+$0x0]  }
0x278: {  	s1 =	sshra.s32 s16, $0x2;
	v5 =	vld [tilespmem:s25+$0x10];
	[tilespmem:s15+$0x30] =	vst v6  }
0x279: {  	s16 =	simm.s32 $0x0;
	s3 =	simm.s32 $0x5800;
	s1 =	sor.u32 s17, s1;
	[tilespmem:s15+$0xFFFFFFD0] =	vst v7;
	v6 =	vld [tilespmem:s25+$0x20]  }
0x27a: {  	s4 =	simm.s32 $0xD880;
	s17 =	simm.s32 $0xCE40;
	s1 =	sadd.s32 $0xD900, s1;
	v7 =	vld [tilespmem:s25+$0xFFFFFFC0];
	[tilespmem:s15+$0xFFFFFFE0] =	vst v8  }
.LBB2_8:
0x27b: {  	v8 =	vld [tilespmem:s17+$0x30];
	s16 =	sadd.s32 $0x8, s16;
	[tilespmem:s15+$0xFFFFFFF0] =	vst v4  }
0x27c: {  	v9 =	vld [tilespmem:s17+$0xFFFFFFD0];
	p0 =	slt.u32 s16, $0xA8;
	[tilespmem:s15+$0x0] =	vst v3  }
0x27d: {  	v10 =	vld [tilespmem:s17+$0xFFFFFFE0];
	[tilespmem:s15+$0x10] =	vst v5  }
.Ltmp2:
0x27e: {  	v4 =	vld [tilespmem:s17+$0xFFFFFFF0];
	[tilespmem:s15+$0x20] =	vst v6;
	(pc) =	sbr.rel @p0 .LBB2_8-.Ltmp2, $4  }
0x27f: {  	v3 =	vld [tilespmem:s17+$0x0];
	[tilespmem:s15+$0xFFFFFFC0] =	vst v7;
	s15 =	sadd.s32 $0x400, s15  }
0x280: {  	v5 =	vld [tilespmem:s17+$0x10];
	[tilespmem:s15+$0x30] =	vst v8  }
0x281: {  	[tilespmem:s15+$0xFFFFFFD0] =	vst v9;
	v6 =	vld [tilespmem:s17+$0x20]  }
0x282: {  	v7 =	vld [tilespmem:s17+$0xFFFFFFC0];
	[tilespmem:s15+$0xFFFFFFE0] =	vst v10;
	s17 =	sadd.s32 $0x80, s17  }
0x283: {  	[tilespmem:s15+$0xFFFFFFF0] =	vst v4  }
0x284: {  	[tilespmem:s15+$0x0] =	vst v3  }
0x285: {  	[tilespmem:s15+$0x10] =	vst v5  }
0x286: {  	[tilespmem:s15+$0x20] =	vst v6  }
0x287: {  	[tilespmem:s15+$0xFFFFFFC0] =	vst v7  }
.LBB2_10:
0x288: {  	v3 =	vld [tilespmem:s4+$0x0];
	p0 =	sne.s32 s3, $0x5980  }
.Ltmp3:
0x289: {  	_ = 	snop;
	(pc) =	sbr.rel @p0 .LBB2_10-.Ltmp3, $4  }
0x28a: {  	_ = 	snop  }
0x28b: {  	s5 =	sand.u32 $0x3FFFFC00, s3  }
0x28c: {  	s5 =	sadd.s32 s5, s14  }
0x28d: {  	s4 =	sadd.s32 $0x10, s4;
	s3 =	sadd.s32 $0x80, s3;
	s14 =	sadd.s32 $0x10, s14;
	[tilespmem:s5+$0x0] =	vst v3  }
0x28e: {  	s13 =	sadd.s32 $0x1, s13  }
0x28f: {  	v3 =	vld [tilespmem:$0xD8C0];
	p0 =	sne.s32 s13, $0x10  }
.Ltmp4:
0x290: {  	_ = 	snop;
	(pc) =	sbr.rel @p0 .LBB2_3-.Ltmp4, $2  }
0x291: {  	_ =	sdelay $0x2  }
0x292: {  	s12 =	sadd.s32 $0x200, s12;
	s10 =	sadd.s32 $0x1, s10;
	s11 =	sadd.s32 $0x200, s11;
	[tilespmem:s1+$0x5840] =	vst v3  }
0x293: {  	v4 =	vld [tilespmem:s28+$0x140]  }
0x294: {  	v6 =	vld [tilespmem:s28+$0x0];
	_ =	sdelay $0x3  }
0x295: {  	v9 =	vbroadcast v4, $0x0  }
0x296: {  	v56 =	vbroadcast v6, $0x1;
	v57 =	vbroadcast v4, $0x2  }
0x297: {  	v13 =	vbroadcast v6, $0x2;
	v14 =	vbroadcast v4, $0x3  }
0x298: {  	v58 =	vbroadcast v6, $0x3;
	v60 =	vbroadcast v4, $0x4  }
0x299: {  	v63 =	vbroadcast v6, $0x4;
	v16 =	vbroadcast v4, $0x5  }
0x29a: {  	v21 =	vbroadcast v6, $0x5;
	v23 =	vbroadcast v4, $0x6  }
0x29b: {  	s1 =	sadd.s32 s30, s29;
	v26 =	vbroadcast v6, $0x6;
	v18 =	vbroadcast v4, $0x7  }
0x29c: {  	v3 =	vld [tilespmem:s1+$0x280];
	v28 =	vbroadcast v6, $0x7;
	v30 =	vbroadcast v4, $0x8  }
0x29d: {  	v33 =	vbroadcast v6, $0x8;
	v36 =	vbroadcast v6, $0x9  }
0x29e: {  	v5 =	vld [tilespmem:$0xD900];
	v39 =	vbroadcast v4, $0xA;
	v43 =	vbroadcast v6, $0xA  }
0x29f: {  	v7 =	vld [tilespmem:$0xD980];
	v44 =	vbroadcast v4, $0xB;
	v47 =	vbroadcast v6, $0xB  }
0x2a0: {  	v10 =	vld [tilespmem:$0xDA00];
	v49 =	vbroadcast v4, $0xC;
	v52 =	vbroadcast v6, $0xC  }
0x2a1: {  	v15 =	vld [tilespmem:$0xDB80];
	v53 =	vbroadcast v4, $0xD;
	v8 =	vbroadcast v3, $0x0  }
0x2a2: {  	v17 =	vld [tilespmem:$0xDC80];
	v54 =	vbroadcast v3, $0x1;
	v11 =	vbroadcast v3, $0x3  }
0x2a3: {  	v19 =	vld [tilespmem:$0x13580];
	v59 =	vbroadcast v3, $0x4;
	v61 =	vbroadcast v3, $0x5  }
0x2a4: {  	v32 =	vld [tilespmem:$0x13600];
	v22 =	vbroadcast v3, $0x6;
	v24 =	vbroadcast v3, $0x7  }
0x2a5: {  	v55 =	vld [tilespmem:$0xDA80];
	vm5 =	vmmov $0x1;
	v29 =	vbroadcast v3, $0x8;
	v31 =	vbroadcast v3, $0x9  }
0x2a6: {  	v12 =	vld [tilespmem:$0xDB00];
	v10 =	vsel vm4, v10, v3;
	v38 =	vbroadcast v3, $0xA;
	v40 =	vbroadcast v3, $0xB  }
0x2a7: {  	v62 =	vld [tilespmem:$0xDC00];
	v48 =	vbroadcast v3, $0xC;
	v50 =	vbroadcast v3, $0xD;
	v5 =	vsel vm1, v8, v5  }
0x2a8: {  	v7 =	vsel vm1, v54, v7;
	v8 =	vsel vm2, v10, v57;
	v20 =	vsel vm1, v61, v15  }
0x2a9: {  	v27 =	vsel vm1, v24, v17;
	v35 =	vsel vm1, v31, v19;
	v42 =	vsel vm1, v38, v32  }
0x2aa: {  	v57 =	vbroadcast v6, $0xD;
	v5 =	vsel vm2, v5, v9;
	v7 =	vsel vm2, v7, v4  }
0x2ab: {  	v25 =	vld [tilespmem:$0x13500];
	v9 =	vsel vm1, v11, v55;
	v8 =	vsel vm3, v8, v13;
	v11 =	vsel vm1, v59, v12  }
0x2ac: {  	v12 =	vsel vm1, v22, v62;
	v13 =	vsel vm2, v27, v18;
	v5 =	vsel vm5, v6, v5;
	[tilespmem:$0xDA00] =	vst v8  }
0x2ad: {  	v45 =	vld [tilespmem:$0x13780];
	v59 =	vbroadcast v3, $0xE;
	v3 =	vbroadcast v3, $0xF;
	v7 =	vsel vm3, v7, v56;
	[tilespmem:$0xD900] =	vst v5  }
0x2ae: {  	v62 =	vbroadcast v6, $0xE;
	v9 =	vsel vm2, v9, v14;
	v13 =	vsel vm3, v13, v28;
	[tilespmem:$0xD980] =	vst v7  }
0x2af: {  	v41 =	vld [tilespmem:$0x13700];
	v10 =	vsel vm2, v11, v60;
	v11 =	vsel vm2, v20, v16;
	v9 =	vsel vm3, v9, v58;
	[tilespmem:$0xDC80] =	vst v13  }
0x2b0: {  	v12 =	vsel vm2, v12, v23;
	v14 =	vsel vm1, v29, v25;
	v10 =	vsel vm3, v10, v63;
	[tilespmem:$0xDA80] =	vst v9  }
0x2b1: {  	v51 =	vld [tilespmem:$0x13800];
	v20 =	vbroadcast v4, $0x9;
	v8 =	vsel vm2, v42, v39;
	v11 =	vsel vm3, v11, v21;
	[tilespmem:$0xDB00] =	vst v10  }
0x2b2: {  	v54 =	vld [tilespmem:$0x13880];
	v56 =	vsel vm1, v50, v45;
	v60 =	vbroadcast v4, $0xE;
	v12 =	vsel vm3, v12, v26;
	[tilespmem:$0xDB80] =	vst v11  }
0x2b3: {  	v4 =	vbroadcast v4, $0xF;
	v21 =	vld [tilespmem:$0x13680];
	v34 =	vsel vm2, v14, v30;
	v8 =	vsel vm3, v8, v43;
	[tilespmem:$0xDC00] =	vst v12  }
0x2b4: {  	v5 =	vsel vm3, v34, v33;
	v37 =	vsel vm2, v35, v20;
	v11 =	vsel vm1, v48, v41;
	[tilespmem:$0x13600] =	vst v8  }
0x2b5: {  	v6 =	vbroadcast v6, $0xF;
	v7 =	vsel vm3, v37, v36;
	[tilespmem:$0x13500] =	vst v5;
	v55 =	vsel vm2, v11, v49  }
0x2b6: {  	v58 =	vsel vm2, v56, v53;
	v61 =	vsel vm1, v59, v51;
	[tilespmem:$0x13580] =	vst v7;
	v5 =	vsel vm3, v55, v52  }
0x2b7: {  	v63 =	vsel vm2, v61, v60;
	v3 =	vsel vm1, v3, v54;
	v7 =	vsel vm3, v58, v57;
	[tilespmem:$0x13700] =	vst v5  }
0x2b8: {  	s29 =	sadd.s32 s8, s26;
	v3 =	vsel vm2, v3, v4;
	[tilespmem:$0x13780] =	vst v7;
	v5 =	vsel vm3, v63, v62;
	v46 =	vsel vm1, v40, v21  }
0x2b9: {  	s26 =	sadd.s32 $0x1, s26;
	s1 =	smul.u32 $0x1700, s29;
	v3 =	vsel vm3, v3, v6;
	[tilespmem:$0x13800] =	vst v5;
	v9 =	vsel vm2, v46, v44  }
0x2ba: {  	s3 =	rddreg [dreg:$0x4];
	s30 =	simm.s32 $0x0;
	p0 =	sne.s32 s26, s9;
	[tilespmem:$0x13880] =	vst v3;
	v9 =	vsel vm3, v9, v47  }
.Ltmp5:
0x2bb: {  	s4 =	simm.s32 $0xD900;
	s1 =	sadd.s32 s3, s1;
	[tilespmem:$0x13680] =	vst v9;
	(pc) =	sbr.rel @p0 .LBB2_2-.Ltmp5, $4  }
0x2bc: {  	[hbm4b:s1+s30] =	stream.linear.scatter [tilespmem:s4], [sflag:$0x5], $0xB800, $0x38;
	[tilespmem:$0x19100] =	vst v63  }
0x2bd: {  	_ =	swait.ge [sflag:s21], $0xB800  }
0x2be: {  	[sflag:s21] =	ssyncset.done $0x0  }
0x2bf: {  	[sflag:s21] =	ssyncadd.s32 $0xFFFF4800  }
0x2c0: {  	s3 =	rddreg [dreg:$0xf]  }
0x2c1: {  	s1 =	rddreg [dreg:$0xe];
	s3 =	sadd.s32 $0x1, s3  }
0x2c2: {  	p0 =	sne.s32 s3, s1  }
.Ltmp6:
0x2c3: {  	_ = 	snop;
	(pc) =	sbr.rel @p0 .LBB2_1-.Ltmp6, $1  }
0x2c4: {  	_ =	sdelay $0x3  }
0x2c5: {  	_ =	sfence.sel $0x180000  }
0x2c6: {  	[bflag:$0x0] =	sbarrier.arrive $0xFFFF  }
0x2c7: {  	_ =	strace $0x90000047  }
0x2c8: {  	s0 =	stileid.u32;
	[bflag:$0x2] =	sbarrier.arrive $0xFFFF  }
0x2c9: {  	p0 =	sne.s32 s0, $0x0;
	s0 =	rddreg [dreg:$0x2]  }
0x2ca: {  	s0 =	sadd.s32 @!p0 $0x100000, s0  }
0x2cb: {  	[sflag:s0] =	ssyncadd.tile.s32 @!p0 $0x1;
	_ =	shalt  }
.Lfunc_end2:
_tile_overlayer_lowered:
.L_overlay_start_2:
0x2cc: {  	(tag) =	ssettag $0x2  }
0x2cd: {  	s0 =	rddreg [dreg:$0x0];
	s2 =	stileid.u32  }
0x2ce: {  	s1 =	rddreg [dreg:$0x1];
	p0 =	sne.s32 s2, $0x0  }
0x2cf: {  	s3 =	rddreg [dreg:$0x2];
	[bflag:$0x3] =	sbarrier.arrive $0xFFFF;
	s2 =	simm.s32 @!p0 $0x1C05  }
0x2d0: {  	[timem:s3], [sflag:s2] =	dma.local @!p0 [hbm:s0], s1  }
0x2d1: {  	s0 =	simm.s32 @!p0 $0x5  }
0x2d2: {  	_ =	swait.ge @!p0 [sflag:s0], s1  }
0x2d3: {  	s1 =	ssub.s32 @!p0 $0x0, s1;
	[sflag:s0] =	ssyncset.done @!p0 $0x0  }
0x2d4: {  	[sflag:s0] =	ssyncadd.s32 @!p0 s1  }
0x2d5: {  	[bflag:$0x3] =	sbarrier.arrive $0xFFFF  }
0x2d6: {  	_ =	shalt  }

</sc_bundles>
